<compile_context>
chip_gen: v7x
topology: tpu7x:2x2x1
jax: 0.10.2.dev20260603
libtpu: 0.0.44.dev20260713+nightly
codegen_flags: <defaults>
</compile_context>

<pallas_src>
import functools

import jax
import jax.numpy as jnp
from jax import lax
from jax.experimental import pallas as pl
from jax.experimental.pallas import tpu as pltpu
from jax.experimental.pallas import tpu_sc as plsc

N = 10000
E = 320000
D_FEAT = 128
EMBED = 64
B = 4096

NC = 2
NS = 16
NW = NC * NS
L = 16

N_PAD = 10240
ROWS_PER_TILE = N_PAD // NS
CH = 125
NCHUNK = 80
CHP = 128
ZCH = 128
B_PER_W = B // NW
NGRP = B_PER_W // L

_mesh = plsc.VectorSubcoreMesh(
    core_axis_name="c", subcore_axis_name="s", num_cores=NC, num_subcores=NS
)
_sc_params = pltpu.CompilerParams(use_tc_tiling_on_sc=False, needs_layout_passes=False)

f32 = jnp.float32
i32 = jnp.int32


@functools.partial(
    pl.kernel,
    out_type=jax.ShapeDtypeStruct((NC, N_PAD), f32),
    mesh=_mesh,
    compiler_params=_sc_params,
    scratch_types=[
        pltpu.VMEM((NCHUNK, CH), i32),
        pltpu.VMEM((CHP,), f32),
        pltpu.VMEM((ROWS_PER_TILE,), f32),
        pltpu.VMEM_SHARED((N_PAD,), f32),
        pltpu.SemaphoreType.DMA,
    ],
)
def _deg_kernel(dst3, degp, dst_v, ones_v, z_v, deg_sh, sem_d):
    c = lax.axis_index("c")
    s = lax.axis_index("s")
    wid = s * NC + c
    one16 = jnp.ones((L,), f32)
    zero16 = jnp.zeros((L,), f32)
    for k in range(CHP // L):
        ones_v[pl.ds(k * L, L)] = one16
    for k in range(ROWS_PER_TILE // L):
        z_v[pl.ds(k * L, L)] = zero16
    pltpu.sync_copy(z_v, deg_sh.at[pl.ds(s * ROWS_PER_TILE, ROWS_PER_TILE)])
    plsc.subcore_barrier()
    pltpu.sync_copy(dst3.at[wid], dst_v)

    ones_s = ones_v.at[pl.ds(0, CH)]
    DEPTH = 4

    def body(j, _):
        pltpu.async_copy(ones_s, deg_sh.at[dst_v.at[j]], sem_d, add=True)

        @pl.when(j >= DEPTH)
        def _():
            pltpu.make_async_copy(
                ones_s, deg_sh.at[dst_v.at[j - DEPTH]], sem_d
            ).wait()

        return 0

    lax.fori_loop(0, NCHUNK, body, 0)
    for b in range(DEPTH):
        pltpu.make_async_copy(
            ones_s, deg_sh.at[dst_v.at[NCHUNK - DEPTH + b]], sem_d
        ).wait()
    plsc.subcore_barrier()
    sl = pl.ds(s * ROWS_PER_TILE, ROWS_PER_TILE)
    pltpu.sync_copy(deg_sh.at[sl], degp.at[c, sl])


RB = 1024


def _mmscale_body(feat_ref, w_ref, degp_ref, hp_ref, dinv_ref):
    u = jnp.dot(feat_ref[...], w_ref[...], preferred_element_type=f32)
    deg = degp_ref[0, :] + degp_ref[1, :] + 1.0
    di = lax.rsqrt(jnp.maximum(deg, 1.0))
    hp_ref[...] = u * di[:, None]
    dinv_ref[...] = di.reshape(RB // 128, 128)


def _mmscale(features, gcn_w, degp):
    grid = (N_PAD // RB,)
    hp, dinv2 = pl.pallas_call(
        _mmscale_body,
        grid=grid,
        in_specs=[
            pl.BlockSpec((RB, D_FEAT), lambda i: (i, 0)),
            pl.BlockSpec((D_FEAT, EMBED), lambda i: (0, 0)),
            pl.BlockSpec((NC, RB), lambda i: (0, i)),
        ],
        out_specs=[
            pl.BlockSpec((RB, EMBED), lambda i: (i, 0)),
            pl.BlockSpec((RB // 128, 128), lambda i: (i, 0)),
        ],
        out_shape=[
            jax.ShapeDtypeStruct((N_PAD, EMBED), f32),
            jax.ShapeDtypeStruct((N_PAD // 128, 128), f32),
        ],
    )(features, gcn_w, degp)
    return hp, dinv2.reshape(N_PAD)


NB = 5


@functools.partial(
    pl.kernel,
    out_type=[
        jax.ShapeDtypeStruct((N_PAD, EMBED), f32),
        jax.ShapeDtypeStruct((N_PAD, EMBED), f32),
    ],
    mesh=_mesh,
    compiler_params=_sc_params,
    scratch_types=[
        pltpu.VMEM((NCHUNK, CH), i32),
        pltpu.VMEM((NCHUNK, CH), i32),
        pltpu.VMEM((CH, EMBED), f32),
        pltpu.VMEM((CH, EMBED), f32),
        pltpu.VMEM((CH, EMBED), f32),
        pltpu.VMEM((CH, EMBED), f32),
        pltpu.VMEM((CH, EMBED), f32),
        pltpu.VMEM((ZCH, EMBED), f32),
        pltpu.VMEM_SHARED((N_PAD, EMBED), f32),
        pltpu.SemaphoreType.DMA,
        pltpu.SemaphoreType.DMA,
        pltpu.SemaphoreType.DMA,
        pltpu.SemaphoreType.DMA,
        pltpu.SemaphoreType.DMA,
        pltpu.SemaphoreType.DMA,
        pltpu.SemaphoreType.DMA,
        pltpu.SemaphoreType.DMA,
        pltpu.SemaphoreType.DMA,
        pltpu.SemaphoreType.DMA,
    ],
)
def _edge_kernel(src3, dst3, hp, s0_out, s1_out, src_v, dst_v,
                 rows0, rows1, rows2, rows3, rows4, zrows, s_sh,
                 sg0, sg1, sg2, sg3, sg4, ss0, ss1, ss2, ss3, ss4):
    c = lax.axis_index("c")
    s = lax.axis_index("s")
    wid = s * NC + c
    rows = (rows0, rows1, rows2, rows3, rows4)
    sg = (sg0, sg1, sg2, sg3, sg4)
    ss = (ss0, ss1, ss2, ss3, ss4)
    zero16 = jnp.zeros((L,), f32)
    for r in range(ZCH):
        for k in range(EMBED // L):
            zrows[r, pl.ds(k * L, L)] = zero16
    pltpu.async_copy(src3.at[wid], src_v, sg0)
    pltpu.async_copy(dst3.at[wid], dst_v, sg1)
    for k in range(ROWS_PER_TILE // ZCH):
        pltpu.sync_copy(
            zrows, s_sh.at[pl.ds(s * ROWS_PER_TILE + k * ZCH, ZCH), :]
        )
    pltpu.make_async_copy(src3.at[wid], src_v, sg0).wait()
    pltpu.make_async_copy(dst3.at[wid], dst_v, sg1).wait()
    plsc.subcore_barrier()

    def gather(j, b):
        pltpu.async_copy(hp.at[src_v.at[j]], rows[b], sg[b])

    def wait_gather(j, b):
        pltpu.make_async_copy(hp.at[src_v.at[j]], rows[b], sg[b]).wait()

    def scat(j, b):
        pltpu.async_copy(rows[b], s_sh.at[dst_v.at[j]], ss[b], add=True)

    def wait_scat(j, b):
        pltpu.make_async_copy(rows[b], s_sh.at[dst_v.at[j]], ss[b]).wait()

    for b in range(NB):
        gather(b, b)

    def body(jj, _):
        for b in range(NB):
            j = NB * jj + b
            wait_gather(j, b)
            scat(j, b)

            @pl.when(jj < NCHUNK // NB - 1)
            def _():
                wait_scat(j, b)
                gather(j + NB, b)

        return 0

    lax.fori_loop(0, NCHUNK // NB, body, 0)
    for b in range(NB):
        wait_scat(NCHUNK - NB + b, b)
    plsc.subcore_barrier()
    sl = pl.ds(s * ROWS_PER_TILE, ROWS_PER_TILE)

    @pl.when(c == 0)
    def _():
        pltpu.sync_copy(s_sh.at[sl], s0_out.at[sl])

    @pl.when(c == 1)
    def _():
        pltpu.sync_copy(s_sh.at[sl], s1_out.at[sl])


@functools.partial(
    pl.kernel,
    out_type=jax.ShapeDtypeStruct((NW, B_PER_W), f32),
    mesh=_mesh,
    compiler_params=_sc_params,
    scratch_types=[
        pltpu.VMEM((B_PER_W,), i32),
        pltpu.VMEM((B_PER_W,), i32),
        pltpu.VMEM((B_PER_W, EMBED), f32),
        pltpu.VMEM((B_PER_W, EMBED), f32),
        pltpu.VMEM((B_PER_W, EMBED), f32),
        pltpu.VMEM((B_PER_W, EMBED), f32),
        pltpu.VMEM((B_PER_W, EMBED), f32),
        pltpu.VMEM((B_PER_W, EMBED), f32),
        pltpu.VMEM((N_PAD,), f32),
        pltpu.VMEM((N_PAD,), f32),
        pltpu.VMEM((EMBED,), f32),
        pltpu.VMEM((B_PER_W,), f32),
        pltpu.SemaphoreType.DMA,
        pltpu.SemaphoreType.DMA,
    ],
)
def _pair_kernel(pi3, pj3, s0, s1, hp, dinv, lwp, gcn_b, outp,
                 iv, jv, r0i, r1i, rhi, r0j, r1j, rhj, dinv_v, lw_v, b_v, out_v,
                 sem_t, sem_r):
    c = lax.axis_index("c")
    s = lax.axis_index("s")
    wid = s * NC + c
    pltpu.async_copy(pi3.at[wid], iv, sem_t)
    pltpu.async_copy(pj3.at[wid], jv, sem_t)
    pltpu.async_copy(dinv, dinv_v, sem_t)
    pltpu.async_copy(lwp, lw_v, sem_t)
    pltpu.async_copy(gcn_b, b_v, sem_t)
    pltpu.make_async_copy(pi3.at[wid], iv, sem_t).wait()
    pltpu.make_async_copy(pj3.at[wid], jv, sem_t).wait()
    pltpu.async_copy(s0.at[iv], r0i, sem_r)
    pltpu.async_copy(s1.at[iv], r1i, sem_r)
    pltpu.async_copy(hp.at[iv], rhi, sem_r)
    pltpu.async_copy(s0.at[jv], r0j, sem_r)
    pltpu.async_copy(s1.at[jv], r1j, sem_r)
    pltpu.async_copy(hp.at[jv], rhj, sem_r)
    pltpu.make_async_copy(dinv, dinv_v, sem_t).wait()
    pltpu.make_async_copy(lwp, lw_v, sem_t).wait()
    pltpu.make_async_copy(gcn_b, b_v, sem_t).wait()
    pltpu.make_async_copy(s0.at[iv], r0i, sem_r).wait()
    pltpu.make_async_copy(s1.at[iv], r1i, sem_r).wait()
    pltpu.make_async_copy(hp.at[iv], rhi, sem_r).wait()
    pltpu.make_async_copy(s0.at[jv], r0j, sem_r).wait()
    pltpu.make_async_copy(s1.at[jv], r1j, sem_r).wait()
    pltpu.make_async_copy(hp.at[jv], rhj, sem_r).wait()

    lane = lax.iota(i32, L)
    for g in range(NGRP):
        idx_i = iv[pl.ds(g * L, L)]
        idx_j = jv[pl.ds(g * L, L)]
        di = plsc.load_gather(dinv_v, [idx_i])
        dj = plsc.load_gather(dinv_v, [idx_j])
        wi = plsc.load_gather(lw_v, [idx_i])
        wj = plsc.load_gather(lw_v, [idx_j])
        row = lane + g * L

        def fstep(f, acc):
            rot = (jnp.full((L,), f, i32) + lane) & (EMBED - 1)
            ci = (plsc.load_gather(r0i, [row, rot])
                  + plsc.load_gather(r1i, [row, rot])
                  + plsc.load_gather(rhi, [row, rot]))
            cj = (plsc.load_gather(r0j, [row, rot])
                  + plsc.load_gather(r1j, [row, rot])
                  + plsc.load_gather(rhj, [row, rot]))
            bf = plsc.load_gather(b_v, [rot])
            ei = di * ci + bf
            ej = dj * cj + bf
            return acc + ei * ej

        acc = lax.fori_loop(0, EMBED, fstep, jnp.zeros((L,), f32))
        out_v[pl.ds(g * L, L)] = wi + wj + acc
    pltpu.sync_copy(out_v, outp.at[wid])


@jax.jit
def kernel(features, edge_index, interaction_pairs, gcn_w, gcn_b,
           linear_w, linear_bias):
    src3 = edge_index[0].astype(i32).reshape(NW, NCHUNK, CH)
    dst3 = edge_index[1].astype(i32).reshape(NW, NCHUNK, CH)

    lwp = jnp.concatenate([linear_w[:, 0], jnp.zeros((N_PAD - N,), f32)])

    pi3 = interaction_pairs[:, 0].astype(i32).reshape(NW, B_PER_W)
    pj3 = interaction_pairs[:, 1].astype(i32).reshape(NW, B_PER_W)

    degp = _deg_kernel(dst3)
    hp, dinv = _mmscale(features, gcn_w, degp)
    s0, s1 = _edge_kernel(src3, dst3, hp)
    outp = _pair_kernel(pi3, pj3, s0, s1, hp, dinv, lwp, gcn_b)
    return outp.reshape(B) + linear_bias[0]

# --- scband reference (transcript-rebuilt; emitter-appended) ---
"""Pipeline reference for scband-factorization-machine-model-with-gcn-82824149336601 (READ-ONLY COPY).

The authoritative reference and input builder live on the scoring server;
editing this copy changes nothing except your own understanding.
"""

import jax, jax.numpy as jnp
import numpy as np

N = 10000
E = 320000
D_FEAT = 128
EMBED = 64
B = 4096


def gcn_conv(x, edge_index, W, b):
    num_nodes = x.shape[0]
    src = edge_index[0]
    dst = edge_index[1]
    loop = jnp.arange(num_nodes, dtype=src.dtype)
    src = jnp.concatenate([src, loop])
    dst = jnp.concatenate([dst, loop])
    deg = jax.ops.segment_sum(jnp.ones(src.shape, dtype=x.dtype), dst, num_segments=num_nodes)
    dinv = jax.lax.rsqrt(jnp.maximum(deg, 1.0))
    norm = dinv[src] * dinv[dst]
    h = x @ W
    msg = h[src] * norm[:, None]
    out = jax.ops.segment_sum(msg, dst, num_segments=num_nodes) + b
    return out


def setup_inputs(seed: int = 0) -> dict:
    key = jax.random.key(seed)
    ks = jax.random.split(key, 8)
    features = jax.random.normal(ks[0], (N, D_FEAT), dtype=jnp.float32)
    edge_index = jax.random.randint(ks[1], (2, E), 0, N).astype(jnp.int64)
    interaction_pairs = jax.random.randint(ks[2], (B, 2), 0, N).astype(jnp.int64)
    gcn_w = jax.random.normal(ks[3], (D_FEAT, EMBED), dtype=jnp.float32) * (1.0 / np.sqrt(D_FEAT))
    gcn_b = jnp.zeros((EMBED,), dtype=jnp.float32)
    linear_w = jax.random.normal(ks[4], (N, 1), dtype=jnp.float32) * 0.01
    linear_bias = jnp.zeros((1,), dtype=jnp.float32)
    return {
        'features': features,
        'edge_index': edge_index,
        'interaction_pairs': interaction_pairs,
        'gcn_w': gcn_w,
        'gcn_b': gcn_b,
        'linear_w': linear_w,
        'linear_bias': linear_bias,
    }


def reference(features, edge_index, interaction_pairs, gcn_w, gcn_b, linear_w, linear_bias):
    # GraphModel: GCNConv over all nodes, then gather rows for the interaction pairs
    node_emb = gcn_conv(features, edge_index, gcn_w, gcn_b)
    emb = node_emb[interaction_pairs]  # [B, 2, EMBED]
    # FeaturesLinear: per-node scalar weight embedding + global bias
    lin = jnp.sum(linear_w[interaction_pairs][..., 0], axis=1, keepdims=True) + linear_bias  # [B, 1]
    # FM_operation(reduce_sum=True): 0.5 * sum((sum_f e)^2 - sum_f e^2)
    square_of_sum = jnp.sum(emb, axis=1) ** 2
    sum_of_square = jnp.sum(emb ** 2, axis=1)
    fm = 0.5 * jnp.sum(square_of_sum - sum_of_square, axis=1, keepdims=True)  # [B, 1]
    out = lin + fm
    return out.squeeze(1)

if __name__ == "__main__":
    import jax
    _d = setup_inputs()
    print(jax.jit(kernel)(*tuple(_d.values())))

</pallas_src>

<mosaic_0001>
#map = affine_map<(d0, d1) -> (0, 0, 0)>
#map1 = affine_map<(d0, d1) -> (0, 0)>
module attributes {stable_mosaic.version = 14 : i64} {
  func.func @_deg_kernel(%arg0: i32, %arg1: i32, %arg2: memref<32x80x125xi32, #tpu.memory_space<hbm>>, %arg3: memref<2x10240xf32, #tpu.memory_space<hbm>>, %arg4: memref<80x125xi32, #tpu.memory_space<vmem>>, %arg5: memref<128xf32, #tpu.memory_space<vmem>>, %arg6: memref<640xf32, #tpu.memory_space<vmem>>, %arg7: memref<10240xf32, #tpu.memory_space<vmem_shared>>, %arg8: memref<!tpu.dma_semaphore, #tpu.memory_space<semaphore_mem>>) attributes {dimension_semantics = [#tpu.dimension_semantics<core_parallel>, #tpu.dimension_semantics<subcore_parallel>], iteration_bounds = array<i64: 2, 16>, scalar_prefetch = 0 : i64, scratch_operands = 5 : i64, tpu.core_type = #tpu.core_type<sc_vector_subcore>, window_params = [{transform_indices = #map}, {transform_indices = #map1}]} {
    %mul3A = arith.constant 2 : i32
    %mul3A_0 = arith.muli %arg1, %mul3A : i32
    %add3A = arith.addi %mul3A_0, %arg0 : i32
    %broadcast_in_dim3A = arith.constant 1.000000e+00 : f32
    %broadcast_in_dim3A_1 = vector.broadcast %broadcast_in_dim3A : f32 to vector<16xf32>
    %broadcast_in_dim3A_2 = arith.constant 0.000000e+00 : f32
    %broadcast_in_dim3A_3 = vector.broadcast %broadcast_in_dim3A_2 : f32 to vector<16xf32>
    %swap3A = arith.constant 0 : index
    %swap3A_4 = tpu.vector_load %arg5[%swap3A] {strides = array<i32>} : memref<128xf32, #tpu.memory_space<vmem>>, vector<16xf32>,
    tpu.vector_store %arg5[%swap3A], %broadcast_in_dim3A_1 {strides = array<i32>} : memref<128xf32, #tpu.memory_space<vmem>>, vector<16xf32>,
    %swap3A_5 = arith.constant 16 : index
    %swap3A_6 = tpu.vector_load %arg5[%swap3A_5] {strides = array<i32>} : memref<128xf32, #tpu.memory_space<vmem>>, vector<16xf32>,
    tpu.vector_store %arg5[%swap3A_5], %broadcast_in_dim3A_1 {strides = array<i32>} : memref<128xf32, #tpu.memory_space<vmem>>, vector<16xf32>,
    %swap3A_7 = arith.constant 32 : index
    %swap3A_8 = tpu.vector_load %arg5[%swap3A_7] {strides = array<i32>} : memref<128xf32, #tpu.memory_space<vmem>>, vector<16xf32>,
    tpu.vector_store %arg5[%swap3A_7], %broadcast_in_dim3A_1 {strides = array<i32>} : memref<128xf32, #tpu.memory_space<vmem>>, vector<16xf32>,
    %swap3A_9 = arith.constant 48 : index
    %swap3A_10 = tpu.vector_load %arg5[%swap3A_9] {strides = array<i32>} : memref<128xf32, #tpu.memory_space<vmem>>, vector<16xf32>,
    tpu.vector_store %arg5[%swap3A_9], %broadcast_in_dim3A_1 {strides = array<i32>} : memref<128xf32, #tpu.memory_space<vmem>>, vector<16xf32>,
    %swap3A_11 = arith.constant 64 : index
    %swap3A_12 = tpu.vector_load %arg5[%swap3A_11] {strides = array<i32>} : memref<128xf32, #tpu.memory_space<vmem>>, vector<16xf32>,
    tpu.vector_store %arg5[%swap3A_11], %broadcast_in_dim3A_1 {strides = array<i32>} : memref<128xf32, #tpu.memory_space<vmem>>, vector<16xf32>,
    %swap3A_13 = arith.constant 80 : index
    %swap3A_14 = tpu.vector_load %arg5[%swap3A_13] {strides = array<i32>} : memref<128xf32, #tpu.memory_space<vmem>>, vector<16xf32>,
    tpu.vector_store %arg5[%swap3A_13], %broadcast_in_dim3A_1 {strides = array<i32>} : memref<128xf32, #tpu.memory_space<vmem>>, vector<16xf32>,
    %swap3A_15 = arith.constant 96 : index
    %swap3A_16 = tpu.vector_load %arg5[%swap3A_15] {strides = array<i32>} : memref<128xf32, #tpu.memory_space<vmem>>, vector<16xf32>,
    tpu.vector_store %arg5[%swap3A_15], %broadcast_in_dim3A_1 {strides = array<i32>} : memref<128xf32, #tpu.memory_space<vmem>>, vector<16xf32>,
    %swap3A_17 = arith.constant 112 : index
    %swap3A_18 = tpu.vector_load %arg5[%swap3A_17] {strides = array<i32>} : memref<128xf32, #tpu.memory_space<vmem>>, vector<16xf32>,
    tpu.vector_store %arg5[%swap3A_17], %broadcast_in_dim3A_1 {strides = array<i32>} : memref<128xf32, #tpu.memory_space<vmem>>, vector<16xf32>,
    %swap3A_19 = arith.constant 0 : index
    %swap3A_20 = tpu.vector_load %arg6[%swap3A_19] {strides = array<i32>} : memref<640xf32, #tpu.memory_space<vmem>>, vector<16xf32>,
    tpu.vector_store %arg6[%swap3A_19], %broadcast_in_dim3A_3 {strides = array<i32>} : memref<640xf32, #tpu.memory_space<vmem>>, vector<16xf32>,
    %swap3A_21 = arith.constant 16 : index
    %swap3A_22 = tpu.vector_load %arg6[%swap3A_21] {strides = array<i32>} : memref<640xf32, #tpu.memory_space<vmem>>, vector<16xf32>,
    tpu.vector_store %arg6[%swap3A_21], %broadcast_in_dim3A_3 {strides = array<i32>} : memref<640xf32, #tpu.memory_space<vmem>>, vector<16xf32>,
    %swap3A_23 = arith.constant 32 : index
    %swap3A_24 = tpu.vector_load %arg6[%swap3A_23] {strides = array<i32>} : memref<640xf32, #tpu.memory_space<vmem>>, vector<16xf32>,
    tpu.vector_store %arg6[%swap3A_23], %broadcast_in_dim3A_3 {strides = array<i32>} : memref<640xf32, #tpu.memory_space<vmem>>, vector<16xf32>,
    %swap3A_25 = arith.constant 48 : index
    %swap3A_26 = tpu.vector_load %arg6[%swap3A_25] {strides = array<i32>} : memref<640xf32, #tpu.memory_space<vmem>>, vector<16xf32>,
    tpu.vector_store %arg6[%swap3A_25], %broadcast_in_dim3A_3 {strides = array<i32>} : memref<640xf32, #tpu.memory_space<vmem>>, vector<16xf32>,
    %swap3A_27 = arith.constant 64 : index
    %swap3A_28 = tpu.vector_load %arg6[%swap3A_27] {strides = array<i32>} : memref<640xf32, #tpu.memory_space<vmem>>, vector<16xf32>,
    tpu.vector_store %arg6[%swap3A_27], %broadcast_in_dim3A_3 {strides = array<i32>} : memref<640xf32, #tpu.memory_space<vmem>>, vector<16xf32>,
    %swap3A_29 = arith.constant 80 : index
    %swap3A_30 = tpu.vector_load %arg6[%swap3A_29] {strides = array<i32>} : memref<640xf32, #tpu.memory_space<vmem>>, vector<16xf32>,
    tpu.vector_store %arg6[%swap3A_29], %broadcast_in_dim3A_3 {strides = array<i32>} : memref<640xf32, #tpu.memory_space<vmem>>, vector<16xf32>,
    %swap3A_31 = arith.constant 96 : index
    %swap3A_32 = tpu.vector_load %arg6[%swap3A_31] {strides = array<i32>} : memref<640xf32, #tpu.memory_space<vmem>>, vector<16xf32>,
    tpu.vector_store %arg6[%swap3A_31], %broadcast_in_dim3A_3 {strides = array<i32>} : memref<640xf32, #tpu.memory_space<vmem>>, vector<16xf32>,
    %swap3A_33 = arith.constant 112 : index
    %swap3A_34 = tpu.vector_load %arg6[%swap3A_33] {strides = array<i32>} : memref<640xf32, #tpu.memory_space<vmem>>, vector<16xf32>,
    tpu.vector_store %arg6[%swap3A_33], %broadcast_in_dim3A_3 {strides = array<i32>} : memref<640xf32, #tpu.memory_space<vmem>>, vector<16xf32>,
    %swap3A_35 = arith.constant 128 : index
    %swap3A_36 = tpu.vector_load %arg6[%swap3A_35] {strides = array<i32>} : memref<640xf32, #tpu.memory_space<vmem>>, vector<16xf32>,
    tpu.vector_store %arg6[%swap3A_35], %broadcast_in_dim3A_3 {strides = array<i32>} : memref<640xf32, #tpu.memory_space<vmem>>, vector<16xf32>,
    %swap3A_37 = arith.constant 144 : index
    %swap3A_38 = tpu.vector_load %arg6[%swap3A_37] {strides = array<i32>} : memref<640xf32, #tpu.memory_space<vmem>>, vector<16xf32>,
    tpu.vector_store %arg6[%swap3A_37], %broadcast_in_dim3A_3 {strides = array<i32>} : memref<640xf32, #tpu.memory_space<vmem>>, vector<16xf32>,
    %swap3A_39 = arith.constant 160 : index
    %swap3A_40 = tpu.vector_load %arg6[%swap3A_39] {strides = array<i32>} : memref<640xf32, #tpu.memory_space<vmem>>, vector<16xf32>,
    tpu.vector_store %arg6[%swap3A_39], %broadcast_in_dim3A_3 {strides = array<i32>} : memref<640xf32, #tpu.memory_space<vmem>>, vector<16xf32>,
    %swap3A_41 = arith.constant 176 : index
    %swap3A_42 = tpu.vector_load %arg6[%swap3A_41] {strides = array<i32>} : memref<640xf32, #tpu.memory_space<vmem>>, vector<16xf32>,
    tpu.vector_store %arg6[%swap3A_41], %broadcast_in_dim3A_3 {strides = array<i32>} : memref<640xf32, #tpu.memory_space<vmem>>, vector<16xf32>,
    %swap3A_43 = arith.constant 192 : index
    %swap3A_44 = tpu.vector_load %arg6[%swap3A_43] {strides = array<i32>} : memref<640xf32, #tpu.memory_space<vmem>>, vector<16xf32>,
    tpu.vector_store %arg6[%swap3A_43], %broadcast_in_dim3A_3 {strides = array<i32>} : memref<640xf32, #tpu.memory_space<vmem>>, vector<16xf32>,
    %swap3A_45 = arith.constant 208 : index
    %swap3A_46 = tpu.vector_load %arg6[%swap3A_45] {strides = array<i32>} : memref<640xf32, #tpu.memory_space<vmem>>, vector<16xf32>,
    tpu.vector_store %arg6[%swap3A_45], %broadcast_in_dim3A_3 {strides = array<i32>} : memref<640xf32, #tpu.memory_space<vmem>>, vector<16xf32>,
    %swap3A_47 = arith.constant 224 : index
    %swap3A_48 = tpu.vector_load %arg6[%swap3A_47] {strides = array<i32>} : memref<640xf32, #tpu.memory_space<vmem>>, vector<16xf32>,
    tpu.vector_store %arg6[%swap3A_47], %broadcast_in_dim3A_3 {strides = array<i32>} : memref<640xf32, #tpu.memory_space<vmem>>, vector<16xf32>,
    %swap3A_49 = arith.constant 240 : index
    %swap3A_50 = tpu.vector_load %arg6[%swap3A_49] {strides = array<i32>} : memref<640xf32, #tpu.memory_space<vmem>>, vector<16xf32>,
    tpu.vector_store %arg6[%swap3A_49], %broadcast_in_dim3A_3 {strides = array<i32>} : memref<640xf32, #tpu.memory_space<vmem>>, vector<16xf32>,
    %swap3A_51 = arith.constant 256 : index
    %swap3A_52 = tpu.vector_load %arg6[%swap3A_51] {strides = array<i32>} : memref<640xf32, #tpu.memory_space<vmem>>, vector<16xf32>,
    tpu.vector_store %arg6[%swap3A_51], %broadcast_in_dim3A_3 {strides = array<i32>} : memref<640xf32, #tpu.memory_space<vmem>>, vector<16xf32>,
    %swap3A_53 = arith.constant 272 : index
    %swap3A_54 = tpu.vector_load %arg6[%swap3A_53] {strides = array<i32>} : memref<640xf32, #tpu.memory_space<vmem>>, vector<16xf32>,
    tpu.vector_store %arg6[%swap3A_53], %broadcast_in_dim3A_3 {strides = array<i32>} : memref<640xf32, #tpu.memory_space<vmem>>, vector<16xf32>,
    %swap3A_55 = arith.constant 288 : index
    %swap3A_56 = tpu.vector_load %arg6[%swap3A_55] {strides = array<i32>} : memref<640xf32, #tpu.memory_space<vmem>>, vector<16xf32>,
    tpu.vector_store %arg6[%swap3A_55], %broadcast_in_dim3A_3 {strides = array<i32>} : memref<640xf32, #tpu.memory_space<vmem>>, vector<16xf32>,
    %swap3A_57 = arith.constant 304 : index
    %swap3A_58 = tpu.vector_load %arg6[%swap3A_57] {strides = array<i32>} : memref<640xf32, #tpu.memory_space<vmem>>, vector<16xf32>,
    tpu.vector_store %arg6[%swap3A_57], %broadcast_in_dim3A_3 {strides = array<i32>} : memref<640xf32, #tpu.memory_space<vmem>>, vector<16xf32>,
    %swap3A_59 = arith.constant 320 : index
    %swap3A_60 = tpu.vector_load %arg6[%swap3A_59] {strides = array<i32>} : memref<640xf32, #tpu.memory_space<vmem>>, vector<16xf32>,
    tpu.vector_store %arg6[%swap3A_59], %broadcast_in_dim3A_3 {strides = array<i32>} : memref<640xf32, #tpu.memory_space<vmem>>, vector<16xf32>,
    %swap3A_61 = arith.constant 336 : index
    %swap3A_62 = tpu.vector_load %arg6[%swap3A_61] {strides = array<i32>} : memref<640xf32, #tpu.memory_space<vmem>>, vector<16xf32>,
    tpu.vector_store %arg6[%swap3A_61], %broadcast_in_dim3A_3 {strides = array<i32>} : memref<640xf32, #tpu.memory_space<vmem>>, vector<16xf32>,
    %swap3A_63 = arith.constant 352 : index
    %swap3A_64 = tpu.vector_load %arg6[%swap3A_63] {strides = array<i32>} : memref<640xf32, #tpu.memory_space<vmem>>, vector<16xf32>,
    tpu.vector_store %arg6[%swap3A_63], %broadcast_in_dim3A_3 {strides = array<i32>} : memref<640xf32, #tpu.memory_space<vmem>>, vector<16xf32>,
    %swap3A_65 = arith.constant 368 : index
    %swap3A_66 = tpu.vector_load %arg6[%swap3A_65] {strides = array<i32>} : memref<640xf32, #tpu.memory_space<vmem>>, vector<16xf32>,
    tpu.vector_store %arg6[%swap3A_65], %broadcast_in_dim3A_3 {strides = array<i32>} : memref<640xf32, #tpu.memory_space<vmem>>, vector<16xf32>,
    %swap3A_67 = arith.constant 384 : index
    %swap3A_68 = tpu.vector_load %arg6[%swap3A_67] {strides = array<i32>} : memref<640xf32, #tpu.memory_space<vmem>>, vector<16xf32>,
    tpu.vector_store %arg6[%swap3A_67], %broadcast_in_dim3A_3 {strides = array<i32>} : memref<640xf32, #tpu.memory_space<vmem>>, vector<16xf32>,
    %swap3A_69 = arith.constant 400 : index
    %swap3A_70 = tpu.vector_load %arg6[%swap3A_69] {strides = array<i32>} : memref<640xf32, #tpu.memory_space<vmem>>, vector<16xf32>,
    tpu.vector_store %arg6[%swap3A_69], %broadcast_in_dim3A_3 {strides = array<i32>} : memref<640xf32, #tpu.memory_space<vmem>>, vector<16xf32>,
    %swap3A_71 = arith.constant 416 : index
    %swap3A_72 = tpu.vector_load %arg6[%swap3A_71] {strides = array<i32>} : memref<640xf32, #tpu.memory_space<vmem>>, vector<16xf32>,
    tpu.vector_store %arg6[%swap3A_71], %broadcast_in_dim3A_3 {strides = array<i32>} : memref<640xf32, #tpu.memory_space<vmem>>, vector<16xf32>,
    %swap3A_73 = arith.constant 432 : index
    %swap3A_74 = tpu.vector_load %arg6[%swap3A_73] {strides = array<i32>} : memref<640xf32, #tpu.memory_space<vmem>>, vector<16xf32>,
    tpu.vector_store %arg6[%swap3A_73], %broadcast_in_dim3A_3 {strides = array<i32>} : memref<640xf32, #tpu.memory_space<vmem>>, vector<16xf32>,
    %swap3A_75 = arith.constant 448 : index
    %swap3A_76 = tpu.vector_load %arg6[%swap3A_75] {strides = array<i32>} : memref<640xf32, #tpu.memory_space<vmem>>, vector<16xf32>,
    tpu.vector_store %arg6[%swap3A_75], %broadcast_in_dim3A_3 {strides = array<i32>} : memref<640xf32, #tpu.memory_space<vmem>>, vector<16xf32>,
    %swap3A_77 = arith.constant 464 : index
    %swap3A_78 = tpu.vector_load %arg6[%swap3A_77] {strides = array<i32>} : memref<640xf32, #tpu.memory_space<vmem>>, vector<16xf32>,
    tpu.vector_store %arg6[%swap3A_77], %broadcast_in_dim3A_3 {strides = array<i32>} : memref<640xf32, #tpu.memory_space<vmem>>, vector<16xf32>,
    %swap3A_79 = arith.constant 480 : index
    %swap3A_80 = tpu.vector_load %arg6[%swap3A_79] {strides = array<i32>} : memref<640xf32, #tpu.memory_space<vmem>>, vector<16xf32>,
    tpu.vector_store %arg6[%swap3A_79], %broadcast_in_dim3A_3 {strides = array<i32>} : memref<640xf32, #tpu.memory_space<vmem>>, vector<16xf32>,
    %swap3A_81 = arith.constant 496 : index
    %swap3A_82 = tpu.vector_load %arg6[%swap3A_81] {strides = array<i32>} : memref<640xf32, #tpu.memory_space<vmem>>, vector<16xf32>,
    tpu.vector_store %arg6[%swap3A_81], %broadcast_in_dim3A_3 {strides = array<i32>} : memref<640xf32, #tpu.memory_space<vmem>>, vector<16xf32>,
    %swap3A_83 = arith.constant 512 : index
    %swap3A_84 = tpu.vector_load %arg6[%swap3A_83] {strides = array<i32>} : memref<640xf32, #tpu.memory_space<vmem>>, vector<16xf32>,
    tpu.vector_store %arg6[%swap3A_83], %broadcast_in_dim3A_3 {strides = array<i32>} : memref<640xf32, #tpu.memory_space<vmem>>, vector<16xf32>,
    %swap3A_85 = arith.constant 528 : index
    %swap3A_86 = tpu.vector_load %arg6[%swap3A_85] {strides = array<i32>} : memref<640xf32, #tpu.memory_space<vmem>>, vector<16xf32>,
    tpu.vector_store %arg6[%swap3A_85], %broadcast_in_dim3A_3 {strides = array<i32>} : memref<640xf32, #tpu.memory_space<vmem>>, vector<16xf32>,
    %swap3A_87 = arith.constant 544 : index
    %swap3A_88 = tpu.vector_load %arg6[%swap3A_87] {strides = array<i32>} : memref<640xf32, #tpu.memory_space<vmem>>, vector<16xf32>,
    tpu.vector_store %arg6[%swap3A_87], %broadcast_in_dim3A_3 {strides = array<i32>} : memref<640xf32, #tpu.memory_space<vmem>>, vector<16xf32>,
    %swap3A_89 = arith.constant 560 : index
    %swap3A_90 = tpu.vector_load %arg6[%swap3A_89] {strides = array<i32>} : memref<640xf32, #tpu.memory_space<vmem>>, vector<16xf32>,
    tpu.vector_store %arg6[%swap3A_89], %broadcast_in_dim3A_3 {strides = array<i32>} : memref<640xf32, #tpu.memory_space<vmem>>, vector<16xf32>,
    %swap3A_91 = arith.constant 576 : index
    %swap3A_92 = tpu.vector_load %arg6[%swap3A_91] {strides = array<i32>} : memref<640xf32, #tpu.memory_space<vmem>>, vector<16xf32>,
    tpu.vector_store %arg6[%swap3A_91], %broadcast_in_dim3A_3 {strides = array<i32>} : memref<640xf32, #tpu.memory_space<vmem>>, vector<16xf32>,
    %swap3A_93 = arith.constant 592 : index
    %swap3A_94 = tpu.vector_load %arg6[%swap3A_93] {strides = array<i32>} : memref<640xf32, #tpu.memory_space<vmem>>, vector<16xf32>,
    tpu.vector_store %arg6[%swap3A_93], %broadcast_in_dim3A_3 {strides = array<i32>} : memref<640xf32, #tpu.memory_space<vmem>>, vector<16xf32>,
    %swap3A_95 = arith.constant 608 : index
    %swap3A_96 = tpu.vector_load %arg6[%swap3A_95] {strides = array<i32>} : memref<640xf32, #tpu.memory_space<vmem>>, vector<16xf32>,
    tpu.vector_store %arg6[%swap3A_95], %broadcast_in_dim3A_3 {strides = array<i32>} : memref<640xf32, #tpu.memory_space<vmem>>, vector<16xf32>,
    %swap3A_97 = arith.constant 624 : index
    %swap3A_98 = tpu.vector_load %arg6[%swap3A_97] {strides = array<i32>} : memref<640xf32, #tpu.memory_space<vmem>>, vector<16xf32>,
    tpu.vector_store %arg6[%swap3A_97], %broadcast_in_dim3A_3 {strides = array<i32>} : memref<640xf32, #tpu.memory_space<vmem>>, vector<16xf32>,
    %mul3A_99 = arith.constant 640 : i32
    %mul3A_100 = arith.muli %arg1, %mul3A_99 : i32
    "tpu.region"() ({
      %run_scoped3A = tpu.sem_alloc : memref<!tpu.dma_semaphore, #tpu.memory_space<semaphore_mem>>
      %dma_start3A = tpu.memref_slice %arg7[%mul3A_100] : memref<10240xf32, #tpu.memory_space<vmem_shared>> -> memref<640xf32, #tpu.memory_space<vmem_shared>>
      %dma_start3A_141 = tpu.memref_slice %arg7[%mul3A_100] : memref<10240xf32, #tpu.memory_space<vmem_shared>> -> memref<640xf32, #tpu.memory_space<vmem_shared>>
      tpu.enqueue_dma source(%arg6 : memref<640xf32, #tpu.memory_space<vmem>>) target(%dma_start3A_141 : memref<640xf32, #tpu.memory_space<vmem_shared>>) target_semaphore(%run_scoped3A : memref<!tpu.dma_semaphore, #tpu.memory_space<semaphore_mem>>)
      %dma_wait3A_142 = tpu.memref_slice %arg7[%mul3A_100] : memref<10240xf32, #tpu.memory_space<vmem_shared>> -> memref<640xf32, #tpu.memory_space<vmem_shared>>
      %dma_wait3A_143 = tpu.memref_slice %arg7[%mul3A_100] : memref<10240xf32, #tpu.memory_space<vmem_shared>> -> memref<640xf32, #tpu.memory_space<vmem_shared>>
      tpu.wait_dma2 semaphore(%run_scoped3A : memref<!tpu.dma_semaphore, #tpu.memory_space<semaphore_mem>>) src(%arg6 : memref<640xf32, #tpu.memory_space<vmem>>) dst(%dma_wait3A_143 : memref<640xf32, #tpu.memory_space<vmem_shared>>)
      tpu.yield
    }) : () -> ()
    %barrier3A = arith.constant 0 : index
    tpu.barrier barrier_id(%barrier3A)
    "tpu.region"() ({
      %run_scoped3A = tpu.sem_alloc : memref<!tpu.dma_semaphore, #tpu.memory_space<semaphore_mem>>
      %dma_start3A = arith.constant 0 : i32
      %dma_start3A_141 = arith.constant 0 : i32
      %dma_start3A_142 = tpu.memref_slice %arg2[%add3A, %dma_start3A, %dma_start3A_141] : memref<32x80x125xi32, #tpu.memory_space<hbm>> -> memref<1x80x125xi32, #tpu.memory_space<hbm>>
      %dma_start3A_143 = tpu.memref_squeeze %dma_start3A_142 : memref<1x80x125xi32, #tpu.memory_space<hbm>> -> memref<80x125xi32, #tpu.memory_space<hbm>>
      %dma_start3A_144 = arith.constant 0 : i32
      %dma_start3A_145 = arith.constant 0 : i32
      %dma_start3A_146 = tpu.memref_slice %arg2[%add3A, %dma_start3A_144, %dma_start3A_145] : memref<32x80x125xi32, #tpu.memory_space<hbm>> -> memref<1x80x125xi32, #tpu.memory_space<hbm>>
      %dma_start3A_147 = tpu.memref_squeeze %dma_start3A_146 : memref<1x80x125xi32, #tpu.memory_space<hbm>> -> memref<80x125xi32, #tpu.memory_space<hbm>>
      tpu.enqueue_dma source(%dma_start3A_147 : memref<80x125xi32, #tpu.memory_space<hbm>>) target(%arg4 : memref<80x125xi32, #tpu.memory_space<vmem>>) target_semaphore(%run_scoped3A : memref<!tpu.dma_semaphore, #tpu.memory_space<semaphore_mem>>)
      %dma_wait3A_148 = arith.constant 0 : i32
      %dma_wait3A_149 = arith.constant 0 : i32
      %dma_wait3A_150 = tpu.memref_slice %arg2[%add3A, %dma_wait3A_148, %dma_wait3A_149] : memref<32x80x125xi32, #tpu.memory_space<hbm>> -> memref<1x80x125xi32, #tpu.memory_space<hbm>>
      %dma_wait3A_151 = tpu.memref_squeeze %dma_wait3A_150 : memref<1x80x125xi32, #tpu.memory_space<hbm>> -> memref<80x125xi32, #tpu.memory_space<hbm>>
      %dma_wait3A_152 = arith.constant 0 : i32
      %dma_wait3A_153 = arith.constant 0 : i32
      %dma_wait3A_154 = tpu.memref_slice %arg2[%add3A, %dma_wait3A_152, %dma_wait3A_153] : memref<32x80x125xi32, #tpu.memory_space<hbm>> -> memref<1x80x125xi32, #tpu.memory_space<hbm>>
      %dma_wait3A_155 = tpu.memref_squeeze %dma_wait3A_154 : memref<1x80x125xi32, #tpu.memory_space<hbm>> -> memref<80x125xi32, #tpu.memory_space<hbm>>
      tpu.wait_dma2 semaphore(%run_scoped3A : memref<!tpu.dma_semaphore, #tpu.memory_space<semaphore_mem>>) src(%dma_wait3A_155 : memref<80x125xi32, #tpu.memory_space<hbm>>) dst(%arg4 : memref<80x125xi32, #tpu.memory_space<vmem>>)
      tpu.yield
    }) : () -> ()
    %scan3A = arith.constant 0 : i32
    %scan3A_101 = arith.constant 0 : i32
    %scan3A_102 = arith.constant 80 : i32
    %scan3A_103 = arith.addi %scan3A_101, %scan3A_102 : i32
    %scan3A_104 = arith.constant 1 : i32
    %scan3A_105 = scf.for %scan3A_141 = %scan3A_101 to %scan3A_103 step %scan3A_104 iter_args(%scan3A_142 = %scan3A) -> (i32)  : i32 {
      %dma_start3A = arith.constant 0 : i32
      %dma_start3A_143 = tpu.memref_slice %arg5[%dma_start3A] : memref<128xf32, #tpu.memory_space<vmem>> -> memref<125xf32, #tpu.memory_space<vmem>>
      %dma_start3A_144 = arith.constant 0 : i32
      %dma_start3A_145 = tpu.memref_slice %arg4[%scan3A_141, %dma_start3A_144] : memref<80x125xi32, #tpu.memory_space<vmem>> -> memref<1x125xi32, #tpu.memory_space<vmem>>
      %dma_start3A_146 = tpu.memref_squeeze %dma_start3A_145 : memref<1x125xi32, #tpu.memory_space<vmem>> -> memref<125xi32, #tpu.memory_space<vmem>>
      %dma_start3A_147 = arith.constant 0 : i32
      %dma_start3A_148 = tpu.memref_slice %arg7[%dma_start3A_147] : memref<10240xf32, #tpu.memory_space<vmem_shared>> -> memref<10240xf32, #tpu.memory_space<vmem_shared>>
      tpu.enqueue_indirect_dma source(%dma_start3A_143 : memref<125xf32, #tpu.memory_space<vmem>>) target(%dma_start3A_148 : memref<10240xf32, #tpu.memory_space<vmem_shared>>) offsets(%dma_start3A_146 : memref<125xi32, #tpu.memory_space<vmem>>) semaphore(%arg8 : memref<!tpu.dma_semaphore, #tpu.memory_space<semaphore_mem>>) {add = true}
      %ge3A = arith.constant 4 : i32
      %ge3A_149 = arith.cmpi sge, %scan3A_141, %ge3A : i32
      %convert_element_type3A = arith.extui %ge3A_149 : i1 to i32
      %cond3A = arith.constant 0 : i32
      %cond3A_150 = arith.cmpi ne, %convert_element_type3A, %cond3A : i32
      scf.if %cond3A_150 {
        %sub3A = arith.constant 4 : i32
        %sub3A_152 = arith.subi %scan3A_141, %sub3A : i32
        %dma_wait3A_153 = arith.constant 0 : i32
        %dma_wait3A_154 = tpu.memref_slice %arg5[%dma_wait3A_153] : memref<128xf32, #tpu.memory_space<vmem>> -> memref<125xf32, #tpu.memory_space<vmem>>
        %dma_wait3A_155 = arith.constant 0 : i32
        %dma_wait3A_156 = tpu.memref_slice %arg4[%sub3A_152, %dma_wait3A_155] : memref<80x125xi32, #tpu.memory_space<vmem>> -> memref<1x125xi32, #tpu.memory_space<vmem>>
        %dma_wait3A_157 = tpu.memref_squeeze %dma_wait3A_156 : memref<1x125xi32, #tpu.memory_space<vmem>> -> memref<125xi32, #tpu.memory_space<vmem>>
        %dma_wait3A_158 = arith.constant 0 : i32
        %dma_wait3A_159 = tpu.memref_slice %arg7[%dma_wait3A_158] : memref<10240xf32, #tpu.memory_space<vmem_shared>> -> memref<10240xf32, #tpu.memory_space<vmem_shared>>
        tpu.wait_indirect_dma semaphore(%arg8 : memref<!tpu.dma_semaphore, #tpu.memory_space<semaphore_mem>>) src(%dma_wait3A_154 : memref<125xf32, #tpu.memory_space<vmem>>) dst(%dma_wait3A_159 : memref<10240xf32, #tpu.memory_space<vmem_shared>>)
      } else {
      }
      %scan3A_151 = arith.constant 0 : i32
      scf.yield %scan3A_151 : i32
    }
    %scan3A_106 = arith.constant 80 : i32
    %dma_wait3A = arith.constant 76 : i32
    %dma_wait3A_107 = arith.constant 0 : i32
    %dma_wait3A_108 = tpu.memref_slice %arg5[%dma_wait3A_107] : memref<128xf32, #tpu.memory_space<vmem>> -> memref<125xf32, #tpu.memory_space<vmem>>
    %dma_wait3A_109 = arith.constant 0 : i32
    %dma_wait3A_110 = tpu.memref_slice %arg4[%dma_wait3A, %dma_wait3A_109] : memref<80x125xi32, #tpu.memory_space<vmem>> -> memref<1x125xi32, #tpu.memory_space<vmem>>
    %dma_wait3A_111 = tpu.memref_squeeze %dma_wait3A_110 : memref<1x125xi32, #tpu.memory_space<vmem>> -> memref<125xi32, #tpu.memory_space<vmem>>
    %dma_wait3A_112 = arith.constant 0 : i32
    %dma_wait3A_113 = tpu.memref_slice %arg7[%dma_wait3A_112] : memref<10240xf32, #tpu.memory_space<vmem_shared>> -> memref<10240xf32, #tpu.memory_space<vmem_shared>>
    tpu.wait_indirect_dma semaphore(%arg8 : memref<!tpu.dma_semaphore, #tpu.memory_space<semaphore_mem>>) src(%dma_wait3A_108 : memref<125xf32, #tpu.memory_space<vmem>>) dst(%dma_wait3A_113 : memref<10240xf32, #tpu.memory_space<vmem_shared>>)
    %dma_wait3A_114 = arith.constant 77 : i32
    %dma_wait3A_115 = arith.constant 0 : i32
    %dma_wait3A_116 = tpu.memref_slice %arg5[%dma_wait3A_115] : memref<128xf32, #tpu.memory_space<vmem>> -> memref<125xf32, #tpu.memory_space<vmem>>
    %dma_wait3A_117 = arith.constant 0 : i32
    %dma_wait3A_118 = tpu.memref_slice %arg4[%dma_wait3A_114, %dma_wait3A_117] : memref<80x125xi32, #tpu.memory_space<vmem>> -> memref<1x125xi32, #tpu.memory_space<vmem>>
    %dma_wait3A_119 = tpu.memref_squeeze %dma_wait3A_118 : memref<1x125xi32, #tpu.memory_space<vmem>> -> memref<125xi32, #tpu.memory_space<vmem>>
    %dma_wait3A_120 = arith.constant 0 : i32
    %dma_wait3A_121 = tpu.memref_slice %arg7[%dma_wait3A_120] : memref<10240xf32, #tpu.memory_space<vmem_shared>> -> memref<10240xf32, #tpu.memory_space<vmem_shared>>
    tpu.wait_indirect_dma semaphore(%arg8 : memref<!tpu.dma_semaphore, #tpu.memory_space<semaphore_mem>>) src(%dma_wait3A_116 : memref<125xf32, #tpu.memory_space<vmem>>) dst(%dma_wait3A_121 : memref<10240xf32, #tpu.memory_space<vmem_shared>>)
    %dma_wait3A_122 = arith.constant 78 : i32
    %dma_wait3A_123 = arith.constant 0 : i32
    %dma_wait3A_124 = tpu.memref_slice %arg5[%dma_wait3A_123] : memref<128xf32, #tpu.memory_space<vmem>> -> memref<125xf32, #tpu.memory_space<vmem>>
    %dma_wait3A_125 = arith.constant 0 : i32
    %dma_wait3A_126 = tpu.memref_slice %arg4[%dma_wait3A_122, %dma_wait3A_125] : memref<80x125xi32, #tpu.memory_space<vmem>> -> memref<1x125xi32, #tpu.memory_space<vmem>>
    %dma_wait3A_127 = tpu.memref_squeeze %dma_wait3A_126 : memref<1x125xi32, #tpu.memory_space<vmem>> -> memref<125xi32, #tpu.memory_space<vmem>>
    %dma_wait3A_128 = arith.constant 0 : i32
    %dma_wait3A_129 = tpu.memref_slice %arg7[%dma_wait3A_128] : memref<10240xf32, #tpu.memory_space<vmem_shared>> -> memref<10240xf32, #tpu.memory_space<vmem_shared>>
    tpu.wait_indirect_dma semaphore(%arg8 : memref<!tpu.dma_semaphore, #tpu.memory_space<semaphore_mem>>) src(%dma_wait3A_124 : memref<125xf32, #tpu.memory_space<vmem>>) dst(%dma_wait3A_129 : memref<10240xf32, #tpu.memory_space<vmem_shared>>)
    %dma_wait3A_130 = arith.constant 79 : i32
    %dma_wait3A_131 = arith.constant 0 : i32
    %dma_wait3A_132 = tpu.memref_slice %arg5[%dma_wait3A_131] : memref<128xf32, #tpu.memory_space<vmem>> -> memref<125xf32, #tpu.memory_space<vmem>>
    %dma_wait3A_133 = arith.constant 0 : i32
    %dma_wait3A_134 = tpu.memref_slice %arg4[%dma_wait3A_130, %dma_wait3A_133] : memref<80x125xi32, #tpu.memory_space<vmem>> -> memref<1x125xi32, #tpu.memory_space<vmem>>
    %dma_wait3A_135 = tpu.memref_squeeze %dma_wait3A_134 : memref<1x125xi32, #tpu.memory_space<vmem>> -> memref<125xi32, #tpu.memory_space<vmem>>
    %dma_wait3A_136 = arith.constant 0 : i32
    %dma_wait3A_137 = tpu.memref_slice %arg7[%dma_wait3A_136] : memref<10240xf32, #tpu.memory_space<vmem_shared>> -> memref<10240xf32, #tpu.memory_space<vmem_shared>>
    tpu.wait_indirect_dma semaphore(%arg8 : memref<!tpu.dma_semaphore, #tpu.memory_space<semaphore_mem>>) src(%dma_wait3A_132 : memref<125xf32, #tpu.memory_space<vmem>>) dst(%dma_wait3A_137 : memref<10240xf32, #tpu.memory_space<vmem_shared>>)
    %barrier3A_138 = arith.constant 0 : index
    tpu.barrier barrier_id(%barrier3A_138)
    %mul3A_139 = arith.constant 640 : i32
    %mul3A_140 = arith.muli %arg1, %mul3A_139 : i32
    "tpu.region"() ({
      %run_scoped3A = tpu.sem_alloc : memref<!tpu.dma_semaphore, #tpu.memory_space<semaphore_mem>>
      %dma_start3A = tpu.memref_slice %arg3[%arg0, %mul3A_140] : memref<2x10240xf32, #tpu.memory_space<hbm>> -> memref<1x640xf32, #tpu.memory_space<hbm>>
      %dma_start3A_141 = tpu.memref_squeeze %dma_start3A : memref<1x640xf32, #tpu.memory_space<hbm>> -> memref<640xf32, #tpu.memory_space<hbm>>
      %dma_start3A_142 = tpu.memref_slice %arg7[%mul3A_140] : memref<10240xf32, #tpu.memory_space<vmem_shared>> -> memref<640xf32, #tpu.memory_space<vmem_shared>>
      tpu.enqueue_dma source(%dma_start3A_142 : memref<640xf32, #tpu.memory_space<vmem_shared>>) target(%dma_start3A_141 : memref<640xf32, #tpu.memory_space<hbm>>) target_semaphore(%run_scoped3A : memref<!tpu.dma_semaphore, #tpu.memory_space<semaphore_mem>>)
      %dma_wait3A_143 = tpu.memref_slice %arg3[%arg0, %mul3A_140] : memref<2x10240xf32, #tpu.memory_space<hbm>> -> memref<1x640xf32, #tpu.memory_space<hbm>>
      %dma_wait3A_144 = tpu.memref_squeeze %dma_wait3A_143 : memref<1x640xf32, #tpu.memory_space<hbm>> -> memref<640xf32, #tpu.memory_space<hbm>>
      %dma_wait3A_145 = tpu.memref_slice %arg7[%mul3A_140] : memref<10240xf32, #tpu.memory_space<vmem_shared>> -> memref<640xf32, #tpu.memory_space<vmem_shared>>
      tpu.wait_dma2 semaphore(%run_scoped3A : memref<!tpu.dma_semaphore, #tpu.memory_space<semaphore_mem>>) src(%dma_wait3A_145 : memref<640xf32, #tpu.memory_space<vmem_shared>>) dst(%dma_wait3A_144 : memref<640xf32, #tpu.memory_space<hbm>>)
      tpu.yield
    }) : () -> ()
    return
  }
}

#map = affine_map<(d0, d1) -> (0, 0)>
#map1 = affine_map<(d0, d1) -> (0)>
module attributes {stable_mosaic.version = 14 : i64} {
  func.func @_pair_kernel(%arg0: i32, %arg1: i32, %arg2: memref<32x128xi32, #tpu.memory_space<hbm>>, %arg3: memref<32x128xi32, #tpu.memory_space<hbm>>, %arg4: memref<10240x64xf32, #tpu.memory_space<hbm>>, %arg5: memref<10240x64xf32, #tpu.memory_space<hbm>>, %arg6: memref<10240x64xf32, #tpu.memory_space<hbm>>, %arg7: memref<10240xf32, #tpu.memory_space<hbm>>, %arg8: memref<10240xf32, #tpu.memory_space<hbm>>, %arg9: memref<64xf32, #tpu.memory_space<hbm>>, %arg10: memref<32x128xf32, #tpu.memory_space<hbm>>, %arg11: memref<128xi32, #tpu.memory_space<vmem>>, %arg12: memref<128xi32, #tpu.memory_space<vmem>>, %arg13: memref<128x64xf32, #tpu.memory_space<vmem>>, %arg14: memref<128x64xf32, #tpu.memory_space<vmem>>, %arg15: memref<128x64xf32, #tpu.memory_space<vmem>>, %arg16: memref<128x64xf32, #tpu.memory_space<vmem>>, %arg17: memref<128x64xf32, #tpu.memory_space<vmem>>, %arg18: memref<128x64xf32, #tpu.memory_space<vmem>>, %arg19: memref<10240xf32, #tpu.memory_space<vmem>>, %arg20: memref<10240xf32, #tpu.memory_space<vmem>>, %arg21: memref<64xf32, #tpu.memory_space<vmem>>, %arg22: memref<128xf32, #tpu.memory_space<vmem>>, %arg23: memref<!tpu.dma_semaphore, #tpu.memory_space<semaphore_mem>>, %arg24: memref<!tpu.dma_semaphore, #tpu.memory_space<semaphore_mem>>) attributes {dimension_semantics = [#tpu.dimension_semantics<core_parallel>, #tpu.dimension_semantics<subcore_parallel>], iteration_bounds = array<i64: 2, 16>, scalar_prefetch = 0 : i64, scratch_operands = 14 : i64, tpu.core_type = #tpu.core_type<sc_vector_subcore>, window_params = [{transform_indices = #map}, {transform_indices = #map}, {transform_indices = #map}, {transform_indices = #map}, {transform_indices = #map}, {transform_indices = #map1}, {transform_indices = #map1}, {transform_indices = #map1}, {transform_indices = #map}]} {
    %mul3A = arith.constant 2 : i32
    %mul3A_0 = arith.muli %arg1, %mul3A : i32
    %add3A = arith.addi %mul3A_0, %arg0 : i32
    %dma_start3A = arith.constant 0 : i32
    %dma_start3A_1 = tpu.memref_slice %arg2[%add3A, %dma_start3A] : memref<32x128xi32, #tpu.memory_space<hbm>> -> memref<1x128xi32, #tpu.memory_space<hbm>>
    %dma_start3A_2 = tpu.memref_squeeze %dma_start3A_1 : memref<1x128xi32, #tpu.memory_space<hbm>> -> memref<128xi32, #tpu.memory_space<hbm>>
    %dma_start3A_3 = arith.constant 0 : i32
    %dma_start3A_4 = tpu.memref_slice %arg2[%add3A, %dma_start3A_3] : memref<32x128xi32, #tpu.memory_space<hbm>> -> memref<1x128xi32, #tpu.memory_space<hbm>>
    %dma_start3A_5 = tpu.memref_squeeze %dma_start3A_4 : memref<1x128xi32, #tpu.memory_space<hbm>> -> memref<128xi32, #tpu.memory_space<hbm>>
    tpu.enqueue_dma source(%dma_start3A_5 : memref<128xi32, #tpu.memory_space<hbm>>) target(%arg11 : memref<128xi32, #tpu.memory_space<vmem>>) target_semaphore(%arg23 : memref<!tpu.dma_semaphore, #tpu.memory_space<semaphore_mem>>)
    %dma_start3A_6 = arith.constant 0 : i32
    %dma_start3A_7 = tpu.memref_slice %arg3[%add3A, %dma_start3A_6] : memref<32x128xi32, #tpu.memory_space<hbm>> -> memref<1x128xi32, #tpu.memory_space<hbm>>
    %dma_start3A_8 = tpu.memref_squeeze %dma_start3A_7 : memref<1x128xi32, #tpu.memory_space<hbm>> -> memref<128xi32, #tpu.memory_space<hbm>>
    %dma_start3A_9 = arith.constant 0 : i32
    %dma_start3A_10 = tpu.memref_slice %arg3[%add3A, %dma_start3A_9] : memref<32x128xi32, #tpu.memory_space<hbm>> -> memref<1x128xi32, #tpu.memory_space<hbm>>
    %dma_start3A_11 = tpu.memref_squeeze %dma_start3A_10 : memref<1x128xi32, #tpu.memory_space<hbm>> -> memref<128xi32, #tpu.memory_space<hbm>>
    tpu.enqueue_dma source(%dma_start3A_11 : memref<128xi32, #tpu.memory_space<hbm>>) target(%arg12 : memref<128xi32, #tpu.memory_space<vmem>>) target_semaphore(%arg23 : memref<!tpu.dma_semaphore, #tpu.memory_space<semaphore_mem>>)
    tpu.enqueue_dma source(%arg7 : memref<10240xf32, #tpu.memory_space<hbm>>) target(%arg19 : memref<10240xf32, #tpu.memory_space<vmem>>) target_semaphore(%arg23 : memref<!tpu.dma_semaphore, #tpu.memory_space<semaphore_mem>>)
    tpu.enqueue_dma source(%arg8 : memref<10240xf32, #tpu.memory_space<hbm>>) target(%arg20 : memref<10240xf32, #tpu.memory_space<vmem>>) target_semaphore(%arg23 : memref<!tpu.dma_semaphore, #tpu.memory_space<semaphore_mem>>)
    tpu.enqueue_dma source(%arg9 : memref<64xf32, #tpu.memory_space<hbm>>) target(%arg21 : memref<64xf32, #tpu.memory_space<vmem>>) target_semaphore(%arg23 : memref<!tpu.dma_semaphore, #tpu.memory_space<semaphore_mem>>)
    %dma_wait3A = arith.constant 0 : i32
    %dma_wait3A_12 = tpu.memref_slice %arg2[%add3A, %dma_wait3A] : memref<32x128xi32, #tpu.memory_space<hbm>> -> memref<1x128xi32, #tpu.memory_space<hbm>>
    %dma_wait3A_13 = tpu.memref_squeeze %dma_wait3A_12 : memref<1x128xi32, #tpu.memory_space<hbm>> -> memref<128xi32, #tpu.memory_space<hbm>>
    %dma_wait3A_14 = arith.constant 0 : i32
    %dma_wait3A_15 = tpu.memref_slice %arg2[%add3A, %dma_wait3A_14] : memref<32x128xi32, #tpu.memory_space<hbm>> -> memref<1x128xi32, #tpu.memory_space<hbm>>
    %dma_wait3A_16 = tpu.memref_squeeze %dma_wait3A_15 : memref<1x128xi32, #tpu.memory_space<hbm>> -> memref<128xi32, #tpu.memory_space<hbm>>
    tpu.wait_dma2 semaphore(%arg23 : memref<!tpu.dma_semaphore, #tpu.memory_space<semaphore_mem>>) src(%dma_wait3A_16 : memref<128xi32, #tpu.memory_space<hbm>>) dst(%arg11 : memref<128xi32, #tpu.memory_space<vmem>>)
    %dma_wait3A_17 = arith.constant 0 : i32
    %dma_wait3A_18 = tpu.memref_slice %arg3[%add3A, %dma_wait3A_17] : memref<32x128xi32, #tpu.memory_space<hbm>> -> memref<1x128xi32, #tpu.memory_space<hbm>>
    %dma_wait3A_19 = tpu.memref_squeeze %dma_wait3A_18 : memref<1x128xi32, #tpu.memory_space<hbm>> -> memref<128xi32, #tpu.memory_space<hbm>>
    %dma_wait3A_20 = arith.constant 0 : i32
    %dma_wait3A_21 = tpu.memref_slice %arg3[%add3A, %dma_wait3A_20] : memref<32x128xi32, #tpu.memory_space<hbm>> -> memref<1x128xi32, #tpu.memory_space<hbm>>
    %dma_wait3A_22 = tpu.memref_squeeze %dma_wait3A_21 : memref<1x128xi32, #tpu.memory_space<hbm>> -> memref<128xi32, #tpu.memory_space<hbm>>
    tpu.wait_dma2 semaphore(%arg23 : memref<!tpu.dma_semaphore, #tpu.memory_space<semaphore_mem>>) src(%dma_wait3A_22 : memref<128xi32, #tpu.memory_space<hbm>>) dst(%arg12 : memref<128xi32, #tpu.memory_space<vmem>>)
    %dma_start3A_23 = arith.constant 0 : i32
    %dma_start3A_24 = arith.constant 0 : i32
    %dma_start3A_25 = tpu.memref_slice %arg4[%dma_start3A_23, %dma_start3A_24] : memref<10240x64xf32, #tpu.memory_space<hbm>> -> memref<10240x64xf32, #tpu.memory_space<hbm>>
    tpu.enqueue_indirect_dma source(%dma_start3A_25 : memref<10240x64xf32, #tpu.memory_space<hbm>>) target(%arg13 : memref<128x64xf32, #tpu.memory_space<vmem>>) offsets(%arg11 : memref<128xi32, #tpu.memory_space<vmem>>) semaphore(%arg24 : memref<!tpu.dma_semaphore, #tpu.memory_space<semaphore_mem>>)
    %dma_start3A_26 = arith.constant 0 : i32
    %dma_start3A_27 = arith.constant 0 : i32
    %dma_start3A_28 = tpu.memref_slice %arg5[%dma_start3A_26, %dma_start3A_27] : memref<10240x64xf32, #tpu.memory_space<hbm>> -> memref<10240x64xf32, #tpu.memory_space<hbm>>
    tpu.enqueue_indirect_dma source(%dma_start3A_28 : memref<10240x64xf32, #tpu.memory_space<hbm>>) target(%arg14 : memref<128x64xf32, #tpu.memory_space<vmem>>) offsets(%arg11 : memref<128xi32, #tpu.memory_space<vmem>>) semaphore(%arg24 : memref<!tpu.dma_semaphore, #tpu.memory_space<semaphore_mem>>)
    %dma_start3A_29 = arith.constant 0 : i32
    %dma_start3A_30 = arith.constant 0 : i32
    %dma_start3A_31 = tpu.memref_slice %arg6[%dma_start3A_29, %dma_start3A_30] : memref<10240x64xf32, #tpu.memory_space<hbm>> -> memref<10240x64xf32, #tpu.memory_space<hbm>>
    tpu.enqueue_indirect_dma source(%dma_start3A_31 : memref<10240x64xf32, #tpu.memory_space<hbm>>) target(%arg15 : memref<128x64xf32, #tpu.memory_space<vmem>>) offsets(%arg11 : memref<128xi32, #tpu.memory_space<vmem>>) semaphore(%arg24 : memref<!tpu.dma_semaphore, #tpu.memory_space<semaphore_mem>>)
    %dma_start3A_32 = arith.constant 0 : i32
    %dma_start3A_33 = arith.constant 0 : i32
    %dma_start3A_34 = tpu.memref_slice %arg4[%dma_start3A_32, %dma_start3A_33] : memref<10240x64xf32, #tpu.memory_space<hbm>> -> memref<10240x64xf32, #tpu.memory_space<hbm>>
    tpu.enqueue_indirect_dma source(%dma_start3A_34 : memref<10240x64xf32, #tpu.memory_space<hbm>>) target(%arg16 : memref<128x64xf32, #tpu.memory_space<vmem>>) offsets(%arg12 : memref<128xi32, #tpu.memory_space<vmem>>) semaphore(%arg24 : memref<!tpu.dma_semaphore, #tpu.memory_space<semaphore_mem>>)
    %dma_start3A_35 = arith.constant 0 : i32
    %dma_start3A_36 = arith.constant 0 : i32
    %dma_start3A_37 = tpu.memref_slice %arg5[%dma_start3A_35, %dma_start3A_36] : memref<10240x64xf32, #tpu.memory_space<hbm>> -> memref<10240x64xf32, #tpu.memory_space<hbm>>
    tpu.enqueue_indirect_dma source(%dma_start3A_37 : memref<10240x64xf32, #tpu.memory_space<hbm>>) target(%arg17 : memref<128x64xf32, #tpu.memory_space<vmem>>) offsets(%arg12 : memref<128xi32, #tpu.memory_space<vmem>>) semaphore(%arg24 : memref<!tpu.dma_semaphore, #tpu.memory_space<semaphore_mem>>)
    %dma_start3A_38 = arith.constant 0 : i32
    %dma_start3A_39 = arith.constant 0 : i32
    %dma_start3A_40 = tpu.memref_slice %arg6[%dma_start3A_38, %dma_start3A_39] : memref<10240x64xf32, #tpu.memory_space<hbm>> -> memref<10240x64xf32, #tpu.memory_space<hbm>>
    tpu.enqueue_indirect_dma source(%dma_start3A_40 : memref<10240x64xf32, #tpu.memory_space<hbm>>) target(%arg18 : memref<128x64xf32, #tpu.memory_space<vmem>>) offsets(%arg12 : memref<128xi32, #tpu.memory_space<vmem>>) semaphore(%arg24 : memref<!tpu.dma_semaphore, #tpu.memory_space<semaphore_mem>>)
    tpu.wait_dma2 semaphore(%arg23 : memref<!tpu.dma_semaphore, #tpu.memory_space<semaphore_mem>>) src(%arg7 : memref<10240xf32, #tpu.memory_space<hbm>>) dst(%arg19 : memref<10240xf32, #tpu.memory_space<vmem>>)
    tpu.wait_dma2 semaphore(%arg23 : memref<!tpu.dma_semaphore, #tpu.memory_space<semaphore_mem>>) src(%arg8 : memref<10240xf32, #tpu.memory_space<hbm>>) dst(%arg20 : memref<10240xf32, #tpu.memory_space<vmem>>)
    tpu.wait_dma2 semaphore(%arg23 : memref<!tpu.dma_semaphore, #tpu.memory_space<semaphore_mem>>) src(%arg9 : memref<64xf32, #tpu.memory_space<hbm>>) dst(%arg21 : memref<64xf32, #tpu.memory_space<vmem>>)
    %dma_wait3A_41 = arith.constant 0 : i32
    %dma_wait3A_42 = arith.constant 0 : i32
    %dma_wait3A_43 = tpu.memref_slice %arg4[%dma_wait3A_41, %dma_wait3A_42] : memref<10240x64xf32, #tpu.memory_space<hbm>> -> memref<10240x64xf32, #tpu.memory_space<hbm>>
    tpu.wait_indirect_dma semaphore(%arg24 : memref<!tpu.dma_semaphore, #tpu.memory_space<semaphore_mem>>) src(%dma_wait3A_43 : memref<10240x64xf32, #tpu.memory_space<hbm>>) dst(%arg13 : memref<128x64xf32, #tpu.memory_space<vmem>>)
    %dma_wait3A_44 = arith.constant 0 : i32
    %dma_wait3A_45 = arith.constant 0 : i32
    %dma_wait3A_46 = tpu.memref_slice %arg5[%dma_wait3A_44, %dma_wait3A_45] : memref<10240x64xf32, #tpu.memory_space<hbm>> -> memref<10240x64xf32, #tpu.memory_space<hbm>>
    tpu.wait_indirect_dma semaphore(%arg24 : memref<!tpu.dma_semaphore, #tpu.memory_space<semaphore_mem>>) src(%dma_wait3A_46 : memref<10240x64xf32, #tpu.memory_space<hbm>>) dst(%arg14 : memref<128x64xf32, #tpu.memory_space<vmem>>)
    %dma_wait3A_47 = arith.constant 0 : i32
    %dma_wait3A_48 = arith.constant 0 : i32
    %dma_wait3A_49 = tpu.memref_slice %arg6[%dma_wait3A_47, %dma_wait3A_48] : memref<10240x64xf32, #tpu.memory_space<hbm>> -> memref<10240x64xf32, #tpu.memory_space<hbm>>
    tpu.wait_indirect_dma semaphore(%arg24 : memref<!tpu.dma_semaphore, #tpu.memory_space<semaphore_mem>>) src(%dma_wait3A_49 : memref<10240x64xf32, #tpu.memory_space<hbm>>) dst(%arg15 : memref<128x64xf32, #tpu.memory_space<vmem>>)
    %dma_wait3A_50 = arith.constant 0 : i32
    %dma_wait3A_51 = arith.constant 0 : i32
    %dma_wait3A_52 = tpu.memref_slice %arg4[%dma_wait3A_50, %dma_wait3A_51] : memref<10240x64xf32, #tpu.memory_space<hbm>> -> memref<10240x64xf32, #tpu.memory_space<hbm>>
    tpu.wait_indirect_dma semaphore(%arg24 : memref<!tpu.dma_semaphore, #tpu.memory_space<semaphore_mem>>) src(%dma_wait3A_52 : memref<10240x64xf32, #tpu.memory_space<hbm>>) dst(%arg16 : memref<128x64xf32, #tpu.memory_space<vmem>>)
    %dma_wait3A_53 = arith.constant 0 : i32
    %dma_wait3A_54 = arith.constant 0 : i32
    %dma_wait3A_55 = tpu.memref_slice %arg5[%dma_wait3A_53, %dma_wait3A_54] : memref<10240x64xf32, #tpu.memory_space<hbm>> -> memref<10240x64xf32, #tpu.memory_space<hbm>>
    tpu.wait_indirect_dma semaphore(%arg24 : memref<!tpu.dma_semaphore, #tpu.memory_space<semaphore_mem>>) src(%dma_wait3A_55 : memref<10240x64xf32, #tpu.memory_space<hbm>>) dst(%arg17 : memref<128x64xf32, #tpu.memory_space<vmem>>)
    %dma_wait3A_56 = arith.constant 0 : i32
    %dma_wait3A_57 = arith.constant 0 : i32
    %dma_wait3A_58 = tpu.memref_slice %arg6[%dma_wait3A_56, %dma_wait3A_57] : memref<10240x64xf32, #tpu.memory_space<hbm>> -> memref<10240x64xf32, #tpu.memory_space<hbm>>
    tpu.wait_indirect_dma semaphore(%arg24 : memref<!tpu.dma_semaphore, #tpu.memory_space<semaphore_mem>>) src(%dma_wait3A_58 : memref<10240x64xf32, #tpu.memory_space<hbm>>) dst(%arg18 : memref<128x64xf32, #tpu.memory_space<vmem>>)
    %iota3A = tpu.iota {dimensions = array<i32: 0>} : vector<16xi32>
    %get3A = arith.constant 0 : index
    %get3A_59 = tpu.vector_load %arg11[%get3A] {strides = array<i32>} : memref<128xi32, #tpu.memory_space<vmem>>, vector<16xi32>,
    %get3A_60 = arith.constant 0 : index
    %get3A_61 = tpu.vector_load %arg12[%get3A_60] {strides = array<i32>} : memref<128xi32, #tpu.memory_space<vmem>>, vector<16xi32>,
    %gather3A = tpu.vector_load_idx %arg19[%get3A_59] : memref<10240xf32, #tpu.memory_space<vmem>>[vector<16xi32>], vector<16xf32>,
    %gather3A_62 = tpu.vector_load_idx %arg19[%get3A_61] : memref<10240xf32, #tpu.memory_space<vmem>>[vector<16xi32>], vector<16xf32>,
    %gather3A_63 = tpu.vector_load_idx %arg20[%get3A_59] : memref<10240xf32, #tpu.memory_space<vmem>>[vector<16xi32>], vector<16xf32>,
    %gather3A_64 = tpu.vector_load_idx %arg20[%get3A_61] : memref<10240xf32, #tpu.memory_space<vmem>>[vector<16xi32>], vector<16xf32>,
    %add3A_65 = arith.constant 0 : i32
    %add3A_66 = vector.broadcast %add3A_65 : i32 to vector<16xi32>
    %add3A_67 = arith.addi %iota3A, %add3A_66 : vector<16xi32>
    %broadcast_in_dim3A = arith.constant 0.000000e+00 : f32
    %broadcast_in_dim3A_68 = vector.broadcast %broadcast_in_dim3A : f32 to vector<16xf32>
    %scan3A = arith.constant 0 : i32
    %scan3A_69 = arith.constant 64 : i32
    %scan3A_70 = arith.addi %scan3A, %scan3A_69 : i32
    %scan3A_71 = arith.constant 1 : i32
    %scan3A_72 = scf.for %scan3A_238 = %scan3A to %scan3A_70 step %scan3A_71 iter_args(%scan3A_239 = %broadcast_in_dim3A_68) -> (vector<16xf32>)  : i32 {
      %broadcast_in_dim3A_240 = vector.broadcast %scan3A_238 : i32 to vector<16xi32>
      %add3A_241 = arith.addi %broadcast_in_dim3A_240, %iota3A : vector<16xi32>
      %and3A = arith.constant 63 : i32
      %and3A_242 = vector.broadcast %and3A : i32 to vector<16xi32>
      %and3A_243 = arith.andi %add3A_241, %and3A_242 : vector<16xi32>
      %gather3A_244 = tpu.vector_load_idx %arg13[%add3A_67, %and3A_243] : memref<128x64xf32, #tpu.memory_space<vmem>>[vector<16xi32>, vector<16xi32>], vector<16xf32>,
      %gather3A_245 = tpu.vector_load_idx %arg14[%add3A_67, %and3A_243] : memref<128x64xf32, #tpu.memory_space<vmem>>[vector<16xi32>, vector<16xi32>], vector<16xf32>,
      %add3A_246 = arith.addf %gather3A_244, %gather3A_245 : vector<16xf32>
      %gather3A_247 = tpu.vector_load_idx %arg15[%add3A_67, %and3A_243] : memref<128x64xf32, #tpu.memory_space<vmem>>[vector<16xi32>, vector<16xi32>], vector<16xf32>,
      %add3A_248 = arith.addf %add3A_246, %gather3A_247 : vector<16xf32>
      %gather3A_249 = tpu.vector_load_idx %arg16[%add3A_67, %and3A_243] : memref<128x64xf32, #tpu.memory_space<vmem>>[vector<16xi32>, vector<16xi32>], vector<16xf32>,
      %gather3A_250 = tpu.vector_load_idx %arg17[%add3A_67, %and3A_243] : memref<128x64xf32, #tpu.memory_space<vmem>>[vector<16xi32>, vector<16xi32>], vector<16xf32>,
      %add3A_251 = arith.addf %gather3A_249, %gather3A_250 : vector<16xf32>
      %gather3A_252 = tpu.vector_load_idx %arg18[%add3A_67, %and3A_243] : memref<128x64xf32, #tpu.memory_space<vmem>>[vector<16xi32>, vector<16xi32>], vector<16xf32>,
      %add3A_253 = arith.addf %add3A_251, %gather3A_252 : vector<16xf32>
      %gather3A_254 = tpu.vector_load_idx %arg21[%and3A_243] : memref<64xf32, #tpu.memory_space<vmem>>[vector<16xi32>], vector<16xf32>,
      %mul3A_255 = arith.mulf %gather3A, %add3A_248 : vector<16xf32>
      %add3A_256 = arith.addf %mul3A_255, %gather3A_254 : vector<16xf32>
      %mul3A_257 = arith.mulf %gather3A_62, %add3A_253 : vector<16xf32>
      %add3A_258 = arith.addf %mul3A_257, %gather3A_254 : vector<16xf32>
      %mul3A_259 = arith.mulf %add3A_256, %add3A_258 : vector<16xf32>
      %add3A_260 = arith.addf %scan3A_239, %mul3A_259 : vector<16xf32>
      scf.yield %add3A_260 : vector<16xf32>
    }
    %scan3A_73 = arith.constant 64 : i32
    %add3A_74 = arith.addf %gather3A_63, %gather3A_64 : vector<16xf32>
    %add3A_75 = arith.addf %add3A_74, %scan3A_72 : vector<16xf32>
    %swap3A = arith.constant 0 : index
    %swap3A_76 = tpu.vector_load %arg22[%swap3A] {strides = array<i32>} : memref<128xf32, #tpu.memory_space<vmem>>, vector<16xf32>,
    tpu.vector_store %arg22[%swap3A], %add3A_75 {strides = array<i32>} : memref<128xf32, #tpu.memory_space<vmem>>, vector<16xf32>,
    %get3A_77 = arith.constant 16 : index
    %get3A_78 = tpu.vector_load %arg11[%get3A_77] {strides = array<i32>} : memref<128xi32, #tpu.memory_space<vmem>>, vector<16xi32>,
    %get3A_79 = arith.constant 16 : index
    %get3A_80 = tpu.vector_load %arg12[%get3A_79] {strides = array<i32>} : memref<128xi32, #tpu.memory_space<vmem>>, vector<16xi32>,
    %gather3A_81 = tpu.vector_load_idx %arg19[%get3A_78] : memref<10240xf32, #tpu.memory_space<vmem>>[vector<16xi32>], vector<16xf32>,
    %gather3A_82 = tpu.vector_load_idx %arg19[%get3A_80] : memref<10240xf32, #tpu.memory_space<vmem>>[vector<16xi32>], vector<16xf32>,
    %gather3A_83 = tpu.vector_load_idx %arg20[%get3A_78] : memref<10240xf32, #tpu.memory_space<vmem>>[vector<16xi32>], vector<16xf32>,
    %gather3A_84 = tpu.vector_load_idx %arg20[%get3A_80] : memref<10240xf32, #tpu.memory_space<vmem>>[vector<16xi32>], vector<16xf32>,
    %add3A_85 = arith.constant 16 : i32
    %add3A_86 = vector.broadcast %add3A_85 : i32 to vector<16xi32>
    %add3A_87 = arith.addi %iota3A, %add3A_86 : vector<16xi32>
    %broadcast_in_dim3A_88 = arith.constant 0.000000e+00 : f32
    %broadcast_in_dim3A_89 = vector.broadcast %broadcast_in_dim3A_88 : f32 to vector<16xf32>
    %scan3A_90 = arith.constant 0 : i32
    %scan3A_91 = arith.constant 64 : i32
    %scan3A_92 = arith.addi %scan3A_90, %scan3A_91 : i32
    %scan3A_93 = arith.constant 1 : i32
    %scan3A_94 = scf.for %scan3A_238 = %scan3A_90 to %scan3A_92 step %scan3A_93 iter_args(%scan3A_239 = %broadcast_in_dim3A_89) -> (vector<16xf32>)  : i32 {
      %broadcast_in_dim3A_240 = vector.broadcast %scan3A_238 : i32 to vector<16xi32>
      %add3A_241 = arith.addi %broadcast_in_dim3A_240, %iota3A : vector<16xi32>
      %and3A = arith.constant 63 : i32
      %and3A_242 = vector.broadcast %and3A : i32 to vector<16xi32>
      %and3A_243 = arith.andi %add3A_241, %and3A_242 : vector<16xi32>
      %gather3A_244 = tpu.vector_load_idx %arg13[%add3A_87, %and3A_243] : memref<128x64xf32, #tpu.memory_space<vmem>>[vector<16xi32>, vector<16xi32>], vector<16xf32>,
      %gather3A_245 = tpu.vector_load_idx %arg14[%add3A_87, %and3A_243] : memref<128x64xf32, #tpu.memory_space<vmem>>[vector<16xi32>, vector<16xi32>], vector<16xf32>,
      %add3A_246 = arith.addf %gather3A_244, %gather3A_245 : vector<16xf32>
      %gather3A_247 = tpu.vector_load_idx %arg15[%add3A_87, %and3A_243] : memref<128x64xf32, #tpu.memory_space<vmem>>[vector<16xi32>, vector<16xi32>], vector<16xf32>,
      %add3A_248 = arith.addf %add3A_246, %gather3A_247 : vector<16xf32>
      %gather3A_249 = tpu.vector_load_idx %arg16[%add3A_87, %and3A_243] : memref<128x64xf32, #tpu.memory_space<vmem>>[vector<16xi32>, vector<16xi32>], vector<16xf32>,
      %gather3A_250 = tpu.vector_load_idx %arg17[%add3A_87, %and3A_243] : memref<128x64xf32, #tpu.memory_space<vmem>>[vector<16xi32>, vector<16xi32>], vector<16xf32>,
      %add3A_251 = arith.addf %gather3A_249, %gather3A_250 : vector<16xf32>
      %gather3A_252 = tpu.vector_load_idx %arg18[%add3A_87, %and3A_243] : memref<128x64xf32, #tpu.memory_space<vmem>>[vector<16xi32>, vector<16xi32>], vector<16xf32>,
      %add3A_253 = arith.addf %add3A_251, %gather3A_252 : vector<16xf32>
      %gather3A_254 = tpu.vector_load_idx %arg21[%and3A_243] : memref<64xf32, #tpu.memory_space<vmem>>[vector<16xi32>], vector<16xf32>,
      %mul3A_255 = arith.mulf %gather3A_81, %add3A_248 : vector<16xf32>
      %add3A_256 = arith.addf %mul3A_255, %gather3A_254 : vector<16xf32>
      %mul3A_257 = arith.mulf %gather3A_82, %add3A_253 : vector<16xf32>
      %add3A_258 = arith.addf %mul3A_257, %gather3A_254 : vector<16xf32>
      %mul3A_259 = arith.mulf %add3A_256, %add3A_258 : vector<16xf32>
      %add3A_260 = arith.addf %scan3A_239, %mul3A_259 : vector<16xf32>
      scf.yield %add3A_260 : vector<16xf32>
    }
    %scan3A_95 = arith.constant 64 : i32
    %add3A_96 = arith.addf %gather3A_83, %gather3A_84 : vector<16xf32>
    %add3A_97 = arith.addf %add3A_96, %scan3A_94 : vector<16xf32>
    %swap3A_98 = arith.constant 16 : index
    %swap3A_99 = tpu.vector_load %arg22[%swap3A_98] {strides = array<i32>} : memref<128xf32, #tpu.memory_space<vmem>>, vector<16xf32>,
    tpu.vector_store %arg22[%swap3A_98], %add3A_97 {strides = array<i32>} : memref<128xf32, #tpu.memory_space<vmem>>, vector<16xf32>,
    %get3A_100 = arith.constant 32 : index
    %get3A_101 = tpu.vector_load %arg11[%get3A_100] {strides = array<i32>} : memref<128xi32, #tpu.memory_space<vmem>>, vector<16xi32>,
    %get3A_102 = arith.constant 32 : index
    %get3A_103 = tpu.vector_load %arg12[%get3A_102] {strides = array<i32>} : memref<128xi32, #tpu.memory_space<vmem>>, vector<16xi32>,
    %gather3A_104 = tpu.vector_load_idx %arg19[%get3A_101] : memref<10240xf32, #tpu.memory_space<vmem>>[vector<16xi32>], vector<16xf32>,
    %gather3A_105 = tpu.vector_load_idx %arg19[%get3A_103] : memref<10240xf32, #tpu.memory_space<vmem>>[vector<16xi32>], vector<16xf32>,
    %gather3A_106 = tpu.vector_load_idx %arg20[%get3A_101] : memref<10240xf32, #tpu.memory_space<vmem>>[vector<16xi32>], vector<16xf32>,
    %gather3A_107 = tpu.vector_load_idx %arg20[%get3A_103] : memref<10240xf32, #tpu.memory_space<vmem>>[vector<16xi32>], vector<16xf32>,
    %add3A_108 = arith.constant 32 : i32
    %add3A_109 = vector.broadcast %add3A_108 : i32 to vector<16xi32>
    %add3A_110 = arith.addi %iota3A, %add3A_109 : vector<16xi32>
    %broadcast_in_dim3A_111 = arith.constant 0.000000e+00 : f32
    %broadcast_in_dim3A_112 = vector.broadcast %broadcast_in_dim3A_111 : f32 to vector<16xf32>
    %scan3A_113 = arith.constant 0 : i32
    %scan3A_114 = arith.constant 64 : i32
    %scan3A_115 = arith.addi %scan3A_113, %scan3A_114 : i32
    %scan3A_116 = arith.constant 1 : i32
    %scan3A_117 = scf.for %scan3A_238 = %scan3A_113 to %scan3A_115 step %scan3A_116 iter_args(%scan3A_239 = %broadcast_in_dim3A_112) -> (vector<16xf32>)  : i32 {
      %broadcast_in_dim3A_240 = vector.broadcast %scan3A_238 : i32 to vector<16xi32>
      %add3A_241 = arith.addi %broadcast_in_dim3A_240, %iota3A : vector<16xi32>
      %and3A = arith.constant 63 : i32
      %and3A_242 = vector.broadcast %and3A : i32 to vector<16xi32>
      %and3A_243 = arith.andi %add3A_241, %and3A_242 : vector<16xi32>
      %gather3A_244 = tpu.vector_load_idx %arg13[%add3A_110, %and3A_243] : memref<128x64xf32, #tpu.memory_space<vmem>>[vector<16xi32>, vector<16xi32>], vector<16xf32>,
      %gather3A_245 = tpu.vector_load_idx %arg14[%add3A_110, %and3A_243] : memref<128x64xf32, #tpu.memory_space<vmem>>[vector<16xi32>, vector<16xi32>], vector<16xf32>,
      %add3A_246 = arith.addf %gather3A_244, %gather3A_245 : vector<16xf32>
      %gather3A_247 = tpu.vector_load_idx %arg15[%add3A_110, %and3A_243] : memref<128x64xf32, #tpu.memory_space<vmem>>[vector<16xi32>, vector<16xi32>], vector<16xf32>,
      %add3A_248 = arith.addf %add3A_246, %gather3A_247 : vector<16xf32>
      %gather3A_249 = tpu.vector_load_idx %arg16[%add3A_110, %and3A_243] : memref<128x64xf32, #tpu.memory_space<vmem>>[vector<16xi32>, vector<16xi32>], vector<16xf32>,
      %gather3A_250 = tpu.vector_load_idx %arg17[%add3A_110, %and3A_243] : memref<128x64xf32, #tpu.memory_space<vmem>>[vector<16xi32>, vector<16xi32>], vector<16xf32>,
      %add3A_251 = arith.addf %gather3A_249, %gather3A_250 : vector<16xf32>
      %gather3A_252 = tpu.vector_load_idx %arg18[%add3A_110, %and3A_243] : memref<128x64xf32, #tpu.memory_space<vmem>>[vector<16xi32>, vector<16xi32>], vector<16xf32>,
      %add3A_253 = arith.addf %add3A_251, %gather3A_252 : vector<16xf32>
      %gather3A_254 = tpu.vector_load_idx %arg21[%and3A_243] : memref<64xf32, #tpu.memory_space<vmem>>[vector<16xi32>], vector<16xf32>,
      %mul3A_255 = arith.mulf %gather3A_104, %add3A_248 : vector<16xf32>
      %add3A_256 = arith.addf %mul3A_255, %gather3A_254 : vector<16xf32>
      %mul3A_257 = arith.mulf %gather3A_105, %add3A_253 : vector<16xf32>
      %add3A_258 = arith.addf %mul3A_257, %gather3A_254 : vector<16xf32>
      %mul3A_259 = arith.mulf %add3A_256, %add3A_258 : vector<16xf32>
      %add3A_260 = arith.addf %scan3A_239, %mul3A_259 : vector<16xf32>
      scf.yield %add3A_260 : vector<16xf32>
    }
    %scan3A_118 = arith.constant 64 : i32
    %add3A_119 = arith.addf %gather3A_106, %gather3A_107 : vector<16xf32>
    %add3A_120 = arith.addf %add3A_119, %scan3A_117 : vector<16xf32>
    %swap3A_121 = arith.constant 32 : index
    %swap3A_122 = tpu.vector_load %arg22[%swap3A_121] {strides = array<i32>} : memref<128xf32, #tpu.memory_space<vmem>>, vector<16xf32>,
    tpu.vector_store %arg22[%swap3A_121], %add3A_120 {strides = array<i32>} : memref<128xf32, #tpu.memory_space<vmem>>, vector<16xf32>,
    %get3A_123 = arith.constant 48 : index
    %get3A_124 = tpu.vector_load %arg11[%get3A_123] {strides = array<i32>} : memref<128xi32, #tpu.memory_space<vmem>>, vector<16xi32>,
    %get3A_125 = arith.constant 48 : index
    %get3A_126 = tpu.vector_load %arg12[%get3A_125] {strides = array<i32>} : memref<128xi32, #tpu.memory_space<vmem>>, vector<16xi32>,
    %gather3A_127 = tpu.vector_load_idx %arg19[%get3A_124] : memref<10240xf32, #tpu.memory_space<vmem>>[vector<16xi32>], vector<16xf32>,
    %gather3A_128 = tpu.vector_load_idx %arg19[%get3A_126] : memref<10240xf32, #tpu.memory_space<vmem>>[vector<16xi32>], vector<16xf32>,
    %gather3A_129 = tpu.vector_load_idx %arg20[%get3A_124] : memref<10240xf32, #tpu.memory_space<vmem>>[vector<16xi32>], vector<16xf32>,
    %gather3A_130 = tpu.vector_load_idx %arg20[%get3A_126] : memref<10240xf32, #tpu.memory_space<vmem>>[vector<16xi32>], vector<16xf32>,
    %add3A_131 = arith.constant 48 : i32
    %add3A_132 = vector.broadcast %add3A_131 : i32 to vector<16xi32>
    %add3A_133 = arith.addi %iota3A, %add3A_132 : vector<16xi32>
    %broadcast_in_dim3A_134 = arith.constant 0.000000e+00 : f32
    %broadcast_in_dim3A_135 = vector.broadcast %broadcast_in_dim3A_134 : f32 to vector<16xf32>
    %scan3A_136 = arith.constant 0 : i32
    %scan3A_137 = arith.constant 64 : i32
    %scan3A_138 = arith.addi %scan3A_136, %scan3A_137 : i32
    %scan3A_139 = arith.constant 1 : i32
    %scan3A_140 = scf.for %scan3A_238 = %scan3A_136 to %scan3A_138 step %scan3A_139 iter_args(%scan3A_239 = %broadcast_in_dim3A_135) -> (vector<16xf32>)  : i32 {
      %broadcast_in_dim3A_240 = vector.broadcast %scan3A_238 : i32 to vector<16xi32>
      %add3A_241 = arith.addi %broadcast_in_dim3A_240, %iota3A : vector<16xi32>
      %and3A = arith.constant 63 : i32
      %and3A_242 = vector.broadcast %and3A : i32 to vector<16xi32>
      %and3A_243 = arith.andi %add3A_241, %and3A_242 : vector<16xi32>
      %gather3A_244 = tpu.vector_load_idx %arg13[%add3A_133, %and3A_243] : memref<128x64xf32, #tpu.memory_space<vmem>>[vector<16xi32>, vector<16xi32>], vector<16xf32>,
      %gather3A_245 = tpu.vector_load_idx %arg14[%add3A_133, %and3A_243] : memref<128x64xf32, #tpu.memory_space<vmem>>[vector<16xi32>, vector<16xi32>], vector<16xf32>,
      %add3A_246 = arith.addf %gather3A_244, %gather3A_245 : vector<16xf32>
      %gather3A_247 = tpu.vector_load_idx %arg15[%add3A_133, %and3A_243] : memref<128x64xf32, #tpu.memory_space<vmem>>[vector<16xi32>, vector<16xi32>], vector<16xf32>,
      %add3A_248 = arith.addf %add3A_246, %gather3A_247 : vector<16xf32>
      %gather3A_249 = tpu.vector_load_idx %arg16[%add3A_133, %and3A_243] : memref<128x64xf32, #tpu.memory_space<vmem>>[vector<16xi32>, vector<16xi32>], vector<16xf32>,
      %gather3A_250 = tpu.vector_load_idx %arg17[%add3A_133, %and3A_243] : memref<128x64xf32, #tpu.memory_space<vmem>>[vector<16xi32>, vector<16xi32>], vector<16xf32>,
      %add3A_251 = arith.addf %gather3A_249, %gather3A_250 : vector<16xf32>
      %gather3A_252 = tpu.vector_load_idx %arg18[%add3A_133, %and3A_243] : memref<128x64xf32, #tpu.memory_space<vmem>>[vector<16xi32>, vector<16xi32>], vector<16xf32>,
      %add3A_253 = arith.addf %add3A_251, %gather3A_252 : vector<16xf32>
      %gather3A_254 = tpu.vector_load_idx %arg21[%and3A_243] : memref<64xf32, #tpu.memory_space<vmem>>[vector<16xi32>], vector<16xf32>,
      %mul3A_255 = arith.mulf %gather3A_127, %add3A_248 : vector<16xf32>
      %add3A_256 = arith.addf %mul3A_255, %gather3A_254 : vector<16xf32>
      %mul3A_257 = arith.mulf %gather3A_128, %add3A_253 : vector<16xf32>
      %add3A_258 = arith.addf %mul3A_257, %gather3A_254 : vector<16xf32>
      %mul3A_259 = arith.mulf %add3A_256, %add3A_258 : vector<16xf32>
      %add3A_260 = arith.addf %scan3A_239, %mul3A_259 : vector<16xf32>
      scf.yield %add3A_260 : vector<16xf32>
    }
    %scan3A_141 = arith.constant 64 : i32
    %add3A_142 = arith.addf %gather3A_129, %gather3A_130 : vector<16xf32>
    %add3A_143 = arith.addf %add3A_142, %scan3A_140 : vector<16xf32>
    %swap3A_144 = arith.constant 48 : index
    %swap3A_145 = tpu.vector_load %arg22[%swap3A_144] {strides = array<i32>} : memref<128xf32, #tpu.memory_space<vmem>>, vector<16xf32>,
    tpu.vector_store %arg22[%swap3A_144], %add3A_143 {strides = array<i32>} : memref<128xf32, #tpu.memory_space<vmem>>, vector<16xf32>,
    %get3A_146 = arith.constant 64 : index
    %get3A_147 = tpu.vector_load %arg11[%get3A_146] {strides = array<i32>} : memref<128xi32, #tpu.memory_space<vmem>>, vector<16xi32>,
    %get3A_148 = arith.constant 64 : index
    %get3A_149 = tpu.vector_load %arg12[%get3A_148] {strides = array<i32>} : memref<128xi32, #tpu.memory_space<vmem>>, vector<16xi32>,
    %gather3A_150 = tpu.vector_load_idx %arg19[%get3A_147] : memref<10240xf32, #tpu.memory_space<vmem>>[vector<16xi32>], vector<16xf32>,
    %gather3A_151 = tpu.vector_load_idx %arg19[%get3A_149] : memref<10240xf32, #tpu.memory_space<vmem>>[vector<16xi32>], vector<16xf32>,
    %gather3A_152 = tpu.vector_load_idx %arg20[%get3A_147] : memref<10240xf32, #tpu.memory_space<vmem>>[vector<16xi32>], vector<16xf32>,
    %gather3A_153 = tpu.vector_load_idx %arg20[%get3A_149] : memref<10240xf32, #tpu.memory_space<vmem>>[vector<16xi32>], vector<16xf32>,
    %add3A_154 = arith.constant 64 : i32
    %add3A_155 = vector.broadcast %add3A_154 : i32 to vector<16xi32>
    %add3A_156 = arith.addi %iota3A, %add3A_155 : vector<16xi32>
    %broadcast_in_dim3A_157 = arith.constant 0.000000e+00 : f32
    %broadcast_in_dim3A_158 = vector.broadcast %broadcast_in_dim3A_157 : f32 to vector<16xf32>
    %scan3A_159 = arith.constant 0 : i32
    %scan3A_160 = arith.constant 64 : i32
    %scan3A_161 = arith.addi %scan3A_159, %scan3A_160 : i32
    %scan3A_162 = arith.constant 1 : i32
    %scan3A_163 = scf.for %scan3A_238 = %scan3A_159 to %scan3A_161 step %scan3A_162 iter_args(%scan3A_239 = %broadcast_in_dim3A_158) -> (vector<16xf32>)  : i32 {
      %broadcast_in_dim3A_240 = vector.broadcast %scan3A_238 : i32 to vector<16xi32>
      %add3A_241 = arith.addi %broadcast_in_dim3A_240, %iota3A : vector<16xi32>
      %and3A = arith.constant 63 : i32
      %and3A_242 = vector.broadcast %and3A : i32 to vector<16xi32>
      %and3A_243 = arith.andi %add3A_241, %and3A_242 : vector<16xi32>
      %gather3A_244 = tpu.vector_load_idx %arg13[%add3A_156, %and3A_243] : memref<128x64xf32, #tpu.memory_space<vmem>>[vector<16xi32>, vector<16xi32>], vector<16xf32>,
      %gather3A_245 = tpu.vector_load_idx %arg14[%add3A_156, %and3A_243] : memref<128x64xf32, #tpu.memory_space<vmem>>[vector<16xi32>, vector<16xi32>], vector<16xf32>,
      %add3A_246 = arith.addf %gather3A_244, %gather3A_245 : vector<16xf32>
      %gather3A_247 = tpu.vector_load_idx %arg15[%add3A_156, %and3A_243] : memref<128x64xf32, #tpu.memory_space<vmem>>[vector<16xi32>, vector<16xi32>], vector<16xf32>,
      %add3A_248 = arith.addf %add3A_246, %gather3A_247 : vector<16xf32>
      %gather3A_249 = tpu.vector_load_idx %arg16[%add3A_156, %and3A_243] : memref<128x64xf32, #tpu.memory_space<vmem>>[vector<16xi32>, vector<16xi32>], vector<16xf32>,
      %gather3A_250 = tpu.vector_load_idx %arg17[%add3A_156, %and3A_243] : memref<128x64xf32, #tpu.memory_space<vmem>>[vector<16xi32>, vector<16xi32>], vector<16xf32>,
      %add3A_251 = arith.addf %gather3A_249, %gather3A_250 : vector<16xf32>
      %gather3A_252 = tpu.vector_load_idx %arg18[%add3A_156, %and3A_243] : memref<128x64xf32, #tpu.memory_space<vmem>>[vector<16xi32>, vector<16xi32>], vector<16xf32>,
      %add3A_253 = arith.addf %add3A_251, %gather3A_252 : vector<16xf32>
      %gather3A_254 = tpu.vector_load_idx %arg21[%and3A_243] : memref<64xf32, #tpu.memory_space<vmem>>[vector<16xi32>], vector<16xf32>,
      %mul3A_255 = arith.mulf %gather3A_150, %add3A_248 : vector<16xf32>
      %add3A_256 = arith.addf %mul3A_255, %gather3A_254 : vector<16xf32>
      %mul3A_257 = arith.mulf %gather3A_151, %add3A_253 : vector<16xf32>
      %add3A_258 = arith.addf %mul3A_257, %gather3A_254 : vector<16xf32>
      %mul3A_259 = arith.mulf %add3A_256, %add3A_258 : vector<16xf32>
      %add3A_260 = arith.addf %scan3A_239, %mul3A_259 : vector<16xf32>
      scf.yield %add3A_260 : vector<16xf32>
    }
    %scan3A_164 = arith.constant 64 : i32
    %add3A_165 = arith.addf %gather3A_152, %gather3A_153 : vector<16xf32>
    %add3A_166 = arith.addf %add3A_165, %scan3A_163 : vector<16xf32>
    %swap3A_167 = arith.constant 64 : index
    %swap3A_168 = tpu.vector_load %arg22[%swap3A_167] {strides = array<i32>} : memref<128xf32, #tpu.memory_space<vmem>>, vector<16xf32>,
    tpu.vector_store %arg22[%swap3A_167], %add3A_166 {strides = array<i32>} : memref<128xf32, #tpu.memory_space<vmem>>, vector<16xf32>,
    %get3A_169 = arith.constant 80 : index
    %get3A_170 = tpu.vector_load %arg11[%get3A_169] {strides = array<i32>} : memref<128xi32, #tpu.memory_space<vmem>>, vector<16xi32>,
    %get3A_171 = arith.constant 80 : index
    %get3A_172 = tpu.vector_load %arg12[%get3A_171] {strides = array<i32>} : memref<128xi32, #tpu.memory_space<vmem>>, vector<16xi32>,
    %gather3A_173 = tpu.vector_load_idx %arg19[%get3A_170] : memref<10240xf32, #tpu.memory_space<vmem>>[vector<16xi32>], vector<16xf32>,
    %gather3A_174 = tpu.vector_load_idx %arg19[%get3A_172] : memref<10240xf32, #tpu.memory_space<vmem>>[vector<16xi32>], vector<16xf32>,
    %gather3A_175 = tpu.vector_load_idx %arg20[%get3A_170] : memref<10240xf32, #tpu.memory_space<vmem>>[vector<16xi32>], vector<16xf32>,
    %gather3A_176 = tpu.vector_load_idx %arg20[%get3A_172] : memref<10240xf32, #tpu.memory_space<vmem>>[vector<16xi32>], vector<16xf32>,
    %add3A_177 = arith.constant 80 : i32
    %add3A_178 = vector.broadcast %add3A_177 : i32 to vector<16xi32>
    %add3A_179 = arith.addi %iota3A, %add3A_178 : vector<16xi32>
    %broadcast_in_dim3A_180 = arith.constant 0.000000e+00 : f32
    %broadcast_in_dim3A_181 = vector.broadcast %broadcast_in_dim3A_180 : f32 to vector<16xf32>
    %scan3A_182 = arith.constant 0 : i32
    %scan3A_183 = arith.constant 64 : i32
    %scan3A_184 = arith.addi %scan3A_182, %scan3A_183 : i32
    %scan3A_185 = arith.constant 1 : i32
    %scan3A_186 = scf.for %scan3A_238 = %scan3A_182 to %scan3A_184 step %scan3A_185 iter_args(%scan3A_239 = %broadcast_in_dim3A_181) -> (vector<16xf32>)  : i32 {
      %broadcast_in_dim3A_240 = vector.broadcast %scan3A_238 : i32 to vector<16xi32>
      %add3A_241 = arith.addi %broadcast_in_dim3A_240, %iota3A : vector<16xi32>
      %and3A = arith.constant 63 : i32
      %and3A_242 = vector.broadcast %and3A : i32 to vector<16xi32>
      %and3A_243 = arith.andi %add3A_241, %and3A_242 : vector<16xi32>
      %gather3A_244 = tpu.vector_load_idx %arg13[%add3A_179, %and3A_243] : memref<128x64xf32, #tpu.memory_space<vmem>>[vector<16xi32>, vector<16xi32>], vector<16xf32>,
      %gather3A_245 = tpu.vector_load_idx %arg14[%add3A_179, %and3A_243] : memref<128x64xf32, #tpu.memory_space<vmem>>[vector<16xi32>, vector<16xi32>], vector<16xf32>,
      %add3A_246 = arith.addf %gather3A_244, %gather3A_245 : vector<16xf32>
      %gather3A_247 = tpu.vector_load_idx %arg15[%add3A_179, %and3A_243] : memref<128x64xf32, #tpu.memory_space<vmem>>[vector<16xi32>, vector<16xi32>], vector<16xf32>,
      %add3A_248 = arith.addf %add3A_246, %gather3A_247 : vector<16xf32>
      %gather3A_249 = tpu.vector_load_idx %arg16[%add3A_179, %and3A_243] : memref<128x64xf32, #tpu.memory_space<vmem>>[vector<16xi32>, vector<16xi32>], vector<16xf32>,
      %gather3A_250 = tpu.vector_load_idx %arg17[%add3A_179, %and3A_243] : memref<128x64xf32, #tpu.memory_space<vmem>>[vector<16xi32>, vector<16xi32>], vector<16xf32>,
      %add3A_251 = arith.addf %gather3A_249, %gather3A_250 : vector<16xf32>
      %gather3A_252 = tpu.vector_load_idx %arg18[%add3A_179, %and3A_243] : memref<128x64xf32, #tpu.memory_space<vmem>>[vector<16xi32>, vector<16xi32>], vector<16xf32>,
      %add3A_253 = arith.addf %add3A_251, %gather3A_252 : vector<16xf32>
      %gather3A_254 = tpu.vector_load_idx %arg21[%and3A_243] : memref<64xf32, #tpu.memory_space<vmem>>[vector<16xi32>], vector<16xf32>,
      %mul3A_255 = arith.mulf %gather3A_173, %add3A_248 : vector<16xf32>
      %add3A_256 = arith.addf %mul3A_255, %gather3A_254 : vector<16xf32>
      %mul3A_257 = arith.mulf %gather3A_174, %add3A_253 : vector<16xf32>
      %add3A_258 = arith.addf %mul3A_257, %gather3A_254 : vector<16xf32>
      %mul3A_259 = arith.mulf %add3A_256, %add3A_258 : vector<16xf32>
      %add3A_260 = arith.addf %scan3A_239, %mul3A_259 : vector<16xf32>
      scf.yield %add3A_260 : vector<16xf32>
    }
    %scan3A_187 = arith.constant 64 : i32
    %add3A_188 = arith.addf %gather3A_175, %gather3A_176 : vector<16xf32>
    %add3A_189 = arith.addf %add3A_188, %scan3A_186 : vector<16xf32>
    %swap3A_190 = arith.constant 80 : index
    %swap3A_191 = tpu.vector_load %arg22[%swap3A_190] {strides = array<i32>} : memref<128xf32, #tpu.memory_space<vmem>>, vector<16xf32>,
    tpu.vector_store %arg22[%swap3A_190], %add3A_189 {strides = array<i32>} : memref<128xf32, #tpu.memory_space<vmem>>, vector<16xf32>,
    %get3A_192 = arith.constant 96 : index
    %get3A_193 = tpu.vector_load %arg11[%get3A_192] {strides = array<i32>} : memref<128xi32, #tpu.memory_space<vmem>>, vector<16xi32>,
    %get3A_194 = arith.constant 96 : index
    %get3A_195 = tpu.vector_load %arg12[%get3A_194] {strides = array<i32>} : memref<128xi32, #tpu.memory_space<vmem>>, vector<16xi32>,
    %gather3A_196 = tpu.vector_load_idx %arg19[%get3A_193] : memref<10240xf32, #tpu.memory_space<vmem>>[vector<16xi32>], vector<16xf32>,
    %gather3A_197 = tpu.vector_load_idx %arg19[%get3A_195] : memref<10240xf32, #tpu.memory_space<vmem>>[vector<16xi32>], vector<16xf32>,
    %gather3A_198 = tpu.vector_load_idx %arg20[%get3A_193] : memref<10240xf32, #tpu.memory_space<vmem>>[vector<16xi32>], vector<16xf32>,
    %gather3A_199 = tpu.vector_load_idx %arg20[%get3A_195] : memref<10240xf32, #tpu.memory_space<vmem>>[vector<16xi32>], vector<16xf32>,
    %add3A_200 = arith.constant 96 : i32
    %add3A_201 = vector.broadcast %add3A_200 : i32 to vector<16xi32>
    %add3A_202 = arith.addi %iota3A, %add3A_201 : vector<16xi32>
    %broadcast_in_dim3A_203 = arith.constant 0.000000e+00 : f32
    %broadcast_in_dim3A_204 = vector.broadcast %broadcast_in_dim3A_203 : f32 to vector<16xf32>
    %scan3A_205 = arith.constant 0 : i32
    %scan3A_206 = arith.constant 64 : i32
    %scan3A_207 = arith.addi %scan3A_205, %scan3A_206 : i32
    %scan3A_208 = arith.constant 1 : i32
    %scan3A_209 = scf.for %scan3A_238 = %scan3A_205 to %scan3A_207 step %scan3A_208 iter_args(%scan3A_239 = %broadcast_in_dim3A_204) -> (vector<16xf32>)  : i32 {
      %broadcast_in_dim3A_240 = vector.broadcast %scan3A_238 : i32 to vector<16xi32>
      %add3A_241 = arith.addi %broadcast_in_dim3A_240, %iota3A : vector<16xi32>
      %and3A = arith.constant 63 : i32
      %and3A_242 = vector.broadcast %and3A : i32 to vector<16xi32>
      %and3A_243 = arith.andi %add3A_241, %and3A_242 : vector<16xi32>
      %gather3A_244 = tpu.vector_load_idx %arg13[%add3A_202, %and3A_243] : memref<128x64xf32, #tpu.memory_space<vmem>>[vector<16xi32>, vector<16xi32>], vector<16xf32>,
      %gather3A_245 = tpu.vector_load_idx %arg14[%add3A_202, %and3A_243] : memref<128x64xf32, #tpu.memory_space<vmem>>[vector<16xi32>, vector<16xi32>], vector<16xf32>,
      %add3A_246 = arith.addf %gather3A_244, %gather3A_245 : vector<16xf32>
      %gather3A_247 = tpu.vector_load_idx %arg15[%add3A_202, %and3A_243] : memref<128x64xf32, #tpu.memory_space<vmem>>[vector<16xi32>, vector<16xi32>], vector<16xf32>,
      %add3A_248 = arith.addf %add3A_246, %gather3A_247 : vector<16xf32>
      %gather3A_249 = tpu.vector_load_idx %arg16[%add3A_202, %and3A_243] : memref<128x64xf32, #tpu.memory_space<vmem>>[vector<16xi32>, vector<16xi32>], vector<16xf32>,
      %gather3A_250 = tpu.vector_load_idx %arg17[%add3A_202, %and3A_243] : memref<128x64xf32, #tpu.memory_space<vmem>>[vector<16xi32>, vector<16xi32>], vector<16xf32>,
      %add3A_251 = arith.addf %gather3A_249, %gather3A_250 : vector<16xf32>
      %gather3A_252 = tpu.vector_load_idx %arg18[%add3A_202, %and3A_243] : memref<128x64xf32, #tpu.memory_space<vmem>>[vector<16xi32>, vector<16xi32>], vector<16xf32>,
      %add3A_253 = arith.addf %add3A_251, %gather3A_252 : vector<16xf32>
      %gather3A_254 = tpu.vector_load_idx %arg21[%and3A_243] : memref<64xf32, #tpu.memory_space<vmem>>[vector<16xi32>], vector<16xf32>,
      %mul3A_255 = arith.mulf %gather3A_196, %add3A_248 : vector<16xf32>
      %add3A_256 = arith.addf %mul3A_255, %gather3A_254 : vector<16xf32>
      %mul3A_257 = arith.mulf %gather3A_197, %add3A_253 : vector<16xf32>
      %add3A_258 = arith.addf %mul3A_257, %gather3A_254 : vector<16xf32>
      %mul3A_259 = arith.mulf %add3A_256, %add3A_258 : vector<16xf32>
      %add3A_260 = arith.addf %scan3A_239, %mul3A_259 : vector<16xf32>
      scf.yield %add3A_260 : vector<16xf32>
    }
    %scan3A_210 = arith.constant 64 : i32
    %add3A_211 = arith.addf %gather3A_198, %gather3A_199 : vector<16xf32>
    %add3A_212 = arith.addf %add3A_211, %scan3A_209 : vector<16xf32>
    %swap3A_213 = arith.constant 96 : index
    %swap3A_214 = tpu.vector_load %arg22[%swap3A_213] {strides = array<i32>} : memref<128xf32, #tpu.memory_space<vmem>>, vector<16xf32>,
    tpu.vector_store %arg22[%swap3A_213], %add3A_212 {strides = array<i32>} : memref<128xf32, #tpu.memory_space<vmem>>, vector<16xf32>,
    %get3A_215 = arith.constant 112 : index
    %get3A_216 = tpu.vector_load %arg11[%get3A_215] {strides = array<i32>} : memref<128xi32, #tpu.memory_space<vmem>>, vector<16xi32>,
    %get3A_217 = arith.constant 112 : index
    %get3A_218 = tpu.vector_load %arg12[%get3A_217] {strides = array<i32>} : memref<128xi32, #tpu.memory_space<vmem>>, vector<16xi32>,
    %gather3A_219 = tpu.vector_load_idx %arg19[%get3A_216] : memref<10240xf32, #tpu.memory_space<vmem>>[vector<16xi32>], vector<16xf32>,
    %gather3A_220 = tpu.vector_load_idx %arg19[%get3A_218] : memref<10240xf32, #tpu.memory_space<vmem>>[vector<16xi32>], vector<16xf32>,
    %gather3A_221 = tpu.vector_load_idx %arg20[%get3A_216] : memref<10240xf32, #tpu.memory_space<vmem>>[vector<16xi32>], vector<16xf32>,
    %gather3A_222 = tpu.vector_load_idx %arg20[%get3A_218] : memref<10240xf32, #tpu.memory_space<vmem>>[vector<16xi32>], vector<16xf32>,
    %add3A_223 = arith.constant 112 : i32
    %add3A_224 = vector.broadcast %add3A_223 : i32 to vector<16xi32>
    %add3A_225 = arith.addi %iota3A, %add3A_224 : vector<16xi32>
    %broadcast_in_dim3A_226 = arith.constant 0.000000e+00 : f32
    %broadcast_in_dim3A_227 = vector.broadcast %broadcast_in_dim3A_226 : f32 to vector<16xf32>
    %scan3A_228 = arith.constant 0 : i32
    %scan3A_229 = arith.constant 64 : i32
    %scan3A_230 = arith.addi %scan3A_228, %scan3A_229 : i32
    %scan3A_231 = arith.constant 1 : i32
    %scan3A_232 = scf.for %scan3A_238 = %scan3A_228 to %scan3A_230 step %scan3A_231 iter_args(%scan3A_239 = %broadcast_in_dim3A_227) -> (vector<16xf32>)  : i32 {
      %broadcast_in_dim3A_240 = vector.broadcast %scan3A_238 : i32 to vector<16xi32>
      %add3A_241 = arith.addi %broadcast_in_dim3A_240, %iota3A : vector<16xi32>
      %and3A = arith.constant 63 : i32
      %and3A_242 = vector.broadcast %and3A : i32 to vector<16xi32>
      %and3A_243 = arith.andi %add3A_241, %and3A_242 : vector<16xi32>
      %gather3A_244 = tpu.vector_load_idx %arg13[%add3A_225, %and3A_243] : memref<128x64xf32, #tpu.memory_space<vmem>>[vector<16xi32>, vector<16xi32>], vector<16xf32>,
      %gather3A_245 = tpu.vector_load_idx %arg14[%add3A_225, %and3A_243] : memref<128x64xf32, #tpu.memory_space<vmem>>[vector<16xi32>, vector<16xi32>], vector<16xf32>,
      %add3A_246 = arith.addf %gather3A_244, %gather3A_245 : vector<16xf32>
      %gather3A_247 = tpu.vector_load_idx %arg15[%add3A_225, %and3A_243] : memref<128x64xf32, #tpu.memory_space<vmem>>[vector<16xi32>, vector<16xi32>], vector<16xf32>,
      %add3A_248 = arith.addf %add3A_246, %gather3A_247 : vector<16xf32>
      %gather3A_249 = tpu.vector_load_idx %arg16[%add3A_225, %and3A_243] : memref<128x64xf32, #tpu.memory_space<vmem>>[vector<16xi32>, vector<16xi32>], vector<16xf32>,
      %gather3A_250 = tpu.vector_load_idx %arg17[%add3A_225, %and3A_243] : memref<128x64xf32, #tpu.memory_space<vmem>>[vector<16xi32>, vector<16xi32>], vector<16xf32>,
      %add3A_251 = arith.addf %gather3A_249, %gather3A_250 : vector<16xf32>
      %gather3A_252 = tpu.vector_load_idx %arg18[%add3A_225, %and3A_243] : memref<128x64xf32, #tpu.memory_space<vmem>>[vector<16xi32>, vector<16xi32>], vector<16xf32>,
      %add3A_253 = arith.addf %add3A_251, %gather3A_252 : vector<16xf32>
      %gather3A_254 = tpu.vector_load_idx %arg21[%and3A_243] : memref<64xf32, #tpu.memory_space<vmem>>[vector<16xi32>], vector<16xf32>,
      %mul3A_255 = arith.mulf %gather3A_219, %add3A_248 : vector<16xf32>
      %add3A_256 = arith.addf %mul3A_255, %gather3A_254 : vector<16xf32>
      %mul3A_257 = arith.mulf %gather3A_220, %add3A_253 : vector<16xf32>
      %add3A_258 = arith.addf %mul3A_257, %gather3A_254 : vector<16xf32>
      %mul3A_259 = arith.mulf %add3A_256, %add3A_258 : vector<16xf32>
      %add3A_260 = arith.addf %scan3A_239, %mul3A_259 : vector<16xf32>
      scf.yield %add3A_260 : vector<16xf32>
    }
    %scan3A_233 = arith.constant 64 : i32
    %add3A_234 = arith.addf %gather3A_221, %gather3A_222 : vector<16xf32>
    %add3A_235 = arith.addf %add3A_234, %scan3A_232 : vector<16xf32>
    %swap3A_236 = arith.constant 112 : index
    %swap3A_237 = tpu.vector_load %arg22[%swap3A_236] {strides = array<i32>} : memref<128xf32, #tpu.memory_space<vmem>>, vector<16xf32>,
    tpu.vector_store %arg22[%swap3A_236], %add3A_235 {strides = array<i32>} : memref<128xf32, #tpu.memory_space<vmem>>, vector<16xf32>,
    "tpu.region"() ({
      %run_scoped3A = tpu.sem_alloc : memref<!tpu.dma_semaphore, #tpu.memory_space<semaphore_mem>>
      %dma_start3A_238 = arith.constant 0 : i32
      %dma_start3A_239 = tpu.memref_slice %arg10[%add3A, %dma_start3A_238] : memref<32x128xf32, #tpu.memory_space<hbm>> -> memref<1x128xf32, #tpu.memory_space<hbm>>
      %dma_start3A_240 = tpu.memref_squeeze %dma_start3A_239 : memref<1x128xf32, #tpu.memory_space<hbm>> -> memref<128xf32, #tpu.memory_space<hbm>>
      %dma_start3A_241 = arith.constant 0 : i32
      %dma_start3A_242 = tpu.memref_slice %arg10[%add3A, %dma_start3A_241] : memref<32x128xf32, #tpu.memory_space<hbm>> -> memref<1x128xf32, #tpu.memory_space<hbm>>
      %dma_start3A_243 = tpu.memref_squeeze %dma_start3A_242 : memref<1x128xf32, #tpu.memory_space<hbm>> -> memref<128xf32, #tpu.memory_space<hbm>>
      tpu.enqueue_dma source(%arg22 : memref<128xf32, #tpu.memory_space<vmem>>) target(%dma_start3A_243 : memref<128xf32, #tpu.memory_space<hbm>>) target_semaphore(%run_scoped3A : memref<!tpu.dma_semaphore, #tpu.memory_space<semaphore_mem>>)
      %dma_wait3A_244 = arith.constant 0 : i32
      %dma_wait3A_245 = tpu.memref_slice %arg10[%add3A, %dma_wait3A_244] : memref<32x128xf32, #tpu.memory_space<hbm>> -> memref<1x128xf32, #tpu.memory_space<hbm>>
      %dma_wait3A_246 = tpu.memref_squeeze %dma_wait3A_245 : memref<1x128xf32, #tpu.memory_space<hbm>> -> memref<128xf32, #tpu.memory_space<hbm>>
      %dma_wait3A_247 = arith.constant 0 : i32
      %dma_wait3A_248 = tpu.memref_slice %arg10[%add3A, %dma_wait3A_247] : memref<32x128xf32, #tpu.memory_space<hbm>> -> memref<1x128xf32, #tpu.memory_space<hbm>>
      %dma_wait3A_249 = tpu.memref_squeeze %dma_wait3A_248 : memref<1x128xf32, #tpu.memory_space<hbm>> -> memref<128xf32, #tpu.memory_space<hbm>>
      tpu.wait_dma2 semaphore(%run_scoped3A : memref<!tpu.dma_semaphore, #tpu.memory_space<semaphore_mem>>) src(%arg22 : memref<128xf32, #tpu.memory_space<vmem>>) dst(%dma_wait3A_249 : memref<128xf32, #tpu.memory_space<hbm>>)
      tpu.yield
    }) : () -> ()
    return
  }
}

#map = affine_map<(d0, d1) -> (0, 0, 0)>
#map1 = affine_map<(d0, d1) -> (0, 0)>
module attributes {stable_mosaic.version = 14 : i64} {
  func.func @_edge_kernel(%arg0: i32, %arg1: i32, %arg2: memref<32x80x125xi32, #tpu.memory_space<hbm>>, %arg3: memref<32x80x125xi32, #tpu.memory_space<hbm>>, %arg4: memref<10240x64xf32, #tpu.memory_space<hbm>>, %arg5: memref<10240x64xf32, #tpu.memory_space<hbm>>, %arg6: memref<10240x64xf32, #tpu.memory_space<hbm>>, %arg7: memref<80x125xi32, #tpu.memory_space<vmem>>, %arg8: memref<80x125xi32, #tpu.memory_space<vmem>>, %arg9: memref<125x64xf32, #tpu.memory_space<vmem>>, %arg10: memref<125x64xf32, #tpu.memory_space<vmem>>, %arg11: memref<125x64xf32, #tpu.memory_space<vmem>>, %arg12: memref<125x64xf32, #tpu.memory_space<vmem>>, %arg13: memref<125x64xf32, #tpu.memory_space<vmem>>, %arg14: memref<128x64xf32, #tpu.memory_space<vmem>>, %arg15: memref<10240x64xf32, #tpu.memory_space<vmem_shared>>, %arg16: memref<!tpu.dma_semaphore, #tpu.memory_space<semaphore_mem>>, %arg17: memref<!tpu.dma_semaphore, #tpu.memory_space<semaphore_mem>>, %arg18: memref<!tpu.dma_semaphore, #tpu.memory_space<semaphore_mem>>, %arg19: memref<!tpu.dma_semaphore, #tpu.memory_space<semaphore_mem>>, %arg20: memref<!tpu.dma_semaphore, #tpu.memory_space<semaphore_mem>>, %arg21: memref<!tpu.dma_semaphore, #tpu.memory_space<semaphore_mem>>, %arg22: memref<!tpu.dma_semaphore, #tpu.memory_space<semaphore_mem>>, %arg23: memref<!tpu.dma_semaphore, #tpu.memory_space<semaphore_mem>>, %arg24: memref<!tpu.dma_semaphore, #tpu.memory_space<semaphore_mem>>, %arg25: memref<!tpu.dma_semaphore, #tpu.memory_space<semaphore_mem>>) attributes {dimension_semantics = [#tpu.dimension_semantics<core_parallel>, #tpu.dimension_semantics<subcore_parallel>], iteration_bounds = array<i64: 2, 16>, scalar_prefetch = 0 : i64, scratch_operands = 19 : i64, tpu.core_type = #tpu.core_type<sc_vector_subcore>, window_params = [{transform_indices = #map}, {transform_indices = #map}, {transform_indices = #map1}, {transform_indices = #map1}, {transform_indices = #map1}]} {
    %mul3A = arith.constant 2 : i32
    %mul3A_0 = arith.muli %arg1, %mul3A : i32
    %add3A = arith.addi %mul3A_0, %arg0 : i32
    %broadcast_in_dim3A = arith.constant 0.000000e+00 : f32
    %broadcast_in_dim3A_1 = vector.broadcast %broadcast_in_dim3A : f32 to vector<16xf32>
    %swap3A = arith.constant 0 : i32
    %swap3A_2 = arith.index_cast %swap3A : i32 to index
    %swap3A_3 = arith.constant 0 : index
    %swap3A_4 = tpu.vector_load %arg14[%swap3A_2, %swap3A_3] {strides = array<i32>} : memref<128x64xf32, #tpu.memory_space<vmem>>, vector<16xf32>,
    tpu.vector_store %arg14[%swap3A_2, %swap3A_3], %broadcast_in_dim3A_1 {strides = array<i32>} : memref<128x64xf32, #tpu.memory_space<vmem>>, vector<16xf32>,
    %swap3A_5 = arith.constant 0 : i32
    %swap3A_6 = arith.index_cast %swap3A_5 : i32 to index
    %swap3A_7 = arith.constant 16 : index
    %swap3A_8 = tpu.vector_load %arg14[%swap3A_6, %swap3A_7] {strides = array<i32>} : memref<128x64xf32, #tpu.memory_space<vmem>>, vector<16xf32>,
    tpu.vector_store %arg14[%swap3A_6, %swap3A_7], %broadcast_in_dim3A_1 {strides = array<i32>} : memref<128x64xf32, #tpu.memory_space<vmem>>, vector<16xf32>,
    %swap3A_9 = arith.constant 0 : i32
    %swap3A_10 = arith.index_cast %swap3A_9 : i32 to index
    %swap3A_11 = arith.constant 32 : index
    %swap3A_12 = tpu.vector_load %arg14[%swap3A_10, %swap3A_11] {strides = array<i32>} : memref<128x64xf32, #tpu.memory_space<vmem>>, vector<16xf32>,
    tpu.vector_store %arg14[%swap3A_10, %swap3A_11], %broadcast_in_dim3A_1 {strides = array<i32>} : memref<128x64xf32, #tpu.memory_space<vmem>>, vector<16xf32>,
    %swap3A_13 = arith.constant 0 : i32
    %swap3A_14 = arith.index_cast %swap3A_13 : i32 to index
    %swap3A_15 = arith.constant 48 : index
    %swap3A_16 = tpu.vector_load %arg14[%swap3A_14, %swap3A_15] {strides = array<i32>} : memref<128x64xf32, #tpu.memory_space<vmem>>, vector<16xf32>,
    tpu.vector_store %arg14[%swap3A_14, %swap3A_15], %broadcast_in_dim3A_1 {strides = array<i32>} : memref<128x64xf32, #tpu.memory_space<vmem>>, vector<16xf32>,
    %swap3A_17 = arith.constant 1 : i32
    %swap3A_18 = arith.index_cast %swap3A_17 : i32 to index
    %swap3A_19 = arith.constant 0 : index
    %swap3A_20 = tpu.vector_load %arg14[%swap3A_18, %swap3A_19] {strides = array<i32>} : memref<128x64xf32, #tpu.memory_space<vmem>>, vector<16xf32>,
    tpu.vector_store %arg14[%swap3A_18, %swap3A_19], %broadcast_in_dim3A_1 {strides = array<i32>} : memref<128x64xf32, #tpu.memory_space<vmem>>, vector<16xf32>,
    %swap3A_21 = arith.constant 1 : i32
    %swap3A_22 = arith.index_cast %swap3A_21 : i32 to index
    %swap3A_23 = arith.constant 16 : index
    %swap3A_24 = tpu.vector_load %arg14[%swap3A_22, %swap3A_23] {strides = array<i32>} : memref<128x64xf32, #tpu.memory_space<vmem>>, vector<16xf32>,
    tpu.vector_store %arg14[%swap3A_22, %swap3A_23], %broadcast_in_dim3A_1 {strides = array<i32>} : memref<128x64xf32, #tpu.memory_space<vmem>>, vector<16xf32>,
    %swap3A_25 = arith.constant 1 : i32
    %swap3A_26 = arith.index_cast %swap3A_25 : i32 to index
    %swap3A_27 = arith.constant 32 : index
    %swap3A_28 = tpu.vector_load %arg14[%swap3A_26, %swap3A_27] {strides = array<i32>} : memref<128x64xf32, #tpu.memory_space<vmem>>, vector<16xf32>,
    tpu.vector_store %arg14[%swap3A_26, %swap3A_27], %broadcast_in_dim3A_1 {strides = array<i32>} : memref<128x64xf32, #tpu.memory_space<vmem>>, vector<16xf32>,
    %swap3A_29 = arith.constant 1 : i32
    %swap3A_30 = arith.index_cast %swap3A_29 : i32 to index
    %swap3A_31 = arith.constant 48 : index
    %swap3A_32 = tpu.vector_load %arg14[%swap3A_30, %swap3A_31] {strides = array<i32>} : memref<128x64xf32, #tpu.memory_space<vmem>>, vector<16xf32>,
    tpu.vector_store %arg14[%swap3A_30, %swap3A_31], %broadcast_in_dim3A_1 {strides = array<i32>} : memref<128x64xf32, #tpu.memory_space<vmem>>, vector<16xf32>,
    %swap3A_33 = arith.constant 2 : i32
    %swap3A_34 = arith.index_cast %swap3A_33 : i32 to index
    %swap3A_35 = arith.constant 0 : index
    %swap3A_36 = tpu.vector_load %arg14[%swap3A_34, %swap3A_35] {strides = array<i32>} : memref<128x64xf32, #tpu.memory_space<vmem>>, vector<16xf32>,
    tpu.vector_store %arg14[%swap3A_34, %swap3A_35], %broadcast_in_dim3A_1 {strides = array<i32>} : memref<128x64xf32, #tpu.memory_space<vmem>>, vector<16xf32>,
    %swap3A_37 = arith.constant 2 : i32
    %swap3A_38 = arith.index_cast %swap3A_37 : i32 to index
    %swap3A_39 = arith.constant 16 : index
    %swap3A_40 = tpu.vector_load %arg14[%swap3A_38, %swap3A_39] {strides = array<i32>} : memref<128x64xf32, #tpu.memory_space<vmem>>, vector<16xf32>,
    tpu.vector_store %arg14[%swap3A_38, %swap3A_39], %broadcast_in_dim3A_1 {strides = array<i32>} : memref<128x64xf32, #tpu.memory_space<vmem>>, vector<16xf32>,
    %swap3A_41 = arith.constant 2 : i32
    %swap3A_42 = arith.index_cast %swap3A_41 : i32 to index
    %swap3A_43 = arith.constant 32 : index
    %swap3A_44 = tpu.vector_load %arg14[%swap3A_42, %swap3A_43] {strides = array<i32>} : memref<128x64xf32, #tpu.memory_space<vmem>>, vector<16xf32>,
    tpu.vector_store %arg14[%swap3A_42, %swap3A_43], %broadcast_in_dim3A_1 {strides = array<i32>} : memref<128x64xf32, #tpu.memory_space<vmem>>, vector<16xf32>,
    %swap3A_45 = arith.constant 2 : i32
    %swap3A_46 = arith.index_cast %swap3A_45 : i32 to index
    %swap3A_47 = arith.constant 48 : index
    %swap3A_48 = tpu.vector_load %arg14[%swap3A_46, %swap3A_47] {strides = array<i32>} : memref<128x64xf32, #tpu.memory_space<vmem>>, vector<16xf32>,
    tpu.vector_store %arg14[%swap3A_46, %swap3A_47], %broadcast_in_dim3A_1 {strides = array<i32>} : memref<128x64xf32, #tpu.memory_space<vmem>>, vector<16xf32>,
    %swap3A_49 = arith.constant 3 : i32
    %swap3A_50 = arith.index_cast %swap3A_49 : i32 to index
    %swap3A_51 = arith.constant 0 : index
    %swap3A_52 = tpu.vector_load %arg14[%swap3A_50, %swap3A_51] {strides = array<i32>} : memref<128x64xf32, #tpu.memory_space<vmem>>, vector<16xf32>,
    tpu.vector_store %arg14[%swap3A_50, %swap3A_51], %broadcast_in_dim3A_1 {strides = array<i32>} : memref<128x64xf32, #tpu.memory_space<vmem>>, vector<16xf32>,
    %swap3A_53 = arith.constant 3 : i32
    %swap3A_54 = arith.index_cast %swap3A_53 : i32 to index
    %swap3A_55 = arith.constant 16 : index
    %swap3A_56 = tpu.vector_load %arg14[%swap3A_54, %swap3A_55] {strides = array<i32>} : memref<128x64xf32, #tpu.memory_space<vmem>>, vector<16xf32>,
    tpu.vector_store %arg14[%swap3A_54, %swap3A_55], %broadcast_in_dim3A_1 {strides = array<i32>} : memref<128x64xf32, #tpu.memory_space<vmem>>, vector<16xf32>,
    %swap3A_57 = arith.constant 3 : i32
    %swap3A_58 = arith.index_cast %swap3A_57 : i32 to index
    %swap3A_59 = arith.constant 32 : index
    %swap3A_60 = tpu.vector_load %arg14[%swap3A_58, %swap3A_59] {strides = array<i32>} : memref<128x64xf32, #tpu.memory_space<vmem>>, vector<16xf32>,
    tpu.vector_store %arg14[%swap3A_58, %swap3A_59], %broadcast_in_dim3A_1 {strides = array<i32>} : memref<128x64xf32, #tpu.memory_space<vmem>>, vector<16xf32>,
    %swap3A_61 = arith.constant 3 : i32
    %swap3A_62 = arith.index_cast %swap3A_61 : i32 to index
    %swap3A_63 = arith.constant 48 : index
    %swap3A_64 = tpu.vector_load %arg14[%swap3A_62, %swap3A_63] {strides = array<i32>} : memref<128x64xf32, #tpu.memory_space<vmem>>, vector<16xf32>,
    tpu.vector_store %arg14[%swap3A_62, %swap3A_63], %broadcast_in_dim3A_1 {strides = array<i32>} : memref<128x64xf32, #tpu.memory_space<vmem>>, vector<16xf32>,
    %swap3A_65 = arith.constant 4 : i32
    %swap3A_66 = arith.index_cast %swap3A_65 : i32 to index
    %swap3A_67 = arith.constant 0 : index
    %swap3A_68 = tpu.vector_load %arg14[%swap3A_66, %swap3A_67] {strides = array<i32>} : memref<128x64xf32, #tpu.memory_space<vmem>>, vector<16xf32>,
    tpu.vector_store %arg14[%swap3A_66, %swap3A_67], %broadcast_in_dim3A_1 {strides = array<i32>} : memref<128x64xf32, #tpu.memory_space<vmem>>, vector<16xf32>,
    %swap3A_69 = arith.constant 4 : i32
    %swap3A_70 = arith.index_cast %swap3A_69 : i32 to index
    %swap3A_71 = arith.constant 16 : index
    %swap3A_72 = tpu.vector_load %arg14[%swap3A_70, %swap3A_71] {strides = array<i32>} : memref<128x64xf32, #tpu.memory_space<vmem>>, vector<16xf32>,
    tpu.vector_store %arg14[%swap3A_70, %swap3A_71], %broadcast_in_dim3A_1 {strides = array<i32>} : memref<128x64xf32, #tpu.memory_space<vmem>>, vector<16xf32>,
    %swap3A_73 = arith.constant 4 : i32
    %swap3A_74 = arith.index_cast %swap3A_73 : i32 to index
    %swap3A_75 = arith.constant 32 : index
    %swap3A_76 = tpu.vector_load %arg14[%swap3A_74, %swap3A_75] {strides = array<i32>} : memref<128x64xf32, #tpu.memory_space<vmem>>, vector<16xf32>,
    tpu.vector_store %arg14[%swap3A_74, %swap3A_75], %broadcast_in_dim3A_1 {strides = array<i32>} : memref<128x64xf32, #tpu.memory_space<vmem>>, vector<16xf32>,
    %swap3A_77 = arith.constant 4 : i32
    %swap3A_78 = arith.index_cast %swap3A_77 : i32 to index
    %swap3A_79 = arith.constant 48 : index
    %swap3A_80 = tpu.vector_load %arg14[%swap3A_78, %swap3A_79] {strides = array<i32>} : memref<128x64xf32, #tpu.memory_space<vmem>>, vector<16xf32>,
    tpu.vector_store %arg14[%swap3A_78, %swap3A_79], %broadcast_in_dim3A_1 {strides = array<i32>} : memref<128x64xf32, #tpu.memory_space<vmem>>, vector<16xf32>,
    %swap3A_81 = arith.constant 5 : i32
    %swap3A_82 = arith.index_cast %swap3A_81 : i32 to index
    %swap3A_83 = arith.constant 0 : index
    %swap3A_84 = tpu.vector_load %arg14[%swap3A_82, %swap3A_83] {strides = array<i32>} : memref<128x64xf32, #tpu.memory_space<vmem>>, vector<16xf32>,
    tpu.vector_store %arg14[%swap3A_82, %swap3A_83], %broadcast_in_dim3A_1 {strides = array<i32>} : memref<128x64xf32, #tpu.memory_space<vmem>>, vector<16xf32>,
    %swap3A_85 = arith.constant 5 : i32
    %swap3A_86 = arith.index_cast %swap3A_85 : i32 to index
    %swap3A_87 = arith.constant 16 : index
    %swap3A_88 = tpu.vector_load %arg14[%swap3A_86, %swap3A_87] {strides = array<i32>} : memref<128x64xf32, #tpu.memory_space<vmem>>, vector<16xf32>,
    tpu.vector_store %arg14[%swap3A_86, %swap3A_87], %broadcast_in_dim3A_1 {strides = array<i32>} : memref<128x64xf32, #tpu.memory_space<vmem>>, vector<16xf32>,
    %swap3A_89 = arith.constant 5 : i32
    %swap3A_90 = arith.index_cast %swap3A_89 : i32 to index
    %swap3A_91 = arith.constant 32 : index
    %swap3A_92 = tpu.vector_load %arg14[%swap3A_90, %swap3A_91] {strides = array<i32>} : memref<128x64xf32, #tpu.memory_space<vmem>>, vector<16xf32>,
    tpu.vector_store %arg14[%swap3A_90, %swap3A_91], %broadcast_in_dim3A_1 {strides = array<i32>} : memref<128x64xf32, #tpu.memory_space<vmem>>, vector<16xf32>,
    %swap3A_93 = arith.constant 5 : i32
    %swap3A_94 = arith.index_cast %swap3A_93 : i32 to index
    %swap3A_95 = arith.constant 48 : index
    %swap3A_96 = tpu.vector_load %arg14[%swap3A_94, %swap3A_95] {strides = array<i32>} : memref<128x64xf32, #tpu.memory_space<vmem>>, vector<16xf32>,
    tpu.vector_store %arg14[%swap3A_94, %swap3A_95], %broadcast_in_dim3A_1 {strides = array<i32>} : memref<128x64xf32, #tpu.memory_space<vmem>>, vector<16xf32>,
    %swap3A_97 = arith.constant 6 : i32
    %swap3A_98 = arith.index_cast %swap3A_97 : i32 to index
    %swap3A_99 = arith.constant 0 : index
    %swap3A_100 = tpu.vector_load %arg14[%swap3A_98, %swap3A_99] {strides = array<i32>} : memref<128x64xf32, #tpu.memory_space<vmem>>, vector<16xf32>,
    tpu.vector_store %arg14[%swap3A_98, %swap3A_99], %broadcast_in_dim3A_1 {strides = array<i32>} : memref<128x64xf32, #tpu.memory_space<vmem>>, vector<16xf32>,
    %swap3A_101 = arith.constant 6 : i32
    %swap3A_102 = arith.index_cast %swap3A_101 : i32 to index
    %swap3A_103 = arith.constant 16 : index
    %swap3A_104 = tpu.vector_load %arg14[%swap3A_102, %swap3A_103] {strides = array<i32>} : memref<128x64xf32, #tpu.memory_space<vmem>>, vector<16xf32>,
    tpu.vector_store %arg14[%swap3A_102, %swap3A_103], %broadcast_in_dim3A_1 {strides = array<i32>} : memref<128x64xf32, #tpu.memory_space<vmem>>, vector<16xf32>,
    %swap3A_105 = arith.constant 6 : i32
    %swap3A_106 = arith.index_cast %swap3A_105 : i32 to index
    %swap3A_107 = arith.constant 32 : index
    %swap3A_108 = tpu.vector_load %arg14[%swap3A_106, %swap3A_107] {strides = array<i32>} : memref<128x64xf32, #tpu.memory_space<vmem>>, vector<16xf32>,
    tpu.vector_store %arg14[%swap3A_106, %swap3A_107], %broadcast_in_dim3A_1 {strides = array<i32>} : memref<128x64xf32, #tpu.memory_space<vmem>>, vector<16xf32>,
    %swap3A_109 = arith.constant 6 : i32
    %swap3A_110 = arith.index_cast %swap3A_109 : i32 to index
    %swap3A_111 = arith.constant 48 : index
    %swap3A_112 = tpu.vector_load %arg14[%swap3A_110, %swap3A_111] {strides = array<i32>} : memref<128x64xf32, #tpu.memory_space<vmem>>, vector<16xf32>,
    tpu.vector_store %arg14[%swap3A_110, %swap3A_111], %broadcast_in_dim3A_1 {strides = array<i32>} : memref<128x64xf32, #tpu.memory_space<vmem>>, vector<16xf32>,
    %swap3A_113 = arith.constant 7 : i32
    %swap3A_114 = arith.index_cast %swap3A_113 : i32 to index
    %swap3A_115 = arith.constant 0 : index
    %swap3A_116 = tpu.vector_load %arg14[%swap3A_114, %swap3A_115] {strides = array<i32>} : memref<128x64xf32, #tpu.memory_space<vmem>>, vector<16xf32>,
    tpu.vector_store %arg14[%swap3A_114, %swap3A_115], %broadcast_in_dim3A_1 {strides = array<i32>} : memref<128x64xf32, #tpu.memory_space<vmem>>, vector<16xf32>,
    %swap3A_117 = arith.constant 7 : i32
    %swap3A_118 = arith.index_cast %swap3A_117 : i32 to index
    %swap3A_119 = arith.constant 16 : index
    %swap3A_120 = tpu.vector_load %arg14[%swap3A_118, %swap3A_119] {strides = array<i32>} : memref<128x64xf32, #tpu.memory_space<vmem>>, vector<16xf32>,
    tpu.vector_store %arg14[%swap3A_118, %swap3A_119], %broadcast_in_dim3A_1 {strides = array<i32>} : memref<128x64xf32, #tpu.memory_space<vmem>>, vector<16xf32>,
    %swap3A_121 = arith.constant 7 : i32
    %swap3A_122 = arith.index_cast %swap3A_121 : i32 to index
    %swap3A_123 = arith.constant 32 : index
    %swap3A_124 = tpu.vector_load %arg14[%swap3A_122, %swap3A_123] {strides = array<i32>} : memref<128x64xf32, #tpu.memory_space<vmem>>, vector<16xf32>,
    tpu.vector_store %arg14[%swap3A_122, %swap3A_123], %broadcast_in_dim3A_1 {strides = array<i32>} : memref<128x64xf32, #tpu.memory_space<vmem>>, vector<16xf32>,
    %swap3A_125 = arith.constant 7 : i32
    %swap3A_126 = arith.index_cast %swap3A_125 : i32 to index
    %swap3A_127 = arith.constant 48 : index
    %swap3A_128 = tpu.vector_load %arg14[%swap3A_126, %swap3A_127] {strides = array<i32>} : memref<128x64xf32, #tpu.memory_space<vmem>>, vector<16xf32>,
    tpu.vector_store %arg14[%swap3A_126, %swap3A_127], %broadcast_in_dim3A_1 {strides = array<i32>} : memref<128x64xf32, #tpu.memory_space<vmem>>, vector<16xf32>,
    %swap3A_129 = arith.constant 8 : i32
    %swap3A_130 = arith.index_cast %swap3A_129 : i32 to index
    %swap3A_131 = arith.constant 0 : index
    %swap3A_132 = tpu.vector_load %arg14[%swap3A_130, %swap3A_131] {strides = array<i32>} : memref<128x64xf32, #tpu.memory_space<vmem>>, vector<16xf32>,
    tpu.vector_store %arg14[%swap3A_130, %swap3A_131], %broadcast_in_dim3A_1 {strides = array<i32>} : memref<128x64xf32, #tpu.memory_space<vmem>>, vector<16xf32>,
    %swap3A_133 = arith.constant 8 : i32
    %swap3A_134 = arith.index_cast %swap3A_133 : i32 to index
    %swap3A_135 = arith.constant 16 : index
    %swap3A_136 = tpu.vector_load %arg14[%swap3A_134, %swap3A_135] {strides = array<i32>} : memref<128x64xf32, #tpu.memory_space<vmem>>, vector<16xf32>,
    tpu.vector_store %arg14[%swap3A_134, %swap3A_135], %broadcast_in_dim3A_1 {strides = array<i32>} : memref<128x64xf32, #tpu.memory_space<vmem>>, vector<16xf32>,
    %swap3A_137 = arith.constant 8 : i32
    %swap3A_138 = arith.index_cast %swap3A_137 : i32 to index
    %swap3A_139 = arith.constant 32 : index
    %swap3A_140 = tpu.vector_load %arg14[%swap3A_138, %swap3A_139] {strides = array<i32>} : memref<128x64xf32, #tpu.memory_space<vmem>>, vector<16xf32>,
    tpu.vector_store %arg14[%swap3A_138, %swap3A_139], %broadcast_in_dim3A_1 {strides = array<i32>} : memref<128x64xf32, #tpu.memory_space<vmem>>, vector<16xf32>,
    %swap3A_141 = arith.constant 8 : i32
    %swap3A_142 = arith.index_cast %swap3A_141 : i32 to index
    %swap3A_143 = arith.constant 48 : index
    %swap3A_144 = tpu.vector_load %arg14[%swap3A_142, %swap3A_143] {strides = array<i32>} : memref<128x64xf32, #tpu.memory_space<vmem>>, vector<16xf32>,
    tpu.vector_store %arg14[%swap3A_142, %swap3A_143], %broadcast_in_dim3A_1 {strides = array<i32>} : memref<128x64xf32, #tpu.memory_space<vmem>>, vector<16xf32>,
    %swap3A_145 = arith.constant 9 : i32
    %swap3A_146 = arith.index_cast %swap3A_145 : i32 to index
    %swap3A_147 = arith.constant 0 : index
    %swap3A_148 = tpu.vector_load %arg14[%swap3A_146, %swap3A_147] {strides = array<i32>} : memref<128x64xf32, #tpu.memory_space<vmem>>, vector<16xf32>,
    tpu.vector_store %arg14[%swap3A_146, %swap3A_147], %broadcast_in_dim3A_1 {strides = array<i32>} : memref<128x64xf32, #tpu.memory_space<vmem>>, vector<16xf32>,
    %swap3A_149 = arith.constant 9 : i32
    %swap3A_150 = arith.index_cast %swap3A_149 : i32 to index
    %swap3A_151 = arith.constant 16 : index
    %swap3A_152 = tpu.vector_load %arg14[%swap3A_150, %swap3A_151] {strides = array<i32>} : memref<128x64xf32, #tpu.memory_space<vmem>>, vector<16xf32>,
    tpu.vector_store %arg14[%swap3A_150, %swap3A_151], %broadcast_in_dim3A_1 {strides = array<i32>} : memref<128x64xf32, #tpu.memory_space<vmem>>, vector<16xf32>,
    %swap3A_153 = arith.constant 9 : i32
    %swap3A_154 = arith.index_cast %swap3A_153 : i32 to index
    %swap3A_155 = arith.constant 32 : index
    %swap3A_156 = tpu.vector_load %arg14[%swap3A_154, %swap3A_155] {strides = array<i32>} : memref<128x64xf32, #tpu.memory_space<vmem>>, vector<16xf32>,
    tpu.vector_store %arg14[%swap3A_154, %swap3A_155], %broadcast_in_dim3A_1 {strides = array<i32>} : memref<128x64xf32, #tpu.memory_space<vmem>>, vector<16xf32>,
    %swap3A_157 = arith.constant 9 : i32
    %swap3A_158 = arith.index_cast %swap3A_157 : i32 to index
    %swap3A_159 = arith.constant 48 : index
    %swap3A_160 = tpu.vector_load %arg14[%swap3A_158, %swap3A_159] {strides = array<i32>} : memref<128x64xf32, #tpu.memory_space<vmem>>, vector<16xf32>,
    tpu.vector_store %arg14[%swap3A_158, %swap3A_159], %broadcast_in_dim3A_1 {strides = array<i32>} : memref<128x64xf32, #tpu.memory_space<vmem>>, vector<16xf32>,
    %swap3A_161 = arith.constant 10 : i32
    %swap3A_162 = arith.index_cast %swap3A_161 : i32 to index
    %swap3A_163 = arith.constant 0 : index
    %swap3A_164 = tpu.vector_load %arg14[%swap3A_162, %swap3A_163] {strides = array<i32>} : memref<128x64xf32, #tpu.memory_space<vmem>>, vector<16xf32>,
    tpu.vector_store %arg14[%swap3A_162, %swap3A_163], %broadcast_in_dim3A_1 {strides = array<i32>} : memref<128x64xf32, #tpu.memory_space<vmem>>, vector<16xf32>,
    %swap3A_165 = arith.constant 10 : i32
    %swap3A_166 = arith.index_cast %swap3A_165 : i32 to index
    %swap3A_167 = arith.constant 16 : index
    %swap3A_168 = tpu.vector_load %arg14[%swap3A_166, %swap3A_167] {strides = array<i32>} : memref<128x64xf32, #tpu.memory_space<vmem>>, vector<16xf32>,
    tpu.vector_store %arg14[%swap3A_166, %swap3A_167], %broadcast_in_dim3A_1 {strides = array<i32>} : memref<128x64xf32, #tpu.memory_space<vmem>>, vector<16xf32>,
    %swap3A_169 = arith.constant 10 : i32
    %swap3A_170 = arith.index_cast %swap3A_169 : i32 to index
    %swap3A_171 = arith.constant 32 : index
    %swap3A_172 = tpu.vector_load %arg14[%swap3A_170, %swap3A_171] {strides = array<i32>} : memref<128x64xf32, #tpu.memory_space<vmem>>, vector<16xf32>,
    tpu.vector_store %arg14[%swap3A_170, %swap3A_171], %broadcast_in_dim3A_1 {strides = array<i32>} : memref<128x64xf32, #tpu.memory_space<vmem>>, vector<16xf32>,
    %swap3A_173 = arith.constant 10 : i32
    %swap3A_174 = arith.index_cast %swap3A_173 : i32 to index
    %swap3A_175 = arith.constant 48 : index
    %swap3A_176 = tpu.vector_load %arg14[%swap3A_174, %swap3A_175] {strides = array<i32>} : memref<128x64xf32, #tpu.memory_space<vmem>>, vector<16xf32>,
    tpu.vector_store %arg14[%swap3A_174, %swap3A_175], %broadcast_in_dim3A_1 {strides = array<i32>} : memref<128x64xf32, #tpu.memory_space<vmem>>, vector<16xf32>,
    %swap3A_177 = arith.constant 11 : i32
    %swap3A_178 = arith.index_cast %swap3A_177 : i32 to index
    %swap3A_179 = arith.constant 0 : index
    %swap3A_180 = tpu.vector_load %arg14[%swap3A_178, %swap3A_179] {strides = array<i32>} : memref<128x64xf32, #tpu.memory_space<vmem>>, vector<16xf32>,
    tpu.vector_store %arg14[%swap3A_178, %swap3A_179], %broadcast_in_dim3A_1 {strides = array<i32>} : memref<128x64xf32, #tpu.memory_space<vmem>>, vector<16xf32>,
    %swap3A_181 = arith.constant 11 : i32
    %swap3A_182 = arith.index_cast %swap3A_181 : i32 to index
    %swap3A_183 = arith.constant 16 : index
    %swap3A_184 = tpu.vector_load %arg14[%swap3A_182, %swap3A_183] {strides = array<i32>} : memref<128x64xf32, #tpu.memory_space<vmem>>, vector<16xf32>,
    tpu.vector_store %arg14[%swap3A_182, %swap3A_183], %broadcast_in_dim3A_1 {strides = array<i32>} : memref<128x64xf32, #tpu.memory_space<vmem>>, vector<16xf32>,
    %swap3A_185 = arith.constant 11 : i32
    %swap3A_186 = arith.index_cast %swap3A_185 : i32 to index
    %swap3A_187 = arith.constant 32 : index
    %swap3A_188 = tpu.vector_load %arg14[%swap3A_186, %swap3A_187] {strides = array<i32>} : memref<128x64xf32, #tpu.memory_space<vmem>>, vector<16xf32>,
    tpu.vector_store %arg14[%swap3A_186, %swap3A_187], %broadcast_in_dim3A_1 {strides = array<i32>} : memref<128x64xf32, #tpu.memory_space<vmem>>, vector<16xf32>,
    %swap3A_189 = arith.constant 11 : i32
    %swap3A_190 = arith.index_cast %swap3A_189 : i32 to index
    %swap3A_191 = arith.constant 48 : index
    %swap3A_192 = tpu.vector_load %arg14[%swap3A_190, %swap3A_191] {strides = array<i32>} : memref<128x64xf32, #tpu.memory_space<vmem>>, vector<16xf32>,
    tpu.vector_store %arg14[%swap3A_190, %swap3A_191], %broadcast_in_dim3A_1 {strides = array<i32>} : memref<128x64xf32, #tpu.memory_space<vmem>>, vector<16xf32>,
    %swap3A_193 = arith.constant 12 : i32
    %swap3A_194 = arith.index_cast %swap3A_193 : i32 to index
    %swap3A_195 = arith.constant 0 : index
    %swap3A_196 = tpu.vector_load %arg14[%swap3A_194, %swap3A_195] {strides = array<i32>} : memref<128x64xf32, #tpu.memory_space<vmem>>, vector<16xf32>,
    tpu.vector_store %arg14[%swap3A_194, %swap3A_195], %broadcast_in_dim3A_1 {strides = array<i32>} : memref<128x64xf32, #tpu.memory_space<vmem>>, vector<16xf32>,
    %swap3A_197 = arith.constant 12 : i32
    %swap3A_198 = arith.index_cast %swap3A_197 : i32 to index
    %swap3A_199 = arith.constant 16 : index
    %swap3A_200 = tpu.vector_load %arg14[%swap3A_198, %swap3A_199] {strides = array<i32>} : memref<128x64xf32, #tpu.memory_space<vmem>>, vector<16xf32>,
    tpu.vector_store %arg14[%swap3A_198, %swap3A_199], %broadcast_in_dim3A_1 {strides = array<i32>} : memref<128x64xf32, #tpu.memory_space<vmem>>, vector<16xf32>,
    %swap3A_201 = arith.constant 12 : i32
    %swap3A_202 = arith.index_cast %swap3A_201 : i32 to index
    %swap3A_203 = arith.constant 32 : index
    %swap3A_204 = tpu.vector_load %arg14[%swap3A_202, %swap3A_203] {strides = array<i32>} : memref<128x64xf32, #tpu.memory_space<vmem>>, vector<16xf32>,
    tpu.vector_store %arg14[%swap3A_202, %swap3A_203], %broadcast_in_dim3A_1 {strides = array<i32>} : memref<128x64xf32, #tpu.memory_space<vmem>>, vector<16xf32>,
    %swap3A_205 = arith.constant 12 : i32
    %swap3A_206 = arith.index_cast %swap3A_205 : i32 to index
    %swap3A_207 = arith.constant 48 : index
    %swap3A_208 = tpu.vector_load %arg14[%swap3A_206, %swap3A_207] {strides = array<i32>} : memref<128x64xf32, #tpu.memory_space<vmem>>, vector<16xf32>,
    tpu.vector_store %arg14[%swap3A_206, %swap3A_207], %broadcast_in_dim3A_1 {strides = array<i32>} : memref<128x64xf32, #tpu.memory_space<vmem>>, vector<16xf32>,
    %swap3A_209 = arith.constant 13 : i32
    %swap3A_210 = arith.index_cast %swap3A_209 : i32 to index
    %swap3A_211 = arith.constant 0 : index
    %swap3A_212 = tpu.vector_load %arg14[%swap3A_210, %swap3A_211] {strides = array<i32>} : memref<128x64xf32, #tpu.memory_space<vmem>>, vector<16xf32>,
    tpu.vector_store %arg14[%swap3A_210, %swap3A_211], %broadcast_in_dim3A_1 {strides = array<i32>} : memref<128x64xf32, #tpu.memory_space<vmem>>, vector<16xf32>,
    %swap3A_213 = arith.constant 13 : i32
    %swap3A_214 = arith.index_cast %swap3A_213 : i32 to index
    %swap3A_215 = arith.constant 16 : index
    %swap3A_216 = tpu.vector_load %arg14[%swap3A_214, %swap3A_215] {strides = array<i32>} : memref<128x64xf32, #tpu.memory_space<vmem>>, vector<16xf32>,
    tpu.vector_store %arg14[%swap3A_214, %swap3A_215], %broadcast_in_dim3A_1 {strides = array<i32>} : memref<128x64xf32, #tpu.memory_space<vmem>>, vector<16xf32>,
    %swap3A_217 = arith.constant 13 : i32
    %swap3A_218 = arith.index_cast %swap3A_217 : i32 to index
    %swap3A_219 = arith.constant 32 : index
    %swap3A_220 = tpu.vector_load %arg14[%swap3A_218, %swap3A_219] {strides = array<i32>} : memref<128x64xf32, #tpu.memory_space<vmem>>, vector<16xf32>,
    tpu.vector_store %arg14[%swap3A_218, %swap3A_219], %broadcast_in_dim3A_1 {strides = array<i32>} : memref<128x64xf32, #tpu.memory_space<vmem>>, vector<16xf32>,
    %swap3A_221 = arith.constant 13 : i32
    %swap3A_222 = arith.index_cast %swap3A_221 : i32 to index
    %swap3A_223 = arith.constant 48 : index
    %swap3A_224 = tpu.vector_load %arg14[%swap3A_222, %swap3A_223] {strides = array<i32>} : memref<128x64xf32, #tpu.memory_space<vmem>>, vector<16xf32>,
    tpu.vector_store %arg14[%swap3A_222, %swap3A_223], %broadcast_in_dim3A_1 {strides = array<i32>} : memref<128x64xf32, #tpu.memory_space<vmem>>, vector<16xf32>,
    %swap3A_225 = arith.constant 14 : i32
    %swap3A_226 = arith.index_cast %swap3A_225 : i32 to index
    %swap3A_227 = arith.constant 0 : index
    %swap3A_228 = tpu.vector_load %arg14[%swap3A_226, %swap3A_227] {strides = array<i32>} : memref<128x64xf32, #tpu.memory_space<vmem>>, vector<16xf32>,
    tpu.vector_store %arg14[%swap3A_226, %swap3A_227], %broadcast_in_dim3A_1 {strides = array<i32>} : memref<128x64xf32, #tpu.memory_space<vmem>>, vector<16xf32>,
    %swap3A_229 = arith.constant 14 : i32
    %swap3A_230 = arith.index_cast %swap3A_229 : i32 to index
    %swap3A_231 = arith.constant 16 : index
    %swap3A_232 = tpu.vector_load %arg14[%swap3A_230, %swap3A_231] {strides = array<i32>} : memref<128x64xf32, #tpu.memory_space<vmem>>, vector<16xf32>,
    tpu.vector_store %arg14[%swap3A_230, %swap3A_231], %broadcast_in_dim3A_1 {strides = array<i32>} : memref<128x64xf32, #tpu.memory_space<vmem>>, vector<16xf32>,
    %swap3A_233 = arith.constant 14 : i32
    %swap3A_234 = arith.index_cast %swap3A_233 : i32 to index
    %swap3A_235 = arith.constant 32 : index
    %swap3A_236 = tpu.vector_load %arg14[%swap3A_234, %swap3A_235] {strides = array<i32>} : memref<128x64xf32, #tpu.memory_space<vmem>>, vector<16xf32>,
    tpu.vector_store %arg14[%swap3A_234, %swap3A_235], %broadcast_in_dim3A_1 {strides = array<i32>} : memref<128x64xf32, #tpu.memory_space<vmem>>, vector<16xf32>,
    %swap3A_237 = arith.constant 14 : i32
    %swap3A_238 = arith.index_cast %swap3A_237 : i32 to index
    %swap3A_239 = arith.constant 48 : index
    %swap3A_240 = tpu.vector_load %arg14[%swap3A_238, %swap3A_239] {strides = array<i32>} : memref<128x64xf32, #tpu.memory_space<vmem>>, vector<16xf32>,
    tpu.vector_store %arg14[%swap3A_238, %swap3A_239], %broadcast_in_dim3A_1 {strides = array<i32>} : memref<128x64xf32, #tpu.memory_space<vmem>>, vector<16xf32>,
    %swap3A_241 = arith.constant 15 : i32
    %swap3A_242 = arith.index_cast %swap3A_241 : i32 to index
    %swap3A_243 = arith.constant 0 : index
    %swap3A_244 = tpu.vector_load %arg14[%swap3A_242, %swap3A_243] {strides = array<i32>} : memref<128x64xf32, #tpu.memory_space<vmem>>, vector<16xf32>,
    tpu.vector_store %arg14[%swap3A_242, %swap3A_243], %broadcast_in_dim3A_1 {strides = array<i32>} : memref<128x64xf32, #tpu.memory_space<vmem>>, vector<16xf32>,
    %swap3A_245 = arith.constant 15 : i32
    %swap3A_246 = arith.index_cast %swap3A_245 : i32 to index
    %swap3A_247 = arith.constant 16 : index
    %swap3A_248 = tpu.vector_load %arg14[%swap3A_246, %swap3A_247] {strides = array<i32>} : memref<128x64xf32, #tpu.memory_space<vmem>>, vector<16xf32>,
    tpu.vector_store %arg14[%swap3A_246, %swap3A_247], %broadcast_in_dim3A_1 {strides = array<i32>} : memref<128x64xf32, #tpu.memory_space<vmem>>, vector<16xf32>,
    %swap3A_249 = arith.constant 15 : i32
    %swap3A_250 = arith.index_cast %swap3A_249 : i32 to index
    %swap3A_251 = arith.constant 32 : index
    %swap3A_252 = tpu.vector_load %arg14[%swap3A_250, %swap3A_251] {strides = array<i32>} : memref<128x64xf32, #tpu.memory_space<vmem>>, vector<16xf32>,
    tpu.vector_store %arg14[%swap3A_250, %swap3A_251], %broadcast_in_dim3A_1 {strides = array<i32>} : memref<128x64xf32, #tpu.memory_space<vmem>>, vector<16xf32>,
    %swap3A_253 = arith.constant 15 : i32
    %swap3A_254 = arith.index_cast %swap3A_253 : i32 to index
    %swap3A_255 = arith.constant 48 : index
    %swap3A_256 = tpu.vector_load %arg14[%swap3A_254, %swap3A_255] {strides = array<i32>} : memref<128x64xf32, #tpu.memory_space<vmem>>, vector<16xf32>,
    tpu.vector_store %arg14[%swap3A_254, %swap3A_255], %broadcast_in_dim3A_1 {strides = array<i32>} : memref<128x64xf32, #tpu.memory_space<vmem>>, vector<16xf32>,
    %swap3A_257 = arith.constant 16 : i32
    %swap3A_258 = arith.index_cast %swap3A_257 : i32 to index
    %swap3A_259 = arith.constant 0 : index
    %swap3A_260 = tpu.vector_load %arg14[%swap3A_258, %swap3A_259] {strides = array<i32>} : memref<128x64xf32, #tpu.memory_space<vmem>>, vector<16xf32>,
    tpu.vector_store %arg14[%swap3A_258, %swap3A_259], %broadcast_in_dim3A_1 {strides = array<i32>} : memref<128x64xf32, #tpu.memory_space<vmem>>, vector<16xf32>,
    %swap3A_261 = arith.constant 16 : i32
    %swap3A_262 = arith.index_cast %swap3A_261 : i32 to index
    %swap3A_263 = arith.constant 16 : index
    %swap3A_264 = tpu.vector_load %arg14[%swap3A_262, %swap3A_263] {strides = array<i32>} : memref<128x64xf32, #tpu.memory_space<vmem>>, vector<16xf32>,
    tpu.vector_store %arg14[%swap3A_262, %swap3A_263], %broadcast_in_dim3A_1 {strides = array<i32>} : memref<128x64xf32, #tpu.memory_space<vmem>>, vector<16xf32>,
    %swap3A_265 = arith.constant 16 : i32
    %swap3A_266 = arith.index_cast %swap3A_265 : i32 to index
    %swap3A_267 = arith.constant 32 : index
    %swap3A_268 = tpu.vector_load %arg14[%swap3A_266, %swap3A_267] {strides = array<i32>} : memref<128x64xf32, #tpu.memory_space<vmem>>, vector<16xf32>,
    tpu.vector_store %arg14[%swap3A_266, %swap3A_267], %broadcast_in_dim3A_1 {strides = array<i32>} : memref<128x64xf32, #tpu.memory_space<vmem>>, vector<16xf32>,
    %swap3A_269 = arith.constant 16 : i32
    %swap3A_270 = arith.index_cast %swap3A_269 : i32 to index
    %swap3A_271 = arith.constant 48 : index
    %swap3A_272 = tpu.vector_load %arg14[%swap3A_270, %swap3A_271] {strides = array<i32>} : memref<128x64xf32, #tpu.memory_space<vmem>>, vector<16xf32>,
    tpu.vector_store %arg14[%swap3A_270, %swap3A_271], %broadcast_in_dim3A_1 {strides = array<i32>} : memref<128x64xf32, #tpu.memory_space<vmem>>, vector<16xf32>,
    %swap3A_273 = arith.constant 17 : i32
    %swap3A_274 = arith.index_cast %swap3A_273 : i32 to index
    %swap3A_275 = arith.constant 0 : index
    %swap3A_276 = tpu.vector_load %arg14[%swap3A_274, %swap3A_275] {strides = array<i32>} : memref<128x64xf32, #tpu.memory_space<vmem>>, vector<16xf32>,
    tpu.vector_store %arg14[%swap3A_274, %swap3A_275], %broadcast_in_dim3A_1 {strides = array<i32>} : memref<128x64xf32, #tpu.memory_space<vmem>>, vector<16xf32>,
    %swap3A_277 = arith.constant 17 : i32
    %swap3A_278 = arith.index_cast %swap3A_277 : i32 to index
    %swap3A_279 = arith.constant 16 : index
    %swap3A_280 = tpu.vector_load %arg14[%swap3A_278, %swap3A_279] {strides = array<i32>} : memref<128x64xf32, #tpu.memory_space<vmem>>, vector<16xf32>,
    tpu.vector_store %arg14[%swap3A_278, %swap3A_279], %broadcast_in_dim3A_1 {strides = array<i32>} : memref<128x64xf32, #tpu.memory_space<vmem>>, vector<16xf32>,
    %swap3A_281 = arith.constant 17 : i32
    %swap3A_282 = arith.index_cast %swap3A_281 : i32 to index
    %swap3A_283 = arith.constant 32 : index
    %swap3A_284 = tpu.vector_load %arg14[%swap3A_282, %swap3A_283] {strides = array<i32>} : memref<128x64xf32, #tpu.memory_space<vmem>>, vector<16xf32>,
    tpu.vector_store %arg14[%swap3A_282, %swap3A_283], %broadcast_in_dim3A_1 {strides = array<i32>} : memref<128x64xf32, #tpu.memory_space<vmem>>, vector<16xf32>,
    %swap3A_285 = arith.constant 17 : i32
    %swap3A_286 = arith.index_cast %swap3A_285 : i32 to index
    %swap3A_287 = arith.constant 48 : index
    %swap3A_288 = tpu.vector_load %arg14[%swap3A_286, %swap3A_287] {strides = array<i32>} : memref<128x64xf32, #tpu.memory_space<vmem>>, vector<16xf32>,
    tpu.vector_store %arg14[%swap3A_286, %swap3A_287], %broadcast_in_dim3A_1 {strides = array<i32>} : memref<128x64xf32, #tpu.memory_space<vmem>>, vector<16xf32>,
    %swap3A_289 = arith.constant 18 : i32
    %swap3A_290 = arith.index_cast %swap3A_289 : i32 to index
    %swap3A_291 = arith.constant 0 : index
    %swap3A_292 = tpu.vector_load %arg14[%swap3A_290, %swap3A_291] {strides = array<i32>} : memref<128x64xf32, #tpu.memory_space<vmem>>, vector<16xf32>,
    tpu.vector_store %arg14[%swap3A_290, %swap3A_291], %broadcast_in_dim3A_1 {strides = array<i32>} : memref<128x64xf32, #tpu.memory_space<vmem>>, vector<16xf32>,
    %swap3A_293 = arith.constant 18 : i32
    %swap3A_294 = arith.index_cast %swap3A_293 : i32 to index
    %swap3A_295 = arith.constant 16 : index
    %swap3A_296 = tpu.vector_load %arg14[%swap3A_294, %swap3A_295] {strides = array<i32>} : memref<128x64xf32, #tpu.memory_space<vmem>>, vector<16xf32>,
    tpu.vector_store %arg14[%swap3A_294, %swap3A_295], %broadcast_in_dim3A_1 {strides = array<i32>} : memref<128x64xf32, #tpu.memory_space<vmem>>, vector<16xf32>,
    %swap3A_297 = arith.constant 18 : i32
    %swap3A_298 = arith.index_cast %swap3A_297 : i32 to index
    %swap3A_299 = arith.constant 32 : index
    %swap3A_300 = tpu.vector_load %arg14[%swap3A_298, %swap3A_299] {strides = array<i32>} : memref<128x64xf32, #tpu.memory_space<vmem>>, vector<16xf32>,
    tpu.vector_store %arg14[%swap3A_298, %swap3A_299], %broadcast_in_dim3A_1 {strides = array<i32>} : memref<128x64xf32, #tpu.memory_space<vmem>>, vector<16xf32>,
    %swap3A_301 = arith.constant 18 : i32
    %swap3A_302 = arith.index_cast %swap3A_301 : i32 to index
    %swap3A_303 = arith.constant 48 : index
    %swap3A_304 = tpu.vector_load %arg14[%swap3A_302, %swap3A_303] {strides = array<i32>} : memref<128x64xf32, #tpu.memory_space<vmem>>, vector<16xf32>,
    tpu.vector_store %arg14[%swap3A_302, %swap3A_303], %broadcast_in_dim3A_1 {strides = array<i32>} : memref<128x64xf32, #tpu.memory_space<vmem>>, vector<16xf32>,
    %swap3A_305 = arith.constant 19 : i32
    %swap3A_306 = arith.index_cast %swap3A_305 : i32 to index
    %swap3A_307 = arith.constant 0 : index
    %swap3A_308 = tpu.vector_load %arg14[%swap3A_306, %swap3A_307] {strides = array<i32>} : memref<128x64xf32, #tpu.memory_space<vmem>>, vector<16xf32>,
    tpu.vector_store %arg14[%swap3A_306, %swap3A_307], %broadcast_in_dim3A_1 {strides = array<i32>} : memref<128x64xf32, #tpu.memory_space<vmem>>, vector<16xf32>,
    %swap3A_309 = arith.constant 19 : i32
    %swap3A_310 = arith.index_cast %swap3A_309 : i32 to index
    %swap3A_311 = arith.constant 16 : index
    %swap3A_312 = tpu.vector_load %arg14[%swap3A_310, %swap3A_311] {strides = array<i32>} : memref<128x64xf32, #tpu.memory_space<vmem>>, vector<16xf32>,
    tpu.vector_store %arg14[%swap3A_310, %swap3A_311], %broadcast_in_dim3A_1 {strides = array<i32>} : memref<128x64xf32, #tpu.memory_space<vmem>>, vector<16xf32>,
    %swap3A_313 = arith.constant 19 : i32
    %swap3A_314 = arith.index_cast %swap3A_313 : i32 to index
    %swap3A_315 = arith.constant 32 : index
    %swap3A_316 = tpu.vector_load %arg14[%swap3A_314, %swap3A_315] {strides = array<i32>} : memref<128x64xf32, #tpu.memory_space<vmem>>, vector<16xf32>,
    tpu.vector_store %arg14[%swap3A_314, %swap3A_315], %broadcast_in_dim3A_1 {strides = array<i32>} : memref<128x64xf32, #tpu.memory_space<vmem>>, vector<16xf32>,
    %swap3A_317 = arith.constant 19 : i32
    %swap3A_318 = arith.index_cast %swap3A_317 : i32 to index
    %swap3A_319 = arith.constant 48 : index
    %swap3A_320 = tpu.vector_load %arg14[%swap3A_318, %swap3A_319] {strides = array<i32>} : memref<128x64xf32, #tpu.memory_space<vmem>>, vector<16xf32>,
    tpu.vector_store %arg14[%swap3A_318, %swap3A_319], %broadcast_in_dim3A_1 {strides = array<i32>} : memref<128x64xf32, #tpu.memory_space<vmem>>, vector<16xf32>,
    %swap3A_321 = arith.constant 20 : i32
    %swap3A_322 = arith.index_cast %swap3A_321 : i32 to index
    %swap3A_323 = arith.constant 0 : index
    %swap3A_324 = tpu.vector_load %arg14[%swap3A_322, %swap3A_323] {strides = array<i32>} : memref<128x64xf32, #tpu.memory_space<vmem>>, vector<16xf32>,
    tpu.vector_store %arg14[%swap3A_322, %swap3A_323], %broadcast_in_dim3A_1 {strides = array<i32>} : memref<128x64xf32, #tpu.memory_space<vmem>>, vector<16xf32>,
    %swap3A_325 = arith.constant 20 : i32
    %swap3A_326 = arith.index_cast %swap3A_325 : i32 to index
    %swap3A_327 = arith.constant 16 : index
    %swap3A_328 = tpu.vector_load %arg14[%swap3A_326, %swap3A_327] {strides = array<i32>} : memref<128x64xf32, #tpu.memory_space<vmem>>, vector<16xf32>,
    tpu.vector_store %arg14[%swap3A_326, %swap3A_327], %broadcast_in_dim3A_1 {strides = array<i32>} : memref<128x64xf32, #tpu.memory_space<vmem>>, vector<16xf32>,
    %swap3A_329 = arith.constant 20 : i32
    %swap3A_330 = arith.index_cast %swap3A_329 : i32 to index
    %swap3A_331 = arith.constant 32 : index
    %swap3A_332 = tpu.vector_load %arg14[%swap3A_330, %swap3A_331] {strides = array<i32>} : memref<128x64xf32, #tpu.memory_space<vmem>>, vector<16xf32>,
    tpu.vector_store %arg14[%swap3A_330, %swap3A_331], %broadcast_in_dim3A_1 {strides = array<i32>} : memref<128x64xf32, #tpu.memory_space<vmem>>, vector<16xf32>,
    %swap3A_333 = arith.constant 20 : i32
    %swap3A_334 = arith.index_cast %swap3A_333 : i32 to index
    %swap3A_335 = arith.constant 48 : index
    %swap3A_336 = tpu.vector_load %arg14[%swap3A_334, %swap3A_335] {strides = array<i32>} : memref<128x64xf32, #tpu.memory_space<vmem>>, vector<16xf32>,
    tpu.vector_store %arg14[%swap3A_334, %swap3A_335], %broadcast_in_dim3A_1 {strides = array<i32>} : memref<128x64xf32, #tpu.memory_space<vmem>>, vector<16xf32>,
    %swap3A_337 = arith.constant 21 : i32
    %swap3A_338 = arith.index_cast %swap3A_337 : i32 to index
    %swap3A_339 = arith.constant 0 : index
    %swap3A_340 = tpu.vector_load %arg14[%swap3A_338, %swap3A_339] {strides = array<i32>} : memref<128x64xf32, #tpu.memory_space<vmem>>, vector<16xf32>,
    tpu.vector_store %arg14[%swap3A_338, %swap3A_339], %broadcast_in_dim3A_1 {strides = array<i32>} : memref<128x64xf32, #tpu.memory_space<vmem>>, vector<16xf32>,
    %swap3A_341 = arith.constant 21 : i32
    %swap3A_342 = arith.index_cast %swap3A_341 : i32 to index
    %swap3A_343 = arith.constant 16 : index
    %swap3A_344 = tpu.vector_load %arg14[%swap3A_342, %swap3A_343] {strides = array<i32>} : memref<128x64xf32, #tpu.memory_space<vmem>>, vector<16xf32>,
    tpu.vector_store %arg14[%swap3A_342, %swap3A_343], %broadcast_in_dim3A_1 {strides = array<i32>} : memref<128x64xf32, #tpu.memory_space<vmem>>, vector<16xf32>,
    %swap3A_345 = arith.constant 21 : i32
    %swap3A_346 = arith.index_cast %swap3A_345 : i32 to index
    %swap3A_347 = arith.constant 32 : index
    %swap3A_348 = tpu.vector_load %arg14[%swap3A_346, %swap3A_347] {strides = array<i32>} : memref<128x64xf32, #tpu.memory_space<vmem>>, vector<16xf32>,
    tpu.vector_store %arg14[%swap3A_346, %swap3A_347], %broadcast_in_dim3A_1 {strides = array<i32>} : memref<128x64xf32, #tpu.memory_space<vmem>>, vector<16xf32>,
    %swap3A_349 = arith.constant 21 : i32
    %swap3A_350 = arith.index_cast %swap3A_349 : i32 to index
    %swap3A_351 = arith.constant 48 : index
    %swap3A_352 = tpu.vector_load %arg14[%swap3A_350, %swap3A_351] {strides = array<i32>} : memref<128x64xf32, #tpu.memory_space<vmem>>, vector<16xf32>,
    tpu.vector_store %arg14[%swap3A_350, %swap3A_351], %broadcast_in_dim3A_1 {strides = array<i32>} : memref<128x64xf32, #tpu.memory_space<vmem>>, vector<16xf32>,
    %swap3A_353 = arith.constant 22 : i32
    %swap3A_354 = arith.index_cast %swap3A_353 : i32 to index
    %swap3A_355 = arith.constant 0 : index
    %swap3A_356 = tpu.vector_load %arg14[%swap3A_354, %swap3A_355] {strides = array<i32>} : memref<128x64xf32, #tpu.memory_space<vmem>>, vector<16xf32>,
    tpu.vector_store %arg14[%swap3A_354, %swap3A_355], %broadcast_in_dim3A_1 {strides = array<i32>} : memref<128x64xf32, #tpu.memory_space<vmem>>, vector<16xf32>,
    %swap3A_357 = arith.constant 22 : i32
    %swap3A_358 = arith.index_cast %swap3A_357 : i32 to index
    %swap3A_359 = arith.constant 16 : index
    %swap3A_360 = tpu.vector_load %arg14[%swap3A_358, %swap3A_359] {strides = array<i32>} : memref<128x64xf32, #tpu.memory_space<vmem>>, vector<16xf32>,
    tpu.vector_store %arg14[%swap3A_358, %swap3A_359], %broadcast_in_dim3A_1 {strides = array<i32>} : memref<128x64xf32, #tpu.memory_space<vmem>>, vector<16xf32>,
    %swap3A_361 = arith.constant 22 : i32
    %swap3A_362 = arith.index_cast %swap3A_361 : i32 to index
    %swap3A_363 = arith.constant 32 : index
    %swap3A_364 = tpu.vector_load %arg14[%swap3A_362, %swap3A_363] {strides = array<i32>} : memref<128x64xf32, #tpu.memory_space<vmem>>, vector<16xf32>,
    tpu.vector_store %arg14[%swap3A_362, %swap3A_363], %broadcast_in_dim3A_1 {strides = array<i32>} : memref<128x64xf32, #tpu.memory_space<vmem>>, vector<16xf32>,
    %swap3A_365 = arith.constant 22 : i32
    %swap3A_366 = arith.index_cast %swap3A_365 : i32 to index
    %swap3A_367 = arith.constant 48 : index
    %swap3A_368 = tpu.vector_load %arg14[%swap3A_366, %swap3A_367] {strides = array<i32>} : memref<128x64xf32, #tpu.memory_space<vmem>>, vector<16xf32>,
    tpu.vector_store %arg14[%swap3A_366, %swap3A_367], %broadcast_in_dim3A_1 {strides = array<i32>} : memref<128x64xf32, #tpu.memory_space<vmem>>, vector<16xf32>,
    %swap3A_369 = arith.constant 23 : i32
    %swap3A_370 = arith.index_cast %swap3A_369 : i32 to index
    %swap3A_371 = arith.constant 0 : index
    %swap3A_372 = tpu.vector_load %arg14[%swap3A_370, %swap3A_371] {strides = array<i32>} : memref<128x64xf32, #tpu.memory_space<vmem>>, vector<16xf32>,
    tpu.vector_store %arg14[%swap3A_370, %swap3A_371], %broadcast_in_dim3A_1 {strides = array<i32>} : memref<128x64xf32, #tpu.memory_space<vmem>>, vector<16xf32>,
    %swap3A_373 = arith.constant 23 : i32
    %swap3A_374 = arith.index_cast %swap3A_373 : i32 to index
    %swap3A_375 = arith.constant 16 : index
    %swap3A_376 = tpu.vector_load %arg14[%swap3A_374, %swap3A_375] {strides = array<i32>} : memref<128x64xf32, #tpu.memory_space<vmem>>, vector<16xf32>,
    tpu.vector_store %arg14[%swap3A_374, %swap3A_375], %broadcast_in_dim3A_1 {strides = array<i32>} : memref<128x64xf32, #tpu.memory_space<vmem>>, vector<16xf32>,
    %swap3A_377 = arith.constant 23 : i32
    %swap3A_378 = arith.index_cast %swap3A_377 : i32 to index
    %swap3A_379 = arith.constant 32 : index
    %swap3A_380 = tpu.vector_load %arg14[%swap3A_378, %swap3A_379] {strides = array<i32>} : memref<128x64xf32, #tpu.memory_space<vmem>>, vector<16xf32>,
    tpu.vector_store %arg14[%swap3A_378, %swap3A_379], %broadcast_in_dim3A_1 {strides = array<i32>} : memref<128x64xf32, #tpu.memory_space<vmem>>, vector<16xf32>,
    %swap3A_381 = arith.constant 23 : i32
    %swap3A_382 = arith.index_cast %swap3A_381 : i32 to index
    %swap3A_383 = arith.constant 48 : index
    %swap3A_384 = tpu.vector_load %arg14[%swap3A_382, %swap3A_383] {strides = array<i32>} : memref<128x64xf32, #tpu.memory_space<vmem>>, vector<16xf32>,
    tpu.vector_store %arg14[%swap3A_382, %swap3A_383], %broadcast_in_dim3A_1 {strides = array<i32>} : memref<128x64xf32, #tpu.memory_space<vmem>>, vector<16xf32>,
    %swap3A_385 = arith.constant 24 : i32
    %swap3A_386 = arith.index_cast %swap3A_385 : i32 to index
    %swap3A_387 = arith.constant 0 : index
    %swap3A_388 = tpu.vector_load %arg14[%swap3A_386, %swap3A_387] {strides = array<i32>} : memref<128x64xf32, #tpu.memory_space<vmem>>, vector<16xf32>,
    tpu.vector_store %arg14[%swap3A_386, %swap3A_387], %broadcast_in_dim3A_1 {strides = array<i32>} : memref<128x64xf32, #tpu.memory_space<vmem>>, vector<16xf32>,
    %swap3A_389 = arith.constant 24 : i32
    %swap3A_390 = arith.index_cast %swap3A_389 : i32 to index
    %swap3A_391 = arith.constant 16 : index
    %swap3A_392 = tpu.vector_load %arg14[%swap3A_390, %swap3A_391] {strides = array<i32>} : memref<128x64xf32, #tpu.memory_space<vmem>>, vector<16xf32>,
    tpu.vector_store %arg14[%swap3A_390, %swap3A_391], %broadcast_in_dim3A_1 {strides = array<i32>} : memref<128x64xf32, #tpu.memory_space<vmem>>, vector<16xf32>,
    %swap3A_393 = arith.constant 24 : i32
    %swap3A_394 = arith.index_cast %swap3A_393 : i32 to index
    %swap3A_395 = arith.constant 32 : index
    %swap3A_396 = tpu.vector_load %arg14[%swap3A_394, %swap3A_395] {strides = array<i32>} : memref<128x64xf32, #tpu.memory_space<vmem>>, vector<16xf32>,
    tpu.vector_store %arg14[%swap3A_394, %swap3A_395], %broadcast_in_dim3A_1 {strides = array<i32>} : memref<128x64xf32, #tpu.memory_space<vmem>>, vector<16xf32>,
    %swap3A_397 = arith.constant 24 : i32
    %swap3A_398 = arith.index_cast %swap3A_397 : i32 to index
    %swap3A_399 = arith.constant 48 : index
    %swap3A_400 = tpu.vector_load %arg14[%swap3A_398, %swap3A_399] {strides = array<i32>} : memref<128x64xf32, #tpu.memory_space<vmem>>, vector<16xf32>,
    tpu.vector_store %arg14[%swap3A_398, %swap3A_399], %broadcast_in_dim3A_1 {strides = array<i32>} : memref<128x64xf32, #tpu.memory_space<vmem>>, vector<16xf32>,
    %swap3A_401 = arith.constant 25 : i32
    %swap3A_402 = arith.index_cast %swap3A_401 : i32 to index
    %swap3A_403 = arith.constant 0 : index
    %swap3A_404 = tpu.vector_load %arg14[%swap3A_402, %swap3A_403] {strides = array<i32>} : memref<128x64xf32, #tpu.memory_space<vmem>>, vector<16xf32>,
    tpu.vector_store %arg14[%swap3A_402, %swap3A_403], %broadcast_in_dim3A_1 {strides = array<i32>} : memref<128x64xf32, #tpu.memory_space<vmem>>, vector<16xf32>,
    %swap3A_405 = arith.constant 25 : i32
    %swap3A_406 = arith.index_cast %swap3A_405 : i32 to index
    %swap3A_407 = arith.constant 16 : index
    %swap3A_408 = tpu.vector_load %arg14[%swap3A_406, %swap3A_407] {strides = array<i32>} : memref<128x64xf32, #tpu.memory_space<vmem>>, vector<16xf32>,
    tpu.vector_store %arg14[%swap3A_406, %swap3A_407], %broadcast_in_dim3A_1 {strides = array<i32>} : memref<128x64xf32, #tpu.memory_space<vmem>>, vector<16xf32>,
    %swap3A_409 = arith.constant 25 : i32
    %swap3A_410 = arith.index_cast %swap3A_409 : i32 to index
    %swap3A_411 = arith.constant 32 : index
    %swap3A_412 = tpu.vector_load %arg14[%swap3A_410, %swap3A_411] {strides = array<i32>} : memref<128x64xf32, #tpu.memory_space<vmem>>, vector<16xf32>,
    tpu.vector_store %arg14[%swap3A_410, %swap3A_411], %broadcast_in_dim3A_1 {strides = array<i32>} : memref<128x64xf32, #tpu.memory_space<vmem>>, vector<16xf32>,
    %swap3A_413 = arith.constant 25 : i32
    %swap3A_414 = arith.index_cast %swap3A_413 : i32 to index
    %swap3A_415 = arith.constant 48 : index
    %swap3A_416 = tpu.vector_load %arg14[%swap3A_414, %swap3A_415] {strides = array<i32>} : memref<128x64xf32, #tpu.memory_space<vmem>>, vector<16xf32>,
    tpu.vector_store %arg14[%swap3A_414, %swap3A_415], %broadcast_in_dim3A_1 {strides = array<i32>} : memref<128x64xf32, #tpu.memory_space<vmem>>, vector<16xf32>,
    %swap3A_417 = arith.constant 26 : i32
    %swap3A_418 = arith.index_cast %swap3A_417 : i32 to index
    %swap3A_419 = arith.constant 0 : index
    %swap3A_420 = tpu.vector_load %arg14[%swap3A_418, %swap3A_419] {strides = array<i32>} : memref<128x64xf32, #tpu.memory_space<vmem>>, vector<16xf32>,
    tpu.vector_store %arg14[%swap3A_418, %swap3A_419], %broadcast_in_dim3A_1 {strides = array<i32>} : memref<128x64xf32, #tpu.memory_space<vmem>>, vector<16xf32>,
    %swap3A_421 = arith.constant 26 : i32
    %swap3A_422 = arith.index_cast %swap3A_421 : i32 to index
    %swap3A_423 = arith.constant 16 : index
    %swap3A_424 = tpu.vector_load %arg14[%swap3A_422, %swap3A_423] {strides = array<i32>} : memref<128x64xf32, #tpu.memory_space<vmem>>, vector<16xf32>,
    tpu.vector_store %arg14[%swap3A_422, %swap3A_423], %broadcast_in_dim3A_1 {strides = array<i32>} : memref<128x64xf32, #tpu.memory_space<vmem>>, vector<16xf32>,
    %swap3A_425 = arith.constant 26 : i32
    %swap3A_426 = arith.index_cast %swap3A_425 : i32 to index
    %swap3A_427 = arith.constant 32 : index
    %swap3A_428 = tpu.vector_load %arg14[%swap3A_426, %swap3A_427] {strides = array<i32>} : memref<128x64xf32, #tpu.memory_space<vmem>>, vector<16xf32>,
    tpu.vector_store %arg14[%swap3A_426, %swap3A_427], %broadcast_in_dim3A_1 {strides = array<i32>} : memref<128x64xf32, #tpu.memory_space<vmem>>, vector<16xf32>,
    %swap3A_429 = arith.constant 26 : i32
    %swap3A_430 = arith.index_cast %swap3A_429 : i32 to index
    %swap3A_431 = arith.constant 48 : index
    %swap3A_432 = tpu.vector_load %arg14[%swap3A_430, %swap3A_431] {strides = array<i32>} : memref<128x64xf32, #tpu.memory_space<vmem>>, vector<16xf32>,
    tpu.vector_store %arg14[%swap3A_430, %swap3A_431], %broadcast_in_dim3A_1 {strides = array<i32>} : memref<128x64xf32, #tpu.memory_space<vmem>>, vector<16xf32>,
    %swap3A_433 = arith.constant 27 : i32
    %swap3A_434 = arith.index_cast %swap3A_433 : i32 to index
    %swap3A_435 = arith.constant 0 : index
    %swap3A_436 = tpu.vector_load %arg14[%swap3A_434, %swap3A_435] {strides = array<i32>} : memref<128x64xf32, #tpu.memory_space<vmem>>, vector<16xf32>,
    tpu.vector_store %arg14[%swap3A_434, %swap3A_435], %broadcast_in_dim3A_1 {strides = array<i32>} : memref<128x64xf32, #tpu.memory_space<vmem>>, vector<16xf32>,
    %swap3A_437 = arith.constant 27 : i32
    %swap3A_438 = arith.index_cast %swap3A_437 : i32 to index
    %swap3A_439 = arith.constant 16 : index
    %swap3A_440 = tpu.vector_load %arg14[%swap3A_438, %swap3A_439] {strides = array<i32>} : memref<128x64xf32, #tpu.memory_space<vmem>>, vector<16xf32>,
    tpu.vector_store %arg14[%swap3A_438, %swap3A_439], %broadcast_in_dim3A_1 {strides = array<i32>} : memref<128x64xf32, #tpu.memory_space<vmem>>, vector<16xf32>,
    %swap3A_441 = arith.constant 27 : i32
    %swap3A_442 = arith.index_cast %swap3A_441 : i32 to index
    %swap3A_443 = arith.constant 32 : index
    %swap3A_444 = tpu.vector_load %arg14[%swap3A_442, %swap3A_443] {strides = array<i32>} : memref<128x64xf32, #tpu.memory_space<vmem>>, vector<16xf32>,
    tpu.vector_store %arg14[%swap3A_442, %swap3A_443], %broadcast_in_dim3A_1 {strides = array<i32>} : memref<128x64xf32, #tpu.memory_space<vmem>>, vector<16xf32>,
    %swap3A_445 = arith.constant 27 : i32
    %swap3A_446 = arith.index_cast %swap3A_445 : i32 to index
    %swap3A_447 = arith.constant 48 : index
    %swap3A_448 = tpu.vector_load %arg14[%swap3A_446, %swap3A_447] {strides = array<i32>} : memref<128x64xf32, #tpu.memory_space<vmem>>, vector<16xf32>,
    tpu.vector_store %arg14[%swap3A_446, %swap3A_447], %broadcast_in_dim3A_1 {strides = array<i32>} : memref<128x64xf32, #tpu.memory_space<vmem>>, vector<16xf32>,
    %swap3A_449 = arith.constant 28 : i32
    %swap3A_450 = arith.index_cast %swap3A_449 : i32 to index
    %swap3A_451 = arith.constant 0 : index
    %swap3A_452 = tpu.vector_load %arg14[%swap3A_450, %swap3A_451] {strides = array<i32>} : memref<128x64xf32, #tpu.memory_space<vmem>>, vector<16xf32>,
    tpu.vector_store %arg14[%swap3A_450, %swap3A_451], %broadcast_in_dim3A_1 {strides = array<i32>} : memref<128x64xf32, #tpu.memory_space<vmem>>, vector<16xf32>,
    %swap3A_453 = arith.constant 28 : i32
    %swap3A_454 = arith.index_cast %swap3A_453 : i32 to index
    %swap3A_455 = arith.constant 16 : index
    %swap3A_456 = tpu.vector_load %arg14[%swap3A_454, %swap3A_455] {strides = array<i32>} : memref<128x64xf32, #tpu.memory_space<vmem>>, vector<16xf32>,
    tpu.vector_store %arg14[%swap3A_454, %swap3A_455], %broadcast_in_dim3A_1 {strides = array<i32>} : memref<128x64xf32, #tpu.memory_space<vmem>>, vector<16xf32>,
    %swap3A_457 = arith.constant 28 : i32
    %swap3A_458 = arith.index_cast %swap3A_457 : i32 to index
    %swap3A_459 = arith.constant 32 : index
    %swap3A_460 = tpu.vector_load %arg14[%swap3A_458, %swap3A_459] {strides = array<i32>} : memref<128x64xf32, #tpu.memory_space<vmem>>, vector<16xf32>,
    tpu.vector_store %arg14[%swap3A_458, %swap3A_459], %broadcast_in_dim3A_1 {strides = array<i32>} : memref<128x64xf32, #tpu.memory_space<vmem>>, vector<16xf32>,
    %swap3A_461 = arith.constant 28 : i32
    %swap3A_462 = arith.index_cast %swap3A_461 : i32 to index
    %swap3A_463 = arith.constant 48 : index
    %swap3A_464 = tpu.vector_load %arg14[%swap3A_462, %swap3A_463] {strides = array<i32>} : memref<128x64xf32, #tpu.memory_space<vmem>>, vector<16xf32>,
    tpu.vector_store %arg14[%swap3A_462, %swap3A_463], %broadcast_in_dim3A_1 {strides = array<i32>} : memref<128x64xf32, #tpu.memory_space<vmem>>, vector<16xf32>,
    %swap3A_465 = arith.constant 29 : i32
    %swap3A_466 = arith.index_cast %swap3A_465 : i32 to index
    %swap3A_467 = arith.constant 0 : index
    %swap3A_468 = tpu.vector_load %arg14[%swap3A_466, %swap3A_467] {strides = array<i32>} : memref<128x64xf32, #tpu.memory_space<vmem>>, vector<16xf32>,
    tpu.vector_store %arg14[%swap3A_466, %swap3A_467], %broadcast_in_dim3A_1 {strides = array<i32>} : memref<128x64xf32, #tpu.memory_space<vmem>>, vector<16xf32>,
    %swap3A_469 = arith.constant 29 : i32
    %swap3A_470 = arith.index_cast %swap3A_469 : i32 to index
    %swap3A_471 = arith.constant 16 : index
    %swap3A_472 = tpu.vector_load %arg14[%swap3A_470, %swap3A_471] {strides = array<i32>} : memref<128x64xf32, #tpu.memory_space<vmem>>, vector<16xf32>,
    tpu.vector_store %arg14[%swap3A_470, %swap3A_471], %broadcast_in_dim3A_1 {strides = array<i32>} : memref<128x64xf32, #tpu.memory_space<vmem>>, vector<16xf32>,
    %swap3A_473 = arith.constant 29 : i32
    %swap3A_474 = arith.index_cast %swap3A_473 : i32 to index
    %swap3A_475 = arith.constant 32 : index
    %swap3A_476 = tpu.vector_load %arg14[%swap3A_474, %swap3A_475] {strides = array<i32>} : memref<128x64xf32, #tpu.memory_space<vmem>>, vector<16xf32>,
    tpu.vector_store %arg14[%swap3A_474, %swap3A_475], %broadcast_in_dim3A_1 {strides = array<i32>} : memref<128x64xf32, #tpu.memory_space<vmem>>, vector<16xf32>,
    %swap3A_477 = arith.constant 29 : i32
    %swap3A_478 = arith.index_cast %swap3A_477 : i32 to index
    %swap3A_479 = arith.constant 48 : index
    %swap3A_480 = tpu.vector_load %arg14[%swap3A_478, %swap3A_479] {strides = array<i32>} : memref<128x64xf32, #tpu.memory_space<vmem>>, vector<16xf32>,
    tpu.vector_store %arg14[%swap3A_478, %swap3A_479], %broadcast_in_dim3A_1 {strides = array<i32>} : memref<128x64xf32, #tpu.memory_space<vmem>>, vector<16xf32>,
    %swap3A_481 = arith.constant 30 : i32
    %swap3A_482 = arith.index_cast %swap3A_481 : i32 to index
    %swap3A_483 = arith.constant 0 : index
    %swap3A_484 = tpu.vector_load %arg14[%swap3A_482, %swap3A_483] {strides = array<i32>} : memref<128x64xf32, #tpu.memory_space<vmem>>, vector<16xf32>,
    tpu.vector_store %arg14[%swap3A_482, %swap3A_483], %broadcast_in_dim3A_1 {strides = array<i32>} : memref<128x64xf32, #tpu.memory_space<vmem>>, vector<16xf32>,
    %swap3A_485 = arith.constant 30 : i32
    %swap3A_486 = arith.index_cast %swap3A_485 : i32 to index
    %swap3A_487 = arith.constant 16 : index
    %swap3A_488 = tpu.vector_load %arg14[%swap3A_486, %swap3A_487] {strides = array<i32>} : memref<128x64xf32, #tpu.memory_space<vmem>>, vector<16xf32>,
    tpu.vector_store %arg14[%swap3A_486, %swap3A_487], %broadcast_in_dim3A_1 {strides = array<i32>} : memref<128x64xf32, #tpu.memory_space<vmem>>, vector<16xf32>,
    %swap3A_489 = arith.constant 30 : i32
    %swap3A_490 = arith.index_cast %swap3A_489 : i32 to index
    %swap3A_491 = arith.constant 32 : index
    %swap3A_492 = tpu.vector_load %arg14[%swap3A_490, %swap3A_491] {strides = array<i32>} : memref<128x64xf32, #tpu.memory_space<vmem>>, vector<16xf32>,
    tpu.vector_store %arg14[%swap3A_490, %swap3A_491], %broadcast_in_dim3A_1 {strides = array<i32>} : memref<128x64xf32, #tpu.memory_space<vmem>>, vector<16xf32>,
    %swap3A_493 = arith.constant 30 : i32
    %swap3A_494 = arith.index_cast %swap3A_493 : i32 to index
    %swap3A_495 = arith.constant 48 : index
    %swap3A_496 = tpu.vector_load %arg14[%swap3A_494, %swap3A_495] {strides = array<i32>} : memref<128x64xf32, #tpu.memory_space<vmem>>, vector<16xf32>,
    tpu.vector_store %arg14[%swap3A_494, %swap3A_495], %broadcast_in_dim3A_1 {strides = array<i32>} : memref<128x64xf32, #tpu.memory_space<vmem>>, vector<16xf32>,
    %swap3A_497 = arith.constant 31 : i32
    %swap3A_498 = arith.index_cast %swap3A_497 : i32 to index
    %swap3A_499 = arith.constant 0 : index
    %swap3A_500 = tpu.vector_load %arg14[%swap3A_498, %swap3A_499] {strides = array<i32>} : memref<128x64xf32, #tpu.memory_space<vmem>>, vector<16xf32>,
    tpu.vector_store %arg14[%swap3A_498, %swap3A_499], %broadcast_in_dim3A_1 {strides = array<i32>} : memref<128x64xf32, #tpu.memory_space<vmem>>, vector<16xf32>,
    %swap3A_501 = arith.constant 31 : i32
    %swap3A_502 = arith.index_cast %swap3A_501 : i32 to index
    %swap3A_503 = arith.constant 16 : index
    %swap3A_504 = tpu.vector_load %arg14[%swap3A_502, %swap3A_503] {strides = array<i32>} : memref<128x64xf32, #tpu.memory_space<vmem>>, vector<16xf32>,
    tpu.vector_store %arg14[%swap3A_502, %swap3A_503], %broadcast_in_dim3A_1 {strides = array<i32>} : memref<128x64xf32, #tpu.memory_space<vmem>>, vector<16xf32>,
    %swap3A_505 = arith.constant 31 : i32
    %swap3A_506 = arith.index_cast %swap3A_505 : i32 to index
    %swap3A_507 = arith.constant 32 : index
    %swap3A_508 = tpu.vector_load %arg14[%swap3A_506, %swap3A_507] {strides = array<i32>} : memref<128x64xf32, #tpu.memory_space<vmem>>, vector<16xf32>,
    tpu.vector_store %arg14[%swap3A_506, %swap3A_507], %broadcast_in_dim3A_1 {strides = array<i32>} : memref<128x64xf32, #tpu.memory_space<vmem>>, vector<16xf32>,
    %swap3A_509 = arith.constant 31 : i32
    %swap3A_510 = arith.index_cast %swap3A_509 : i32 to index
    %swap3A_511 = arith.constant 48 : index
    %swap3A_512 = tpu.vector_load %arg14[%swap3A_510, %swap3A_511] {strides = array<i32>} : memref<128x64xf32, #tpu.memory_space<vmem>>, vector<16xf32>,
    tpu.vector_store %arg14[%swap3A_510, %swap3A_511], %broadcast_in_dim3A_1 {strides = array<i32>} : memref<128x64xf32, #tpu.memory_space<vmem>>, vector<16xf32>,
    %swap3A_513 = arith.constant 32 : i32
    %swap3A_514 = arith.index_cast %swap3A_513 : i32 to index
    %swap3A_515 = arith.constant 0 : index
    %swap3A_516 = tpu.vector_load %arg14[%swap3A_514, %swap3A_515] {strides = array<i32>} : memref<128x64xf32, #tpu.memory_space<vmem>>, vector<16xf32>,
    tpu.vector_store %arg14[%swap3A_514, %swap3A_515], %broadcast_in_dim3A_1 {strides = array<i32>} : memref<128x64xf32, #tpu.memory_space<vmem>>, vector<16xf32>,
    %swap3A_517 = arith.constant 32 : i32
    %swap3A_518 = arith.index_cast %swap3A_517 : i32 to index
    %swap3A_519 = arith.constant 16 : index
    %swap3A_520 = tpu.vector_load %arg14[%swap3A_518, %swap3A_519] {strides = array<i32>} : memref<128x64xf32, #tpu.memory_space<vmem>>, vector<16xf32>,
    tpu.vector_store %arg14[%swap3A_518, %swap3A_519], %broadcast_in_dim3A_1 {strides = array<i32>} : memref<128x64xf32, #tpu.memory_space<vmem>>, vector<16xf32>,
    %swap3A_521 = arith.constant 32 : i32
    %swap3A_522 = arith.index_cast %swap3A_521 : i32 to index
    %swap3A_523 = arith.constant 32 : index
    %swap3A_524 = tpu.vector_load %arg14[%swap3A_522, %swap3A_523] {strides = array<i32>} : memref<128x64xf32, #tpu.memory_space<vmem>>, vector<16xf32>,
    tpu.vector_store %arg14[%swap3A_522, %swap3A_523], %broadcast_in_dim3A_1 {strides = array<i32>} : memref<128x64xf32, #tpu.memory_space<vmem>>, vector<16xf32>,
    %swap3A_525 = arith.constant 32 : i32
    %swap3A_526 = arith.index_cast %swap3A_525 : i32 to index
    %swap3A_527 = arith.constant 48 : index
    %swap3A_528 = tpu.vector_load %arg14[%swap3A_526, %swap3A_527] {strides = array<i32>} : memref<128x64xf32, #tpu.memory_space<vmem>>, vector<16xf32>,
    tpu.vector_store %arg14[%swap3A_526, %swap3A_527], %broadcast_in_dim3A_1 {strides = array<i32>} : memref<128x64xf32, #tpu.memory_space<vmem>>, vector<16xf32>,
    %swap3A_529 = arith.constant 33 : i32
    %swap3A_530 = arith.index_cast %swap3A_529 : i32 to index
    %swap3A_531 = arith.constant 0 : index
    %swap3A_532 = tpu.vector_load %arg14[%swap3A_530, %swap3A_531] {strides = array<i32>} : memref<128x64xf32, #tpu.memory_space<vmem>>, vector<16xf32>,
    tpu.vector_store %arg14[%swap3A_530, %swap3A_531], %broadcast_in_dim3A_1 {strides = array<i32>} : memref<128x64xf32, #tpu.memory_space<vmem>>, vector<16xf32>,
    %swap3A_533 = arith.constant 33 : i32
    %swap3A_534 = arith.index_cast %swap3A_533 : i32 to index
    %swap3A_535 = arith.constant 16 : index
    %swap3A_536 = tpu.vector_load %arg14[%swap3A_534, %swap3A_535] {strides = array<i32>} : memref<128x64xf32, #tpu.memory_space<vmem>>, vector<16xf32>,
    tpu.vector_store %arg14[%swap3A_534, %swap3A_535], %broadcast_in_dim3A_1 {strides = array<i32>} : memref<128x64xf32, #tpu.memory_space<vmem>>, vector<16xf32>,
    %swap3A_537 = arith.constant 33 : i32
    %swap3A_538 = arith.index_cast %swap3A_537 : i32 to index
    %swap3A_539 = arith.constant 32 : index
    %swap3A_540 = tpu.vector_load %arg14[%swap3A_538, %swap3A_539] {strides = array<i32>} : memref<128x64xf32, #tpu.memory_space<vmem>>, vector<16xf32>,
    tpu.vector_store %arg14[%swap3A_538, %swap3A_539], %broadcast_in_dim3A_1 {strides = array<i32>} : memref<128x64xf32, #tpu.memory_space<vmem>>, vector<16xf32>,
    %swap3A_541 = arith.constant 33 : i32
    %swap3A_542 = arith.index_cast %swap3A_541 : i32 to index
    %swap3A_543 = arith.constant 48 : index
    %swap3A_544 = tpu.vector_load %arg14[%swap3A_542, %swap3A_543] {strides = array<i32>} : memref<128x64xf32, #tpu.memory_space<vmem>>, vector<16xf32>,
    tpu.vector_store %arg14[%swap3A_542, %swap3A_543], %broadcast_in_dim3A_1 {strides = array<i32>} : memref<128x64xf32, #tpu.memory_space<vmem>>, vector<16xf32>,
    %swap3A_545 = arith.constant 34 : i32
    %swap3A_546 = arith.index_cast %swap3A_545 : i32 to index
    %swap3A_547 = arith.constant 0 : index
    %swap3A_548 = tpu.vector_load %arg14[%swap3A_546, %swap3A_547] {strides = array<i32>} : memref<128x64xf32, #tpu.memory_space<vmem>>, vector<16xf32>,
    tpu.vector_store %arg14[%swap3A_546, %swap3A_547], %broadcast_in_dim3A_1 {strides = array<i32>} : memref<128x64xf32, #tpu.memory_space<vmem>>, vector<16xf32>,
    %swap3A_549 = arith.constant 34 : i32
    %swap3A_550 = arith.index_cast %swap3A_549 : i32 to index
    %swap3A_551 = arith.constant 16 : index
    %swap3A_552 = tpu.vector_load %arg14[%swap3A_550, %swap3A_551] {strides = array<i32>} : memref<128x64xf32, #tpu.memory_space<vmem>>, vector<16xf32>,
    tpu.vector_store %arg14[%swap3A_550, %swap3A_551], %broadcast_in_dim3A_1 {strides = array<i32>} : memref<128x64xf32, #tpu.memory_space<vmem>>, vector<16xf32>,
    %swap3A_553 = arith.constant 34 : i32
    %swap3A_554 = arith.index_cast %swap3A_553 : i32 to index
    %swap3A_555 = arith.constant 32 : index
    %swap3A_556 = tpu.vector_load %arg14[%swap3A_554, %swap3A_555] {strides = array<i32>} : memref<128x64xf32, #tpu.memory_space<vmem>>, vector<16xf32>,
    tpu.vector_store %arg14[%swap3A_554, %swap3A_555], %broadcast_in_dim3A_1 {strides = array<i32>} : memref<128x64xf32, #tpu.memory_space<vmem>>, vector<16xf32>,
    %swap3A_557 = arith.constant 34 : i32
    %swap3A_558 = arith.index_cast %swap3A_557 : i32 to index
    %swap3A_559 = arith.constant 48 : index
    %swap3A_560 = tpu.vector_load %arg14[%swap3A_558, %swap3A_559] {strides = array<i32>} : memref<128x64xf32, #tpu.memory_space<vmem>>, vector<16xf32>,
    tpu.vector_store %arg14[%swap3A_558, %swap3A_559], %broadcast_in_dim3A_1 {strides = array<i32>} : memref<128x64xf32, #tpu.memory_space<vmem>>, vector<16xf32>,
    %swap3A_561 = arith.constant 35 : i32
    %swap3A_562 = arith.index_cast %swap3A_561 : i32 to index
    %swap3A_563 = arith.constant 0 : index
    %swap3A_564 = tpu.vector_load %arg14[%swap3A_562, %swap3A_563] {strides = array<i32>} : memref<128x64xf32, #tpu.memory_space<vmem>>, vector<16xf32>,
    tpu.vector_store %arg14[%swap3A_562, %swap3A_563], %broadcast_in_dim3A_1 {strides = array<i32>} : memref<128x64xf32, #tpu.memory_space<vmem>>, vector<16xf32>,
    %swap3A_565 = arith.constant 35 : i32
    %swap3A_566 = arith.index_cast %swap3A_565 : i32 to index
    %swap3A_567 = arith.constant 16 : index
    %swap3A_568 = tpu.vector_load %arg14[%swap3A_566, %swap3A_567] {strides = array<i32>} : memref<128x64xf32, #tpu.memory_space<vmem>>, vector<16xf32>,
    tpu.vector_store %arg14[%swap3A_566, %swap3A_567], %broadcast_in_dim3A_1 {strides = array<i32>} : memref<128x64xf32, #tpu.memory_space<vmem>>, vector<16xf32>,
    %swap3A_569 = arith.constant 35 : i32
    %swap3A_570 = arith.index_cast %swap3A_569 : i32 to index
    %swap3A_571 = arith.constant 32 : index
    %swap3A_572 = tpu.vector_load %arg14[%swap3A_570, %swap3A_571] {strides = array<i32>} : memref<128x64xf32, #tpu.memory_space<vmem>>, vector<16xf32>,
    tpu.vector_store %arg14[%swap3A_570, %swap3A_571], %broadcast_in_dim3A_1 {strides = array<i32>} : memref<128x64xf32, #tpu.memory_space<vmem>>, vector<16xf32>,
    %swap3A_573 = arith.constant 35 : i32
    %swap3A_574 = arith.index_cast %swap3A_573 : i32 to index
    %swap3A_575 = arith.constant 48 : index
    %swap3A_576 = tpu.vector_load %arg14[%swap3A_574, %swap3A_575] {strides = array<i32>} : memref<128x64xf32, #tpu.memory_space<vmem>>, vector<16xf32>,
    tpu.vector_store %arg14[%swap3A_574, %swap3A_575], %broadcast_in_dim3A_1 {strides = array<i32>} : memref<128x64xf32, #tpu.memory_space<vmem>>, vector<16xf32>,
    %swap3A_577 = arith.constant 36 : i32
    %swap3A_578 = arith.index_cast %swap3A_577 : i32 to index
    %swap3A_579 = arith.constant 0 : index
    %swap3A_580 = tpu.vector_load %arg14[%swap3A_578, %swap3A_579] {strides = array<i32>} : memref<128x64xf32, #tpu.memory_space<vmem>>, vector<16xf32>,
    tpu.vector_store %arg14[%swap3A_578, %swap3A_579], %broadcast_in_dim3A_1 {strides = array<i32>} : memref<128x64xf32, #tpu.memory_space<vmem>>, vector<16xf32>,
    %swap3A_581 = arith.constant 36 : i32
    %swap3A_582 = arith.index_cast %swap3A_581 : i32 to index
    %swap3A_583 = arith.constant 16 : index
    %swap3A_584 = tpu.vector_load %arg14[%swap3A_582, %swap3A_583] {strides = array<i32>} : memref<128x64xf32, #tpu.memory_space<vmem>>, vector<16xf32>,
    tpu.vector_store %arg14[%swap3A_582, %swap3A_583], %broadcast_in_dim3A_1 {strides = array<i32>} : memref<128x64xf32, #tpu.memory_space<vmem>>, vector<16xf32>,
    %swap3A_585 = arith.constant 36 : i32
    %swap3A_586 = arith.index_cast %swap3A_585 : i32 to index
    %swap3A_587 = arith.constant 32 : index
    %swap3A_588 = tpu.vector_load %arg14[%swap3A_586, %swap3A_587] {strides = array<i32>} : memref<128x64xf32, #tpu.memory_space<vmem>>, vector<16xf32>,
    tpu.vector_store %arg14[%swap3A_586, %swap3A_587], %broadcast_in_dim3A_1 {strides = array<i32>} : memref<128x64xf32, #tpu.memory_space<vmem>>, vector<16xf32>,
    %swap3A_589 = arith.constant 36 : i32
    %swap3A_590 = arith.index_cast %swap3A_589 : i32 to index
    %swap3A_591 = arith.constant 48 : index
    %swap3A_592 = tpu.vector_load %arg14[%swap3A_590, %swap3A_591] {strides = array<i32>} : memref<128x64xf32, #tpu.memory_space<vmem>>, vector<16xf32>,
    tpu.vector_store %arg14[%swap3A_590, %swap3A_591], %broadcast_in_dim3A_1 {strides = array<i32>} : memref<128x64xf32, #tpu.memory_space<vmem>>, vector<16xf32>,
    %swap3A_593 = arith.constant 37 : i32
    %swap3A_594 = arith.index_cast %swap3A_593 : i32 to index
    %swap3A_595 = arith.constant 0 : index
    %swap3A_596 = tpu.vector_load %arg14[%swap3A_594, %swap3A_595] {strides = array<i32>} : memref<128x64xf32, #tpu.memory_space<vmem>>, vector<16xf32>,
    tpu.vector_store %arg14[%swap3A_594, %swap3A_595], %broadcast_in_dim3A_1 {strides = array<i32>} : memref<128x64xf32, #tpu.memory_space<vmem>>, vector<16xf32>,
    %swap3A_597 = arith.constant 37 : i32
    %swap3A_598 = arith.index_cast %swap3A_597 : i32 to index
    %swap3A_599 = arith.constant 16 : index
    %swap3A_600 = tpu.vector_load %arg14[%swap3A_598, %swap3A_599] {strides = array<i32>} : memref<128x64xf32, #tpu.memory_space<vmem>>, vector<16xf32>,
    tpu.vector_store %arg14[%swap3A_598, %swap3A_599], %broadcast_in_dim3A_1 {strides = array<i32>} : memref<128x64xf32, #tpu.memory_space<vmem>>, vector<16xf32>,
    %swap3A_601 = arith.constant 37 : i32
    %swap3A_602 = arith.index_cast %swap3A_601 : i32 to index
    %swap3A_603 = arith.constant 32 : index
    %swap3A_604 = tpu.vector_load %arg14[%swap3A_602, %swap3A_603] {strides = array<i32>} : memref<128x64xf32, #tpu.memory_space<vmem>>, vector<16xf32>,
    tpu.vector_store %arg14[%swap3A_602, %swap3A_603], %broadcast_in_dim3A_1 {strides = array<i32>} : memref<128x64xf32, #tpu.memory_space<vmem>>, vector<16xf32>,
    %swap3A_605 = arith.constant 37 : i32
    %swap3A_606 = arith.index_cast %swap3A_605 : i32 to index
    %swap3A_607 = arith.constant 48 : index
    %swap3A_608 = tpu.vector_load %arg14[%swap3A_606, %swap3A_607] {strides = array<i32>} : memref<128x64xf32, #tpu.memory_space<vmem>>, vector<16xf32>,
    tpu.vector_store %arg14[%swap3A_606, %swap3A_607], %broadcast_in_dim3A_1 {strides = array<i32>} : memref<128x64xf32, #tpu.memory_space<vmem>>, vector<16xf32>,
    %swap3A_609 = arith.constant 38 : i32
    %swap3A_610 = arith.index_cast %swap3A_609 : i32 to index
    %swap3A_611 = arith.constant 0 : index
    %swap3A_612 = tpu.vector_load %arg14[%swap3A_610, %swap3A_611] {strides = array<i32>} : memref<128x64xf32, #tpu.memory_space<vmem>>, vector<16xf32>,
    tpu.vector_store %arg14[%swap3A_610, %swap3A_611], %broadcast_in_dim3A_1 {strides = array<i32>} : memref<128x64xf32, #tpu.memory_space<vmem>>, vector<16xf32>,
    %swap3A_613 = arith.constant 38 : i32
    %swap3A_614 = arith.index_cast %swap3A_613 : i32 to index
    %swap3A_615 = arith.constant 16 : index
    %swap3A_616 = tpu.vector_load %arg14[%swap3A_614, %swap3A_615] {strides = array<i32>} : memref<128x64xf32, #tpu.memory_space<vmem>>, vector<16xf32>,
    tpu.vector_store %arg14[%swap3A_614, %swap3A_615], %broadcast_in_dim3A_1 {strides = array<i32>} : memref<128x64xf32, #tpu.memory_space<vmem>>, vector<16xf32>,
    %swap3A_617 = arith.constant 38 : i32
    %swap3A_618 = arith.index_cast %swap3A_617 : i32 to index
    %swap3A_619 = arith.constant 32 : index
    %swap3A_620 = tpu.vector_load %arg14[%swap3A_618, %swap3A_619] {strides = array<i32>} : memref<128x64xf32, #tpu.memory_space<vmem>>, vector<16xf32>,
    tpu.vector_store %arg14[%swap3A_618, %swap3A_619], %broadcast_in_dim3A_1 {strides = array<i32>} : memref<128x64xf32, #tpu.memory_space<vmem>>, vector<16xf32>,
    %swap3A_621 = arith.constant 38 : i32
    %swap3A_622 = arith.index_cast %swap3A_621 : i32 to index
    %swap3A_623 = arith.constant 48 : index
    %swap3A_624 = tpu.vector_load %arg14[%swap3A_622, %swap3A_623] {strides = array<i32>} : memref<128x64xf32, #tpu.memory_space<vmem>>, vector<16xf32>,
    tpu.vector_store %arg14[%swap3A_622, %swap3A_623], %broadcast_in_dim3A_1 {strides = array<i32>} : memref<128x64xf32, #tpu.memory_space<vmem>>, vector<16xf32>,
    %swap3A_625 = arith.constant 39 : i32
    %swap3A_626 = arith.index_cast %swap3A_625 : i32 to index
    %swap3A_627 = arith.constant 0 : index
    %swap3A_628 = tpu.vector_load %arg14[%swap3A_626, %swap3A_627] {strides = array<i32>} : memref<128x64xf32, #tpu.memory_space<vmem>>, vector<16xf32>,
    tpu.vector_store %arg14[%swap3A_626, %swap3A_627], %broadcast_in_dim3A_1 {strides = array<i32>} : memref<128x64xf32, #tpu.memory_space<vmem>>, vector<16xf32>,
    %swap3A_629 = arith.constant 39 : i32
    %swap3A_630 = arith.index_cast %swap3A_629 : i32 to index
    %swap3A_631 = arith.constant 16 : index
    %swap3A_632 = tpu.vector_load %arg14[%swap3A_630, %swap3A_631] {strides = array<i32>} : memref<128x64xf32, #tpu.memory_space<vmem>>, vector<16xf32>,
    tpu.vector_store %arg14[%swap3A_630, %swap3A_631], %broadcast_in_dim3A_1 {strides = array<i32>} : memref<128x64xf32, #tpu.memory_space<vmem>>, vector<16xf32>,
    %swap3A_633 = arith.constant 39 : i32
    %swap3A_634 = arith.index_cast %swap3A_633 : i32 to index
    %swap3A_635 = arith.constant 32 : index
    %swap3A_636 = tpu.vector_load %arg14[%swap3A_634, %swap3A_635] {strides = array<i32>} : memref<128x64xf32, #tpu.memory_space<vmem>>, vector<16xf32>,
    tpu.vector_store %arg14[%swap3A_634, %swap3A_635], %broadcast_in_dim3A_1 {strides = array<i32>} : memref<128x64xf32, #tpu.memory_space<vmem>>, vector<16xf32>,
    %swap3A_637 = arith.constant 39 : i32
    %swap3A_638 = arith.index_cast %swap3A_637 : i32 to index
    %swap3A_639 = arith.constant 48 : index
    %swap3A_640 = tpu.vector_load %arg14[%swap3A_638, %swap3A_639] {strides = array<i32>} : memref<128x64xf32, #tpu.memory_space<vmem>>, vector<16xf32>,
    tpu.vector_store %arg14[%swap3A_638, %swap3A_639], %broadcast_in_dim3A_1 {strides = array<i32>} : memref<128x64xf32, #tpu.memory_space<vmem>>, vector<16xf32>,
    %swap3A_641 = arith.constant 40 : i32
    %swap3A_642 = arith.index_cast %swap3A_641 : i32 to index
    %swap3A_643 = arith.constant 0 : index
    %swap3A_644 = tpu.vector_load %arg14[%swap3A_642, %swap3A_643] {strides = array<i32>} : memref<128x64xf32, #tpu.memory_space<vmem>>, vector<16xf32>,
    tpu.vector_store %arg14[%swap3A_642, %swap3A_643], %broadcast_in_dim3A_1 {strides = array<i32>} : memref<128x64xf32, #tpu.memory_space<vmem>>, vector<16xf32>,
    %swap3A_645 = arith.constant 40 : i32
    %swap3A_646 = arith.index_cast %swap3A_645 : i32 to index
    %swap3A_647 = arith.constant 16 : index
    %swap3A_648 = tpu.vector_load %arg14[%swap3A_646, %swap3A_647] {strides = array<i32>} : memref<128x64xf32, #tpu.memory_space<vmem>>, vector<16xf32>,
    tpu.vector_store %arg14[%swap3A_646, %swap3A_647], %broadcast_in_dim3A_1 {strides = array<i32>} : memref<128x64xf32, #tpu.memory_space<vmem>>, vector<16xf32>,
    %swap3A_649 = arith.constant 40 : i32
    %swap3A_650 = arith.index_cast %swap3A_649 : i32 to index
    %swap3A_651 = arith.constant 32 : index
    %swap3A_652 = tpu.vector_load %arg14[%swap3A_650, %swap3A_651] {strides = array<i32>} : memref<128x64xf32, #tpu.memory_space<vmem>>, vector<16xf32>,
    tpu.vector_store %arg14[%swap3A_650, %swap3A_651], %broadcast_in_dim3A_1 {strides = array<i32>} : memref<128x64xf32, #tpu.memory_space<vmem>>, vector<16xf32>,
    %swap3A_653 = arith.constant 40 : i32
    %swap3A_654 = arith.index_cast %swap3A_653 : i32 to index
    %swap3A_655 = arith.constant 48 : index
    %swap3A_656 = tpu.vector_load %arg14[%swap3A_654, %swap3A_655] {strides = array<i32>} : memref<128x64xf32, #tpu.memory_space<vmem>>, vector<16xf32>,
    tpu.vector_store %arg14[%swap3A_654, %swap3A_655], %broadcast_in_dim3A_1 {strides = array<i32>} : memref<128x64xf32, #tpu.memory_space<vmem>>, vector<16xf32>,
    %swap3A_657 = arith.constant 41 : i32
    %swap3A_658 = arith.index_cast %swap3A_657 : i32 to index
    %swap3A_659 = arith.constant 0 : index
    %swap3A_660 = tpu.vector_load %arg14[%swap3A_658, %swap3A_659] {strides = array<i32>} : memref<128x64xf32, #tpu.memory_space<vmem>>, vector<16xf32>,
    tpu.vector_store %arg14[%swap3A_658, %swap3A_659], %broadcast_in_dim3A_1 {strides = array<i32>} : memref<128x64xf32, #tpu.memory_space<vmem>>, vector<16xf32>,
    %swap3A_661 = arith.constant 41 : i32
    %swap3A_662 = arith.index_cast %swap3A_661 : i32 to index
    %swap3A_663 = arith.constant 16 : index
    %swap3A_664 = tpu.vector_load %arg14[%swap3A_662, %swap3A_663] {strides = array<i32>} : memref<128x64xf32, #tpu.memory_space<vmem>>, vector<16xf32>,
    tpu.vector_store %arg14[%swap3A_662, %swap3A_663], %broadcast_in_dim3A_1 {strides = array<i32>} : memref<128x64xf32, #tpu.memory_space<vmem>>, vector<16xf32>,
    %swap3A_665 = arith.constant 41 : i32
    %swap3A_666 = arith.index_cast %swap3A_665 : i32 to index
    %swap3A_667 = arith.constant 32 : index
    %swap3A_668 = tpu.vector_load %arg14[%swap3A_666, %swap3A_667] {strides = array<i32>} : memref<128x64xf32, #tpu.memory_space<vmem>>, vector<16xf32>,
    tpu.vector_store %arg14[%swap3A_666, %swap3A_667], %broadcast_in_dim3A_1 {strides = array<i32>} : memref<128x64xf32, #tpu.memory_space<vmem>>, vector<16xf32>,
    %swap3A_669 = arith.constant 41 : i32
    %swap3A_670 = arith.index_cast %swap3A_669 : i32 to index
    %swap3A_671 = arith.constant 48 : index
    %swap3A_672 = tpu.vector_load %arg14[%swap3A_670, %swap3A_671] {strides = array<i32>} : memref<128x64xf32, #tpu.memory_space<vmem>>, vector<16xf32>,
    tpu.vector_store %arg14[%swap3A_670, %swap3A_671], %broadcast_in_dim3A_1 {strides = array<i32>} : memref<128x64xf32, #tpu.memory_space<vmem>>, vector<16xf32>,
    %swap3A_673 = arith.constant 42 : i32
    %swap3A_674 = arith.index_cast %swap3A_673 : i32 to index
    %swap3A_675 = arith.constant 0 : index
    %swap3A_676 = tpu.vector_load %arg14[%swap3A_674, %swap3A_675] {strides = array<i32>} : memref<128x64xf32, #tpu.memory_space<vmem>>, vector<16xf32>,
    tpu.vector_store %arg14[%swap3A_674, %swap3A_675], %broadcast_in_dim3A_1 {strides = array<i32>} : memref<128x64xf32, #tpu.memory_space<vmem>>, vector<16xf32>,
    %swap3A_677 = arith.constant 42 : i32
    %swap3A_678 = arith.index_cast %swap3A_677 : i32 to index
    %swap3A_679 = arith.constant 16 : index
    %swap3A_680 = tpu.vector_load %arg14[%swap3A_678, %swap3A_679] {strides = array<i32>} : memref<128x64xf32, #tpu.memory_space<vmem>>, vector<16xf32>,
    tpu.vector_store %arg14[%swap3A_678, %swap3A_679], %broadcast_in_dim3A_1 {strides = array<i32>} : memref<128x64xf32, #tpu.memory_space<vmem>>, vector<16xf32>,
    %swap3A_681 = arith.constant 42 : i32
    %swap3A_682 = arith.index_cast %swap3A_681 : i32 to index
    %swap3A_683 = arith.constant 32 : index
    %swap3A_684 = tpu.vector_load %arg14[%swap3A_682, %swap3A_683] {strides = array<i32>} : memref<128x64xf32, #tpu.memory_space<vmem>>, vector<16xf32>,
    tpu.vector_store %arg14[%swap3A_682, %swap3A_683], %broadcast_in_dim3A_1 {strides = array<i32>} : memref<128x64xf32, #tpu.memory_space<vmem>>, vector<16xf32>,
    %swap3A_685 = arith.constant 42 : i32
    %swap3A_686 = arith.index_cast %swap3A_685 : i32 to index
    %swap3A_687 = arith.constant 48 : index
    %swap3A_688 = tpu.vector_load %arg14[%swap3A_686, %swap3A_687] {strides = array<i32>} : memref<128x64xf32, #tpu.memory_space<vmem>>, vector<16xf32>,
    tpu.vector_store %arg14[%swap3A_686, %swap3A_687], %broadcast_in_dim3A_1 {strides = array<i32>} : memref<128x64xf32, #tpu.memory_space<vmem>>, vector<16xf32>,
    %swap3A_689 = arith.constant 43 : i32
    %swap3A_690 = arith.index_cast %swap3A_689 : i32 to index
    %swap3A_691 = arith.constant 0 : index
    %swap3A_692 = tpu.vector_load %arg14[%swap3A_690, %swap3A_691] {strides = array<i32>} : memref<128x64xf32, #tpu.memory_space<vmem>>, vector<16xf32>,
    tpu.vector_store %arg14[%swap3A_690, %swap3A_691], %broadcast_in_dim3A_1 {strides = array<i32>} : memref<128x64xf32, #tpu.memory_space<vmem>>, vector<16xf32>,
    %swap3A_693 = arith.constant 43 : i32
    %swap3A_694 = arith.index_cast %swap3A_693 : i32 to index
    %swap3A_695 = arith.constant 16 : index
    %swap3A_696 = tpu.vector_load %arg14[%swap3A_694, %swap3A_695] {strides = array<i32>} : memref<128x64xf32, #tpu.memory_space<vmem>>, vector<16xf32>,
    tpu.vector_store %arg14[%swap3A_694, %swap3A_695], %broadcast_in_dim3A_1 {strides = array<i32>} : memref<128x64xf32, #tpu.memory_space<vmem>>, vector<16xf32>,
    %swap3A_697 = arith.constant 43 : i32
    %swap3A_698 = arith.index_cast %swap3A_697 : i32 to index
    %swap3A_699 = arith.constant 32 : index
    %swap3A_700 = tpu.vector_load %arg14[%swap3A_698, %swap3A_699] {strides = array<i32>} : memref<128x64xf32, #tpu.memory_space<vmem>>, vector<16xf32>,
    tpu.vector_store %arg14[%swap3A_698, %swap3A_699], %broadcast_in_dim3A_1 {strides = array<i32>} : memref<128x64xf32, #tpu.memory_space<vmem>>, vector<16xf32>,
    %swap3A_701 = arith.constant 43 : i32
    %swap3A_702 = arith.index_cast %swap3A_701 : i32 to index
    %swap3A_703 = arith.constant 48 : index
    %swap3A_704 = tpu.vector_load %arg14[%swap3A_702, %swap3A_703] {strides = array<i32>} : memref<128x64xf32, #tpu.memory_space<vmem>>, vector<16xf32>,
    tpu.vector_store %arg14[%swap3A_702, %swap3A_703], %broadcast_in_dim3A_1 {strides = array<i32>} : memref<128x64xf32, #tpu.memory_space<vmem>>, vector<16xf32>,
    %swap3A_705 = arith.constant 44 : i32
    %swap3A_706 = arith.index_cast %swap3A_705 : i32 to index
    %swap3A_707 = arith.constant 0 : index
    %swap3A_708 = tpu.vector_load %arg14[%swap3A_706, %swap3A_707] {strides = array<i32>} : memref<128x64xf32, #tpu.memory_space<vmem>>, vector<16xf32>,
    tpu.vector_store %arg14[%swap3A_706, %swap3A_707], %broadcast_in_dim3A_1 {strides = array<i32>} : memref<128x64xf32, #tpu.memory_space<vmem>>, vector<16xf32>,
    %swap3A_709 = arith.constant 44 : i32
    %swap3A_710 = arith.index_cast %swap3A_709 : i32 to index
    %swap3A_711 = arith.constant 16 : index
    %swap3A_712 = tpu.vector_load %arg14[%swap3A_710, %swap3A_711] {strides = array<i32>} : memref<128x64xf32, #tpu.memory_space<vmem>>, vector<16xf32>,
    tpu.vector_store %arg14[%swap3A_710, %swap3A_711], %broadcast_in_dim3A_1 {strides = array<i32>} : memref<128x64xf32, #tpu.memory_space<vmem>>, vector<16xf32>,
    %swap3A_713 = arith.constant 44 : i32
    %swap3A_714 = arith.index_cast %swap3A_713 : i32 to index
    %swap3A_715 = arith.constant 32 : index
    %swap3A_716 = tpu.vector_load %arg14[%swap3A_714, %swap3A_715] {strides = array<i32>} : memref<128x64xf32, #tpu.memory_space<vmem>>, vector<16xf32>,
    tpu.vector_store %arg14[%swap3A_714, %swap3A_715], %broadcast_in_dim3A_1 {strides = array<i32>} : memref<128x64xf32, #tpu.memory_space<vmem>>, vector<16xf32>,
    %swap3A_717 = arith.constant 44 : i32
    %swap3A_718 = arith.index_cast %swap3A_717 : i32 to index
    %swap3A_719 = arith.constant 48 : index
    %swap3A_720 = tpu.vector_load %arg14[%swap3A_718, %swap3A_719] {strides = array<i32>} : memref<128x64xf32, #tpu.memory_space<vmem>>, vector<16xf32>,
    tpu.vector_store %arg14[%swap3A_718, %swap3A_719], %broadcast_in_dim3A_1 {strides = array<i32>} : memref<128x64xf32, #tpu.memory_space<vmem>>, vector<16xf32>,
    %swap3A_721 = arith.constant 45 : i32
    %swap3A_722 = arith.index_cast %swap3A_721 : i32 to index
    %swap3A_723 = arith.constant 0 : index
    %swap3A_724 = tpu.vector_load %arg14[%swap3A_722, %swap3A_723] {strides = array<i32>} : memref<128x64xf32, #tpu.memory_space<vmem>>, vector<16xf32>,
    tpu.vector_store %arg14[%swap3A_722, %swap3A_723], %broadcast_in_dim3A_1 {strides = array<i32>} : memref<128x64xf32, #tpu.memory_space<vmem>>, vector<16xf32>,
    %swap3A_725 = arith.constant 45 : i32
    %swap3A_726 = arith.index_cast %swap3A_725 : i32 to index
    %swap3A_727 = arith.constant 16 : index
    %swap3A_728 = tpu.vector_load %arg14[%swap3A_726, %swap3A_727] {strides = array<i32>} : memref<128x64xf32, #tpu.memory_space<vmem>>, vector<16xf32>,
    tpu.vector_store %arg14[%swap3A_726, %swap3A_727], %broadcast_in_dim3A_1 {strides = array<i32>} : memref<128x64xf32, #tpu.memory_space<vmem>>, vector<16xf32>,
    %swap3A_729 = arith.constant 45 : i32
    %swap3A_730 = arith.index_cast %swap3A_729 : i32 to index
    %swap3A_731 = arith.constant 32 : index
    %swap3A_732 = tpu.vector_load %arg14[%swap3A_730, %swap3A_731] {strides = array<i32>} : memref<128x64xf32, #tpu.memory_space<vmem>>, vector<16xf32>,
    tpu.vector_store %arg14[%swap3A_730, %swap3A_731], %broadcast_in_dim3A_1 {strides = array<i32>} : memref<128x64xf32, #tpu.memory_space<vmem>>, vector<16xf32>,
    %swap3A_733 = arith.constant 45 : i32
    %swap3A_734 = arith.index_cast %swap3A_733 : i32 to index
    %swap3A_735 = arith.constant 48 : index
    %swap3A_736 = tpu.vector_load %arg14[%swap3A_734, %swap3A_735] {strides = array<i32>} : memref<128x64xf32, #tpu.memory_space<vmem>>, vector<16xf32>,
    tpu.vector_store %arg14[%swap3A_734, %swap3A_735], %broadcast_in_dim3A_1 {strides = array<i32>} : memref<128x64xf32, #tpu.memory_space<vmem>>, vector<16xf32>,
    %swap3A_737 = arith.constant 46 : i32
    %swap3A_738 = arith.index_cast %swap3A_737 : i32 to index
    %swap3A_739 = arith.constant 0 : index
    %swap3A_740 = tpu.vector_load %arg14[%swap3A_738, %swap3A_739] {strides = array<i32>} : memref<128x64xf32, #tpu.memory_space<vmem>>, vector<16xf32>,
    tpu.vector_store %arg14[%swap3A_738, %swap3A_739], %broadcast_in_dim3A_1 {strides = array<i32>} : memref<128x64xf32, #tpu.memory_space<vmem>>, vector<16xf32>,
    %swap3A_741 = arith.constant 46 : i32
    %swap3A_742 = arith.index_cast %swap3A_741 : i32 to index
    %swap3A_743 = arith.constant 16 : index
    %swap3A_744 = tpu.vector_load %arg14[%swap3A_742, %swap3A_743] {strides = array<i32>} : memref<128x64xf32, #tpu.memory_space<vmem>>, vector<16xf32>,
    tpu.vector_store %arg14[%swap3A_742, %swap3A_743], %broadcast_in_dim3A_1 {strides = array<i32>} : memref<128x64xf32, #tpu.memory_space<vmem>>, vector<16xf32>,
    %swap3A_745 = arith.constant 46 : i32
    %swap3A_746 = arith.index_cast %swap3A_745 : i32 to index
    %swap3A_747 = arith.constant 32 : index
    %swap3A_748 = tpu.vector_load %arg14[%swap3A_746, %swap3A_747] {strides = array<i32>} : memref<128x64xf32, #tpu.memory_space<vmem>>, vector<16xf32>,
    tpu.vector_store %arg14[%swap3A_746, %swap3A_747], %broadcast_in_dim3A_1 {strides = array<i32>} : memref<128x64xf32, #tpu.memory_space<vmem>>, vector<16xf32>,
    %swap3A_749 = arith.constant 46 : i32
    %swap3A_750 = arith.index_cast %swap3A_749 : i32 to index
    %swap3A_751 = arith.constant 48 : index
    %swap3A_752 = tpu.vector_load %arg14[%swap3A_750, %swap3A_751] {strides = array<i32>} : memref<128x64xf32, #tpu.memory_space<vmem>>, vector<16xf32>,
    tpu.vector_store %arg14[%swap3A_750, %swap3A_751], %broadcast_in_dim3A_1 {strides = array<i32>} : memref<128x64xf32, #tpu.memory_space<vmem>>, vector<16xf32>,
    %swap3A_753 = arith.constant 47 : i32
    %swap3A_754 = arith.index_cast %swap3A_753 : i32 to index
    %swap3A_755 = arith.constant 0 : index
    %swap3A_756 = tpu.vector_load %arg14[%swap3A_754, %swap3A_755] {strides = array<i32>} : memref<128x64xf32, #tpu.memory_space<vmem>>, vector<16xf32>,
    tpu.vector_store %arg14[%swap3A_754, %swap3A_755], %broadcast_in_dim3A_1 {strides = array<i32>} : memref<128x64xf32, #tpu.memory_space<vmem>>, vector<16xf32>,
    %swap3A_757 = arith.constant 47 : i32
    %swap3A_758 = arith.index_cast %swap3A_757 : i32 to index
    %swap3A_759 = arith.constant 16 : index
    %swap3A_760 = tpu.vector_load %arg14[%swap3A_758, %swap3A_759] {strides = array<i32>} : memref<128x64xf32, #tpu.memory_space<vmem>>, vector<16xf32>,
    tpu.vector_store %arg14[%swap3A_758, %swap3A_759], %broadcast_in_dim3A_1 {strides = array<i32>} : memref<128x64xf32, #tpu.memory_space<vmem>>, vector<16xf32>,
    %swap3A_761 = arith.constant 47 : i32
    %swap3A_762 = arith.index_cast %swap3A_761 : i32 to index
    %swap3A_763 = arith.constant 32 : index
    %swap3A_764 = tpu.vector_load %arg14[%swap3A_762, %swap3A_763] {strides = array<i32>} : memref<128x64xf32, #tpu.memory_space<vmem>>, vector<16xf32>,
    tpu.vector_store %arg14[%swap3A_762, %swap3A_763], %broadcast_in_dim3A_1 {strides = array<i32>} : memref<128x64xf32, #tpu.memory_space<vmem>>, vector<16xf32>,
    %swap3A_765 = arith.constant 47 : i32
    %swap3A_766 = arith.index_cast %swap3A_765 : i32 to index
    %swap3A_767 = arith.constant 48 : index
    %swap3A_768 = tpu.vector_load %arg14[%swap3A_766, %swap3A_767] {strides = array<i32>} : memref<128x64xf32, #tpu.memory_space<vmem>>, vector<16xf32>,
    tpu.vector_store %arg14[%swap3A_766, %swap3A_767], %broadcast_in_dim3A_1 {strides = array<i32>} : memref<128x64xf32, #tpu.memory_space<vmem>>, vector<16xf32>,
    %swap3A_769 = arith.constant 48 : i32
    %swap3A_770 = arith.index_cast %swap3A_769 : i32 to index
    %swap3A_771 = arith.constant 0 : index
    %swap3A_772 = tpu.vector_load %arg14[%swap3A_770, %swap3A_771] {strides = array<i32>} : memref<128x64xf32, #tpu.memory_space<vmem>>, vector<16xf32>,
    tpu.vector_store %arg14[%swap3A_770, %swap3A_771], %broadcast_in_dim3A_1 {strides = array<i32>} : memref<128x64xf32, #tpu.memory_space<vmem>>, vector<16xf32>,
    %swap3A_773 = arith.constant 48 : i32
    %swap3A_774 = arith.index_cast %swap3A_773 : i32 to index
    %swap3A_775 = arith.constant 16 : index
    %swap3A_776 = tpu.vector_load %arg14[%swap3A_774, %swap3A_775] {strides = array<i32>} : memref<128x64xf32, #tpu.memory_space<vmem>>, vector<16xf32>,
    tpu.vector_store %arg14[%swap3A_774, %swap3A_775], %broadcast_in_dim3A_1 {strides = array<i32>} : memref<128x64xf32, #tpu.memory_space<vmem>>, vector<16xf32>,
    %swap3A_777 = arith.constant 48 : i32
    %swap3A_778 = arith.index_cast %swap3A_777 : i32 to index
    %swap3A_779 = arith.constant 32 : index
    %swap3A_780 = tpu.vector_load %arg14[%swap3A_778, %swap3A_779] {strides = array<i32>} : memref<128x64xf32, #tpu.memory_space<vmem>>, vector<16xf32>,
    tpu.vector_store %arg14[%swap3A_778, %swap3A_779], %broadcast_in_dim3A_1 {strides = array<i32>} : memref<128x64xf32, #tpu.memory_space<vmem>>, vector<16xf32>,
    %swap3A_781 = arith.constant 48 : i32
    %swap3A_782 = arith.index_cast %swap3A_781 : i32 to index
    %swap3A_783 = arith.constant 48 : index
    %swap3A_784 = tpu.vector_load %arg14[%swap3A_782, %swap3A_783] {strides = array<i32>} : memref<128x64xf32, #tpu.memory_space<vmem>>, vector<16xf32>,
    tpu.vector_store %arg14[%swap3A_782, %swap3A_783], %broadcast_in_dim3A_1 {strides = array<i32>} : memref<128x64xf32, #tpu.memory_space<vmem>>, vector<16xf32>,
    %swap3A_785 = arith.constant 49 : i32
    %swap3A_786 = arith.index_cast %swap3A_785 : i32 to index
    %swap3A_787 = arith.constant 0 : index
    %swap3A_788 = tpu.vector_load %arg14[%swap3A_786, %swap3A_787] {strides = array<i32>} : memref<128x64xf32, #tpu.memory_space<vmem>>, vector<16xf32>,
    tpu.vector_store %arg14[%swap3A_786, %swap3A_787], %broadcast_in_dim3A_1 {strides = array<i32>} : memref<128x64xf32, #tpu.memory_space<vmem>>, vector<16xf32>,
    %swap3A_789 = arith.constant 49 : i32
    %swap3A_790 = arith.index_cast %swap3A_789 : i32 to index
    %swap3A_791 = arith.constant 16 : index
    %swap3A_792 = tpu.vector_load %arg14[%swap3A_790, %swap3A_791] {strides = array<i32>} : memref<128x64xf32, #tpu.memory_space<vmem>>, vector<16xf32>,
    tpu.vector_store %arg14[%swap3A_790, %swap3A_791], %broadcast_in_dim3A_1 {strides = array<i32>} : memref<128x64xf32, #tpu.memory_space<vmem>>, vector<16xf32>,
    %swap3A_793 = arith.constant 49 : i32
    %swap3A_794 = arith.index_cast %swap3A_793 : i32 to index
    %swap3A_795 = arith.constant 32 : index
    %swap3A_796 = tpu.vector_load %arg14[%swap3A_794, %swap3A_795] {strides = array<i32>} : memref<128x64xf32, #tpu.memory_space<vmem>>, vector<16xf32>,
    tpu.vector_store %arg14[%swap3A_794, %swap3A_795], %broadcast_in_dim3A_1 {strides = array<i32>} : memref<128x64xf32, #tpu.memory_space<vmem>>, vector<16xf32>,
    %swap3A_797 = arith.constant 49 : i32
    %swap3A_798 = arith.index_cast %swap3A_797 : i32 to index
    %swap3A_799 = arith.constant 48 : index
    %swap3A_800 = tpu.vector_load %arg14[%swap3A_798, %swap3A_799] {strides = array<i32>} : memref<128x64xf32, #tpu.memory_space<vmem>>, vector<16xf32>,
    tpu.vector_store %arg14[%swap3A_798, %swap3A_799], %broadcast_in_dim3A_1 {strides = array<i32>} : memref<128x64xf32, #tpu.memory_space<vmem>>, vector<16xf32>,
    %swap3A_801 = arith.constant 50 : i32
    %swap3A_802 = arith.index_cast %swap3A_801 : i32 to index
    %swap3A_803 = arith.constant 0 : index
    %swap3A_804 = tpu.vector_load %arg14[%swap3A_802, %swap3A_803] {strides = array<i32>} : memref<128x64xf32, #tpu.memory_space<vmem>>, vector<16xf32>,
    tpu.vector_store %arg14[%swap3A_802, %swap3A_803], %broadcast_in_dim3A_1 {strides = array<i32>} : memref<128x64xf32, #tpu.memory_space<vmem>>, vector<16xf32>,
    %swap3A_805 = arith.constant 50 : i32
    %swap3A_806 = arith.index_cast %swap3A_805 : i32 to index
    %swap3A_807 = arith.constant 16 : index
    %swap3A_808 = tpu.vector_load %arg14[%swap3A_806, %swap3A_807] {strides = array<i32>} : memref<128x64xf32, #tpu.memory_space<vmem>>, vector<16xf32>,
    tpu.vector_store %arg14[%swap3A_806, %swap3A_807], %broadcast_in_dim3A_1 {strides = array<i32>} : memref<128x64xf32, #tpu.memory_space<vmem>>, vector<16xf32>,
    %swap3A_809 = arith.constant 50 : i32
    %swap3A_810 = arith.index_cast %swap3A_809 : i32 to index
    %swap3A_811 = arith.constant 32 : index
    %swap3A_812 = tpu.vector_load %arg14[%swap3A_810, %swap3A_811] {strides = array<i32>} : memref<128x64xf32, #tpu.memory_space<vmem>>, vector<16xf32>,
    tpu.vector_store %arg14[%swap3A_810, %swap3A_811], %broadcast_in_dim3A_1 {strides = array<i32>} : memref<128x64xf32, #tpu.memory_space<vmem>>, vector<16xf32>,
    %swap3A_813 = arith.constant 50 : i32
    %swap3A_814 = arith.index_cast %swap3A_813 : i32 to index
    %swap3A_815 = arith.constant 48 : index
    %swap3A_816 = tpu.vector_load %arg14[%swap3A_814, %swap3A_815] {strides = array<i32>} : memref<128x64xf32, #tpu.memory_space<vmem>>, vector<16xf32>,
    tpu.vector_store %arg14[%swap3A_814, %swap3A_815], %broadcast_in_dim3A_1 {strides = array<i32>} : memref<128x64xf32, #tpu.memory_space<vmem>>, vector<16xf32>,
    %swap3A_817 = arith.constant 51 : i32
    %swap3A_818 = arith.index_cast %swap3A_817 : i32 to index
    %swap3A_819 = arith.constant 0 : index
    %swap3A_820 = tpu.vector_load %arg14[%swap3A_818, %swap3A_819] {strides = array<i32>} : memref<128x64xf32, #tpu.memory_space<vmem>>, vector<16xf32>,
    tpu.vector_store %arg14[%swap3A_818, %swap3A_819], %broadcast_in_dim3A_1 {strides = array<i32>} : memref<128x64xf32, #tpu.memory_space<vmem>>, vector<16xf32>,
    %swap3A_821 = arith.constant 51 : i32
    %swap3A_822 = arith.index_cast %swap3A_821 : i32 to index
    %swap3A_823 = arith.constant 16 : index
    %swap3A_824 = tpu.vector_load %arg14[%swap3A_822, %swap3A_823] {strides = array<i32>} : memref<128x64xf32, #tpu.memory_space<vmem>>, vector<16xf32>,
    tpu.vector_store %arg14[%swap3A_822, %swap3A_823], %broadcast_in_dim3A_1 {strides = array<i32>} : memref<128x64xf32, #tpu.memory_space<vmem>>, vector<16xf32>,
    %swap3A_825 = arith.constant 51 : i32
    %swap3A_826 = arith.index_cast %swap3A_825 : i32 to index
    %swap3A_827 = arith.constant 32 : index
    %swap3A_828 = tpu.vector_load %arg14[%swap3A_826, %swap3A_827] {strides = array<i32>} : memref<128x64xf32, #tpu.memory_space<vmem>>, vector<16xf32>,
    tpu.vector_store %arg14[%swap3A_826, %swap3A_827], %broadcast_in_dim3A_1 {strides = array<i32>} : memref<128x64xf32, #tpu.memory_space<vmem>>, vector<16xf32>,
    %swap3A_829 = arith.constant 51 : i32
    %swap3A_830 = arith.index_cast %swap3A_829 : i32 to index
    %swap3A_831 = arith.constant 48 : index
    %swap3A_832 = tpu.vector_load %arg14[%swap3A_830, %swap3A_831] {strides = array<i32>} : memref<128x64xf32, #tpu.memory_space<vmem>>, vector<16xf32>,
    tpu.vector_store %arg14[%swap3A_830, %swap3A_831], %broadcast_in_dim3A_1 {strides = array<i32>} : memref<128x64xf32, #tpu.memory_space<vmem>>, vector<16xf32>,
    %swap3A_833 = arith.constant 52 : i32
    %swap3A_834 = arith.index_cast %swap3A_833 : i32 to index
    %swap3A_835 = arith.constant 0 : index
    %swap3A_836 = tpu.vector_load %arg14[%swap3A_834, %swap3A_835] {strides = array<i32>} : memref<128x64xf32, #tpu.memory_space<vmem>>, vector<16xf32>,
    tpu.vector_store %arg14[%swap3A_834, %swap3A_835], %broadcast_in_dim3A_1 {strides = array<i32>} : memref<128x64xf32, #tpu.memory_space<vmem>>, vector<16xf32>,
    %swap3A_837 = arith.constant 52 : i32
    %swap3A_838 = arith.index_cast %swap3A_837 : i32 to index
    %swap3A_839 = arith.constant 16 : index
    %swap3A_840 = tpu.vector_load %arg14[%swap3A_838, %swap3A_839] {strides = array<i32>} : memref<128x64xf32, #tpu.memory_space<vmem>>, vector<16xf32>,
    tpu.vector_store %arg14[%swap3A_838, %swap3A_839], %broadcast_in_dim3A_1 {strides = array<i32>} : memref<128x64xf32, #tpu.memory_space<vmem>>, vector<16xf32>,
    %swap3A_841 = arith.constant 52 : i32
    %swap3A_842 = arith.index_cast %swap3A_841 : i32 to index
    %swap3A_843 = arith.constant 32 : index
    %swap3A_844 = tpu.vector_load %arg14[%swap3A_842, %swap3A_843] {strides = array<i32>} : memref<128x64xf32, #tpu.memory_space<vmem>>, vector<16xf32>,
    tpu.vector_store %arg14[%swap3A_842, %swap3A_843], %broadcast_in_dim3A_1 {strides = array<i32>} : memref<128x64xf32, #tpu.memory_space<vmem>>, vector<16xf32>,
    %swap3A_845 = arith.constant 52 : i32
    %swap3A_846 = arith.index_cast %swap3A_845 : i32 to index
    %swap3A_847 = arith.constant 48 : index
    %swap3A_848 = tpu.vector_load %arg14[%swap3A_846, %swap3A_847] {strides = array<i32>} : memref<128x64xf32, #tpu.memory_space<vmem>>, vector<16xf32>,
    tpu.vector_store %arg14[%swap3A_846, %swap3A_847], %broadcast_in_dim3A_1 {strides = array<i32>} : memref<128x64xf32, #tpu.memory_space<vmem>>, vector<16xf32>,
    %swap3A_849 = arith.constant 53 : i32
    %swap3A_850 = arith.index_cast %swap3A_849 : i32 to index
    %swap3A_851 = arith.constant 0 : index
    %swap3A_852 = tpu.vector_load %arg14[%swap3A_850, %swap3A_851] {strides = array<i32>} : memref<128x64xf32, #tpu.memory_space<vmem>>, vector<16xf32>,
    tpu.vector_store %arg14[%swap3A_850, %swap3A_851], %broadcast_in_dim3A_1 {strides = array<i32>} : memref<128x64xf32, #tpu.memory_space<vmem>>, vector<16xf32>,
    %swap3A_853 = arith.constant 53 : i32
    %swap3A_854 = arith.index_cast %swap3A_853 : i32 to index
    %swap3A_855 = arith.constant 16 : index
    %swap3A_856 = tpu.vector_load %arg14[%swap3A_854, %swap3A_855] {strides = array<i32>} : memref<128x64xf32, #tpu.memory_space<vmem>>, vector<16xf32>,
    tpu.vector_store %arg14[%swap3A_854, %swap3A_855], %broadcast_in_dim3A_1 {strides = array<i32>} : memref<128x64xf32, #tpu.memory_space<vmem>>, vector<16xf32>,
    %swap3A_857 = arith.constant 53 : i32
    %swap3A_858 = arith.index_cast %swap3A_857 : i32 to index
    %swap3A_859 = arith.constant 32 : index
    %swap3A_860 = tpu.vector_load %arg14[%swap3A_858, %swap3A_859] {strides = array<i32>} : memref<128x64xf32, #tpu.memory_space<vmem>>, vector<16xf32>,
    tpu.vector_store %arg14[%swap3A_858, %swap3A_859], %broadcast_in_dim3A_1 {strides = array<i32>} : memref<128x64xf32, #tpu.memory_space<vmem>>, vector<16xf32>,
    %swap3A_861 = arith.constant 53 : i32
    %swap3A_862 = arith.index_cast %swap3A_861 : i32 to index
    %swap3A_863 = arith.constant 48 : index
    %swap3A_864 = tpu.vector_load %arg14[%swap3A_862, %swap3A_863] {strides = array<i32>} : memref<128x64xf32, #tpu.memory_space<vmem>>, vector<16xf32>,
    tpu.vector_store %arg14[%swap3A_862, %swap3A_863], %broadcast_in_dim3A_1 {strides = array<i32>} : memref<128x64xf32, #tpu.memory_space<vmem>>, vector<16xf32>,
    %swap3A_865 = arith.constant 54 : i32
    %swap3A_866 = arith.index_cast %swap3A_865 : i32 to index
    %swap3A_867 = arith.constant 0 : index
    %swap3A_868 = tpu.vector_load %arg14[%swap3A_866, %swap3A_867] {strides = array<i32>} : memref<128x64xf32, #tpu.memory_space<vmem>>, vector<16xf32>,
    tpu.vector_store %arg14[%swap3A_866, %swap3A_867], %broadcast_in_dim3A_1 {strides = array<i32>} : memref<128x64xf32, #tpu.memory_space<vmem>>, vector<16xf32>,
    %swap3A_869 = arith.constant 54 : i32
    %swap3A_870 = arith.index_cast %swap3A_869 : i32 to index
    %swap3A_871 = arith.constant 16 : index
    %swap3A_872 = tpu.vector_load %arg14[%swap3A_870, %swap3A_871] {strides = array<i32>} : memref<128x64xf32, #tpu.memory_space<vmem>>, vector<16xf32>,
    tpu.vector_store %arg14[%swap3A_870, %swap3A_871], %broadcast_in_dim3A_1 {strides = array<i32>} : memref<128x64xf32, #tpu.memory_space<vmem>>, vector<16xf32>,
    %swap3A_873 = arith.constant 54 : i32
    %swap3A_874 = arith.index_cast %swap3A_873 : i32 to index
    %swap3A_875 = arith.constant 32 : index
    %swap3A_876 = tpu.vector_load %arg14[%swap3A_874, %swap3A_875] {strides = array<i32>} : memref<128x64xf32, #tpu.memory_space<vmem>>, vector<16xf32>,
    tpu.vector_store %arg14[%swap3A_874, %swap3A_875], %broadcast_in_dim3A_1 {strides = array<i32>} : memref<128x64xf32, #tpu.memory_space<vmem>>, vector<16xf32>,
    %swap3A_877 = arith.constant 54 : i32
    %swap3A_878 = arith.index_cast %swap3A_877 : i32 to index
    %swap3A_879 = arith.constant 48 : index
    %swap3A_880 = tpu.vector_load %arg14[%swap3A_878, %swap3A_879] {strides = array<i32>} : memref<128x64xf32, #tpu.memory_space<vmem>>, vector<16xf32>,
    tpu.vector_store %arg14[%swap3A_878, %swap3A_879], %broadcast_in_dim3A_1 {strides = array<i32>} : memref<128x64xf32, #tpu.memory_space<vmem>>, vector<16xf32>,
    %swap3A_881 = arith.constant 55 : i32
    %swap3A_882 = arith.index_cast %swap3A_881 : i32 to index
    %swap3A_883 = arith.constant 0 : index
    %swap3A_884 = tpu.vector_load %arg14[%swap3A_882, %swap3A_883] {strides = array<i32>} : memref<128x64xf32, #tpu.memory_space<vmem>>, vector<16xf32>,
    tpu.vector_store %arg14[%swap3A_882, %swap3A_883], %broadcast_in_dim3A_1 {strides = array<i32>} : memref<128x64xf32, #tpu.memory_space<vmem>>, vector<16xf32>,
    %swap3A_885 = arith.constant 55 : i32
    %swap3A_886 = arith.index_cast %swap3A_885 : i32 to index
    %swap3A_887 = arith.constant 16 : index
    %swap3A_888 = tpu.vector_load %arg14[%swap3A_886, %swap3A_887] {strides = array<i32>} : memref<128x64xf32, #tpu.memory_space<vmem>>, vector<16xf32>,
    tpu.vector_store %arg14[%swap3A_886, %swap3A_887], %broadcast_in_dim3A_1 {strides = array<i32>} : memref<128x64xf32, #tpu.memory_space<vmem>>, vector<16xf32>,
    %swap3A_889 = arith.constant 55 : i32
    %swap3A_890 = arith.index_cast %swap3A_889 : i32 to index
    %swap3A_891 = arith.constant 32 : index
    %swap3A_892 = tpu.vector_load %arg14[%swap3A_890, %swap3A_891] {strides = array<i32>} : memref<128x64xf32, #tpu.memory_space<vmem>>, vector<16xf32>,
    tpu.vector_store %arg14[%swap3A_890, %swap3A_891], %broadcast_in_dim3A_1 {strides = array<i32>} : memref<128x64xf32, #tpu.memory_space<vmem>>, vector<16xf32>,
    %swap3A_893 = arith.constant 55 : i32
    %swap3A_894 = arith.index_cast %swap3A_893 : i32 to index
    %swap3A_895 = arith.constant 48 : index
    %swap3A_896 = tpu.vector_load %arg14[%swap3A_894, %swap3A_895] {strides = array<i32>} : memref<128x64xf32, #tpu.memory_space<vmem>>, vector<16xf32>,
    tpu.vector_store %arg14[%swap3A_894, %swap3A_895], %broadcast_in_dim3A_1 {strides = array<i32>} : memref<128x64xf32, #tpu.memory_space<vmem>>, vector<16xf32>,
    %swap3A_897 = arith.constant 56 : i32
    %swap3A_898 = arith.index_cast %swap3A_897 : i32 to index
    %swap3A_899 = arith.constant 0 : index
    %swap3A_900 = tpu.vector_load %arg14[%swap3A_898, %swap3A_899] {strides = array<i32>} : memref<128x64xf32, #tpu.memory_space<vmem>>, vector<16xf32>,
    tpu.vector_store %arg14[%swap3A_898, %swap3A_899], %broadcast_in_dim3A_1 {strides = array<i32>} : memref<128x64xf32, #tpu.memory_space<vmem>>, vector<16xf32>,
    %swap3A_901 = arith.constant 56 : i32
    %swap3A_902 = arith.index_cast %swap3A_901 : i32 to index
    %swap3A_903 = arith.constant 16 : index
    %swap3A_904 = tpu.vector_load %arg14[%swap3A_902, %swap3A_903] {strides = array<i32>} : memref<128x64xf32, #tpu.memory_space<vmem>>, vector<16xf32>,
    tpu.vector_store %arg14[%swap3A_902, %swap3A_903], %broadcast_in_dim3A_1 {strides = array<i32>} : memref<128x64xf32, #tpu.memory_space<vmem>>, vector<16xf32>,
    %swap3A_905 = arith.constant 56 : i32
    %swap3A_906 = arith.index_cast %swap3A_905 : i32 to index
    %swap3A_907 = arith.constant 32 : index
    %swap3A_908 = tpu.vector_load %arg14[%swap3A_906, %swap3A_907] {strides = array<i32>} : memref<128x64xf32, #tpu.memory_space<vmem>>, vector<16xf32>,
    tpu.vector_store %arg14[%swap3A_906, %swap3A_907], %broadcast_in_dim3A_1 {strides = array<i32>} : memref<128x64xf32, #tpu.memory_space<vmem>>, vector<16xf32>,
    %swap3A_909 = arith.constant 56 : i32
    %swap3A_910 = arith.index_cast %swap3A_909 : i32 to index
    %swap3A_911 = arith.constant 48 : index
    %swap3A_912 = tpu.vector_load %arg14[%swap3A_910, %swap3A_911] {strides = array<i32>} : memref<128x64xf32, #tpu.memory_space<vmem>>, vector<16xf32>,
    tpu.vector_store %arg14[%swap3A_910, %swap3A_911], %broadcast_in_dim3A_1 {strides = array<i32>} : memref<128x64xf32, #tpu.memory_space<vmem>>, vector<16xf32>,
    %swap3A_913 = arith.constant 57 : i32
    %swap3A_914 = arith.index_cast %swap3A_913 : i32 to index
    %swap3A_915 = arith.constant 0 : index
    %swap3A_916 = tpu.vector_load %arg14[%swap3A_914, %swap3A_915] {strides = array<i32>} : memref<128x64xf32, #tpu.memory_space<vmem>>, vector<16xf32>,
    tpu.vector_store %arg14[%swap3A_914, %swap3A_915], %broadcast_in_dim3A_1 {strides = array<i32>} : memref<128x64xf32, #tpu.memory_space<vmem>>, vector<16xf32>,
    %swap3A_917 = arith.constant 57 : i32
    %swap3A_918 = arith.index_cast %swap3A_917 : i32 to index
    %swap3A_919 = arith.constant 16 : index
    %swap3A_920 = tpu.vector_load %arg14[%swap3A_918, %swap3A_919] {strides = array<i32>} : memref<128x64xf32, #tpu.memory_space<vmem>>, vector<16xf32>,
    tpu.vector_store %arg14[%swap3A_918, %swap3A_919], %broadcast_in_dim3A_1 {strides = array<i32>} : memref<128x64xf32, #tpu.memory_space<vmem>>, vector<16xf32>,
    %swap3A_921 = arith.constant 57 : i32
    %swap3A_922 = arith.index_cast %swap3A_921 : i32 to index
    %swap3A_923 = arith.constant 32 : index
    %swap3A_924 = tpu.vector_load %arg14[%swap3A_922, %swap3A_923] {strides = array<i32>} : memref<128x64xf32, #tpu.memory_space<vmem>>, vector<16xf32>,
    tpu.vector_store %arg14[%swap3A_922, %swap3A_923], %broadcast_in_dim3A_1 {strides = array<i32>} : memref<128x64xf32, #tpu.memory_space<vmem>>, vector<16xf32>,
    %swap3A_925 = arith.constant 57 : i32
    %swap3A_926 = arith.index_cast %swap3A_925 : i32 to index
    %swap3A_927 = arith.constant 48 : index
    %swap3A_928 = tpu.vector_load %arg14[%swap3A_926, %swap3A_927] {strides = array<i32>} : memref<128x64xf32, #tpu.memory_space<vmem>>, vector<16xf32>,
    tpu.vector_store %arg14[%swap3A_926, %swap3A_927], %broadcast_in_dim3A_1 {strides = array<i32>} : memref<128x64xf32, #tpu.memory_space<vmem>>, vector<16xf32>,
    %swap3A_929 = arith.constant 58 : i32
    %swap3A_930 = arith.index_cast %swap3A_929 : i32 to index
    %swap3A_931 = arith.constant 0 : index
    %swap3A_932 = tpu.vector_load %arg14[%swap3A_930, %swap3A_931] {strides = array<i32>} : memref<128x64xf32, #tpu.memory_space<vmem>>, vector<16xf32>,
    tpu.vector_store %arg14[%swap3A_930, %swap3A_931], %broadcast_in_dim3A_1 {strides = array<i32>} : memref<128x64xf32, #tpu.memory_space<vmem>>, vector<16xf32>,
    %swap3A_933 = arith.constant 58 : i32
    %swap3A_934 = arith.index_cast %swap3A_933 : i32 to index
    %swap3A_935 = arith.constant 16 : index
    %swap3A_936 = tpu.vector_load %arg14[%swap3A_934, %swap3A_935] {strides = array<i32>} : memref<128x64xf32, #tpu.memory_space<vmem>>, vector<16xf32>,
    tpu.vector_store %arg14[%swap3A_934, %swap3A_935], %broadcast_in_dim3A_1 {strides = array<i32>} : memref<128x64xf32, #tpu.memory_space<vmem>>, vector<16xf32>,
    %swap3A_937 = arith.constant 58 : i32
    %swap3A_938 = arith.index_cast %swap3A_937 : i32 to index
    %swap3A_939 = arith.constant 32 : index
    %swap3A_940 = tpu.vector_load %arg14[%swap3A_938, %swap3A_939] {strides = array<i32>} : memref<128x64xf32, #tpu.memory_space<vmem>>, vector<16xf32>,
    tpu.vector_store %arg14[%swap3A_938, %swap3A_939], %broadcast_in_dim3A_1 {strides = array<i32>} : memref<128x64xf32, #tpu.memory_space<vmem>>, vector<16xf32>,
    %swap3A_941 = arith.constant 58 : i32
    %swap3A_942 = arith.index_cast %swap3A_941 : i32 to index
    %swap3A_943 = arith.constant 48 : index
    %swap3A_944 = tpu.vector_load %arg14[%swap3A_942, %swap3A_943] {strides = array<i32>} : memref<128x64xf32, #tpu.memory_space<vmem>>, vector<16xf32>,
    tpu.vector_store %arg14[%swap3A_942, %swap3A_943], %broadcast_in_dim3A_1 {strides = array<i32>} : memref<128x64xf32, #tpu.memory_space<vmem>>, vector<16xf32>,
    %swap3A_945 = arith.constant 59 : i32
    %swap3A_946 = arith.index_cast %swap3A_945 : i32 to index
    %swap3A_947 = arith.constant 0 : index
    %swap3A_948 = tpu.vector_load %arg14[%swap3A_946, %swap3A_947] {strides = array<i32>} : memref<128x64xf32, #tpu.memory_space<vmem>>, vector<16xf32>,
    tpu.vector_store %arg14[%swap3A_946, %swap3A_947], %broadcast_in_dim3A_1 {strides = array<i32>} : memref<128x64xf32, #tpu.memory_space<vmem>>, vector<16xf32>,
    %swap3A_949 = arith.constant 59 : i32
    %swap3A_950 = arith.index_cast %swap3A_949 : i32 to index
    %swap3A_951 = arith.constant 16 : index
    %swap3A_952 = tpu.vector_load %arg14[%swap3A_950, %swap3A_951] {strides = array<i32>} : memref<128x64xf32, #tpu.memory_space<vmem>>, vector<16xf32>,
    tpu.vector_store %arg14[%swap3A_950, %swap3A_951], %broadcast_in_dim3A_1 {strides = array<i32>} : memref<128x64xf32, #tpu.memory_space<vmem>>, vector<16xf32>,
    %swap3A_953 = arith.constant 59 : i32
    %swap3A_954 = arith.index_cast %swap3A_953 : i32 to index
    %swap3A_955 = arith.constant 32 : index
    %swap3A_956 = tpu.vector_load %arg14[%swap3A_954, %swap3A_955] {strides = array<i32>} : memref<128x64xf32, #tpu.memory_space<vmem>>, vector<16xf32>,
    tpu.vector_store %arg14[%swap3A_954, %swap3A_955], %broadcast_in_dim3A_1 {strides = array<i32>} : memref<128x64xf32, #tpu.memory_space<vmem>>, vector<16xf32>,
    %swap3A_957 = arith.constant 59 : i32
    %swap3A_958 = arith.index_cast %swap3A_957 : i32 to index
    %swap3A_959 = arith.constant 48 : index
    %swap3A_960 = tpu.vector_load %arg14[%swap3A_958, %swap3A_959] {strides = array<i32>} : memref<128x64xf32, #tpu.memory_space<vmem>>, vector<16xf32>,
    tpu.vector_store %arg14[%swap3A_958, %swap3A_959], %broadcast_in_dim3A_1 {strides = array<i32>} : memref<128x64xf32, #tpu.memory_space<vmem>>, vector<16xf32>,
    %swap3A_961 = arith.constant 60 : i32
    %swap3A_962 = arith.index_cast %swap3A_961 : i32 to index
    %swap3A_963 = arith.constant 0 : index
    %swap3A_964 = tpu.vector_load %arg14[%swap3A_962, %swap3A_963] {strides = array<i32>} : memref<128x64xf32, #tpu.memory_space<vmem>>, vector<16xf32>,
    tpu.vector_store %arg14[%swap3A_962, %swap3A_963], %broadcast_in_dim3A_1 {strides = array<i32>} : memref<128x64xf32, #tpu.memory_space<vmem>>, vector<16xf32>,
    %swap3A_965 = arith.constant 60 : i32
    %swap3A_966 = arith.index_cast %swap3A_965 : i32 to index
    %swap3A_967 = arith.constant 16 : index
    %swap3A_968 = tpu.vector_load %arg14[%swap3A_966, %swap3A_967] {strides = array<i32>} : memref<128x64xf32, #tpu.memory_space<vmem>>, vector<16xf32>,
    tpu.vector_store %arg14[%swap3A_966, %swap3A_967], %broadcast_in_dim3A_1 {strides = array<i32>} : memref<128x64xf32, #tpu.memory_space<vmem>>, vector<16xf32>,
    %swap3A_969 = arith.constant 60 : i32
    %swap3A_970 = arith.index_cast %swap3A_969 : i32 to index
    %swap3A_971 = arith.constant 32 : index
    %swap3A_972 = tpu.vector_load %arg14[%swap3A_970, %swap3A_971] {strides = array<i32>} : memref<128x64xf32, #tpu.memory_space<vmem>>, vector<16xf32>,
    tpu.vector_store %arg14[%swap3A_970, %swap3A_971], %broadcast_in_dim3A_1 {strides = array<i32>} : memref<128x64xf32, #tpu.memory_space<vmem>>, vector<16xf32>,
    %swap3A_973 = arith.constant 60 : i32
    %swap3A_974 = arith.index_cast %swap3A_973 : i32 to index
    %swap3A_975 = arith.constant 48 : index
    %swap3A_976 = tpu.vector_load %arg14[%swap3A_974, %swap3A_975] {strides = array<i32>} : memref<128x64xf32, #tpu.memory_space<vmem>>, vector<16xf32>,
    tpu.vector_store %arg14[%swap3A_974, %swap3A_975], %broadcast_in_dim3A_1 {strides = array<i32>} : memref<128x64xf32, #tpu.memory_space<vmem>>, vector<16xf32>,
    %swap3A_977 = arith.constant 61 : i32
    %swap3A_978 = arith.index_cast %swap3A_977 : i32 to index
    %swap3A_979 = arith.constant 0 : index
    %swap3A_980 = tpu.vector_load %arg14[%swap3A_978, %swap3A_979] {strides = array<i32>} : memref<128x64xf32, #tpu.memory_space<vmem>>, vector<16xf32>,
    tpu.vector_store %arg14[%swap3A_978, %swap3A_979], %broadcast_in_dim3A_1 {strides = array<i32>} : memref<128x64xf32, #tpu.memory_space<vmem>>, vector<16xf32>,
    %swap3A_981 = arith.constant 61 : i32
    %swap3A_982 = arith.index_cast %swap3A_981 : i32 to index
    %swap3A_983 = arith.constant 16 : index
    %swap3A_984 = tpu.vector_load %arg14[%swap3A_982, %swap3A_983] {strides = array<i32>} : memref<128x64xf32, #tpu.memory_space<vmem>>, vector<16xf32>,
    tpu.vector_store %arg14[%swap3A_982, %swap3A_983], %broadcast_in_dim3A_1 {strides = array<i32>} : memref<128x64xf32, #tpu.memory_space<vmem>>, vector<16xf32>,
    %swap3A_985 = arith.constant 61 : i32
    %swap3A_986 = arith.index_cast %swap3A_985 : i32 to index
    %swap3A_987 = arith.constant 32 : index
    %swap3A_988 = tpu.vector_load %arg14[%swap3A_986, %swap3A_987] {strides = array<i32>} : memref<128x64xf32, #tpu.memory_space<vmem>>, vector<16xf32>,
    tpu.vector_store %arg14[%swap3A_986, %swap3A_987], %broadcast_in_dim3A_1 {strides = array<i32>} : memref<128x64xf32, #tpu.memory_space<vmem>>, vector<16xf32>,
    %swap3A_989 = arith.constant 61 : i32
    %swap3A_990 = arith.index_cast %swap3A_989 : i32 to index
    %swap3A_991 = arith.constant 48 : index
    %swap3A_992 = tpu.vector_load %arg14[%swap3A_990, %swap3A_991] {strides = array<i32>} : memref<128x64xf32, #tpu.memory_space<vmem>>, vector<16xf32>,
    tpu.vector_store %arg14[%swap3A_990, %swap3A_991], %broadcast_in_dim3A_1 {strides = array<i32>} : memref<128x64xf32, #tpu.memory_space<vmem>>, vector<16xf32>,
    %swap3A_993 = arith.constant 62 : i32
    %swap3A_994 = arith.index_cast %swap3A_993 : i32 to index
    %swap3A_995 = arith.constant 0 : index
    %swap3A_996 = tpu.vector_load %arg14[%swap3A_994, %swap3A_995] {strides = array<i32>} : memref<128x64xf32, #tpu.memory_space<vmem>>, vector<16xf32>,
    tpu.vector_store %arg14[%swap3A_994, %swap3A_995], %broadcast_in_dim3A_1 {strides = array<i32>} : memref<128x64xf32, #tpu.memory_space<vmem>>, vector<16xf32>,
    %swap3A_997 = arith.constant 62 : i32
    %swap3A_998 = arith.index_cast %swap3A_997 : i32 to index
    %swap3A_999 = arith.constant 16 : index
    %swap3A_1000 = tpu.vector_load %arg14[%swap3A_998, %swap3A_999] {strides = array<i32>} : memref<128x64xf32, #tpu.memory_space<vmem>>, vector<16xf32>,
    tpu.vector_store %arg14[%swap3A_998, %swap3A_999], %broadcast_in_dim3A_1 {strides = array<i32>} : memref<128x64xf32, #tpu.memory_space<vmem>>, vector<16xf32>,
    %swap3A_1001 = arith.constant 62 : i32
    %swap3A_1002 = arith.index_cast %swap3A_1001 : i32 to index
    %swap3A_1003 = arith.constant 32 : index
    %swap3A_1004 = tpu.vector_load %arg14[%swap3A_1002, %swap3A_1003] {strides = array<i32>} : memref<128x64xf32, #tpu.memory_space<vmem>>, vector<16xf32>,
    tpu.vector_store %arg14[%swap3A_1002, %swap3A_1003], %broadcast_in_dim3A_1 {strides = array<i32>} : memref<128x64xf32, #tpu.memory_space<vmem>>, vector<16xf32>,
    %swap3A_1005 = arith.constant 62 : i32
    %swap3A_1006 = arith.index_cast %swap3A_1005 : i32 to index
    %swap3A_1007 = arith.constant 48 : index
    %swap3A_1008 = tpu.vector_load %arg14[%swap3A_1006, %swap3A_1007] {strides = array<i32>} : memref<128x64xf32, #tpu.memory_space<vmem>>, vector<16xf32>,
    tpu.vector_store %arg14[%swap3A_1006, %swap3A_1007], %broadcast_in_dim3A_1 {strides = array<i32>} : memref<128x64xf32, #tpu.memory_space<vmem>>, vector<16xf32>,
    %swap3A_1009 = arith.constant 63 : i32
    %swap3A_1010 = arith.index_cast %swap3A_1009 : i32 to index
    %swap3A_1011 = arith.constant 0 : index
    %swap3A_1012 = tpu.vector_load %arg14[%swap3A_1010, %swap3A_1011] {strides = array<i32>} : memref<128x64xf32, #tpu.memory_space<vmem>>, vector<16xf32>,
    tpu.vector_store %arg14[%swap3A_1010, %swap3A_1011], %broadcast_in_dim3A_1 {strides = array<i32>} : memref<128x64xf32, #tpu.memory_space<vmem>>, vector<16xf32>,
    %swap3A_1013 = arith.constant 63 : i32
    %swap3A_1014 = arith.index_cast %swap3A_1013 : i32 to index
    %swap3A_1015 = arith.constant 16 : index
    %swap3A_1016 = tpu.vector_load %arg14[%swap3A_1014, %swap3A_1015] {strides = array<i32>} : memref<128x64xf32, #tpu.memory_space<vmem>>, vector<16xf32>,
    tpu.vector_store %arg14[%swap3A_1014, %swap3A_1015], %broadcast_in_dim3A_1 {strides = array<i32>} : memref<128x64xf32, #tpu.memory_space<vmem>>, vector<16xf32>,
    %swap3A_1017 = arith.constant 63 : i32
    %swap3A_1018 = arith.index_cast %swap3A_1017 : i32 to index
    %swap3A_1019 = arith.constant 32 : index
    %swap3A_1020 = tpu.vector_load %arg14[%swap3A_1018, %swap3A_1019] {strides = array<i32>} : memref<128x64xf32, #tpu.memory_space<vmem>>, vector<16xf32>,
    tpu.vector_store %arg14[%swap3A_1018, %swap3A_1019], %broadcast_in_dim3A_1 {strides = array<i32>} : memref<128x64xf32, #tpu.memory_space<vmem>>, vector<16xf32>,
    %swap3A_1021 = arith.constant 63 : i32
    %swap3A_1022 = arith.index_cast %swap3A_1021 : i32 to index
    %swap3A_1023 = arith.constant 48 : index
    %swap3A_1024 = tpu.vector_load %arg14[%swap3A_1022, %swap3A_1023] {strides = array<i32>} : memref<128x64xf32, #tpu.memory_space<vmem>>, vector<16xf32>,
    tpu.vector_store %arg14[%swap3A_1022, %swap3A_1023], %broadcast_in_dim3A_1 {strides = array<i32>} : memref<128x64xf32, #tpu.memory_space<vmem>>, vector<16xf32>,
    %swap3A_1025 = arith.constant 64 : i32
    %swap3A_1026 = arith.index_cast %swap3A_1025 : i32 to index
    %swap3A_1027 = arith.constant 0 : index
    %swap3A_1028 = tpu.vector_load %arg14[%swap3A_1026, %swap3A_1027] {strides = array<i32>} : memref<128x64xf32, #tpu.memory_space<vmem>>, vector<16xf32>,
    tpu.vector_store %arg14[%swap3A_1026, %swap3A_1027], %broadcast_in_dim3A_1 {strides = array<i32>} : memref<128x64xf32, #tpu.memory_space<vmem>>, vector<16xf32>,
    %swap3A_1029 = arith.constant 64 : i32
    %swap3A_1030 = arith.index_cast %swap3A_1029 : i32 to index
    %swap3A_1031 = arith.constant 16 : index
    %swap3A_1032 = tpu.vector_load %arg14[%swap3A_1030, %swap3A_1031] {strides = array<i32>} : memref<128x64xf32, #tpu.memory_space<vmem>>, vector<16xf32>,
    tpu.vector_store %arg14[%swap3A_1030, %swap3A_1031], %broadcast_in_dim3A_1 {strides = array<i32>} : memref<128x64xf32, #tpu.memory_space<vmem>>, vector<16xf32>,
    %swap3A_1033 = arith.constant 64 : i32
    %swap3A_1034 = arith.index_cast %swap3A_1033 : i32 to index
    %swap3A_1035 = arith.constant 32 : index
    %swap3A_1036 = tpu.vector_load %arg14[%swap3A_1034, %swap3A_1035] {strides = array<i32>} : memref<128x64xf32, #tpu.memory_space<vmem>>, vector<16xf32>,
    tpu.vector_store %arg14[%swap3A_1034, %swap3A_1035], %broadcast_in_dim3A_1 {strides = array<i32>} : memref<128x64xf32, #tpu.memory_space<vmem>>, vector<16xf32>,
    %swap3A_1037 = arith.constant 64 : i32
    %swap3A_1038 = arith.index_cast %swap3A_1037 : i32 to index
    %swap3A_1039 = arith.constant 48 : index
    %swap3A_1040 = tpu.vector_load %arg14[%swap3A_1038, %swap3A_1039] {strides = array<i32>} : memref<128x64xf32, #tpu.memory_space<vmem>>, vector<16xf32>,
    tpu.vector_store %arg14[%swap3A_1038, %swap3A_1039], %broadcast_in_dim3A_1 {strides = array<i32>} : memref<128x64xf32, #tpu.memory_space<vmem>>, vector<16xf32>,
    %swap3A_1041 = arith.constant 65 : i32
    %swap3A_1042 = arith.index_cast %swap3A_1041 : i32 to index
    %swap3A_1043 = arith.constant 0 : index
    %swap3A_1044 = tpu.vector_load %arg14[%swap3A_1042, %swap3A_1043] {strides = array<i32>} : memref<128x64xf32, #tpu.memory_space<vmem>>, vector<16xf32>,
    tpu.vector_store %arg14[%swap3A_1042, %swap3A_1043], %broadcast_in_dim3A_1 {strides = array<i32>} : memref<128x64xf32, #tpu.memory_space<vmem>>, vector<16xf32>,
    %swap3A_1045 = arith.constant 65 : i32
    %swap3A_1046 = arith.index_cast %swap3A_1045 : i32 to index
    %swap3A_1047 = arith.constant 16 : index
    %swap3A_1048 = tpu.vector_load %arg14[%swap3A_1046, %swap3A_1047] {strides = array<i32>} : memref<128x64xf32, #tpu.memory_space<vmem>>, vector<16xf32>,
    tpu.vector_store %arg14[%swap3A_1046, %swap3A_1047], %broadcast_in_dim3A_1 {strides = array<i32>} : memref<128x64xf32, #tpu.memory_space<vmem>>, vector<16xf32>,
    %swap3A_1049 = arith.constant 65 : i32
    %swap3A_1050 = arith.index_cast %swap3A_1049 : i32 to index
    %swap3A_1051 = arith.constant 32 : index
    %swap3A_1052 = tpu.vector_load %arg14[%swap3A_1050, %swap3A_1051] {strides = array<i32>} : memref<128x64xf32, #tpu.memory_space<vmem>>, vector<16xf32>,
    tpu.vector_store %arg14[%swap3A_1050, %swap3A_1051], %broadcast_in_dim3A_1 {strides = array<i32>} : memref<128x64xf32, #tpu.memory_space<vmem>>, vector<16xf32>,
    %swap3A_1053 = arith.constant 65 : i32
    %swap3A_1054 = arith.index_cast %swap3A_1053 : i32 to index
    %swap3A_1055 = arith.constant 48 : index
    %swap3A_1056 = tpu.vector_load %arg14[%swap3A_1054, %swap3A_1055] {strides = array<i32>} : memref<128x64xf32, #tpu.memory_space<vmem>>, vector<16xf32>,
    tpu.vector_store %arg14[%swap3A_1054, %swap3A_1055], %broadcast_in_dim3A_1 {strides = array<i32>} : memref<128x64xf32, #tpu.memory_space<vmem>>, vector<16xf32>,
    %swap3A_1057 = arith.constant 66 : i32
    %swap3A_1058 = arith.index_cast %swap3A_1057 : i32 to index
    %swap3A_1059 = arith.constant 0 : index
    %swap3A_1060 = tpu.vector_load %arg14[%swap3A_1058, %swap3A_1059] {strides = array<i32>} : memref<128x64xf32, #tpu.memory_space<vmem>>, vector<16xf32>,
    tpu.vector_store %arg14[%swap3A_1058, %swap3A_1059], %broadcast_in_dim3A_1 {strides = array<i32>} : memref<128x64xf32, #tpu.memory_space<vmem>>, vector<16xf32>,
    %swap3A_1061 = arith.constant 66 : i32
    %swap3A_1062 = arith.index_cast %swap3A_1061 : i32 to index
    %swap3A_1063 = arith.constant 16 : index
    %swap3A_1064 = tpu.vector_load %arg14[%swap3A_1062, %swap3A_1063] {strides = array<i32>} : memref<128x64xf32, #tpu.memory_space<vmem>>, vector<16xf32>,
    tpu.vector_store %arg14[%swap3A_1062, %swap3A_1063], %broadcast_in_dim3A_1 {strides = array<i32>} : memref<128x64xf32, #tpu.memory_space<vmem>>, vector<16xf32>,
    %swap3A_1065 = arith.constant 66 : i32
    %swap3A_1066 = arith.index_cast %swap3A_1065 : i32 to index
    %swap3A_1067 = arith.constant 32 : index
    %swap3A_1068 = tpu.vector_load %arg14[%swap3A_1066, %swap3A_1067] {strides = array<i32>} : memref<128x64xf32, #tpu.memory_space<vmem>>, vector<16xf32>,
    tpu.vector_store %arg14[%swap3A_1066, %swap3A_1067], %broadcast_in_dim3A_1 {strides = array<i32>} : memref<128x64xf32, #tpu.memory_space<vmem>>, vector<16xf32>,
    %swap3A_1069 = arith.constant 66 : i32
    %swap3A_1070 = arith.index_cast %swap3A_1069 : i32 to index
    %swap3A_1071 = arith.constant 48 : index
    %swap3A_1072 = tpu.vector_load %arg14[%swap3A_1070, %swap3A_1071] {strides = array<i32>} : memref<128x64xf32, #tpu.memory_space<vmem>>, vector<16xf32>,
    tpu.vector_store %arg14[%swap3A_1070, %swap3A_1071], %broadcast_in_dim3A_1 {strides = array<i32>} : memref<128x64xf32, #tpu.memory_space<vmem>>, vector<16xf32>,
    %swap3A_1073 = arith.constant 67 : i32
    %swap3A_1074 = arith.index_cast %swap3A_1073 : i32 to index
    %swap3A_1075 = arith.constant 0 : index
    %swap3A_1076 = tpu.vector_load %arg14[%swap3A_1074, %swap3A_1075] {strides = array<i32>} : memref<128x64xf32, #tpu.memory_space<vmem>>, vector<16xf32>,
    tpu.vector_store %arg14[%swap3A_1074, %swap3A_1075], %broadcast_in_dim3A_1 {strides = array<i32>} : memref<128x64xf32, #tpu.memory_space<vmem>>, vector<16xf32>,
    %swap3A_1077 = arith.constant 67 : i32
    %swap3A_1078 = arith.index_cast %swap3A_1077 : i32 to index
    %swap3A_1079 = arith.constant 16 : index
    %swap3A_1080 = tpu.vector_load %arg14[%swap3A_1078, %swap3A_1079] {strides = array<i32>} : memref<128x64xf32, #tpu.memory_space<vmem>>, vector<16xf32>,
    tpu.vector_store %arg14[%swap3A_1078, %swap3A_1079], %broadcast_in_dim3A_1 {strides = array<i32>} : memref<128x64xf32, #tpu.memory_space<vmem>>, vector<16xf32>,
    %swap3A_1081 = arith.constant 67 : i32
    %swap3A_1082 = arith.index_cast %swap3A_1081 : i32 to index
    %swap3A_1083 = arith.constant 32 : index
    %swap3A_1084 = tpu.vector_load %arg14[%swap3A_1082, %swap3A_1083] {strides = array<i32>} : memref<128x64xf32, #tpu.memory_space<vmem>>, vector<16xf32>,
    tpu.vector_store %arg14[%swap3A_1082, %swap3A_1083], %broadcast_in_dim3A_1 {strides = array<i32>} : memref<128x64xf32, #tpu.memory_space<vmem>>, vector<16xf32>,
    %swap3A_1085 = arith.constant 67 : i32
    %swap3A_1086 = arith.index_cast %swap3A_1085 : i32 to index
    %swap3A_1087 = arith.constant 48 : index
    %swap3A_1088 = tpu.vector_load %arg14[%swap3A_1086, %swap3A_1087] {strides = array<i32>} : memref<128x64xf32, #tpu.memory_space<vmem>>, vector<16xf32>,
    tpu.vector_store %arg14[%swap3A_1086, %swap3A_1087], %broadcast_in_dim3A_1 {strides = array<i32>} : memref<128x64xf32, #tpu.memory_space<vmem>>, vector<16xf32>,
    %swap3A_1089 = arith.constant 68 : i32
    %swap3A_1090 = arith.index_cast %swap3A_1089 : i32 to index
    %swap3A_1091 = arith.constant 0 : index
    %swap3A_1092 = tpu.vector_load %arg14[%swap3A_1090, %swap3A_1091] {strides = array<i32>} : memref<128x64xf32, #tpu.memory_space<vmem>>, vector<16xf32>,
    tpu.vector_store %arg14[%swap3A_1090, %swap3A_1091], %broadcast_in_dim3A_1 {strides = array<i32>} : memref<128x64xf32, #tpu.memory_space<vmem>>, vector<16xf32>,
    %swap3A_1093 = arith.constant 68 : i32
    %swap3A_1094 = arith.index_cast %swap3A_1093 : i32 to index
    %swap3A_1095 = arith.constant 16 : index
    %swap3A_1096 = tpu.vector_load %arg14[%swap3A_1094, %swap3A_1095] {strides = array<i32>} : memref<128x64xf32, #tpu.memory_space<vmem>>, vector<16xf32>,
    tpu.vector_store %arg14[%swap3A_1094, %swap3A_1095], %broadcast_in_dim3A_1 {strides = array<i32>} : memref<128x64xf32, #tpu.memory_space<vmem>>, vector<16xf32>,
    %swap3A_1097 = arith.constant 68 : i32
    %swap3A_1098 = arith.index_cast %swap3A_1097 : i32 to index
    %swap3A_1099 = arith.constant 32 : index
    %swap3A_1100 = tpu.vector_load %arg14[%swap3A_1098, %swap3A_1099] {strides = array<i32>} : memref<128x64xf32, #tpu.memory_space<vmem>>, vector<16xf32>,
    tpu.vector_store %arg14[%swap3A_1098, %swap3A_1099], %broadcast_in_dim3A_1 {strides = array<i32>} : memref<128x64xf32, #tpu.memory_space<vmem>>, vector<16xf32>,
    %swap3A_1101 = arith.constant 68 : i32
    %swap3A_1102 = arith.index_cast %swap3A_1101 : i32 to index
    %swap3A_1103 = arith.constant 48 : index
    %swap3A_1104 = tpu.vector_load %arg14[%swap3A_1102, %swap3A_1103] {strides = array<i32>} : memref<128x64xf32, #tpu.memory_space<vmem>>, vector<16xf32>,
    tpu.vector_store %arg14[%swap3A_1102, %swap3A_1103], %broadcast_in_dim3A_1 {strides = array<i32>} : memref<128x64xf32, #tpu.memory_space<vmem>>, vector<16xf32>,
    %swap3A_1105 = arith.constant 69 : i32
    %swap3A_1106 = arith.index_cast %swap3A_1105 : i32 to index
    %swap3A_1107 = arith.constant 0 : index
    %swap3A_1108 = tpu.vector_load %arg14[%swap3A_1106, %swap3A_1107] {strides = array<i32>} : memref<128x64xf32, #tpu.memory_space<vmem>>, vector<16xf32>,
    tpu.vector_store %arg14[%swap3A_1106, %swap3A_1107], %broadcast_in_dim3A_1 {strides = array<i32>} : memref<128x64xf32, #tpu.memory_space<vmem>>, vector<16xf32>,
    %swap3A_1109 = arith.constant 69 : i32
    %swap3A_1110 = arith.index_cast %swap3A_1109 : i32 to index
    %swap3A_1111 = arith.constant 16 : index
    %swap3A_1112 = tpu.vector_load %arg14[%swap3A_1110, %swap3A_1111] {strides = array<i32>} : memref<128x64xf32, #tpu.memory_space<vmem>>, vector<16xf32>,
    tpu.vector_store %arg14[%swap3A_1110, %swap3A_1111], %broadcast_in_dim3A_1 {strides = array<i32>} : memref<128x64xf32, #tpu.memory_space<vmem>>, vector<16xf32>,
    %swap3A_1113 = arith.constant 69 : i32
    %swap3A_1114 = arith.index_cast %swap3A_1113 : i32 to index
    %swap3A_1115 = arith.constant 32 : index
    %swap3A_1116 = tpu.vector_load %arg14[%swap3A_1114, %swap3A_1115] {strides = array<i32>} : memref<128x64xf32, #tpu.memory_space<vmem>>, vector<16xf32>,
    tpu.vector_store %arg14[%swap3A_1114, %swap3A_1115], %broadcast_in_dim3A_1 {strides = array<i32>} : memref<128x64xf32, #tpu.memory_space<vmem>>, vector<16xf32>,
    %swap3A_1117 = arith.constant 69 : i32
    %swap3A_1118 = arith.index_cast %swap3A_1117 : i32 to index
    %swap3A_1119 = arith.constant 48 : index
    %swap3A_1120 = tpu.vector_load %arg14[%swap3A_1118, %swap3A_1119] {strides = array<i32>} : memref<128x64xf32, #tpu.memory_space<vmem>>, vector<16xf32>,
    tpu.vector_store %arg14[%swap3A_1118, %swap3A_1119], %broadcast_in_dim3A_1 {strides = array<i32>} : memref<128x64xf32, #tpu.memory_space<vmem>>, vector<16xf32>,
    %swap3A_1121 = arith.constant 70 : i32
    %swap3A_1122 = arith.index_cast %swap3A_1121 : i32 to index
    %swap3A_1123 = arith.constant 0 : index
    %swap3A_1124 = tpu.vector_load %arg14[%swap3A_1122, %swap3A_1123] {strides = array<i32>} : memref<128x64xf32, #tpu.memory_space<vmem>>, vector<16xf32>,
    tpu.vector_store %arg14[%swap3A_1122, %swap3A_1123], %broadcast_in_dim3A_1 {strides = array<i32>} : memref<128x64xf32, #tpu.memory_space<vmem>>, vector<16xf32>,
    %swap3A_1125 = arith.constant 70 : i32
    %swap3A_1126 = arith.index_cast %swap3A_1125 : i32 to index
    %swap3A_1127 = arith.constant 16 : index
    %swap3A_1128 = tpu.vector_load %arg14[%swap3A_1126, %swap3A_1127] {strides = array<i32>} : memref<128x64xf32, #tpu.memory_space<vmem>>, vector<16xf32>,
    tpu.vector_store %arg14[%swap3A_1126, %swap3A_1127], %broadcast_in_dim3A_1 {strides = array<i32>} : memref<128x64xf32, #tpu.memory_space<vmem>>, vector<16xf32>,
    %swap3A_1129 = arith.constant 70 : i32
    %swap3A_1130 = arith.index_cast %swap3A_1129 : i32 to index
    %swap3A_1131 = arith.constant 32 : index
    %swap3A_1132 = tpu.vector_load %arg14[%swap3A_1130, %swap3A_1131] {strides = array<i32>} : memref<128x64xf32, #tpu.memory_space<vmem>>, vector<16xf32>,
    tpu.vector_store %arg14[%swap3A_1130, %swap3A_1131], %broadcast_in_dim3A_1 {strides = array<i32>} : memref<128x64xf32, #tpu.memory_space<vmem>>, vector<16xf32>,
    %swap3A_1133 = arith.constant 70 : i32
    %swap3A_1134 = arith.index_cast %swap3A_1133 : i32 to index
    %swap3A_1135 = arith.constant 48 : index
    %swap3A_1136 = tpu.vector_load %arg14[%swap3A_1134, %swap3A_1135] {strides = array<i32>} : memref<128x64xf32, #tpu.memory_space<vmem>>, vector<16xf32>,
    tpu.vector_store %arg14[%swap3A_1134, %swap3A_1135], %broadcast_in_dim3A_1 {strides = array<i32>} : memref<128x64xf32, #tpu.memory_space<vmem>>, vector<16xf32>,
    %swap3A_1137 = arith.constant 71 : i32
    %swap3A_1138 = arith.index_cast %swap3A_1137 : i32 to index
    %swap3A_1139 = arith.constant 0 : index
    %swap3A_1140 = tpu.vector_load %arg14[%swap3A_1138, %swap3A_1139] {strides = array<i32>} : memref<128x64xf32, #tpu.memory_space<vmem>>, vector<16xf32>,
    tpu.vector_store %arg14[%swap3A_1138, %swap3A_1139], %broadcast_in_dim3A_1 {strides = array<i32>} : memref<128x64xf32, #tpu.memory_space<vmem>>, vector<16xf32>,
    %swap3A_1141 = arith.constant 71 : i32
    %swap3A_1142 = arith.index_cast %swap3A_1141 : i32 to index
    %swap3A_1143 = arith.constant 16 : index
    %swap3A_1144 = tpu.vector_load %arg14[%swap3A_1142, %swap3A_1143] {strides = array<i32>} : memref<128x64xf32, #tpu.memory_space<vmem>>, vector<16xf32>,
    tpu.vector_store %arg14[%swap3A_1142, %swap3A_1143], %broadcast_in_dim3A_1 {strides = array<i32>} : memref<128x64xf32, #tpu.memory_space<vmem>>, vector<16xf32>,
    %swap3A_1145 = arith.constant 71 : i32
    %swap3A_1146 = arith.index_cast %swap3A_1145 : i32 to index
    %swap3A_1147 = arith.constant 32 : index
    %swap3A_1148 = tpu.vector_load %arg14[%swap3A_1146, %swap3A_1147] {strides = array<i32>} : memref<128x64xf32, #tpu.memory_space<vmem>>, vector<16xf32>,
    tpu.vector_store %arg14[%swap3A_1146, %swap3A_1147], %broadcast_in_dim3A_1 {strides = array<i32>} : memref<128x64xf32, #tpu.memory_space<vmem>>, vector<16xf32>,
    %swap3A_1149 = arith.constant 71 : i32
    %swap3A_1150 = arith.index_cast %swap3A_1149 : i32 to index
    %swap3A_1151 = arith.constant 48 : index
    %swap3A_1152 = tpu.vector_load %arg14[%swap3A_1150, %swap3A_1151] {strides = array<i32>} : memref<128x64xf32, #tpu.memory_space<vmem>>, vector<16xf32>,
    tpu.vector_store %arg14[%swap3A_1150, %swap3A_1151], %broadcast_in_dim3A_1 {strides = array<i32>} : memref<128x64xf32, #tpu.memory_space<vmem>>, vector<16xf32>,
    %swap3A_1153 = arith.constant 72 : i32
    %swap3A_1154 = arith.index_cast %swap3A_1153 : i32 to index
    %swap3A_1155 = arith.constant 0 : index
    %swap3A_1156 = tpu.vector_load %arg14[%swap3A_1154, %swap3A_1155] {strides = array<i32>} : memref<128x64xf32, #tpu.memory_space<vmem>>, vector<16xf32>,
    tpu.vector_store %arg14[%swap3A_1154, %swap3A_1155], %broadcast_in_dim3A_1 {strides = array<i32>} : memref<128x64xf32, #tpu.memory_space<vmem>>, vector<16xf32>,
    %swap3A_1157 = arith.constant 72 : i32
    %swap3A_1158 = arith.index_cast %swap3A_1157 : i32 to index
    %swap3A_1159 = arith.constant 16 : index
    %swap3A_1160 = tpu.vector_load %arg14[%swap3A_1158, %swap3A_1159] {strides = array<i32>} : memref<128x64xf32, #tpu.memory_space<vmem>>, vector<16xf32>,
    tpu.vector_store %arg14[%swap3A_1158, %swap3A_1159], %broadcast_in_dim3A_1 {strides = array<i32>} : memref<128x64xf32, #tpu.memory_space<vmem>>, vector<16xf32>,
    %swap3A_1161 = arith.constant 72 : i32
    %swap3A_1162 = arith.index_cast %swap3A_1161 : i32 to index
    %swap3A_1163 = arith.constant 32 : index
    %swap3A_1164 = tpu.vector_load %arg14[%swap3A_1162, %swap3A_1163] {strides = array<i32>} : memref<128x64xf32, #tpu.memory_space<vmem>>, vector<16xf32>,
    tpu.vector_store %arg14[%swap3A_1162, %swap3A_1163], %broadcast_in_dim3A_1 {strides = array<i32>} : memref<128x64xf32, #tpu.memory_space<vmem>>, vector<16xf32>,
    %swap3A_1165 = arith.constant 72 : i32
    %swap3A_1166 = arith.index_cast %swap3A_1165 : i32 to index
    %swap3A_1167 = arith.constant 48 : index
    %swap3A_1168 = tpu.vector_load %arg14[%swap3A_1166, %swap3A_1167] {strides = array<i32>} : memref<128x64xf32, #tpu.memory_space<vmem>>, vector<16xf32>,
    tpu.vector_store %arg14[%swap3A_1166, %swap3A_1167], %broadcast_in_dim3A_1 {strides = array<i32>} : memref<128x64xf32, #tpu.memory_space<vmem>>, vector<16xf32>,
    %swap3A_1169 = arith.constant 73 : i32
    %swap3A_1170 = arith.index_cast %swap3A_1169 : i32 to index
    %swap3A_1171 = arith.constant 0 : index
    %swap3A_1172 = tpu.vector_load %arg14[%swap3A_1170, %swap3A_1171] {strides = array<i32>} : memref<128x64xf32, #tpu.memory_space<vmem>>, vector<16xf32>,
    tpu.vector_store %arg14[%swap3A_1170, %swap3A_1171], %broadcast_in_dim3A_1 {strides = array<i32>} : memref<128x64xf32, #tpu.memory_space<vmem>>, vector<16xf32>,
    %swap3A_1173 = arith.constant 73 : i32
    %swap3A_1174 = arith.index_cast %swap3A_1173 : i32 to index
    %swap3A_1175 = arith.constant 16 : index
    %swap3A_1176 = tpu.vector_load %arg14[%swap3A_1174, %swap3A_1175] {strides = array<i32>} : memref<128x64xf32, #tpu.memory_space<vmem>>, vector<16xf32>,
    tpu.vector_store %arg14[%swap3A_1174, %swap3A_1175], %broadcast_in_dim3A_1 {strides = array<i32>} : memref<128x64xf32, #tpu.memory_space<vmem>>, vector<16xf32>,
    %swap3A_1177 = arith.constant 73 : i32
    %swap3A_1178 = arith.index_cast %swap3A_1177 : i32 to index
    %swap3A_1179 = arith.constant 32 : index
    %swap3A_1180 = tpu.vector_load %arg14[%swap3A_1178, %swap3A_1179] {strides = array<i32>} : memref<128x64xf32, #tpu.memory_space<vmem>>, vector<16xf32>,
    tpu.vector_store %arg14[%swap3A_1178, %swap3A_1179], %broadcast_in_dim3A_1 {strides = array<i32>} : memref<128x64xf32, #tpu.memory_space<vmem>>, vector<16xf32>,
    %swap3A_1181 = arith.constant 73 : i32
    %swap3A_1182 = arith.index_cast %swap3A_1181 : i32 to index
    %swap3A_1183 = arith.constant 48 : index
    %swap3A_1184 = tpu.vector_load %arg14[%swap3A_1182, %swap3A_1183] {strides = array<i32>} : memref<128x64xf32, #tpu.memory_space<vmem>>, vector<16xf32>,
    tpu.vector_store %arg14[%swap3A_1182, %swap3A_1183], %broadcast_in_dim3A_1 {strides = array<i32>} : memref<128x64xf32, #tpu.memory_space<vmem>>, vector<16xf32>,
    %swap3A_1185 = arith.constant 74 : i32
    %swap3A_1186 = arith.index_cast %swap3A_1185 : i32 to index
    %swap3A_1187 = arith.constant 0 : index
    %swap3A_1188 = tpu.vector_load %arg14[%swap3A_1186, %swap3A_1187] {strides = array<i32>} : memref<128x64xf32, #tpu.memory_space<vmem>>, vector<16xf32>,
    tpu.vector_store %arg14[%swap3A_1186, %swap3A_1187], %broadcast_in_dim3A_1 {strides = array<i32>} : memref<128x64xf32, #tpu.memory_space<vmem>>, vector<16xf32>,
    %swap3A_1189 = arith.constant 74 : i32
    %swap3A_1190 = arith.index_cast %swap3A_1189 : i32 to index
    %swap3A_1191 = arith.constant 16 : index
    %swap3A_1192 = tpu.vector_load %arg14[%swap3A_1190, %swap3A_1191] {strides = array<i32>} : memref<128x64xf32, #tpu.memory_space<vmem>>, vector<16xf32>,
    tpu.vector_store %arg14[%swap3A_1190, %swap3A_1191], %broadcast_in_dim3A_1 {strides = array<i32>} : memref<128x64xf32, #tpu.memory_space<vmem>>, vector<16xf32>,
    %swap3A_1193 = arith.constant 74 : i32
    %swap3A_1194 = arith.index_cast %swap3A_1193 : i32 to index
    %swap3A_1195 = arith.constant 32 : index
    %swap3A_1196 = tpu.vector_load %arg14[%swap3A_1194, %swap3A_1195] {strides = array<i32>} : memref<128x64xf32, #tpu.memory_space<vmem>>, vector<16xf32>,
    tpu.vector_store %arg14[%swap3A_1194, %swap3A_1195], %broadcast_in_dim3A_1 {strides = array<i32>} : memref<128x64xf32, #tpu.memory_space<vmem>>, vector<16xf32>,
    %swap3A_1197 = arith.constant 74 : i32
    %swap3A_1198 = arith.index_cast %swap3A_1197 : i32 to index
    %swap3A_1199 = arith.constant 48 : index
    %swap3A_1200 = tpu.vector_load %arg14[%swap3A_1198, %swap3A_1199] {strides = array<i32>} : memref<128x64xf32, #tpu.memory_space<vmem>>, vector<16xf32>,
    tpu.vector_store %arg14[%swap3A_1198, %swap3A_1199], %broadcast_in_dim3A_1 {strides = array<i32>} : memref<128x64xf32, #tpu.memory_space<vmem>>, vector<16xf32>,
    %swap3A_1201 = arith.constant 75 : i32
    %swap3A_1202 = arith.index_cast %swap3A_1201 : i32 to index
    %swap3A_1203 = arith.constant 0 : index
    %swap3A_1204 = tpu.vector_load %arg14[%swap3A_1202, %swap3A_1203] {strides = array<i32>} : memref<128x64xf32, #tpu.memory_space<vmem>>, vector<16xf32>,
    tpu.vector_store %arg14[%swap3A_1202, %swap3A_1203], %broadcast_in_dim3A_1 {strides = array<i32>} : memref<128x64xf32, #tpu.memory_space<vmem>>, vector<16xf32>,
    %swap3A_1205 = arith.constant 75 : i32
    %swap3A_1206 = arith.index_cast %swap3A_1205 : i32 to index
    %swap3A_1207 = arith.constant 16 : index
    %swap3A_1208 = tpu.vector_load %arg14[%swap3A_1206, %swap3A_1207] {strides = array<i32>} : memref<128x64xf32, #tpu.memory_space<vmem>>, vector<16xf32>,
    tpu.vector_store %arg14[%swap3A_1206, %swap3A_1207], %broadcast_in_dim3A_1 {strides = array<i32>} : memref<128x64xf32, #tpu.memory_space<vmem>>, vector<16xf32>,
    %swap3A_1209 = arith.constant 75 : i32
    %swap3A_1210 = arith.index_cast %swap3A_1209 : i32 to index
    %swap3A_1211 = arith.constant 32 : index
    %swap3A_1212 = tpu.vector_load %arg14[%swap3A_1210, %swap3A_1211] {strides = array<i32>} : memref<128x64xf32, #tpu.memory_space<vmem>>, vector<16xf32>,
    tpu.vector_store %arg14[%swap3A_1210, %swap3A_1211], %broadcast_in_dim3A_1 {strides = array<i32>} : memref<128x64xf32, #tpu.memory_space<vmem>>, vector<16xf32>,
    %swap3A_1213 = arith.constant 75 : i32
    %swap3A_1214 = arith.index_cast %swap3A_1213 : i32 to index
    %swap3A_1215 = arith.constant 48 : index
    %swap3A_1216 = tpu.vector_load %arg14[%swap3A_1214, %swap3A_1215] {strides = array<i32>} : memref<128x64xf32, #tpu.memory_space<vmem>>, vector<16xf32>,
    tpu.vector_store %arg14[%swap3A_1214, %swap3A_1215], %broadcast_in_dim3A_1 {strides = array<i32>} : memref<128x64xf32, #tpu.memory_space<vmem>>, vector<16xf32>,
    %swap3A_1217 = arith.constant 76 : i32
    %swap3A_1218 = arith.index_cast %swap3A_1217 : i32 to index
    %swap3A_1219 = arith.constant 0 : index
    %swap3A_1220 = tpu.vector_load %arg14[%swap3A_1218, %swap3A_1219] {strides = array<i32>} : memref<128x64xf32, #tpu.memory_space<vmem>>, vector<16xf32>,
    tpu.vector_store %arg14[%swap3A_1218, %swap3A_1219], %broadcast_in_dim3A_1 {strides = array<i32>} : memref<128x64xf32, #tpu.memory_space<vmem>>, vector<16xf32>,
    %swap3A_1221 = arith.constant 76 : i32
    %swap3A_1222 = arith.index_cast %swap3A_1221 : i32 to index
    %swap3A_1223 = arith.constant 16 : index
    %swap3A_1224 = tpu.vector_load %arg14[%swap3A_1222, %swap3A_1223] {strides = array<i32>} : memref<128x64xf32, #tpu.memory_space<vmem>>, vector<16xf32>,
    tpu.vector_store %arg14[%swap3A_1222, %swap3A_1223], %broadcast_in_dim3A_1 {strides = array<i32>} : memref<128x64xf32, #tpu.memory_space<vmem>>, vector<16xf32>,
    %swap3A_1225 = arith.constant 76 : i32
    %swap3A_1226 = arith.index_cast %swap3A_1225 : i32 to index
    %swap3A_1227 = arith.constant 32 : index
    %swap3A_1228 = tpu.vector_load %arg14[%swap3A_1226, %swap3A_1227] {strides = array<i32>} : memref<128x64xf32, #tpu.memory_space<vmem>>, vector<16xf32>,
    tpu.vector_store %arg14[%swap3A_1226, %swap3A_1227], %broadcast_in_dim3A_1 {strides = array<i32>} : memref<128x64xf32, #tpu.memory_space<vmem>>, vector<16xf32>,
    %swap3A_1229 = arith.constant 76 : i32
    %swap3A_1230 = arith.index_cast %swap3A_1229 : i32 to index
    %swap3A_1231 = arith.constant 48 : index
    %swap3A_1232 = tpu.vector_load %arg14[%swap3A_1230, %swap3A_1231] {strides = array<i32>} : memref<128x64xf32, #tpu.memory_space<vmem>>, vector<16xf32>,
    tpu.vector_store %arg14[%swap3A_1230, %swap3A_1231], %broadcast_in_dim3A_1 {strides = array<i32>} : memref<128x64xf32, #tpu.memory_space<vmem>>, vector<16xf32>,
    %swap3A_1233 = arith.constant 77 : i32
    %swap3A_1234 = arith.index_cast %swap3A_1233 : i32 to index
    %swap3A_1235 = arith.constant 0 : index
    %swap3A_1236 = tpu.vector_load %arg14[%swap3A_1234, %swap3A_1235] {strides = array<i32>} : memref<128x64xf32, #tpu.memory_space<vmem>>, vector<16xf32>,
    tpu.vector_store %arg14[%swap3A_1234, %swap3A_1235], %broadcast_in_dim3A_1 {strides = array<i32>} : memref<128x64xf32, #tpu.memory_space<vmem>>, vector<16xf32>,
    %swap3A_1237 = arith.constant 77 : i32
    %swap3A_1238 = arith.index_cast %swap3A_1237 : i32 to index
    %swap3A_1239 = arith.constant 16 : index
    %swap3A_1240 = tpu.vector_load %arg14[%swap3A_1238, %swap3A_1239] {strides = array<i32>} : memref<128x64xf32, #tpu.memory_space<vmem>>, vector<16xf32>,
    tpu.vector_store %arg14[%swap3A_1238, %swap3A_1239], %broadcast_in_dim3A_1 {strides = array<i32>} : memref<128x64xf32, #tpu.memory_space<vmem>>, vector<16xf32>,
    %swap3A_1241 = arith.constant 77 : i32
    %swap3A_1242 = arith.index_cast %swap3A_1241 : i32 to index
    %swap3A_1243 = arith.constant 32 : index
    %swap3A_1244 = tpu.vector_load %arg14[%swap3A_1242, %swap3A_1243] {strides = array<i32>} : memref<128x64xf32, #tpu.memory_space<vmem>>, vector<16xf32>,
    tpu.vector_store %arg14[%swap3A_1242, %swap3A_1243], %broadcast_in_dim3A_1 {strides = array<i32>} : memref<128x64xf32, #tpu.memory_space<vmem>>, vector<16xf32>,
    %swap3A_1245 = arith.constant 77 : i32
    %swap3A_1246 = arith.index_cast %swap3A_1245 : i32 to index
    %swap3A_1247 = arith.constant 48 : index
    %swap3A_1248 = tpu.vector_load %arg14[%swap3A_1246, %swap3A_1247] {strides = array<i32>} : memref<128x64xf32, #tpu.memory_space<vmem>>, vector<16xf32>,
    tpu.vector_store %arg14[%swap3A_1246, %swap3A_1247], %broadcast_in_dim3A_1 {strides = array<i32>} : memref<128x64xf32, #tpu.memory_space<vmem>>, vector<16xf32>,
    %swap3A_1249 = arith.constant 78 : i32
    %swap3A_1250 = arith.index_cast %swap3A_1249 : i32 to index
    %swap3A_1251 = arith.constant 0 : index
    %swap3A_1252 = tpu.vector_load %arg14[%swap3A_1250, %swap3A_1251] {strides = array<i32>} : memref<128x64xf32, #tpu.memory_space<vmem>>, vector<16xf32>,
    tpu.vector_store %arg14[%swap3A_1250, %swap3A_1251], %broadcast_in_dim3A_1 {strides = array<i32>} : memref<128x64xf32, #tpu.memory_space<vmem>>, vector<16xf32>,
    %swap3A_1253 = arith.constant 78 : i32
    %swap3A_1254 = arith.index_cast %swap3A_1253 : i32 to index
    %swap3A_1255 = arith.constant 16 : index
    %swap3A_1256 = tpu.vector_load %arg14[%swap3A_1254, %swap3A_1255] {strides = array<i32>} : memref<128x64xf32, #tpu.memory_space<vmem>>, vector<16xf32>,
    tpu.vector_store %arg14[%swap3A_1254, %swap3A_1255], %broadcast_in_dim3A_1 {strides = array<i32>} : memref<128x64xf32, #tpu.memory_space<vmem>>, vector<16xf32>,
    %swap3A_1257 = arith.constant 78 : i32
    %swap3A_1258 = arith.index_cast %swap3A_1257 : i32 to index
    %swap3A_1259 = arith.constant 32 : index
    %swap3A_1260 = tpu.vector_load %arg14[%swap3A_1258, %swap3A_1259] {strides = array<i32>} : memref<128x64xf32, #tpu.memory_space<vmem>>, vector<16xf32>,
    tpu.vector_store %arg14[%swap3A_1258, %swap3A_1259], %broadcast_in_dim3A_1 {strides = array<i32>} : memref<128x64xf32, #tpu.memory_space<vmem>>, vector<16xf32>,
    %swap3A_1261 = arith.constant 78 : i32
    %swap3A_1262 = arith.index_cast %swap3A_1261 : i32 to index
    %swap3A_1263 = arith.constant 48 : index
    %swap3A_1264 = tpu.vector_load %arg14[%swap3A_1262, %swap3A_1263] {strides = array<i32>} : memref<128x64xf32, #tpu.memory_space<vmem>>, vector<16xf32>,
    tpu.vector_store %arg14[%swap3A_1262, %swap3A_1263], %broadcast_in_dim3A_1 {strides = array<i32>} : memref<128x64xf32, #tpu.memory_space<vmem>>, vector<16xf32>,
    %swap3A_1265 = arith.constant 79 : i32
    %swap3A_1266 = arith.index_cast %swap3A_1265 : i32 to index
    %swap3A_1267 = arith.constant 0 : index
    %swap3A_1268 = tpu.vector_load %arg14[%swap3A_1266, %swap3A_1267] {strides = array<i32>} : memref<128x64xf32, #tpu.memory_space<vmem>>, vector<16xf32>,
    tpu.vector_store %arg14[%swap3A_1266, %swap3A_1267], %broadcast_in_dim3A_1 {strides = array<i32>} : memref<128x64xf32, #tpu.memory_space<vmem>>, vector<16xf32>,
    %swap3A_1269 = arith.constant 79 : i32
    %swap3A_1270 = arith.index_cast %swap3A_1269 : i32 to index
    %swap3A_1271 = arith.constant 16 : index
    %swap3A_1272 = tpu.vector_load %arg14[%swap3A_1270, %swap3A_1271] {strides = array<i32>} : memref<128x64xf32, #tpu.memory_space<vmem>>, vector<16xf32>,
    tpu.vector_store %arg14[%swap3A_1270, %swap3A_1271], %broadcast_in_dim3A_1 {strides = array<i32>} : memref<128x64xf32, #tpu.memory_space<vmem>>, vector<16xf32>,
    %swap3A_1273 = arith.constant 79 : i32
    %swap3A_1274 = arith.index_cast %swap3A_1273 : i32 to index
    %swap3A_1275 = arith.constant 32 : index
    %swap3A_1276 = tpu.vector_load %arg14[%swap3A_1274, %swap3A_1275] {strides = array<i32>} : memref<128x64xf32, #tpu.memory_space<vmem>>, vector<16xf32>,
    tpu.vector_store %arg14[%swap3A_1274, %swap3A_1275], %broadcast_in_dim3A_1 {strides = array<i32>} : memref<128x64xf32, #tpu.memory_space<vmem>>, vector<16xf32>,
    %swap3A_1277 = arith.constant 79 : i32
    %swap3A_1278 = arith.index_cast %swap3A_1277 : i32 to index
    %swap3A_1279 = arith.constant 48 : index
    %swap3A_1280 = tpu.vector_load %arg14[%swap3A_1278, %swap3A_1279] {strides = array<i32>} : memref<128x64xf32, #tpu.memory_space<vmem>>, vector<16xf32>,
    tpu.vector_store %arg14[%swap3A_1278, %swap3A_1279], %broadcast_in_dim3A_1 {strides = array<i32>} : memref<128x64xf32, #tpu.memory_space<vmem>>, vector<16xf32>,
    %swap3A_1281 = arith.constant 80 : i32
    %swap3A_1282 = arith.index_cast %swap3A_1281 : i32 to index
    %swap3A_1283 = arith.constant 0 : index
    %swap3A_1284 = tpu.vector_load %arg14[%swap3A_1282, %swap3A_1283] {strides = array<i32>} : memref<128x64xf32, #tpu.memory_space<vmem>>, vector<16xf32>,
    tpu.vector_store %arg14[%swap3A_1282, %swap3A_1283], %broadcast_in_dim3A_1 {strides = array<i32>} : memref<128x64xf32, #tpu.memory_space<vmem>>, vector<16xf32>,
    %swap3A_1285 = arith.constant 80 : i32
    %swap3A_1286 = arith.index_cast %swap3A_1285 : i32 to index
    %swap3A_1287 = arith.constant 16 : index
    %swap3A_1288 = tpu.vector_load %arg14[%swap3A_1286, %swap3A_1287] {strides = array<i32>} : memref<128x64xf32, #tpu.memory_space<vmem>>, vector<16xf32>,
    tpu.vector_store %arg14[%swap3A_1286, %swap3A_1287], %broadcast_in_dim3A_1 {strides = array<i32>} : memref<128x64xf32, #tpu.memory_space<vmem>>, vector<16xf32>,
    %swap3A_1289 = arith.constant 80 : i32
    %swap3A_1290 = arith.index_cast %swap3A_1289 : i32 to index
    %swap3A_1291 = arith.constant 32 : index
    %swap3A_1292 = tpu.vector_load %arg14[%swap3A_1290, %swap3A_1291] {strides = array<i32>} : memref<128x64xf32, #tpu.memory_space<vmem>>, vector<16xf32>,
    tpu.vector_store %arg14[%swap3A_1290, %swap3A_1291], %broadcast_in_dim3A_1 {strides = array<i32>} : memref<128x64xf32, #tpu.memory_space<vmem>>, vector<16xf32>,
    %swap3A_1293 = arith.constant 80 : i32
    %swap3A_1294 = arith.index_cast %swap3A_1293 : i32 to index
    %swap3A_1295 = arith.constant 48 : index
    %swap3A_1296 = tpu.vector_load %arg14[%swap3A_1294, %swap3A_1295] {strides = array<i32>} : memref<128x64xf32, #tpu.memory_space<vmem>>, vector<16xf32>,
    tpu.vector_store %arg14[%swap3A_1294, %swap3A_1295], %broadcast_in_dim3A_1 {strides = array<i32>} : memref<128x64xf32, #tpu.memory_space<vmem>>, vector<16xf32>,
    %swap3A_1297 = arith.constant 81 : i32
    %swap3A_1298 = arith.index_cast %swap3A_1297 : i32 to index
    %swap3A_1299 = arith.constant 0 : index
    %swap3A_1300 = tpu.vector_load %arg14[%swap3A_1298, %swap3A_1299] {strides = array<i32>} : memref<128x64xf32, #tpu.memory_space<vmem>>, vector<16xf32>,
    tpu.vector_store %arg14[%swap3A_1298, %swap3A_1299], %broadcast_in_dim3A_1 {strides = array<i32>} : memref<128x64xf32, #tpu.memory_space<vmem>>, vector<16xf32>,
    %swap3A_1301 = arith.constant 81 : i32
    %swap3A_1302 = arith.index_cast %swap3A_1301 : i32 to index
    %swap3A_1303 = arith.constant 16 : index
    %swap3A_1304 = tpu.vector_load %arg14[%swap3A_1302, %swap3A_1303] {strides = array<i32>} : memref<128x64xf32, #tpu.memory_space<vmem>>, vector<16xf32>,
    tpu.vector_store %arg14[%swap3A_1302, %swap3A_1303], %broadcast_in_dim3A_1 {strides = array<i32>} : memref<128x64xf32, #tpu.memory_space<vmem>>, vector<16xf32>,
    %swap3A_1305 = arith.constant 81 : i32
    %swap3A_1306 = arith.index_cast %swap3A_1305 : i32 to index
    %swap3A_1307 = arith.constant 32 : index
    %swap3A_1308 = tpu.vector_load %arg14[%swap3A_1306, %swap3A_1307] {strides = array<i32>} : memref<128x64xf32, #tpu.memory_space<vmem>>, vector<16xf32>,
    tpu.vector_store %arg14[%swap3A_1306, %swap3A_1307], %broadcast_in_dim3A_1 {strides = array<i32>} : memref<128x64xf32, #tpu.memory_space<vmem>>, vector<16xf32>,
    %swap3A_1309 = arith.constant 81 : i32
    %swap3A_1310 = arith.index_cast %swap3A_1309 : i32 to index
    %swap3A_1311 = arith.constant 48 : index
    %swap3A_1312 = tpu.vector_load %arg14[%swap3A_1310, %swap3A_1311] {strides = array<i32>} : memref<128x64xf32, #tpu.memory_space<vmem>>, vector<16xf32>,
    tpu.vector_store %arg14[%swap3A_1310, %swap3A_1311], %broadcast_in_dim3A_1 {strides = array<i32>} : memref<128x64xf32, #tpu.memory_space<vmem>>, vector<16xf32>,
    %swap3A_1313 = arith.constant 82 : i32
    %swap3A_1314 = arith.index_cast %swap3A_1313 : i32 to index
    %swap3A_1315 = arith.constant 0 : index
    %swap3A_1316 = tpu.vector_load %arg14[%swap3A_1314, %swap3A_1315] {strides = array<i32>} : memref<128x64xf32, #tpu.memory_space<vmem>>, vector<16xf32>,
    tpu.vector_store %arg14[%swap3A_1314, %swap3A_1315], %broadcast_in_dim3A_1 {strides = array<i32>} : memref<128x64xf32, #tpu.memory_space<vmem>>, vector<16xf32>,
    %swap3A_1317 = arith.constant 82 : i32
    %swap3A_1318 = arith.index_cast %swap3A_1317 : i32 to index
    %swap3A_1319 = arith.constant 16 : index
    %swap3A_1320 = tpu.vector_load %arg14[%swap3A_1318, %swap3A_1319] {strides = array<i32>} : memref<128x64xf32, #tpu.memory_space<vmem>>, vector<16xf32>,
    tpu.vector_store %arg14[%swap3A_1318, %swap3A_1319], %broadcast_in_dim3A_1 {strides = array<i32>} : memref<128x64xf32, #tpu.memory_space<vmem>>, vector<16xf32>,
    %swap3A_1321 = arith.constant 82 : i32
    %swap3A_1322 = arith.index_cast %swap3A_1321 : i32 to index
    %swap3A_1323 = arith.constant 32 : index
    %swap3A_1324 = tpu.vector_load %arg14[%swap3A_1322, %swap3A_1323] {strides = array<i32>} : memref<128x64xf32, #tpu.memory_space<vmem>>, vector<16xf32>,
    tpu.vector_store %arg14[%swap3A_1322, %swap3A_1323], %broadcast_in_dim3A_1 {strides = array<i32>} : memref<128x64xf32, #tpu.memory_space<vmem>>, vector<16xf32>,
    %swap3A_1325 = arith.constant 82 : i32
    %swap3A_1326 = arith.index_cast %swap3A_1325 : i32 to index
    %swap3A_1327 = arith.constant 48 : index
    %swap3A_1328 = tpu.vector_load %arg14[%swap3A_1326, %swap3A_1327] {strides = array<i32>} : memref<128x64xf32, #tpu.memory_space<vmem>>, vector<16xf32>,
    tpu.vector_store %arg14[%swap3A_1326, %swap3A_1327], %broadcast_in_dim3A_1 {strides = array<i32>} : memref<128x64xf32, #tpu.memory_space<vmem>>, vector<16xf32>,
    %swap3A_1329 = arith.constant 83 : i32
    %swap3A_1330 = arith.index_cast %swap3A_1329 : i32 to index
    %swap3A_1331 = arith.constant 0 : index
    %swap3A_1332 = tpu.vector_load %arg14[%swap3A_1330, %swap3A_1331] {strides = array<i32>} : memref<128x64xf32, #tpu.memory_space<vmem>>, vector<16xf32>,
    tpu.vector_store %arg14[%swap3A_1330, %swap3A_1331], %broadcast_in_dim3A_1 {strides = array<i32>} : memref<128x64xf32, #tpu.memory_space<vmem>>, vector<16xf32>,
    %swap3A_1333 = arith.constant 83 : i32
    %swap3A_1334 = arith.index_cast %swap3A_1333 : i32 to index
    %swap3A_1335 = arith.constant 16 : index
    %swap3A_1336 = tpu.vector_load %arg14[%swap3A_1334, %swap3A_1335] {strides = array<i32>} : memref<128x64xf32, #tpu.memory_space<vmem>>, vector<16xf32>,
    tpu.vector_store %arg14[%swap3A_1334, %swap3A_1335], %broadcast_in_dim3A_1 {strides = array<i32>} : memref<128x64xf32, #tpu.memory_space<vmem>>, vector<16xf32>,
    %swap3A_1337 = arith.constant 83 : i32
    %swap3A_1338 = arith.index_cast %swap3A_1337 : i32 to index
    %swap3A_1339 = arith.constant 32 : index
    %swap3A_1340 = tpu.vector_load %arg14[%swap3A_1338, %swap3A_1339] {strides = array<i32>} : memref<128x64xf32, #tpu.memory_space<vmem>>, vector<16xf32>,
    tpu.vector_store %arg14[%swap3A_1338, %swap3A_1339], %broadcast_in_dim3A_1 {strides = array<i32>} : memref<128x64xf32, #tpu.memory_space<vmem>>, vector<16xf32>,
    %swap3A_1341 = arith.constant 83 : i32
    %swap3A_1342 = arith.index_cast %swap3A_1341 : i32 to index
    %swap3A_1343 = arith.constant 48 : index
    %swap3A_1344 = tpu.vector_load %arg14[%swap3A_1342, %swap3A_1343] {strides = array<i32>} : memref<128x64xf32, #tpu.memory_space<vmem>>, vector<16xf32>,
    tpu.vector_store %arg14[%swap3A_1342, %swap3A_1343], %broadcast_in_dim3A_1 {strides = array<i32>} : memref<128x64xf32, #tpu.memory_space<vmem>>, vector<16xf32>,
    %swap3A_1345 = arith.constant 84 : i32
    %swap3A_1346 = arith.index_cast %swap3A_1345 : i32 to index
    %swap3A_1347 = arith.constant 0 : index
    %swap3A_1348 = tpu.vector_load %arg14[%swap3A_1346, %swap3A_1347] {strides = array<i32>} : memref<128x64xf32, #tpu.memory_space<vmem>>, vector<16xf32>,
    tpu.vector_store %arg14[%swap3A_1346, %swap3A_1347], %broadcast_in_dim3A_1 {strides = array<i32>} : memref<128x64xf32, #tpu.memory_space<vmem>>, vector<16xf32>,
    %swap3A_1349 = arith.constant 84 : i32
    %swap3A_1350 = arith.index_cast %swap3A_1349 : i32 to index
    %swap3A_1351 = arith.constant 16 : index
    %swap3A_1352 = tpu.vector_load %arg14[%swap3A_1350, %swap3A_1351] {strides = array<i32>} : memref<128x64xf32, #tpu.memory_space<vmem>>, vector<16xf32>,
    tpu.vector_store %arg14[%swap3A_1350, %swap3A_1351], %broadcast_in_dim3A_1 {strides = array<i32>} : memref<128x64xf32, #tpu.memory_space<vmem>>, vector<16xf32>,
    %swap3A_1353 = arith.constant 84 : i32
    %swap3A_1354 = arith.index_cast %swap3A_1353 : i32 to index
    %swap3A_1355 = arith.constant 32 : index
    %swap3A_1356 = tpu.vector_load %arg14[%swap3A_1354, %swap3A_1355] {strides = array<i32>} : memref<128x64xf32, #tpu.memory_space<vmem>>, vector<16xf32>,
    tpu.vector_store %arg14[%swap3A_1354, %swap3A_1355], %broadcast_in_dim3A_1 {strides = array<i32>} : memref<128x64xf32, #tpu.memory_space<vmem>>, vector<16xf32>,
    %swap3A_1357 = arith.constant 84 : i32
    %swap3A_1358 = arith.index_cast %swap3A_1357 : i32 to index
    %swap3A_1359 = arith.constant 48 : index
    %swap3A_1360 = tpu.vector_load %arg14[%swap3A_1358, %swap3A_1359] {strides = array<i32>} : memref<128x64xf32, #tpu.memory_space<vmem>>, vector<16xf32>,
    tpu.vector_store %arg14[%swap3A_1358, %swap3A_1359], %broadcast_in_dim3A_1 {strides = array<i32>} : memref<128x64xf32, #tpu.memory_space<vmem>>, vector<16xf32>,
    %swap3A_1361 = arith.constant 85 : i32
    %swap3A_1362 = arith.index_cast %swap3A_1361 : i32 to index
    %swap3A_1363 = arith.constant 0 : index
    %swap3A_1364 = tpu.vector_load %arg14[%swap3A_1362, %swap3A_1363] {strides = array<i32>} : memref<128x64xf32, #tpu.memory_space<vmem>>, vector<16xf32>,
    tpu.vector_store %arg14[%swap3A_1362, %swap3A_1363], %broadcast_in_dim3A_1 {strides = array<i32>} : memref<128x64xf32, #tpu.memory_space<vmem>>, vector<16xf32>,
    %swap3A_1365 = arith.constant 85 : i32
    %swap3A_1366 = arith.index_cast %swap3A_1365 : i32 to index
    %swap3A_1367 = arith.constant 16 : index
    %swap3A_1368 = tpu.vector_load %arg14[%swap3A_1366, %swap3A_1367] {strides = array<i32>} : memref<128x64xf32, #tpu.memory_space<vmem>>, vector<16xf32>,
    tpu.vector_store %arg14[%swap3A_1366, %swap3A_1367], %broadcast_in_dim3A_1 {strides = array<i32>} : memref<128x64xf32, #tpu.memory_space<vmem>>, vector<16xf32>,
    %swap3A_1369 = arith.constant 85 : i32
    %swap3A_1370 = arith.index_cast %swap3A_1369 : i32 to index
    %swap3A_1371 = arith.constant 32 : index
    %swap3A_1372 = tpu.vector_load %arg14[%swap3A_1370, %swap3A_1371] {strides = array<i32>} : memref<128x64xf32, #tpu.memory_space<vmem>>, vector<16xf32>,
    tpu.vector_store %arg14[%swap3A_1370, %swap3A_1371], %broadcast_in_dim3A_1 {strides = array<i32>} : memref<128x64xf32, #tpu.memory_space<vmem>>, vector<16xf32>,
    %swap3A_1373 = arith.constant 85 : i32
    %swap3A_1374 = arith.index_cast %swap3A_1373 : i32 to index
    %swap3A_1375 = arith.constant 48 : index
    %swap3A_1376 = tpu.vector_load %arg14[%swap3A_1374, %swap3A_1375] {strides = array<i32>} : memref<128x64xf32, #tpu.memory_space<vmem>>, vector<16xf32>,
    tpu.vector_store %arg14[%swap3A_1374, %swap3A_1375], %broadcast_in_dim3A_1 {strides = array<i32>} : memref<128x64xf32, #tpu.memory_space<vmem>>, vector<16xf32>,
    %swap3A_1377 = arith.constant 86 : i32
    %swap3A_1378 = arith.index_cast %swap3A_1377 : i32 to index
    %swap3A_1379 = arith.constant 0 : index
    %swap3A_1380 = tpu.vector_load %arg14[%swap3A_1378, %swap3A_1379] {strides = array<i32>} : memref<128x64xf32, #tpu.memory_space<vmem>>, vector<16xf32>,
    tpu.vector_store %arg14[%swap3A_1378, %swap3A_1379], %broadcast_in_dim3A_1 {strides = array<i32>} : memref<128x64xf32, #tpu.memory_space<vmem>>, vector<16xf32>,
    %swap3A_1381 = arith.constant 86 : i32
    %swap3A_1382 = arith.index_cast %swap3A_1381 : i32 to index
    %swap3A_1383 = arith.constant 16 : index
    %swap3A_1384 = tpu.vector_load %arg14[%swap3A_1382, %swap3A_1383] {strides = array<i32>} : memref<128x64xf32, #tpu.memory_space<vmem>>, vector<16xf32>,
    tpu.vector_store %arg14[%swap3A_1382, %swap3A_1383], %broadcast_in_dim3A_1 {strides = array<i32>} : memref<128x64xf32, #tpu.memory_space<vmem>>, vector<16xf32>,
    %swap3A_1385 = arith.constant 86 : i32
    %swap3A_1386 = arith.index_cast %swap3A_1385 : i32 to index
    %swap3A_1387 = arith.constant 32 : index
    %swap3A_1388 = tpu.vector_load %arg14[%swap3A_1386, %swap3A_1387] {strides = array<i32>} : memref<128x64xf32, #tpu.memory_space<vmem>>, vector<16xf32>,
    tpu.vector_store %arg14[%swap3A_1386, %swap3A_1387], %broadcast_in_dim3A_1 {strides = array<i32>} : memref<128x64xf32, #tpu.memory_space<vmem>>, vector<16xf32>,
    %swap3A_1389 = arith.constant 86 : i32
    %swap3A_1390 = arith.index_cast %swap3A_1389 : i32 to index
    %swap3A_1391 = arith.constant 48 : index
    %swap3A_1392 = tpu.vector_load %arg14[%swap3A_1390, %swap3A_1391] {strides = array<i32>} : memref<128x64xf32, #tpu.memory_space<vmem>>, vector<16xf32>,
    tpu.vector_store %arg14[%swap3A_1390, %swap3A_1391], %broadcast_in_dim3A_1 {strides = array<i32>} : memref<128x64xf32, #tpu.memory_space<vmem>>, vector<16xf32>,
    %swap3A_1393 = arith.constant 87 : i32
    %swap3A_1394 = arith.index_cast %swap3A_1393 : i32 to index
    %swap3A_1395 = arith.constant 0 : index
    %swap3A_1396 = tpu.vector_load %arg14[%swap3A_1394, %swap3A_1395] {strides = array<i32>} : memref<128x64xf32, #tpu.memory_space<vmem>>, vector<16xf32>,
    tpu.vector_store %arg14[%swap3A_1394, %swap3A_1395], %broadcast_in_dim3A_1 {strides = array<i32>} : memref<128x64xf32, #tpu.memory_space<vmem>>, vector<16xf32>,
    %swap3A_1397 = arith.constant 87 : i32
    %swap3A_1398 = arith.index_cast %swap3A_1397 : i32 to index
    %swap3A_1399 = arith.constant 16 : index
    %swap3A_1400 = tpu.vector_load %arg14[%swap3A_1398, %swap3A_1399] {strides = array<i32>} : memref<128x64xf32, #tpu.memory_space<vmem>>, vector<16xf32>,
    tpu.vector_store %arg14[%swap3A_1398, %swap3A_1399], %broadcast_in_dim3A_1 {strides = array<i32>} : memref<128x64xf32, #tpu.memory_space<vmem>>, vector<16xf32>,
    %swap3A_1401 = arith.constant 87 : i32
    %swap3A_1402 = arith.index_cast %swap3A_1401 : i32 to index
    %swap3A_1403 = arith.constant 32 : index
    %swap3A_1404 = tpu.vector_load %arg14[%swap3A_1402, %swap3A_1403] {strides = array<i32>} : memref<128x64xf32, #tpu.memory_space<vmem>>, vector<16xf32>,
    tpu.vector_store %arg14[%swap3A_1402, %swap3A_1403], %broadcast_in_dim3A_1 {strides = array<i32>} : memref<128x64xf32, #tpu.memory_space<vmem>>, vector<16xf32>,
    %swap3A_1405 = arith.constant 87 : i32
    %swap3A_1406 = arith.index_cast %swap3A_1405 : i32 to index
    %swap3A_1407 = arith.constant 48 : index
    %swap3A_1408 = tpu.vector_load %arg14[%swap3A_1406, %swap3A_1407] {strides = array<i32>} : memref<128x64xf32, #tpu.memory_space<vmem>>, vector<16xf32>,
    tpu.vector_store %arg14[%swap3A_1406, %swap3A_1407], %broadcast_in_dim3A_1 {strides = array<i32>} : memref<128x64xf32, #tpu.memory_space<vmem>>, vector<16xf32>,
    %swap3A_1409 = arith.constant 88 : i32
    %swap3A_1410 = arith.index_cast %swap3A_1409 : i32 to index
    %swap3A_1411 = arith.constant 0 : index
    %swap3A_1412 = tpu.vector_load %arg14[%swap3A_1410, %swap3A_1411] {strides = array<i32>} : memref<128x64xf32, #tpu.memory_space<vmem>>, vector<16xf32>,
    tpu.vector_store %arg14[%swap3A_1410, %swap3A_1411], %broadcast_in_dim3A_1 {strides = array<i32>} : memref<128x64xf32, #tpu.memory_space<vmem>>, vector<16xf32>,
    %swap3A_1413 = arith.constant 88 : i32
    %swap3A_1414 = arith.index_cast %swap3A_1413 : i32 to index
    %swap3A_1415 = arith.constant 16 : index
    %swap3A_1416 = tpu.vector_load %arg14[%swap3A_1414, %swap3A_1415] {strides = array<i32>} : memref<128x64xf32, #tpu.memory_space<vmem>>, vector<16xf32>,
    tpu.vector_store %arg14[%swap3A_1414, %swap3A_1415], %broadcast_in_dim3A_1 {strides = array<i32>} : memref<128x64xf32, #tpu.memory_space<vmem>>, vector<16xf32>,
    %swap3A_1417 = arith.constant 88 : i32
    %swap3A_1418 = arith.index_cast %swap3A_1417 : i32 to index
    %swap3A_1419 = arith.constant 32 : index
    %swap3A_1420 = tpu.vector_load %arg14[%swap3A_1418, %swap3A_1419] {strides = array<i32>} : memref<128x64xf32, #tpu.memory_space<vmem>>, vector<16xf32>,
    tpu.vector_store %arg14[%swap3A_1418, %swap3A_1419], %broadcast_in_dim3A_1 {strides = array<i32>} : memref<128x64xf32, #tpu.memory_space<vmem>>, vector<16xf32>,
    %swap3A_1421 = arith.constant 88 : i32
    %swap3A_1422 = arith.index_cast %swap3A_1421 : i32 to index
    %swap3A_1423 = arith.constant 48 : index
    %swap3A_1424 = tpu.vector_load %arg14[%swap3A_1422, %swap3A_1423] {strides = array<i32>} : memref<128x64xf32, #tpu.memory_space<vmem>>, vector<16xf32>,
    tpu.vector_store %arg14[%swap3A_1422, %swap3A_1423], %broadcast_in_dim3A_1 {strides = array<i32>} : memref<128x64xf32, #tpu.memory_space<vmem>>, vector<16xf32>,
    %swap3A_1425 = arith.constant 89 : i32
    %swap3A_1426 = arith.index_cast %swap3A_1425 : i32 to index
    %swap3A_1427 = arith.constant 0 : index
    %swap3A_1428 = tpu.vector_load %arg14[%swap3A_1426, %swap3A_1427] {strides = array<i32>} : memref<128x64xf32, #tpu.memory_space<vmem>>, vector<16xf32>,
    tpu.vector_store %arg14[%swap3A_1426, %swap3A_1427], %broadcast_in_dim3A_1 {strides = array<i32>} : memref<128x64xf32, #tpu.memory_space<vmem>>, vector<16xf32>,
    %swap3A_1429 = arith.constant 89 : i32
    %swap3A_1430 = arith.index_cast %swap3A_1429 : i32 to index
    %swap3A_1431 = arith.constant 16 : index
    %swap3A_1432 = tpu.vector_load %arg14[%swap3A_1430, %swap3A_1431] {strides = array<i32>} : memref<128x64xf32, #tpu.memory_space<vmem>>, vector<16xf32>,
    tpu.vector_store %arg14[%swap3A_1430, %swap3A_1431], %broadcast_in_dim3A_1 {strides = array<i32>} : memref<128x64xf32, #tpu.memory_space<vmem>>, vector<16xf32>,
    %swap3A_1433 = arith.constant 89 : i32
    %swap3A_1434 = arith.index_cast %swap3A_1433 : i32 to index
    %swap3A_1435 = arith.constant 32 : index
    %swap3A_1436 = tpu.vector_load %arg14[%swap3A_1434, %swap3A_1435] {strides = array<i32>} : memref<128x64xf32, #tpu.memory_space<vmem>>, vector<16xf32>,
    tpu.vector_store %arg14[%swap3A_1434, %swap3A_1435], %broadcast_in_dim3A_1 {strides = array<i32>} : memref<128x64xf32, #tpu.memory_space<vmem>>, vector<16xf32>,
    %swap3A_1437 = arith.constant 89 : i32
    %swap3A_1438 = arith.index_cast %swap3A_1437 : i32 to index
    %swap3A_1439 = arith.constant 48 : index
    %swap3A_1440 = tpu.vector_load %arg14[%swap3A_1438, %swap3A_1439] {strides = array<i32>} : memref<128x64xf32, #tpu.memory_space<vmem>>, vector<16xf32>,
    tpu.vector_store %arg14[%swap3A_1438, %swap3A_1439], %broadcast_in_dim3A_1 {strides = array<i32>} : memref<128x64xf32, #tpu.memory_space<vmem>>, vector<16xf32>,
    %swap3A_1441 = arith.constant 90 : i32
    %swap3A_1442 = arith.index_cast %swap3A_1441 : i32 to index
    %swap3A_1443 = arith.constant 0 : index
    %swap3A_1444 = tpu.vector_load %arg14[%swap3A_1442, %swap3A_1443] {strides = array<i32>} : memref<128x64xf32, #tpu.memory_space<vmem>>, vector<16xf32>,
    tpu.vector_store %arg14[%swap3A_1442, %swap3A_1443], %broadcast_in_dim3A_1 {strides = array<i32>} : memref<128x64xf32, #tpu.memory_space<vmem>>, vector<16xf32>,
    %swap3A_1445 = arith.constant 90 : i32
    %swap3A_1446 = arith.index_cast %swap3A_1445 : i32 to index
    %swap3A_1447 = arith.constant 16 : index
    %swap3A_1448 = tpu.vector_load %arg14[%swap3A_1446, %swap3A_1447] {strides = array<i32>} : memref<128x64xf32, #tpu.memory_space<vmem>>, vector<16xf32>,
    tpu.vector_store %arg14[%swap3A_1446, %swap3A_1447], %broadcast_in_dim3A_1 {strides = array<i32>} : memref<128x64xf32, #tpu.memory_space<vmem>>, vector<16xf32>,
    %swap3A_1449 = arith.constant 90 : i32
    %swap3A_1450 = arith.index_cast %swap3A_1449 : i32 to index
    %swap3A_1451 = arith.constant 32 : index
    %swap3A_1452 = tpu.vector_load %arg14[%swap3A_1450, %swap3A_1451] {strides = array<i32>} : memref<128x64xf32, #tpu.memory_space<vmem>>, vector<16xf32>,
    tpu.vector_store %arg14[%swap3A_1450, %swap3A_1451], %broadcast_in_dim3A_1 {strides = array<i32>} : memref<128x64xf32, #tpu.memory_space<vmem>>, vector<16xf32>,
    %swap3A_1453 = arith.constant 90 : i32
    %swap3A_1454 = arith.index_cast %swap3A_1453 : i32 to index
    %swap3A_1455 = arith.constant 48 : index
    %swap3A_1456 = tpu.vector_load %arg14[%swap3A_1454, %swap3A_1455] {strides = array<i32>} : memref<128x64xf32, #tpu.memory_space<vmem>>, vector<16xf32>,
    tpu.vector_store %arg14[%swap3A_1454, %swap3A_1455], %broadcast_in_dim3A_1 {strides = array<i32>} : memref<128x64xf32, #tpu.memory_space<vmem>>, vector<16xf32>,
    %swap3A_1457 = arith.constant 91 : i32
    %swap3A_1458 = arith.index_cast %swap3A_1457 : i32 to index
    %swap3A_1459 = arith.constant 0 : index
    %swap3A_1460 = tpu.vector_load %arg14[%swap3A_1458, %swap3A_1459] {strides = array<i32>} : memref<128x64xf32, #tpu.memory_space<vmem>>, vector<16xf32>,
    tpu.vector_store %arg14[%swap3A_1458, %swap3A_1459], %broadcast_in_dim3A_1 {strides = array<i32>} : memref<128x64xf32, #tpu.memory_space<vmem>>, vector<16xf32>,
    %swap3A_1461 = arith.constant 91 : i32
    %swap3A_1462 = arith.index_cast %swap3A_1461 : i32 to index
    %swap3A_1463 = arith.constant 16 : index
    %swap3A_1464 = tpu.vector_load %arg14[%swap3A_1462, %swap3A_1463] {strides = array<i32>} : memref<128x64xf32, #tpu.memory_space<vmem>>, vector<16xf32>,
    tpu.vector_store %arg14[%swap3A_1462, %swap3A_1463], %broadcast_in_dim3A_1 {strides = array<i32>} : memref<128x64xf32, #tpu.memory_space<vmem>>, vector<16xf32>,
    %swap3A_1465 = arith.constant 91 : i32
    %swap3A_1466 = arith.index_cast %swap3A_1465 : i32 to index
    %swap3A_1467 = arith.constant 32 : index
    %swap3A_1468 = tpu.vector_load %arg14[%swap3A_1466, %swap3A_1467] {strides = array<i32>} : memref<128x64xf32, #tpu.memory_space<vmem>>, vector<16xf32>,
    tpu.vector_store %arg14[%swap3A_1466, %swap3A_1467], %broadcast_in_dim3A_1 {strides = array<i32>} : memref<128x64xf32, #tpu.memory_space<vmem>>, vector<16xf32>,
    %swap3A_1469 = arith.constant 91 : i32
    %swap3A_1470 = arith.index_cast %swap3A_1469 : i32 to index
    %swap3A_1471 = arith.constant 48 : index
    %swap3A_1472 = tpu.vector_load %arg14[%swap3A_1470, %swap3A_1471] {strides = array<i32>} : memref<128x64xf32, #tpu.memory_space<vmem>>, vector<16xf32>,
    tpu.vector_store %arg14[%swap3A_1470, %swap3A_1471], %broadcast_in_dim3A_1 {strides = array<i32>} : memref<128x64xf32, #tpu.memory_space<vmem>>, vector<16xf32>,
    %swap3A_1473 = arith.constant 92 : i32
    %swap3A_1474 = arith.index_cast %swap3A_1473 : i32 to index
    %swap3A_1475 = arith.constant 0 : index
    %swap3A_1476 = tpu.vector_load %arg14[%swap3A_1474, %swap3A_1475] {strides = array<i32>} : memref<128x64xf32, #tpu.memory_space<vmem>>, vector<16xf32>,
    tpu.vector_store %arg14[%swap3A_1474, %swap3A_1475], %broadcast_in_dim3A_1 {strides = array<i32>} : memref<128x64xf32, #tpu.memory_space<vmem>>, vector<16xf32>,
    %swap3A_1477 = arith.constant 92 : i32
    %swap3A_1478 = arith.index_cast %swap3A_1477 : i32 to index
    %swap3A_1479 = arith.constant 16 : index
    %swap3A_1480 = tpu.vector_load %arg14[%swap3A_1478, %swap3A_1479] {strides = array<i32>} : memref<128x64xf32, #tpu.memory_space<vmem>>, vector<16xf32>,
    tpu.vector_store %arg14[%swap3A_1478, %swap3A_1479], %broadcast_in_dim3A_1 {strides = array<i32>} : memref<128x64xf32, #tpu.memory_space<vmem>>, vector<16xf32>,
    %swap3A_1481 = arith.constant 92 : i32
    %swap3A_1482 = arith.index_cast %swap3A_1481 : i32 to index
    %swap3A_1483 = arith.constant 32 : index
    %swap3A_1484 = tpu.vector_load %arg14[%swap3A_1482, %swap3A_1483] {strides = array<i32>} : memref<128x64xf32, #tpu.memory_space<vmem>>, vector<16xf32>,
    tpu.vector_store %arg14[%swap3A_1482, %swap3A_1483], %broadcast_in_dim3A_1 {strides = array<i32>} : memref<128x64xf32, #tpu.memory_space<vmem>>, vector<16xf32>,
    %swap3A_1485 = arith.constant 92 : i32
    %swap3A_1486 = arith.index_cast %swap3A_1485 : i32 to index
    %swap3A_1487 = arith.constant 48 : index
    %swap3A_1488 = tpu.vector_load %arg14[%swap3A_1486, %swap3A_1487] {strides = array<i32>} : memref<128x64xf32, #tpu.memory_space<vmem>>, vector<16xf32>,
    tpu.vector_store %arg14[%swap3A_1486, %swap3A_1487], %broadcast_in_dim3A_1 {strides = array<i32>} : memref<128x64xf32, #tpu.memory_space<vmem>>, vector<16xf32>,
    %swap3A_1489 = arith.constant 93 : i32
    %swap3A_1490 = arith.index_cast %swap3A_1489 : i32 to index
    %swap3A_1491 = arith.constant 0 : index
    %swap3A_1492 = tpu.vector_load %arg14[%swap3A_1490, %swap3A_1491] {strides = array<i32>} : memref<128x64xf32, #tpu.memory_space<vmem>>, vector<16xf32>,
    tpu.vector_store %arg14[%swap3A_1490, %swap3A_1491], %broadcast_in_dim3A_1 {strides = array<i32>} : memref<128x64xf32, #tpu.memory_space<vmem>>, vector<16xf32>,
    %swap3A_1493 = arith.constant 93 : i32
    %swap3A_1494 = arith.index_cast %swap3A_1493 : i32 to index
    %swap3A_1495 = arith.constant 16 : index
    %swap3A_1496 = tpu.vector_load %arg14[%swap3A_1494, %swap3A_1495] {strides = array<i32>} : memref<128x64xf32, #tpu.memory_space<vmem>>, vector<16xf32>,
    tpu.vector_store %arg14[%swap3A_1494, %swap3A_1495], %broadcast_in_dim3A_1 {strides = array<i32>} : memref<128x64xf32, #tpu.memory_space<vmem>>, vector<16xf32>,
    %swap3A_1497 = arith.constant 93 : i32
    %swap3A_1498 = arith.index_cast %swap3A_1497 : i32 to index
    %swap3A_1499 = arith.constant 32 : index
    %swap3A_1500 = tpu.vector_load %arg14[%swap3A_1498, %swap3A_1499] {strides = array<i32>} : memref<128x64xf32, #tpu.memory_space<vmem>>, vector<16xf32>,
    tpu.vector_store %arg14[%swap3A_1498, %swap3A_1499], %broadcast_in_dim3A_1 {strides = array<i32>} : memref<128x64xf32, #tpu.memory_space<vmem>>, vector<16xf32>,
    %swap3A_1501 = arith.constant 93 : i32
    %swap3A_1502 = arith.index_cast %swap3A_1501 : i32 to index
    %swap3A_1503 = arith.constant 48 : index
    %swap3A_1504 = tpu.vector_load %arg14[%swap3A_1502, %swap3A_1503] {strides = array<i32>} : memref<128x64xf32, #tpu.memory_space<vmem>>, vector<16xf32>,
    tpu.vector_store %arg14[%swap3A_1502, %swap3A_1503], %broadcast_in_dim3A_1 {strides = array<i32>} : memref<128x64xf32, #tpu.memory_space<vmem>>, vector<16xf32>,
    %swap3A_1505 = arith.constant 94 : i32
    %swap3A_1506 = arith.index_cast %swap3A_1505 : i32 to index
    %swap3A_1507 = arith.constant 0 : index
    %swap3A_1508 = tpu.vector_load %arg14[%swap3A_1506, %swap3A_1507] {strides = array<i32>} : memref<128x64xf32, #tpu.memory_space<vmem>>, vector<16xf32>,
    tpu.vector_store %arg14[%swap3A_1506, %swap3A_1507], %broadcast_in_dim3A_1 {strides = array<i32>} : memref<128x64xf32, #tpu.memory_space<vmem>>, vector<16xf32>,
    %swap3A_1509 = arith.constant 94 : i32
    %swap3A_1510 = arith.index_cast %swap3A_1509 : i32 to index
    %swap3A_1511 = arith.constant 16 : index
    %swap3A_1512 = tpu.vector_load %arg14[%swap3A_1510, %swap3A_1511] {strides = array<i32>} : memref<128x64xf32, #tpu.memory_space<vmem>>, vector<16xf32>,
    tpu.vector_store %arg14[%swap3A_1510, %swap3A_1511], %broadcast_in_dim3A_1 {strides = array<i32>} : memref<128x64xf32, #tpu.memory_space<vmem>>, vector<16xf32>,
    %swap3A_1513 = arith.constant 94 : i32
    %swap3A_1514 = arith.index_cast %swap3A_1513 : i32 to index
    %swap3A_1515 = arith.constant 32 : index
    %swap3A_1516 = tpu.vector_load %arg14[%swap3A_1514, %swap3A_1515] {strides = array<i32>} : memref<128x64xf32, #tpu.memory_space<vmem>>, vector<16xf32>,
    tpu.vector_store %arg14[%swap3A_1514, %swap3A_1515], %broadcast_in_dim3A_1 {strides = array<i32>} : memref<128x64xf32, #tpu.memory_space<vmem>>, vector<16xf32>,
    %swap3A_1517 = arith.constant 94 : i32
    %swap3A_1518 = arith.index_cast %swap3A_1517 : i32 to index
    %swap3A_1519 = arith.constant 48 : index
    %swap3A_1520 = tpu.vector_load %arg14[%swap3A_1518, %swap3A_1519] {strides = array<i32>} : memref<128x64xf32, #tpu.memory_space<vmem>>, vector<16xf32>,
    tpu.vector_store %arg14[%swap3A_1518, %swap3A_1519], %broadcast_in_dim3A_1 {strides = array<i32>} : memref<128x64xf32, #tpu.memory_space<vmem>>, vector<16xf32>,
    %swap3A_1521 = arith.constant 95 : i32
    %swap3A_1522 = arith.index_cast %swap3A_1521 : i32 to index
    %swap3A_1523 = arith.constant 0 : index
    %swap3A_1524 = tpu.vector_load %arg14[%swap3A_1522, %swap3A_1523] {strides = array<i32>} : memref<128x64xf32, #tpu.memory_space<vmem>>, vector<16xf32>,
    tpu.vector_store %arg14[%swap3A_1522, %swap3A_1523], %broadcast_in_dim3A_1 {strides = array<i32>} : memref<128x64xf32, #tpu.memory_space<vmem>>, vector<16xf32>,
    %swap3A_1525 = arith.constant 95 : i32
    %swap3A_1526 = arith.index_cast %swap3A_1525 : i32 to index
    %swap3A_1527 = arith.constant 16 : index
    %swap3A_1528 = tpu.vector_load %arg14[%swap3A_1526, %swap3A_1527] {strides = array<i32>} : memref<128x64xf32, #tpu.memory_space<vmem>>, vector<16xf32>,
    tpu.vector_store %arg14[%swap3A_1526, %swap3A_1527], %broadcast_in_dim3A_1 {strides = array<i32>} : memref<128x64xf32, #tpu.memory_space<vmem>>, vector<16xf32>,
    %swap3A_1529 = arith.constant 95 : i32
    %swap3A_1530 = arith.index_cast %swap3A_1529 : i32 to index
    %swap3A_1531 = arith.constant 32 : index
    %swap3A_1532 = tpu.vector_load %arg14[%swap3A_1530, %swap3A_1531] {strides = array<i32>} : memref<128x64xf32, #tpu.memory_space<vmem>>, vector<16xf32>,
    tpu.vector_store %arg14[%swap3A_1530, %swap3A_1531], %broadcast_in_dim3A_1 {strides = array<i32>} : memref<128x64xf32, #tpu.memory_space<vmem>>, vector<16xf32>,
    %swap3A_1533 = arith.constant 95 : i32
    %swap3A_1534 = arith.index_cast %swap3A_1533 : i32 to index
    %swap3A_1535 = arith.constant 48 : index
    %swap3A_1536 = tpu.vector_load %arg14[%swap3A_1534, %swap3A_1535] {strides = array<i32>} : memref<128x64xf32, #tpu.memory_space<vmem>>, vector<16xf32>,
    tpu.vector_store %arg14[%swap3A_1534, %swap3A_1535], %broadcast_in_dim3A_1 {strides = array<i32>} : memref<128x64xf32, #tpu.memory_space<vmem>>, vector<16xf32>,
    %swap3A_1537 = arith.constant 96 : i32
    %swap3A_1538 = arith.index_cast %swap3A_1537 : i32 to index
    %swap3A_1539 = arith.constant 0 : index
    %swap3A_1540 = tpu.vector_load %arg14[%swap3A_1538, %swap3A_1539] {strides = array<i32>} : memref<128x64xf32, #tpu.memory_space<vmem>>, vector<16xf32>,
    tpu.vector_store %arg14[%swap3A_1538, %swap3A_1539], %broadcast_in_dim3A_1 {strides = array<i32>} : memref<128x64xf32, #tpu.memory_space<vmem>>, vector<16xf32>,
    %swap3A_1541 = arith.constant 96 : i32
    %swap3A_1542 = arith.index_cast %swap3A_1541 : i32 to index
    %swap3A_1543 = arith.constant 16 : index
    %swap3A_1544 = tpu.vector_load %arg14[%swap3A_1542, %swap3A_1543] {strides = array<i32>} : memref<128x64xf32, #tpu.memory_space<vmem>>, vector<16xf32>,
    tpu.vector_store %arg14[%swap3A_1542, %swap3A_1543], %broadcast_in_dim3A_1 {strides = array<i32>} : memref<128x64xf32, #tpu.memory_space<vmem>>, vector<16xf32>,
    %swap3A_1545 = arith.constant 96 : i32
    %swap3A_1546 = arith.index_cast %swap3A_1545 : i32 to index
    %swap3A_1547 = arith.constant 32 : index
    %swap3A_1548 = tpu.vector_load %arg14[%swap3A_1546, %swap3A_1547] {strides = array<i32>} : memref<128x64xf32, #tpu.memory_space<vmem>>, vector<16xf32>,
    tpu.vector_store %arg14[%swap3A_1546, %swap3A_1547], %broadcast_in_dim3A_1 {strides = array<i32>} : memref<128x64xf32, #tpu.memory_space<vmem>>, vector<16xf32>,
    %swap3A_1549 = arith.constant 96 : i32
    %swap3A_1550 = arith.index_cast %swap3A_1549 : i32 to index
    %swap3A_1551 = arith.constant 48 : index
    %swap3A_1552 = tpu.vector_load %arg14[%swap3A_1550, %swap3A_1551] {strides = array<i32>} : memref<128x64xf32, #tpu.memory_space<vmem>>, vector<16xf32>,
    tpu.vector_store %arg14[%swap3A_1550, %swap3A_1551], %broadcast_in_dim3A_1 {strides = array<i32>} : memref<128x64xf32, #tpu.memory_space<vmem>>, vector<16xf32>,
    %swap3A_1553 = arith.constant 97 : i32
    %swap3A_1554 = arith.index_cast %swap3A_1553 : i32 to index
    %swap3A_1555 = arith.constant 0 : index
    %swap3A_1556 = tpu.vector_load %arg14[%swap3A_1554, %swap3A_1555] {strides = array<i32>} : memref<128x64xf32, #tpu.memory_space<vmem>>, vector<16xf32>,
    tpu.vector_store %arg14[%swap3A_1554, %swap3A_1555], %broadcast_in_dim3A_1 {strides = array<i32>} : memref<128x64xf32, #tpu.memory_space<vmem>>, vector<16xf32>,
    %swap3A_1557 = arith.constant 97 : i32
    %swap3A_1558 = arith.index_cast %swap3A_1557 : i32 to index
    %swap3A_1559 = arith.constant 16 : index
    %swap3A_1560 = tpu.vector_load %arg14[%swap3A_1558, %swap3A_1559] {strides = array<i32>} : memref<128x64xf32, #tpu.memory_space<vmem>>, vector<16xf32>,
    tpu.vector_store %arg14[%swap3A_1558, %swap3A_1559], %broadcast_in_dim3A_1 {strides = array<i32>} : memref<128x64xf32, #tpu.memory_space<vmem>>, vector<16xf32>,
    %swap3A_1561 = arith.constant 97 : i32
    %swap3A_1562 = arith.index_cast %swap3A_1561 : i32 to index
    %swap3A_1563 = arith.constant 32 : index
    %swap3A_1564 = tpu.vector_load %arg14[%swap3A_1562, %swap3A_1563] {strides = array<i32>} : memref<128x64xf32, #tpu.memory_space<vmem>>, vector<16xf32>,
    tpu.vector_store %arg14[%swap3A_1562, %swap3A_1563], %broadcast_in_dim3A_1 {strides = array<i32>} : memref<128x64xf32, #tpu.memory_space<vmem>>, vector<16xf32>,
    %swap3A_1565 = arith.constant 97 : i32
    %swap3A_1566 = arith.index_cast %swap3A_1565 : i32 to index
    %swap3A_1567 = arith.constant 48 : index
    %swap3A_1568 = tpu.vector_load %arg14[%swap3A_1566, %swap3A_1567] {strides = array<i32>} : memref<128x64xf32, #tpu.memory_space<vmem>>, vector<16xf32>,
    tpu.vector_store %arg14[%swap3A_1566, %swap3A_1567], %broadcast_in_dim3A_1 {strides = array<i32>} : memref<128x64xf32, #tpu.memory_space<vmem>>, vector<16xf32>,
    %swap3A_1569 = arith.constant 98 : i32
    %swap3A_1570 = arith.index_cast %swap3A_1569 : i32 to index
    %swap3A_1571 = arith.constant 0 : index
    %swap3A_1572 = tpu.vector_load %arg14[%swap3A_1570, %swap3A_1571] {strides = array<i32>} : memref<128x64xf32, #tpu.memory_space<vmem>>, vector<16xf32>,
    tpu.vector_store %arg14[%swap3A_1570, %swap3A_1571], %broadcast_in_dim3A_1 {strides = array<i32>} : memref<128x64xf32, #tpu.memory_space<vmem>>, vector<16xf32>,
    %swap3A_1573 = arith.constant 98 : i32
    %swap3A_1574 = arith.index_cast %swap3A_1573 : i32 to index
    %swap3A_1575 = arith.constant 16 : index
    %swap3A_1576 = tpu.vector_load %arg14[%swap3A_1574, %swap3A_1575] {strides = array<i32>} : memref<128x64xf32, #tpu.memory_space<vmem>>, vector<16xf32>,
    tpu.vector_store %arg14[%swap3A_1574, %swap3A_1575], %broadcast_in_dim3A_1 {strides = array<i32>} : memref<128x64xf32, #tpu.memory_space<vmem>>, vector<16xf32>,
    %swap3A_1577 = arith.constant 98 : i32
    %swap3A_1578 = arith.index_cast %swap3A_1577 : i32 to index
    %swap3A_1579 = arith.constant 32 : index
    %swap3A_1580 = tpu.vector_load %arg14[%swap3A_1578, %swap3A_1579] {strides = array<i32>} : memref<128x64xf32, #tpu.memory_space<vmem>>, vector<16xf32>,
    tpu.vector_store %arg14[%swap3A_1578, %swap3A_1579], %broadcast_in_dim3A_1 {strides = array<i32>} : memref<128x64xf32, #tpu.memory_space<vmem>>, vector<16xf32>,
    %swap3A_1581 = arith.constant 98 : i32
    %swap3A_1582 = arith.index_cast %swap3A_1581 : i32 to index
    %swap3A_1583 = arith.constant 48 : index
    %swap3A_1584 = tpu.vector_load %arg14[%swap3A_1582, %swap3A_1583] {strides = array<i32>} : memref<128x64xf32, #tpu.memory_space<vmem>>, vector<16xf32>,
    tpu.vector_store %arg14[%swap3A_1582, %swap3A_1583], %broadcast_in_dim3A_1 {strides = array<i32>} : memref<128x64xf32, #tpu.memory_space<vmem>>, vector<16xf32>,
    %swap3A_1585 = arith.constant 99 : i32
    %swap3A_1586 = arith.index_cast %swap3A_1585 : i32 to index
    %swap3A_1587 = arith.constant 0 : index
    %swap3A_1588 = tpu.vector_load %arg14[%swap3A_1586, %swap3A_1587] {strides = array<i32>} : memref<128x64xf32, #tpu.memory_space<vmem>>, vector<16xf32>,
    tpu.vector_store %arg14[%swap3A_1586, %swap3A_1587], %broadcast_in_dim3A_1 {strides = array<i32>} : memref<128x64xf32, #tpu.memory_space<vmem>>, vector<16xf32>,
    %swap3A_1589 = arith.constant 99 : i32
    %swap3A_1590 = arith.index_cast %swap3A_1589 : i32 to index
    %swap3A_1591 = arith.constant 16 : index
    %swap3A_1592 = tpu.vector_load %arg14[%swap3A_1590, %swap3A_1591] {strides = array<i32>} : memref<128x64xf32, #tpu.memory_space<vmem>>, vector<16xf32>,
    tpu.vector_store %arg14[%swap3A_1590, %swap3A_1591], %broadcast_in_dim3A_1 {strides = array<i32>} : memref<128x64xf32, #tpu.memory_space<vmem>>, vector<16xf32>,
    %swap3A_1593 = arith.constant 99 : i32
    %swap3A_1594 = arith.index_cast %swap3A_1593 : i32 to index
    %swap3A_1595 = arith.constant 32 : index
    %swap3A_1596 = tpu.vector_load %arg14[%swap3A_1594, %swap3A_1595] {strides = array<i32>} : memref<128x64xf32, #tpu.memory_space<vmem>>, vector<16xf32>,
    tpu.vector_store %arg14[%swap3A_1594, %swap3A_1595], %broadcast_in_dim3A_1 {strides = array<i32>} : memref<128x64xf32, #tpu.memory_space<vmem>>, vector<16xf32>,
    %swap3A_1597 = arith.constant 99 : i32
    %swap3A_1598 = arith.index_cast %swap3A_1597 : i32 to index
    %swap3A_1599 = arith.constant 48 : index
    %swap3A_1600 = tpu.vector_load %arg14[%swap3A_1598, %swap3A_1599] {strides = array<i32>} : memref<128x64xf32, #tpu.memory_space<vmem>>, vector<16xf32>,
    tpu.vector_store %arg14[%swap3A_1598, %swap3A_1599], %broadcast_in_dim3A_1 {strides = array<i32>} : memref<128x64xf32, #tpu.memory_space<vmem>>, vector<16xf32>,
    %swap3A_1601 = arith.constant 100 : i32
    %swap3A_1602 = arith.index_cast %swap3A_1601 : i32 to index
    %swap3A_1603 = arith.constant 0 : index
    %swap3A_1604 = tpu.vector_load %arg14[%swap3A_1602, %swap3A_1603] {strides = array<i32>} : memref<128x64xf32, #tpu.memory_space<vmem>>, vector<16xf32>,
    tpu.vector_store %arg14[%swap3A_1602, %swap3A_1603], %broadcast_in_dim3A_1 {strides = array<i32>} : memref<128x64xf32, #tpu.memory_space<vmem>>, vector<16xf32>,
    %swap3A_1605 = arith.constant 100 : i32
    %swap3A_1606 = arith.index_cast %swap3A_1605 : i32 to index
    %swap3A_1607 = arith.constant 16 : index
    %swap3A_1608 = tpu.vector_load %arg14[%swap3A_1606, %swap3A_1607] {strides = array<i32>} : memref<128x64xf32, #tpu.memory_space<vmem>>, vector<16xf32>,
    tpu.vector_store %arg14[%swap3A_1606, %swap3A_1607], %broadcast_in_dim3A_1 {strides = array<i32>} : memref<128x64xf32, #tpu.memory_space<vmem>>, vector<16xf32>,
    %swap3A_1609 = arith.constant 100 : i32
    %swap3A_1610 = arith.index_cast %swap3A_1609 : i32 to index
    %swap3A_1611 = arith.constant 32 : index
    %swap3A_1612 = tpu.vector_load %arg14[%swap3A_1610, %swap3A_1611] {strides = array<i32>} : memref<128x64xf32, #tpu.memory_space<vmem>>, vector<16xf32>,
    tpu.vector_store %arg14[%swap3A_1610, %swap3A_1611], %broadcast_in_dim3A_1 {strides = array<i32>} : memref<128x64xf32, #tpu.memory_space<vmem>>, vector<16xf32>,
    %swap3A_1613 = arith.constant 100 : i32
    %swap3A_1614 = arith.index_cast %swap3A_1613 : i32 to index
    %swap3A_1615 = arith.constant 48 : index
    %swap3A_1616 = tpu.vector_load %arg14[%swap3A_1614, %swap3A_1615] {strides = array<i32>} : memref<128x64xf32, #tpu.memory_space<vmem>>, vector<16xf32>,
    tpu.vector_store %arg14[%swap3A_1614, %swap3A_1615], %broadcast_in_dim3A_1 {strides = array<i32>} : memref<128x64xf32, #tpu.memory_space<vmem>>, vector<16xf32>,
    %swap3A_1617 = arith.constant 101 : i32
    %swap3A_1618 = arith.index_cast %swap3A_1617 : i32 to index
    %swap3A_1619 = arith.constant 0 : index
    %swap3A_1620 = tpu.vector_load %arg14[%swap3A_1618, %swap3A_1619] {strides = array<i32>} : memref<128x64xf32, #tpu.memory_space<vmem>>, vector<16xf32>,
    tpu.vector_store %arg14[%swap3A_1618, %swap3A_1619], %broadcast_in_dim3A_1 {strides = array<i32>} : memref<128x64xf32, #tpu.memory_space<vmem>>, vector<16xf32>,
    %swap3A_1621 = arith.constant 101 : i32
    %swap3A_1622 = arith.index_cast %swap3A_1621 : i32 to index
    %swap3A_1623 = arith.constant 16 : index
    %swap3A_1624 = tpu.vector_load %arg14[%swap3A_1622, %swap3A_1623] {strides = array<i32>} : memref<128x64xf32, #tpu.memory_space<vmem>>, vector<16xf32>,
    tpu.vector_store %arg14[%swap3A_1622, %swap3A_1623], %broadcast_in_dim3A_1 {strides = array<i32>} : memref<128x64xf32, #tpu.memory_space<vmem>>, vector<16xf32>,
    %swap3A_1625 = arith.constant 101 : i32
    %swap3A_1626 = arith.index_cast %swap3A_1625 : i32 to index
    %swap3A_1627 = arith.constant 32 : index
    %swap3A_1628 = tpu.vector_load %arg14[%swap3A_1626, %swap3A_1627] {strides = array<i32>} : memref<128x64xf32, #tpu.memory_space<vmem>>, vector<16xf32>,
    tpu.vector_store %arg14[%swap3A_1626, %swap3A_1627], %broadcast_in_dim3A_1 {strides = array<i32>} : memref<128x64xf32, #tpu.memory_space<vmem>>, vector<16xf32>,
    %swap3A_1629 = arith.constant 101 : i32
    %swap3A_1630 = arith.index_cast %swap3A_1629 : i32 to index
    %swap3A_1631 = arith.constant 48 : index
    %swap3A_1632 = tpu.vector_load %arg14[%swap3A_1630, %swap3A_1631] {strides = array<i32>} : memref<128x64xf32, #tpu.memory_space<vmem>>, vector<16xf32>,
    tpu.vector_store %arg14[%swap3A_1630, %swap3A_1631], %broadcast_in_dim3A_1 {strides = array<i32>} : memref<128x64xf32, #tpu.memory_space<vmem>>, vector<16xf32>,
    %swap3A_1633 = arith.constant 102 : i32
    %swap3A_1634 = arith.index_cast %swap3A_1633 : i32 to index
    %swap3A_1635 = arith.constant 0 : index
    %swap3A_1636 = tpu.vector_load %arg14[%swap3A_1634, %swap3A_1635] {strides = array<i32>} : memref<128x64xf32, #tpu.memory_space<vmem>>, vector<16xf32>,
    tpu.vector_store %arg14[%swap3A_1634, %swap3A_1635], %broadcast_in_dim3A_1 {strides = array<i32>} : memref<128x64xf32, #tpu.memory_space<vmem>>, vector<16xf32>,
    %swap3A_1637 = arith.constant 102 : i32
    %swap3A_1638 = arith.index_cast %swap3A_1637 : i32 to index
    %swap3A_1639 = arith.constant 16 : index
    %swap3A_1640 = tpu.vector_load %arg14[%swap3A_1638, %swap3A_1639] {strides = array<i32>} : memref<128x64xf32, #tpu.memory_space<vmem>>, vector<16xf32>,
    tpu.vector_store %arg14[%swap3A_1638, %swap3A_1639], %broadcast_in_dim3A_1 {strides = array<i32>} : memref<128x64xf32, #tpu.memory_space<vmem>>, vector<16xf32>,
    %swap3A_1641 = arith.constant 102 : i32
    %swap3A_1642 = arith.index_cast %swap3A_1641 : i32 to index
    %swap3A_1643 = arith.constant 32 : index
    %swap3A_1644 = tpu.vector_load %arg14[%swap3A_1642, %swap3A_1643] {strides = array<i32>} : memref<128x64xf32, #tpu.memory_space<vmem>>, vector<16xf32>,
    tpu.vector_store %arg14[%swap3A_1642, %swap3A_1643], %broadcast_in_dim3A_1 {strides = array<i32>} : memref<128x64xf32, #tpu.memory_space<vmem>>, vector<16xf32>,
    %swap3A_1645 = arith.constant 102 : i32
    %swap3A_1646 = arith.index_cast %swap3A_1645 : i32 to index
    %swap3A_1647 = arith.constant 48 : index
    %swap3A_1648 = tpu.vector_load %arg14[%swap3A_1646, %swap3A_1647] {strides = array<i32>} : memref<128x64xf32, #tpu.memory_space<vmem>>, vector<16xf32>,
    tpu.vector_store %arg14[%swap3A_1646, %swap3A_1647], %broadcast_in_dim3A_1 {strides = array<i32>} : memref<128x64xf32, #tpu.memory_space<vmem>>, vector<16xf32>,
    %swap3A_1649 = arith.constant 103 : i32
    %swap3A_1650 = arith.index_cast %swap3A_1649 : i32 to index
    %swap3A_1651 = arith.constant 0 : index
    %swap3A_1652 = tpu.vector_load %arg14[%swap3A_1650, %swap3A_1651] {strides = array<i32>} : memref<128x64xf32, #tpu.memory_space<vmem>>, vector<16xf32>,
    tpu.vector_store %arg14[%swap3A_1650, %swap3A_1651], %broadcast_in_dim3A_1 {strides = array<i32>} : memref<128x64xf32, #tpu.memory_space<vmem>>, vector<16xf32>,
    %swap3A_1653 = arith.constant 103 : i32
    %swap3A_1654 = arith.index_cast %swap3A_1653 : i32 to index
    %swap3A_1655 = arith.constant 16 : index
    %swap3A_1656 = tpu.vector_load %arg14[%swap3A_1654, %swap3A_1655] {strides = array<i32>} : memref<128x64xf32, #tpu.memory_space<vmem>>, vector<16xf32>,
    tpu.vector_store %arg14[%swap3A_1654, %swap3A_1655], %broadcast_in_dim3A_1 {strides = array<i32>} : memref<128x64xf32, #tpu.memory_space<vmem>>, vector<16xf32>,
    %swap3A_1657 = arith.constant 103 : i32
    %swap3A_1658 = arith.index_cast %swap3A_1657 : i32 to index
    %swap3A_1659 = arith.constant 32 : index
    %swap3A_1660 = tpu.vector_load %arg14[%swap3A_1658, %swap3A_1659] {strides = array<i32>} : memref<128x64xf32, #tpu.memory_space<vmem>>, vector<16xf32>,
    tpu.vector_store %arg14[%swap3A_1658, %swap3A_1659], %broadcast_in_dim3A_1 {strides = array<i32>} : memref<128x64xf32, #tpu.memory_space<vmem>>, vector<16xf32>,
    %swap3A_1661 = arith.constant 103 : i32
    %swap3A_1662 = arith.index_cast %swap3A_1661 : i32 to index
    %swap3A_1663 = arith.constant 48 : index
    %swap3A_1664 = tpu.vector_load %arg14[%swap3A_1662, %swap3A_1663] {strides = array<i32>} : memref<128x64xf32, #tpu.memory_space<vmem>>, vector<16xf32>,
    tpu.vector_store %arg14[%swap3A_1662, %swap3A_1663], %broadcast_in_dim3A_1 {strides = array<i32>} : memref<128x64xf32, #tpu.memory_space<vmem>>, vector<16xf32>,
    %swap3A_1665 = arith.constant 104 : i32
    %swap3A_1666 = arith.index_cast %swap3A_1665 : i32 to index
    %swap3A_1667 = arith.constant 0 : index
    %swap3A_1668 = tpu.vector_load %arg14[%swap3A_1666, %swap3A_1667] {strides = array<i32>} : memref<128x64xf32, #tpu.memory_space<vmem>>, vector<16xf32>,
    tpu.vector_store %arg14[%swap3A_1666, %swap3A_1667], %broadcast_in_dim3A_1 {strides = array<i32>} : memref<128x64xf32, #tpu.memory_space<vmem>>, vector<16xf32>,
    %swap3A_1669 = arith.constant 104 : i32
    %swap3A_1670 = arith.index_cast %swap3A_1669 : i32 to index
    %swap3A_1671 = arith.constant 16 : index
    %swap3A_1672 = tpu.vector_load %arg14[%swap3A_1670, %swap3A_1671] {strides = array<i32>} : memref<128x64xf32, #tpu.memory_space<vmem>>, vector<16xf32>,
    tpu.vector_store %arg14[%swap3A_1670, %swap3A_1671], %broadcast_in_dim3A_1 {strides = array<i32>} : memref<128x64xf32, #tpu.memory_space<vmem>>, vector<16xf32>,
    %swap3A_1673 = arith.constant 104 : i32
    %swap3A_1674 = arith.index_cast %swap3A_1673 : i32 to index
    %swap3A_1675 = arith.constant 32 : index
    %swap3A_1676 = tpu.vector_load %arg14[%swap3A_1674, %swap3A_1675] {strides = array<i32>} : memref<128x64xf32, #tpu.memory_space<vmem>>, vector<16xf32>,
    tpu.vector_store %arg14[%swap3A_1674, %swap3A_1675], %broadcast_in_dim3A_1 {strides = array<i32>} : memref<128x64xf32, #tpu.memory_space<vmem>>, vector<16xf32>,
    %swap3A_1677 = arith.constant 104 : i32
    %swap3A_1678 = arith.index_cast %swap3A_1677 : i32 to index
    %swap3A_1679 = arith.constant 48 : index
    %swap3A_1680 = tpu.vector_load %arg14[%swap3A_1678, %swap3A_1679] {strides = array<i32>} : memref<128x64xf32, #tpu.memory_space<vmem>>, vector<16xf32>,
    tpu.vector_store %arg14[%swap3A_1678, %swap3A_1679], %broadcast_in_dim3A_1 {strides = array<i32>} : memref<128x64xf32, #tpu.memory_space<vmem>>, vector<16xf32>,
    %swap3A_1681 = arith.constant 105 : i32
    %swap3A_1682 = arith.index_cast %swap3A_1681 : i32 to index
    %swap3A_1683 = arith.constant 0 : index
    %swap3A_1684 = tpu.vector_load %arg14[%swap3A_1682, %swap3A_1683] {strides = array<i32>} : memref<128x64xf32, #tpu.memory_space<vmem>>, vector<16xf32>,
    tpu.vector_store %arg14[%swap3A_1682, %swap3A_1683], %broadcast_in_dim3A_1 {strides = array<i32>} : memref<128x64xf32, #tpu.memory_space<vmem>>, vector<16xf32>,
    %swap3A_1685 = arith.constant 105 : i32
    %swap3A_1686 = arith.index_cast %swap3A_1685 : i32 to index
    %swap3A_1687 = arith.constant 16 : index
    %swap3A_1688 = tpu.vector_load %arg14[%swap3A_1686, %swap3A_1687] {strides = array<i32>} : memref<128x64xf32, #tpu.memory_space<vmem>>, vector<16xf32>,
    tpu.vector_store %arg14[%swap3A_1686, %swap3A_1687], %broadcast_in_dim3A_1 {strides = array<i32>} : memref<128x64xf32, #tpu.memory_space<vmem>>, vector<16xf32>,
    %swap3A_1689 = arith.constant 105 : i32
    %swap3A_1690 = arith.index_cast %swap3A_1689 : i32 to index
    %swap3A_1691 = arith.constant 32 : index
    %swap3A_1692 = tpu.vector_load %arg14[%swap3A_1690, %swap3A_1691] {strides = array<i32>} : memref<128x64xf32, #tpu.memory_space<vmem>>, vector<16xf32>,
    tpu.vector_store %arg14[%swap3A_1690, %swap3A_1691], %broadcast_in_dim3A_1 {strides = array<i32>} : memref<128x64xf32, #tpu.memory_space<vmem>>, vector<16xf32>,
    %swap3A_1693 = arith.constant 105 : i32
    %swap3A_1694 = arith.index_cast %swap3A_1693 : i32 to index
    %swap3A_1695 = arith.constant 48 : index
    %swap3A_1696 = tpu.vector_load %arg14[%swap3A_1694, %swap3A_1695] {strides = array<i32>} : memref<128x64xf32, #tpu.memory_space<vmem>>, vector<16xf32>,
    tpu.vector_store %arg14[%swap3A_1694, %swap3A_1695], %broadcast_in_dim3A_1 {strides = array<i32>} : memref<128x64xf32, #tpu.memory_space<vmem>>, vector<16xf32>,
    %swap3A_1697 = arith.constant 106 : i32
    %swap3A_1698 = arith.index_cast %swap3A_1697 : i32 to index
    %swap3A_1699 = arith.constant 0 : index
    %swap3A_1700 = tpu.vector_load %arg14[%swap3A_1698, %swap3A_1699] {strides = array<i32>} : memref<128x64xf32, #tpu.memory_space<vmem>>, vector<16xf32>,
    tpu.vector_store %arg14[%swap3A_1698, %swap3A_1699], %broadcast_in_dim3A_1 {strides = array<i32>} : memref<128x64xf32, #tpu.memory_space<vmem>>, vector<16xf32>,
    %swap3A_1701 = arith.constant 106 : i32
    %swap3A_1702 = arith.index_cast %swap3A_1701 : i32 to index
    %swap3A_1703 = arith.constant 16 : index
    %swap3A_1704 = tpu.vector_load %arg14[%swap3A_1702, %swap3A_1703] {strides = array<i32>} : memref<128x64xf32, #tpu.memory_space<vmem>>, vector<16xf32>,
    tpu.vector_store %arg14[%swap3A_1702, %swap3A_1703], %broadcast_in_dim3A_1 {strides = array<i32>} : memref<128x64xf32, #tpu.memory_space<vmem>>, vector<16xf32>,
    %swap3A_1705 = arith.constant 106 : i32
    %swap3A_1706 = arith.index_cast %swap3A_1705 : i32 to index
    %swap3A_1707 = arith.constant 32 : index
    %swap3A_1708 = tpu.vector_load %arg14[%swap3A_1706, %swap3A_1707] {strides = array<i32>} : memref<128x64xf32, #tpu.memory_space<vmem>>, vector<16xf32>,
    tpu.vector_store %arg14[%swap3A_1706, %swap3A_1707], %broadcast_in_dim3A_1 {strides = array<i32>} : memref<128x64xf32, #tpu.memory_space<vmem>>, vector<16xf32>,
    %swap3A_1709 = arith.constant 106 : i32
    %swap3A_1710 = arith.index_cast %swap3A_1709 : i32 to index
    %swap3A_1711 = arith.constant 48 : index
    %swap3A_1712 = tpu.vector_load %arg14[%swap3A_1710, %swap3A_1711] {strides = array<i32>} : memref<128x64xf32, #tpu.memory_space<vmem>>, vector<16xf32>,
    tpu.vector_store %arg14[%swap3A_1710, %swap3A_1711], %broadcast_in_dim3A_1 {strides = array<i32>} : memref<128x64xf32, #tpu.memory_space<vmem>>, vector<16xf32>,
    %swap3A_1713 = arith.constant 107 : i32
    %swap3A_1714 = arith.index_cast %swap3A_1713 : i32 to index
    %swap3A_1715 = arith.constant 0 : index
    %swap3A_1716 = tpu.vector_load %arg14[%swap3A_1714, %swap3A_1715] {strides = array<i32>} : memref<128x64xf32, #tpu.memory_space<vmem>>, vector<16xf32>,
    tpu.vector_store %arg14[%swap3A_1714, %swap3A_1715], %broadcast_in_dim3A_1 {strides = array<i32>} : memref<128x64xf32, #tpu.memory_space<vmem>>, vector<16xf32>,
    %swap3A_1717 = arith.constant 107 : i32
    %swap3A_1718 = arith.index_cast %swap3A_1717 : i32 to index
    %swap3A_1719 = arith.constant 16 : index
    %swap3A_1720 = tpu.vector_load %arg14[%swap3A_1718, %swap3A_1719] {strides = array<i32>} : memref<128x64xf32, #tpu.memory_space<vmem>>, vector<16xf32>,
    tpu.vector_store %arg14[%swap3A_1718, %swap3A_1719], %broadcast_in_dim3A_1 {strides = array<i32>} : memref<128x64xf32, #tpu.memory_space<vmem>>, vector<16xf32>,
    %swap3A_1721 = arith.constant 107 : i32
    %swap3A_1722 = arith.index_cast %swap3A_1721 : i32 to index
    %swap3A_1723 = arith.constant 32 : index
    %swap3A_1724 = tpu.vector_load %arg14[%swap3A_1722, %swap3A_1723] {strides = array<i32>} : memref<128x64xf32, #tpu.memory_space<vmem>>, vector<16xf32>,
    tpu.vector_store %arg14[%swap3A_1722, %swap3A_1723], %broadcast_in_dim3A_1 {strides = array<i32>} : memref<128x64xf32, #tpu.memory_space<vmem>>, vector<16xf32>,
    %swap3A_1725 = arith.constant 107 : i32
    %swap3A_1726 = arith.index_cast %swap3A_1725 : i32 to index
    %swap3A_1727 = arith.constant 48 : index
    %swap3A_1728 = tpu.vector_load %arg14[%swap3A_1726, %swap3A_1727] {strides = array<i32>} : memref<128x64xf32, #tpu.memory_space<vmem>>, vector<16xf32>,
    tpu.vector_store %arg14[%swap3A_1726, %swap3A_1727], %broadcast_in_dim3A_1 {strides = array<i32>} : memref<128x64xf32, #tpu.memory_space<vmem>>, vector<16xf32>,
    %swap3A_1729 = arith.constant 108 : i32
    %swap3A_1730 = arith.index_cast %swap3A_1729 : i32 to index
    %swap3A_1731 = arith.constant 0 : index
    %swap3A_1732 = tpu.vector_load %arg14[%swap3A_1730, %swap3A_1731] {strides = array<i32>} : memref<128x64xf32, #tpu.memory_space<vmem>>, vector<16xf32>,
    tpu.vector_store %arg14[%swap3A_1730, %swap3A_1731], %broadcast_in_dim3A_1 {strides = array<i32>} : memref<128x64xf32, #tpu.memory_space<vmem>>, vector<16xf32>,
    %swap3A_1733 = arith.constant 108 : i32
    %swap3A_1734 = arith.index_cast %swap3A_1733 : i32 to index
    %swap3A_1735 = arith.constant 16 : index
    %swap3A_1736 = tpu.vector_load %arg14[%swap3A_1734, %swap3A_1735] {strides = array<i32>} : memref<128x64xf32, #tpu.memory_space<vmem>>, vector<16xf32>,
    tpu.vector_store %arg14[%swap3A_1734, %swap3A_1735], %broadcast_in_dim3A_1 {strides = array<i32>} : memref<128x64xf32, #tpu.memory_space<vmem>>, vector<16xf32>,
    %swap3A_1737 = arith.constant 108 : i32
    %swap3A_1738 = arith.index_cast %swap3A_1737 : i32 to index
    %swap3A_1739 = arith.constant 32 : index
    %swap3A_1740 = tpu.vector_load %arg14[%swap3A_1738, %swap3A_1739] {strides = array<i32>} : memref<128x64xf32, #tpu.memory_space<vmem>>, vector<16xf32>,
    tpu.vector_store %arg14[%swap3A_1738, %swap3A_1739], %broadcast_in_dim3A_1 {strides = array<i32>} : memref<128x64xf32, #tpu.memory_space<vmem>>, vector<16xf32>,
    %swap3A_1741 = arith.constant 108 : i32
    %swap3A_1742 = arith.index_cast %swap3A_1741 : i32 to index
    %swap3A_1743 = arith.constant 48 : index
    %swap3A_1744 = tpu.vector_load %arg14[%swap3A_1742, %swap3A_1743] {strides = array<i32>} : memref<128x64xf32, #tpu.memory_space<vmem>>, vector<16xf32>,
    tpu.vector_store %arg14[%swap3A_1742, %swap3A_1743], %broadcast_in_dim3A_1 {strides = array<i32>} : memref<128x64xf32, #tpu.memory_space<vmem>>, vector<16xf32>,
    %swap3A_1745 = arith.constant 109 : i32
    %swap3A_1746 = arith.index_cast %swap3A_1745 : i32 to index
    %swap3A_1747 = arith.constant 0 : index
    %swap3A_1748 = tpu.vector_load %arg14[%swap3A_1746, %swap3A_1747] {strides = array<i32>} : memref<128x64xf32, #tpu.memory_space<vmem>>, vector<16xf32>,
    tpu.vector_store %arg14[%swap3A_1746, %swap3A_1747], %broadcast_in_dim3A_1 {strides = array<i32>} : memref<128x64xf32, #tpu.memory_space<vmem>>, vector<16xf32>,
    %swap3A_1749 = arith.constant 109 : i32
    %swap3A_1750 = arith.index_cast %swap3A_1749 : i32 to index
    %swap3A_1751 = arith.constant 16 : index
    %swap3A_1752 = tpu.vector_load %arg14[%swap3A_1750, %swap3A_1751] {strides = array<i32>} : memref<128x64xf32, #tpu.memory_space<vmem>>, vector<16xf32>,
    tpu.vector_store %arg14[%swap3A_1750, %swap3A_1751], %broadcast_in_dim3A_1 {strides = array<i32>} : memref<128x64xf32, #tpu.memory_space<vmem>>, vector<16xf32>,
    %swap3A_1753 = arith.constant 109 : i32
    %swap3A_1754 = arith.index_cast %swap3A_1753 : i32 to index
    %swap3A_1755 = arith.constant 32 : index
    %swap3A_1756 = tpu.vector_load %arg14[%swap3A_1754, %swap3A_1755] {strides = array<i32>} : memref<128x64xf32, #tpu.memory_space<vmem>>, vector<16xf32>,
    tpu.vector_store %arg14[%swap3A_1754, %swap3A_1755], %broadcast_in_dim3A_1 {strides = array<i32>} : memref<128x64xf32, #tpu.memory_space<vmem>>, vector<16xf32>,
    %swap3A_1757 = arith.constant 109 : i32
    %swap3A_1758 = arith.index_cast %swap3A_1757 : i32 to index
    %swap3A_1759 = arith.constant 48 : index
    %swap3A_1760 = tpu.vector_load %arg14[%swap3A_1758, %swap3A_1759] {strides = array<i32>} : memref<128x64xf32, #tpu.memory_space<vmem>>, vector<16xf32>,
    tpu.vector_store %arg14[%swap3A_1758, %swap3A_1759], %broadcast_in_dim3A_1 {strides = array<i32>} : memref<128x64xf32, #tpu.memory_space<vmem>>, vector<16xf32>,
    %swap3A_1761 = arith.constant 110 : i32
    %swap3A_1762 = arith.index_cast %swap3A_1761 : i32 to index
    %swap3A_1763 = arith.constant 0 : index
    %swap3A_1764 = tpu.vector_load %arg14[%swap3A_1762, %swap3A_1763] {strides = array<i32>} : memref<128x64xf32, #tpu.memory_space<vmem>>, vector<16xf32>,
    tpu.vector_store %arg14[%swap3A_1762, %swap3A_1763], %broadcast_in_dim3A_1 {strides = array<i32>} : memref<128x64xf32, #tpu.memory_space<vmem>>, vector<16xf32>,
    %swap3A_1765 = arith.constant 110 : i32
    %swap3A_1766 = arith.index_cast %swap3A_1765 : i32 to index
    %swap3A_1767 = arith.constant 16 : index
    %swap3A_1768 = tpu.vector_load %arg14[%swap3A_1766, %swap3A_1767] {strides = array<i32>} : memref<128x64xf32, #tpu.memory_space<vmem>>, vector<16xf32>,
    tpu.vector_store %arg14[%swap3A_1766, %swap3A_1767], %broadcast_in_dim3A_1 {strides = array<i32>} : memref<128x64xf32, #tpu.memory_space<vmem>>, vector<16xf32>,
    %swap3A_1769 = arith.constant 110 : i32
    %swap3A_1770 = arith.index_cast %swap3A_1769 : i32 to index
    %swap3A_1771 = arith.constant 32 : index
    %swap3A_1772 = tpu.vector_load %arg14[%swap3A_1770, %swap3A_1771] {strides = array<i32>} : memref<128x64xf32, #tpu.memory_space<vmem>>, vector<16xf32>,
    tpu.vector_store %arg14[%swap3A_1770, %swap3A_1771], %broadcast_in_dim3A_1 {strides = array<i32>} : memref<128x64xf32, #tpu.memory_space<vmem>>, vector<16xf32>,
    %swap3A_1773 = arith.constant 110 : i32
    %swap3A_1774 = arith.index_cast %swap3A_1773 : i32 to index
    %swap3A_1775 = arith.constant 48 : index
    %swap3A_1776 = tpu.vector_load %arg14[%swap3A_1774, %swap3A_1775] {strides = array<i32>} : memref<128x64xf32, #tpu.memory_space<vmem>>, vector<16xf32>,
    tpu.vector_store %arg14[%swap3A_1774, %swap3A_1775], %broadcast_in_dim3A_1 {strides = array<i32>} : memref<128x64xf32, #tpu.memory_space<vmem>>, vector<16xf32>,
    %swap3A_1777 = arith.constant 111 : i32
    %swap3A_1778 = arith.index_cast %swap3A_1777 : i32 to index
    %swap3A_1779 = arith.constant 0 : index
    %swap3A_1780 = tpu.vector_load %arg14[%swap3A_1778, %swap3A_1779] {strides = array<i32>} : memref<128x64xf32, #tpu.memory_space<vmem>>, vector<16xf32>,
    tpu.vector_store %arg14[%swap3A_1778, %swap3A_1779], %broadcast_in_dim3A_1 {strides = array<i32>} : memref<128x64xf32, #tpu.memory_space<vmem>>, vector<16xf32>,
    %swap3A_1781 = arith.constant 111 : i32
    %swap3A_1782 = arith.index_cast %swap3A_1781 : i32 to index
    %swap3A_1783 = arith.constant 16 : index
    %swap3A_1784 = tpu.vector_load %arg14[%swap3A_1782, %swap3A_1783] {strides = array<i32>} : memref<128x64xf32, #tpu.memory_space<vmem>>, vector<16xf32>,
    tpu.vector_store %arg14[%swap3A_1782, %swap3A_1783], %broadcast_in_dim3A_1 {strides = array<i32>} : memref<128x64xf32, #tpu.memory_space<vmem>>, vector<16xf32>,
    %swap3A_1785 = arith.constant 111 : i32
    %swap3A_1786 = arith.index_cast %swap3A_1785 : i32 to index
    %swap3A_1787 = arith.constant 32 : index
    %swap3A_1788 = tpu.vector_load %arg14[%swap3A_1786, %swap3A_1787] {strides = array<i32>} : memref<128x64xf32, #tpu.memory_space<vmem>>, vector<16xf32>,
    tpu.vector_store %arg14[%swap3A_1786, %swap3A_1787], %broadcast_in_dim3A_1 {strides = array<i32>} : memref<128x64xf32, #tpu.memory_space<vmem>>, vector<16xf32>,
    %swap3A_1789 = arith.constant 111 : i32
    %swap3A_1790 = arith.index_cast %swap3A_1789 : i32 to index
    %swap3A_1791 = arith.constant 48 : index
    %swap3A_1792 = tpu.vector_load %arg14[%swap3A_1790, %swap3A_1791] {strides = array<i32>} : memref<128x64xf32, #tpu.memory_space<vmem>>, vector<16xf32>,
    tpu.vector_store %arg14[%swap3A_1790, %swap3A_1791], %broadcast_in_dim3A_1 {strides = array<i32>} : memref<128x64xf32, #tpu.memory_space<vmem>>, vector<16xf32>,
    %swap3A_1793 = arith.constant 112 : i32
    %swap3A_1794 = arith.index_cast %swap3A_1793 : i32 to index
    %swap3A_1795 = arith.constant 0 : index
    %swap3A_1796 = tpu.vector_load %arg14[%swap3A_1794, %swap3A_1795] {strides = array<i32>} : memref<128x64xf32, #tpu.memory_space<vmem>>, vector<16xf32>,
    tpu.vector_store %arg14[%swap3A_1794, %swap3A_1795], %broadcast_in_dim3A_1 {strides = array<i32>} : memref<128x64xf32, #tpu.memory_space<vmem>>, vector<16xf32>,
    %swap3A_1797 = arith.constant 112 : i32
    %swap3A_1798 = arith.index_cast %swap3A_1797 : i32 to index
    %swap3A_1799 = arith.constant 16 : index
    %swap3A_1800 = tpu.vector_load %arg14[%swap3A_1798, %swap3A_1799] {strides = array<i32>} : memref<128x64xf32, #tpu.memory_space<vmem>>, vector<16xf32>,
    tpu.vector_store %arg14[%swap3A_1798, %swap3A_1799], %broadcast_in_dim3A_1 {strides = array<i32>} : memref<128x64xf32, #tpu.memory_space<vmem>>, vector<16xf32>,
    %swap3A_1801 = arith.constant 112 : i32
    %swap3A_1802 = arith.index_cast %swap3A_1801 : i32 to index
    %swap3A_1803 = arith.constant 32 : index
    %swap3A_1804 = tpu.vector_load %arg14[%swap3A_1802, %swap3A_1803] {strides = array<i32>} : memref<128x64xf32, #tpu.memory_space<vmem>>, vector<16xf32>,
    tpu.vector_store %arg14[%swap3A_1802, %swap3A_1803], %broadcast_in_dim3A_1 {strides = array<i32>} : memref<128x64xf32, #tpu.memory_space<vmem>>, vector<16xf32>,
    %swap3A_1805 = arith.constant 112 : i32
    %swap3A_1806 = arith.index_cast %swap3A_1805 : i32 to index
    %swap3A_1807 = arith.constant 48 : index
    %swap3A_1808 = tpu.vector_load %arg14[%swap3A_1806, %swap3A_1807] {strides = array<i32>} : memref<128x64xf32, #tpu.memory_space<vmem>>, vector<16xf32>,
    tpu.vector_store %arg14[%swap3A_1806, %swap3A_1807], %broadcast_in_dim3A_1 {strides = array<i32>} : memref<128x64xf32, #tpu.memory_space<vmem>>, vector<16xf32>,
    %swap3A_1809 = arith.constant 113 : i32
    %swap3A_1810 = arith.index_cast %swap3A_1809 : i32 to index
    %swap3A_1811 = arith.constant 0 : index
    %swap3A_1812 = tpu.vector_load %arg14[%swap3A_1810, %swap3A_1811] {strides = array<i32>} : memref<128x64xf32, #tpu.memory_space<vmem>>, vector<16xf32>,
    tpu.vector_store %arg14[%swap3A_1810, %swap3A_1811], %broadcast_in_dim3A_1 {strides = array<i32>} : memref<128x64xf32, #tpu.memory_space<vmem>>, vector<16xf32>,
    %swap3A_1813 = arith.constant 113 : i32
    %swap3A_1814 = arith.index_cast %swap3A_1813 : i32 to index
    %swap3A_1815 = arith.constant 16 : index
    %swap3A_1816 = tpu.vector_load %arg14[%swap3A_1814, %swap3A_1815] {strides = array<i32>} : memref<128x64xf32, #tpu.memory_space<vmem>>, vector<16xf32>,
    tpu.vector_store %arg14[%swap3A_1814, %swap3A_1815], %broadcast_in_dim3A_1 {strides = array<i32>} : memref<128x64xf32, #tpu.memory_space<vmem>>, vector<16xf32>,
    %swap3A_1817 = arith.constant 113 : i32
    %swap3A_1818 = arith.index_cast %swap3A_1817 : i32 to index
    %swap3A_1819 = arith.constant 32 : index
    %swap3A_1820 = tpu.vector_load %arg14[%swap3A_1818, %swap3A_1819] {strides = array<i32>} : memref<128x64xf32, #tpu.memory_space<vmem>>, vector<16xf32>,
    tpu.vector_store %arg14[%swap3A_1818, %swap3A_1819], %broadcast_in_dim3A_1 {strides = array<i32>} : memref<128x64xf32, #tpu.memory_space<vmem>>, vector<16xf32>,
    %swap3A_1821 = arith.constant 113 : i32
    %swap3A_1822 = arith.index_cast %swap3A_1821 : i32 to index
    %swap3A_1823 = arith.constant 48 : index
    %swap3A_1824 = tpu.vector_load %arg14[%swap3A_1822, %swap3A_1823] {strides = array<i32>} : memref<128x64xf32, #tpu.memory_space<vmem>>, vector<16xf32>,
    tpu.vector_store %arg14[%swap3A_1822, %swap3A_1823], %broadcast_in_dim3A_1 {strides = array<i32>} : memref<128x64xf32, #tpu.memory_space<vmem>>, vector<16xf32>,
    %swap3A_1825 = arith.constant 114 : i32
    %swap3A_1826 = arith.index_cast %swap3A_1825 : i32 to index
    %swap3A_1827 = arith.constant 0 : index
    %swap3A_1828 = tpu.vector_load %arg14[%swap3A_1826, %swap3A_1827] {strides = array<i32>} : memref<128x64xf32, #tpu.memory_space<vmem>>, vector<16xf32>,
    tpu.vector_store %arg14[%swap3A_1826, %swap3A_1827], %broadcast_in_dim3A_1 {strides = array<i32>} : memref<128x64xf32, #tpu.memory_space<vmem>>, vector<16xf32>,
    %swap3A_1829 = arith.constant 114 : i32
    %swap3A_1830 = arith.index_cast %swap3A_1829 : i32 to index
    %swap3A_1831 = arith.constant 16 : index
    %swap3A_1832 = tpu.vector_load %arg14[%swap3A_1830, %swap3A_1831] {strides = array<i32>} : memref<128x64xf32, #tpu.memory_space<vmem>>, vector<16xf32>,
    tpu.vector_store %arg14[%swap3A_1830, %swap3A_1831], %broadcast_in_dim3A_1 {strides = array<i32>} : memref<128x64xf32, #tpu.memory_space<vmem>>, vector<16xf32>,
    %swap3A_1833 = arith.constant 114 : i32
    %swap3A_1834 = arith.index_cast %swap3A_1833 : i32 to index
    %swap3A_1835 = arith.constant 32 : index
    %swap3A_1836 = tpu.vector_load %arg14[%swap3A_1834, %swap3A_1835] {strides = array<i32>} : memref<128x64xf32, #tpu.memory_space<vmem>>, vector<16xf32>,
    tpu.vector_store %arg14[%swap3A_1834, %swap3A_1835], %broadcast_in_dim3A_1 {strides = array<i32>} : memref<128x64xf32, #tpu.memory_space<vmem>>, vector<16xf32>,
    %swap3A_1837 = arith.constant 114 : i32
    %swap3A_1838 = arith.index_cast %swap3A_1837 : i32 to index
    %swap3A_1839 = arith.constant 48 : index
    %swap3A_1840 = tpu.vector_load %arg14[%swap3A_1838, %swap3A_1839] {strides = array<i32>} : memref<128x64xf32, #tpu.memory_space<vmem>>, vector<16xf32>,
    tpu.vector_store %arg14[%swap3A_1838, %swap3A_1839], %broadcast_in_dim3A_1 {strides = array<i32>} : memref<128x64xf32, #tpu.memory_space<vmem>>, vector<16xf32>,
    %swap3A_1841 = arith.constant 115 : i32
    %swap3A_1842 = arith.index_cast %swap3A_1841 : i32 to index
    %swap3A_1843 = arith.constant 0 : index
    %swap3A_1844 = tpu.vector_load %arg14[%swap3A_1842, %swap3A_1843] {strides = array<i32>} : memref<128x64xf32, #tpu.memory_space<vmem>>, vector<16xf32>,
    tpu.vector_store %arg14[%swap3A_1842, %swap3A_1843], %broadcast_in_dim3A_1 {strides = array<i32>} : memref<128x64xf32, #tpu.memory_space<vmem>>, vector<16xf32>,
    %swap3A_1845 = arith.constant 115 : i32
    %swap3A_1846 = arith.index_cast %swap3A_1845 : i32 to index
    %swap3A_1847 = arith.constant 16 : index
    %swap3A_1848 = tpu.vector_load %arg14[%swap3A_1846, %swap3A_1847] {strides = array<i32>} : memref<128x64xf32, #tpu.memory_space<vmem>>, vector<16xf32>,
    tpu.vector_store %arg14[%swap3A_1846, %swap3A_1847], %broadcast_in_dim3A_1 {strides = array<i32>} : memref<128x64xf32, #tpu.memory_space<vmem>>, vector<16xf32>,
    %swap3A_1849 = arith.constant 115 : i32
    %swap3A_1850 = arith.index_cast %swap3A_1849 : i32 to index
    %swap3A_1851 = arith.constant 32 : index
    %swap3A_1852 = tpu.vector_load %arg14[%swap3A_1850, %swap3A_1851] {strides = array<i32>} : memref<128x64xf32, #tpu.memory_space<vmem>>, vector<16xf32>,
    tpu.vector_store %arg14[%swap3A_1850, %swap3A_1851], %broadcast_in_dim3A_1 {strides = array<i32>} : memref<128x64xf32, #tpu.memory_space<vmem>>, vector<16xf32>,
    %swap3A_1853 = arith.constant 115 : i32
    %swap3A_1854 = arith.index_cast %swap3A_1853 : i32 to index
    %swap3A_1855 = arith.constant 48 : index
    %swap3A_1856 = tpu.vector_load %arg14[%swap3A_1854, %swap3A_1855] {strides = array<i32>} : memref<128x64xf32, #tpu.memory_space<vmem>>, vector<16xf32>,
    tpu.vector_store %arg14[%swap3A_1854, %swap3A_1855], %broadcast_in_dim3A_1 {strides = array<i32>} : memref<128x64xf32, #tpu.memory_space<vmem>>, vector<16xf32>,
    %swap3A_1857 = arith.constant 116 : i32
    %swap3A_1858 = arith.index_cast %swap3A_1857 : i32 to index
    %swap3A_1859 = arith.constant 0 : index
    %swap3A_1860 = tpu.vector_load %arg14[%swap3A_1858, %swap3A_1859] {strides = array<i32>} : memref<128x64xf32, #tpu.memory_space<vmem>>, vector<16xf32>,
    tpu.vector_store %arg14[%swap3A_1858, %swap3A_1859], %broadcast_in_dim3A_1 {strides = array<i32>} : memref<128x64xf32, #tpu.memory_space<vmem>>, vector<16xf32>,
    %swap3A_1861 = arith.constant 116 : i32
    %swap3A_1862 = arith.index_cast %swap3A_1861 : i32 to index
    %swap3A_1863 = arith.constant 16 : index
    %swap3A_1864 = tpu.vector_load %arg14[%swap3A_1862, %swap3A_1863] {strides = array<i32>} : memref<128x64xf32, #tpu.memory_space<vmem>>, vector<16xf32>,
    tpu.vector_store %arg14[%swap3A_1862, %swap3A_1863], %broadcast_in_dim3A_1 {strides = array<i32>} : memref<128x64xf32, #tpu.memory_space<vmem>>, vector<16xf32>,
    %swap3A_1865 = arith.constant 116 : i32
    %swap3A_1866 = arith.index_cast %swap3A_1865 : i32 to index
    %swap3A_1867 = arith.constant 32 : index
    %swap3A_1868 = tpu.vector_load %arg14[%swap3A_1866, %swap3A_1867] {strides = array<i32>} : memref<128x64xf32, #tpu.memory_space<vmem>>, vector<16xf32>,
    tpu.vector_store %arg14[%swap3A_1866, %swap3A_1867], %broadcast_in_dim3A_1 {strides = array<i32>} : memref<128x64xf32, #tpu.memory_space<vmem>>, vector<16xf32>,
    %swap3A_1869 = arith.constant 116 : i32
    %swap3A_1870 = arith.index_cast %swap3A_1869 : i32 to index
    %swap3A_1871 = arith.constant 48 : index
    %swap3A_1872 = tpu.vector_load %arg14[%swap3A_1870, %swap3A_1871] {strides = array<i32>} : memref<128x64xf32, #tpu.memory_space<vmem>>, vector<16xf32>,
    tpu.vector_store %arg14[%swap3A_1870, %swap3A_1871], %broadcast_in_dim3A_1 {strides = array<i32>} : memref<128x64xf32, #tpu.memory_space<vmem>>, vector<16xf32>,
    %swap3A_1873 = arith.constant 117 : i32
    %swap3A_1874 = arith.index_cast %swap3A_1873 : i32 to index
    %swap3A_1875 = arith.constant 0 : index
    %swap3A_1876 = tpu.vector_load %arg14[%swap3A_1874, %swap3A_1875] {strides = array<i32>} : memref<128x64xf32, #tpu.memory_space<vmem>>, vector<16xf32>,
    tpu.vector_store %arg14[%swap3A_1874, %swap3A_1875], %broadcast_in_dim3A_1 {strides = array<i32>} : memref<128x64xf32, #tpu.memory_space<vmem>>, vector<16xf32>,
    %swap3A_1877 = arith.constant 117 : i32
    %swap3A_1878 = arith.index_cast %swap3A_1877 : i32 to index
    %swap3A_1879 = arith.constant 16 : index
    %swap3A_1880 = tpu.vector_load %arg14[%swap3A_1878, %swap3A_1879] {strides = array<i32>} : memref<128x64xf32, #tpu.memory_space<vmem>>, vector<16xf32>,
    tpu.vector_store %arg14[%swap3A_1878, %swap3A_1879], %broadcast_in_dim3A_1 {strides = array<i32>} : memref<128x64xf32, #tpu.memory_space<vmem>>, vector<16xf32>,
    %swap3A_1881 = arith.constant 117 : i32
    %swap3A_1882 = arith.index_cast %swap3A_1881 : i32 to index
    %swap3A_1883 = arith.constant 32 : index
    %swap3A_1884 = tpu.vector_load %arg14[%swap3A_1882, %swap3A_1883] {strides = array<i32>} : memref<128x64xf32, #tpu.memory_space<vmem>>, vector<16xf32>,
    tpu.vector_store %arg14[%swap3A_1882, %swap3A_1883], %broadcast_in_dim3A_1 {strides = array<i32>} : memref<128x64xf32, #tpu.memory_space<vmem>>, vector<16xf32>,
    %swap3A_1885 = arith.constant 117 : i32
    %swap3A_1886 = arith.index_cast %swap3A_1885 : i32 to index
    %swap3A_1887 = arith.constant 48 : index
    %swap3A_1888 = tpu.vector_load %arg14[%swap3A_1886, %swap3A_1887] {strides = array<i32>} : memref<128x64xf32, #tpu.memory_space<vmem>>, vector<16xf32>,
    tpu.vector_store %arg14[%swap3A_1886, %swap3A_1887], %broadcast_in_dim3A_1 {strides = array<i32>} : memref<128x64xf32, #tpu.memory_space<vmem>>, vector<16xf32>,
    %swap3A_1889 = arith.constant 118 : i32
    %swap3A_1890 = arith.index_cast %swap3A_1889 : i32 to index
    %swap3A_1891 = arith.constant 0 : index
    %swap3A_1892 = tpu.vector_load %arg14[%swap3A_1890, %swap3A_1891] {strides = array<i32>} : memref<128x64xf32, #tpu.memory_space<vmem>>, vector<16xf32>,
    tpu.vector_store %arg14[%swap3A_1890, %swap3A_1891], %broadcast_in_dim3A_1 {strides = array<i32>} : memref<128x64xf32, #tpu.memory_space<vmem>>, vector<16xf32>,
    %swap3A_1893 = arith.constant 118 : i32
    %swap3A_1894 = arith.index_cast %swap3A_1893 : i32 to index
    %swap3A_1895 = arith.constant 16 : index
    %swap3A_1896 = tpu.vector_load %arg14[%swap3A_1894, %swap3A_1895] {strides = array<i32>} : memref<128x64xf32, #tpu.memory_space<vmem>>, vector<16xf32>,
    tpu.vector_store %arg14[%swap3A_1894, %swap3A_1895], %broadcast_in_dim3A_1 {strides = array<i32>} : memref<128x64xf32, #tpu.memory_space<vmem>>, vector<16xf32>,
    %swap3A_1897 = arith.constant 118 : i32
    %swap3A_1898 = arith.index_cast %swap3A_1897 : i32 to index
    %swap3A_1899 = arith.constant 32 : index
    %swap3A_1900 = tpu.vector_load %arg14[%swap3A_1898, %swap3A_1899] {strides = array<i32>} : memref<128x64xf32, #tpu.memory_space<vmem>>, vector<16xf32>,
    tpu.vector_store %arg14[%swap3A_1898, %swap3A_1899], %broadcast_in_dim3A_1 {strides = array<i32>} : memref<128x64xf32, #tpu.memory_space<vmem>>, vector<16xf32>,
    %swap3A_1901 = arith.constant 118 : i32
    %swap3A_1902 = arith.index_cast %swap3A_1901 : i32 to index
    %swap3A_1903 = arith.constant 48 : index
    %swap3A_1904 = tpu.vector_load %arg14[%swap3A_1902, %swap3A_1903] {strides = array<i32>} : memref<128x64xf32, #tpu.memory_space<vmem>>, vector<16xf32>,
    tpu.vector_store %arg14[%swap3A_1902, %swap3A_1903], %broadcast_in_dim3A_1 {strides = array<i32>} : memref<128x64xf32, #tpu.memory_space<vmem>>, vector<16xf32>,
    %swap3A_1905 = arith.constant 119 : i32
    %swap3A_1906 = arith.index_cast %swap3A_1905 : i32 to index
    %swap3A_1907 = arith.constant 0 : index
    %swap3A_1908 = tpu.vector_load %arg14[%swap3A_1906, %swap3A_1907] {strides = array<i32>} : memref<128x64xf32, #tpu.memory_space<vmem>>, vector<16xf32>,
    tpu.vector_store %arg14[%swap3A_1906, %swap3A_1907], %broadcast_in_dim3A_1 {strides = array<i32>} : memref<128x64xf32, #tpu.memory_space<vmem>>, vector<16xf32>,
    %swap3A_1909 = arith.constant 119 : i32
    %swap3A_1910 = arith.index_cast %swap3A_1909 : i32 to index
    %swap3A_1911 = arith.constant 16 : index
    %swap3A_1912 = tpu.vector_load %arg14[%swap3A_1910, %swap3A_1911] {strides = array<i32>} : memref<128x64xf32, #tpu.memory_space<vmem>>, vector<16xf32>,
    tpu.vector_store %arg14[%swap3A_1910, %swap3A_1911], %broadcast_in_dim3A_1 {strides = array<i32>} : memref<128x64xf32, #tpu.memory_space<vmem>>, vector<16xf32>,
    %swap3A_1913 = arith.constant 119 : i32
    %swap3A_1914 = arith.index_cast %swap3A_1913 : i32 to index
    %swap3A_1915 = arith.constant 32 : index
    %swap3A_1916 = tpu.vector_load %arg14[%swap3A_1914, %swap3A_1915] {strides = array<i32>} : memref<128x64xf32, #tpu.memory_space<vmem>>, vector<16xf32>,
    tpu.vector_store %arg14[%swap3A_1914, %swap3A_1915], %broadcast_in_dim3A_1 {strides = array<i32>} : memref<128x64xf32, #tpu.memory_space<vmem>>, vector<16xf32>,
    %swap3A_1917 = arith.constant 119 : i32
    %swap3A_1918 = arith.index_cast %swap3A_1917 : i32 to index
    %swap3A_1919 = arith.constant 48 : index
    %swap3A_1920 = tpu.vector_load %arg14[%swap3A_1918, %swap3A_1919] {strides = array<i32>} : memref<128x64xf32, #tpu.memory_space<vmem>>, vector<16xf32>,
    tpu.vector_store %arg14[%swap3A_1918, %swap3A_1919], %broadcast_in_dim3A_1 {strides = array<i32>} : memref<128x64xf32, #tpu.memory_space<vmem>>, vector<16xf32>,
    %swap3A_1921 = arith.constant 120 : i32
    %swap3A_1922 = arith.index_cast %swap3A_1921 : i32 to index
    %swap3A_1923 = arith.constant 0 : index
    %swap3A_1924 = tpu.vector_load %arg14[%swap3A_1922, %swap3A_1923] {strides = array<i32>} : memref<128x64xf32, #tpu.memory_space<vmem>>, vector<16xf32>,
    tpu.vector_store %arg14[%swap3A_1922, %swap3A_1923], %broadcast_in_dim3A_1 {strides = array<i32>} : memref<128x64xf32, #tpu.memory_space<vmem>>, vector<16xf32>,
    %swap3A_1925 = arith.constant 120 : i32
    %swap3A_1926 = arith.index_cast %swap3A_1925 : i32 to index
    %swap3A_1927 = arith.constant 16 : index
    %swap3A_1928 = tpu.vector_load %arg14[%swap3A_1926, %swap3A_1927] {strides = array<i32>} : memref<128x64xf32, #tpu.memory_space<vmem>>, vector<16xf32>,
    tpu.vector_store %arg14[%swap3A_1926, %swap3A_1927], %broadcast_in_dim3A_1 {strides = array<i32>} : memref<128x64xf32, #tpu.memory_space<vmem>>, vector<16xf32>,
    %swap3A_1929 = arith.constant 120 : i32
    %swap3A_1930 = arith.index_cast %swap3A_1929 : i32 to index
    %swap3A_1931 = arith.constant 32 : index
    %swap3A_1932 = tpu.vector_load %arg14[%swap3A_1930, %swap3A_1931] {strides = array<i32>} : memref<128x64xf32, #tpu.memory_space<vmem>>, vector<16xf32>,
    tpu.vector_store %arg14[%swap3A_1930, %swap3A_1931], %broadcast_in_dim3A_1 {strides = array<i32>} : memref<128x64xf32, #tpu.memory_space<vmem>>, vector<16xf32>,
    %swap3A_1933 = arith.constant 120 : i32
    %swap3A_1934 = arith.index_cast %swap3A_1933 : i32 to index
    %swap3A_1935 = arith.constant 48 : index
    %swap3A_1936 = tpu.vector_load %arg14[%swap3A_1934, %swap3A_1935] {strides = array<i32>} : memref<128x64xf32, #tpu.memory_space<vmem>>, vector<16xf32>,
    tpu.vector_store %arg14[%swap3A_1934, %swap3A_1935], %broadcast_in_dim3A_1 {strides = array<i32>} : memref<128x64xf32, #tpu.memory_space<vmem>>, vector<16xf32>,
    %swap3A_1937 = arith.constant 121 : i32
    %swap3A_1938 = arith.index_cast %swap3A_1937 : i32 to index
    %swap3A_1939 = arith.constant 0 : index
    %swap3A_1940 = tpu.vector_load %arg14[%swap3A_1938, %swap3A_1939] {strides = array<i32>} : memref<128x64xf32, #tpu.memory_space<vmem>>, vector<16xf32>,
    tpu.vector_store %arg14[%swap3A_1938, %swap3A_1939], %broadcast_in_dim3A_1 {strides = array<i32>} : memref<128x64xf32, #tpu.memory_space<vmem>>, vector<16xf32>,
    %swap3A_1941 = arith.constant 121 : i32
    %swap3A_1942 = arith.index_cast %swap3A_1941 : i32 to index
    %swap3A_1943 = arith.constant 16 : index
    %swap3A_1944 = tpu.vector_load %arg14[%swap3A_1942, %swap3A_1943] {strides = array<i32>} : memref<128x64xf32, #tpu.memory_space<vmem>>, vector<16xf32>,
    tpu.vector_store %arg14[%swap3A_1942, %swap3A_1943], %broadcast_in_dim3A_1 {strides = array<i32>} : memref<128x64xf32, #tpu.memory_space<vmem>>, vector<16xf32>,
    %swap3A_1945 = arith.constant 121 : i32
    %swap3A_1946 = arith.index_cast %swap3A_1945 : i32 to index
    %swap3A_1947 = arith.constant 32 : index
    %swap3A_1948 = tpu.vector_load %arg14[%swap3A_1946, %swap3A_1947] {strides = array<i32>} : memref<128x64xf32, #tpu.memory_space<vmem>>, vector<16xf32>,
    tpu.vector_store %arg14[%swap3A_1946, %swap3A_1947], %broadcast_in_dim3A_1 {strides = array<i32>} : memref<128x64xf32, #tpu.memory_space<vmem>>, vector<16xf32>,
    %swap3A_1949 = arith.constant 121 : i32
    %swap3A_1950 = arith.index_cast %swap3A_1949 : i32 to index
    %swap3A_1951 = arith.constant 48 : index
    %swap3A_1952 = tpu.vector_load %arg14[%swap3A_1950, %swap3A_1951] {strides = array<i32>} : memref<128x64xf32, #tpu.memory_space<vmem>>, vector<16xf32>,
    tpu.vector_store %arg14[%swap3A_1950, %swap3A_1951], %broadcast_in_dim3A_1 {strides = array<i32>} : memref<128x64xf32, #tpu.memory_space<vmem>>, vector<16xf32>,
    %swap3A_1953 = arith.constant 122 : i32
    %swap3A_1954 = arith.index_cast %swap3A_1953 : i32 to index
    %swap3A_1955 = arith.constant 0 : index
    %swap3A_1956 = tpu.vector_load %arg14[%swap3A_1954, %swap3A_1955] {strides = array<i32>} : memref<128x64xf32, #tpu.memory_space<vmem>>, vector<16xf32>,
    tpu.vector_store %arg14[%swap3A_1954, %swap3A_1955], %broadcast_in_dim3A_1 {strides = array<i32>} : memref<128x64xf32, #tpu.memory_space<vmem>>, vector<16xf32>,
    %swap3A_1957 = arith.constant 122 : i32
    %swap3A_1958 = arith.index_cast %swap3A_1957 : i32 to index
    %swap3A_1959 = arith.constant 16 : index
    %swap3A_1960 = tpu.vector_load %arg14[%swap3A_1958, %swap3A_1959] {strides = array<i32>} : memref<128x64xf32, #tpu.memory_space<vmem>>, vector<16xf32>,
    tpu.vector_store %arg14[%swap3A_1958, %swap3A_1959], %broadcast_in_dim3A_1 {strides = array<i32>} : memref<128x64xf32, #tpu.memory_space<vmem>>, vector<16xf32>,
    %swap3A_1961 = arith.constant 122 : i32
    %swap3A_1962 = arith.index_cast %swap3A_1961 : i32 to index
    %swap3A_1963 = arith.constant 32 : index
    %swap3A_1964 = tpu.vector_load %arg14[%swap3A_1962, %swap3A_1963] {strides = array<i32>} : memref<128x64xf32, #tpu.memory_space<vmem>>, vector<16xf32>,
    tpu.vector_store %arg14[%swap3A_1962, %swap3A_1963], %broadcast_in_dim3A_1 {strides = array<i32>} : memref<128x64xf32, #tpu.memory_space<vmem>>, vector<16xf32>,
    %swap3A_1965 = arith.constant 122 : i32
    %swap3A_1966 = arith.index_cast %swap3A_1965 : i32 to index
    %swap3A_1967 = arith.constant 48 : index
    %swap3A_1968 = tpu.vector_load %arg14[%swap3A_1966, %swap3A_1967] {strides = array<i32>} : memref<128x64xf32, #tpu.memory_space<vmem>>, vector<16xf32>,
    tpu.vector_store %arg14[%swap3A_1966, %swap3A_1967], %broadcast_in_dim3A_1 {strides = array<i32>} : memref<128x64xf32, #tpu.memory_space<vmem>>, vector<16xf32>,
    %swap3A_1969 = arith.constant 123 : i32
    %swap3A_1970 = arith.index_cast %swap3A_1969 : i32 to index
    %swap3A_1971 = arith.constant 0 : index
    %swap3A_1972 = tpu.vector_load %arg14[%swap3A_1970, %swap3A_1971] {strides = array<i32>} : memref<128x64xf32, #tpu.memory_space<vmem>>, vector<16xf32>,
    tpu.vector_store %arg14[%swap3A_1970, %swap3A_1971], %broadcast_in_dim3A_1 {strides = array<i32>} : memref<128x64xf32, #tpu.memory_space<vmem>>, vector<16xf32>,
    %swap3A_1973 = arith.constant 123 : i32
    %swap3A_1974 = arith.index_cast %swap3A_1973 : i32 to index
    %swap3A_1975 = arith.constant 16 : index
    %swap3A_1976 = tpu.vector_load %arg14[%swap3A_1974, %swap3A_1975] {strides = array<i32>} : memref<128x64xf32, #tpu.memory_space<vmem>>, vector<16xf32>,
    tpu.vector_store %arg14[%swap3A_1974, %swap3A_1975], %broadcast_in_dim3A_1 {strides = array<i32>} : memref<128x64xf32, #tpu.memory_space<vmem>>, vector<16xf32>,
    %swap3A_1977 = arith.constant 123 : i32
    %swap3A_1978 = arith.index_cast %swap3A_1977 : i32 to index
    %swap3A_1979 = arith.constant 32 : index
    %swap3A_1980 = tpu.vector_load %arg14[%swap3A_1978, %swap3A_1979] {strides = array<i32>} : memref<128x64xf32, #tpu.memory_space<vmem>>, vector<16xf32>,
    tpu.vector_store %arg14[%swap3A_1978, %swap3A_1979], %broadcast_in_dim3A_1 {strides = array<i32>} : memref<128x64xf32, #tpu.memory_space<vmem>>, vector<16xf32>,
    %swap3A_1981 = arith.constant 123 : i32
    %swap3A_1982 = arith.index_cast %swap3A_1981 : i32 to index
    %swap3A_1983 = arith.constant 48 : index
    %swap3A_1984 = tpu.vector_load %arg14[%swap3A_1982, %swap3A_1983] {strides = array<i32>} : memref<128x64xf32, #tpu.memory_space<vmem>>, vector<16xf32>,
    tpu.vector_store %arg14[%swap3A_1982, %swap3A_1983], %broadcast_in_dim3A_1 {strides = array<i32>} : memref<128x64xf32, #tpu.memory_space<vmem>>, vector<16xf32>,
    %swap3A_1985 = arith.constant 124 : i32
    %swap3A_1986 = arith.index_cast %swap3A_1985 : i32 to index
    %swap3A_1987 = arith.constant 0 : index
    %swap3A_1988 = tpu.vector_load %arg14[%swap3A_1986, %swap3A_1987] {strides = array<i32>} : memref<128x64xf32, #tpu.memory_space<vmem>>, vector<16xf32>,
    tpu.vector_store %arg14[%swap3A_1986, %swap3A_1987], %broadcast_in_dim3A_1 {strides = array<i32>} : memref<128x64xf32, #tpu.memory_space<vmem>>, vector<16xf32>,
    %swap3A_1989 = arith.constant 124 : i32
    %swap3A_1990 = arith.index_cast %swap3A_1989 : i32 to index
    %swap3A_1991 = arith.constant 16 : index
    %swap3A_1992 = tpu.vector_load %arg14[%swap3A_1990, %swap3A_1991] {strides = array<i32>} : memref<128x64xf32, #tpu.memory_space<vmem>>, vector<16xf32>,
    tpu.vector_store %arg14[%swap3A_1990, %swap3A_1991], %broadcast_in_dim3A_1 {strides = array<i32>} : memref<128x64xf32, #tpu.memory_space<vmem>>, vector<16xf32>,
    %swap3A_1993 = arith.constant 124 : i32
    %swap3A_1994 = arith.index_cast %swap3A_1993 : i32 to index
    %swap3A_1995 = arith.constant 32 : index
    %swap3A_1996 = tpu.vector_load %arg14[%swap3A_1994, %swap3A_1995] {strides = array<i32>} : memref<128x64xf32, #tpu.memory_space<vmem>>, vector<16xf32>,
    tpu.vector_store %arg14[%swap3A_1994, %swap3A_1995], %broadcast_in_dim3A_1 {strides = array<i32>} : memref<128x64xf32, #tpu.memory_space<vmem>>, vector<16xf32>,
    %swap3A_1997 = arith.constant 124 : i32
    %swap3A_1998 = arith.index_cast %swap3A_1997 : i32 to index
    %swap3A_1999 = arith.constant 48 : index
    %swap3A_2000 = tpu.vector_load %arg14[%swap3A_1998, %swap3A_1999] {strides = array<i32>} : memref<128x64xf32, #tpu.memory_space<vmem>>, vector<16xf32>,
    tpu.vector_store %arg14[%swap3A_1998, %swap3A_1999], %broadcast_in_dim3A_1 {strides = array<i32>} : memref<128x64xf32, #tpu.memory_space<vmem>>, vector<16xf32>,
    %swap3A_2001 = arith.constant 125 : i32
    %swap3A_2002 = arith.index_cast %swap3A_2001 : i32 to index
    %swap3A_2003 = arith.constant 0 : index
    %swap3A_2004 = tpu.vector_load %arg14[%swap3A_2002, %swap3A_2003] {strides = array<i32>} : memref<128x64xf32, #tpu.memory_space<vmem>>, vector<16xf32>,
    tpu.vector_store %arg14[%swap3A_2002, %swap3A_2003], %broadcast_in_dim3A_1 {strides = array<i32>} : memref<128x64xf32, #tpu.memory_space<vmem>>, vector<16xf32>,
    %swap3A_2005 = arith.constant 125 : i32
    %swap3A_2006 = arith.index_cast %swap3A_2005 : i32 to index
    %swap3A_2007 = arith.constant 16 : index
    %swap3A_2008 = tpu.vector_load %arg14[%swap3A_2006, %swap3A_2007] {strides = array<i32>} : memref<128x64xf32, #tpu.memory_space<vmem>>, vector<16xf32>,
    tpu.vector_store %arg14[%swap3A_2006, %swap3A_2007], %broadcast_in_dim3A_1 {strides = array<i32>} : memref<128x64xf32, #tpu.memory_space<vmem>>, vector<16xf32>,
    %swap3A_2009 = arith.constant 125 : i32
    %swap3A_2010 = arith.index_cast %swap3A_2009 : i32 to index
    %swap3A_2011 = arith.constant 32 : index
    %swap3A_2012 = tpu.vector_load %arg14[%swap3A_2010, %swap3A_2011] {strides = array<i32>} : memref<128x64xf32, #tpu.memory_space<vmem>>, vector<16xf32>,
    tpu.vector_store %arg14[%swap3A_2010, %swap3A_2011], %broadcast_in_dim3A_1 {strides = array<i32>} : memref<128x64xf32, #tpu.memory_space<vmem>>, vector<16xf32>,
    %swap3A_2013 = arith.constant 125 : i32
    %swap3A_2014 = arith.index_cast %swap3A_2013 : i32 to index
    %swap3A_2015 = arith.constant 48 : index
    %swap3A_2016 = tpu.vector_load %arg14[%swap3A_2014, %swap3A_2015] {strides = array<i32>} : memref<128x64xf32, #tpu.memory_space<vmem>>, vector<16xf32>,
    tpu.vector_store %arg14[%swap3A_2014, %swap3A_2015], %broadcast_in_dim3A_1 {strides = array<i32>} : memref<128x64xf32, #tpu.memory_space<vmem>>, vector<16xf32>,
    %swap3A_2017 = arith.constant 126 : i32
    %swap3A_2018 = arith.index_cast %swap3A_2017 : i32 to index
    %swap3A_2019 = arith.constant 0 : index
    %swap3A_2020 = tpu.vector_load %arg14[%swap3A_2018, %swap3A_2019] {strides = array<i32>} : memref<128x64xf32, #tpu.memory_space<vmem>>, vector<16xf32>,
    tpu.vector_store %arg14[%swap3A_2018, %swap3A_2019], %broadcast_in_dim3A_1 {strides = array<i32>} : memref<128x64xf32, #tpu.memory_space<vmem>>, vector<16xf32>,
    %swap3A_2021 = arith.constant 126 : i32
    %swap3A_2022 = arith.index_cast %swap3A_2021 : i32 to index
    %swap3A_2023 = arith.constant 16 : index
    %swap3A_2024 = tpu.vector_load %arg14[%swap3A_2022, %swap3A_2023] {strides = array<i32>} : memref<128x64xf32, #tpu.memory_space<vmem>>, vector<16xf32>,
    tpu.vector_store %arg14[%swap3A_2022, %swap3A_2023], %broadcast_in_dim3A_1 {strides = array<i32>} : memref<128x64xf32, #tpu.memory_space<vmem>>, vector<16xf32>,
    %swap3A_2025 = arith.constant 126 : i32
    %swap3A_2026 = arith.index_cast %swap3A_2025 : i32 to index
    %swap3A_2027 = arith.constant 32 : index
    %swap3A_2028 = tpu.vector_load %arg14[%swap3A_2026, %swap3A_2027] {strides = array<i32>} : memref<128x64xf32, #tpu.memory_space<vmem>>, vector<16xf32>,
    tpu.vector_store %arg14[%swap3A_2026, %swap3A_2027], %broadcast_in_dim3A_1 {strides = array<i32>} : memref<128x64xf32, #tpu.memory_space<vmem>>, vector<16xf32>,
    %swap3A_2029 = arith.constant 126 : i32
    %swap3A_2030 = arith.index_cast %swap3A_2029 : i32 to index
    %swap3A_2031 = arith.constant 48 : index
    %swap3A_2032 = tpu.vector_load %arg14[%swap3A_2030, %swap3A_2031] {strides = array<i32>} : memref<128x64xf32, #tpu.memory_space<vmem>>, vector<16xf32>,
    tpu.vector_store %arg14[%swap3A_2030, %swap3A_2031], %broadcast_in_dim3A_1 {strides = array<i32>} : memref<128x64xf32, #tpu.memory_space<vmem>>, vector<16xf32>,
    %swap3A_2033 = arith.constant 127 : i32
    %swap3A_2034 = arith.index_cast %swap3A_2033 : i32 to index
    %swap3A_2035 = arith.constant 0 : index
    %swap3A_2036 = tpu.vector_load %arg14[%swap3A_2034, %swap3A_2035] {strides = array<i32>} : memref<128x64xf32, #tpu.memory_space<vmem>>, vector<16xf32>,
    tpu.vector_store %arg14[%swap3A_2034, %swap3A_2035], %broadcast_in_dim3A_1 {strides = array<i32>} : memref<128x64xf32, #tpu.memory_space<vmem>>, vector<16xf32>,
    %swap3A_2037 = arith.constant 127 : i32
    %swap3A_2038 = arith.index_cast %swap3A_2037 : i32 to index
    %swap3A_2039 = arith.constant 16 : index
    %swap3A_2040 = tpu.vector_load %arg14[%swap3A_2038, %swap3A_2039] {strides = array<i32>} : memref<128x64xf32, #tpu.memory_space<vmem>>, vector<16xf32>,
    tpu.vector_store %arg14[%swap3A_2038, %swap3A_2039], %broadcast_in_dim3A_1 {strides = array<i32>} : memref<128x64xf32, #tpu.memory_space<vmem>>, vector<16xf32>,
    %swap3A_2041 = arith.constant 127 : i32
    %swap3A_2042 = arith.index_cast %swap3A_2041 : i32 to index
    %swap3A_2043 = arith.constant 32 : index
    %swap3A_2044 = tpu.vector_load %arg14[%swap3A_2042, %swap3A_2043] {strides = array<i32>} : memref<128x64xf32, #tpu.memory_space<vmem>>, vector<16xf32>,
    tpu.vector_store %arg14[%swap3A_2042, %swap3A_2043], %broadcast_in_dim3A_1 {strides = array<i32>} : memref<128x64xf32, #tpu.memory_space<vmem>>, vector<16xf32>,
    %swap3A_2045 = arith.constant 127 : i32
    %swap3A_2046 = arith.index_cast %swap3A_2045 : i32 to index
    %swap3A_2047 = arith.constant 48 : index
    %swap3A_2048 = tpu.vector_load %arg14[%swap3A_2046, %swap3A_2047] {strides = array<i32>} : memref<128x64xf32, #tpu.memory_space<vmem>>, vector<16xf32>,
    tpu.vector_store %arg14[%swap3A_2046, %swap3A_2047], %broadcast_in_dim3A_1 {strides = array<i32>} : memref<128x64xf32, #tpu.memory_space<vmem>>, vector<16xf32>,
    %dma_start3A = arith.constant 0 : i32
    %dma_start3A_2049 = arith.constant 0 : i32
    %dma_start3A_2050 = tpu.memref_slice %arg2[%add3A, %dma_start3A, %dma_start3A_2049] : memref<32x80x125xi32, #tpu.memory_space<hbm>> -> memref<1x80x125xi32, #tpu.memory_space<hbm>>
    %dma_start3A_2051 = tpu.memref_squeeze %dma_start3A_2050 : memref<1x80x125xi32, #tpu.memory_space<hbm>> -> memref<80x125xi32, #tpu.memory_space<hbm>>
    %dma_start3A_2052 = arith.constant 0 : i32
    %dma_start3A_2053 = arith.constant 0 : i32
    %dma_start3A_2054 = tpu.memref_slice %arg2[%add3A, %dma_start3A_2052, %dma_start3A_2053] : memref<32x80x125xi32, #tpu.memory_space<hbm>> -> memref<1x80x125xi32, #tpu.memory_space<hbm>>
    %dma_start3A_2055 = tpu.memref_squeeze %dma_start3A_2054 : memref<1x80x125xi32, #tpu.memory_space<hbm>> -> memref<80x125xi32, #tpu.memory_space<hbm>>
    tpu.enqueue_dma source(%dma_start3A_2055 : memref<80x125xi32, #tpu.memory_space<hbm>>) target(%arg7 : memref<80x125xi32, #tpu.memory_space<vmem>>) target_semaphore(%arg16 : memref<!tpu.dma_semaphore, #tpu.memory_space<semaphore_mem>>)
    %dma_start3A_2056 = arith.constant 0 : i32
    %dma_start3A_2057 = arith.constant 0 : i32
    %dma_start3A_2058 = tpu.memref_slice %arg3[%add3A, %dma_start3A_2056, %dma_start3A_2057] : memref<32x80x125xi32, #tpu.memory_space<hbm>> -> memref<1x80x125xi32, #tpu.memory_space<hbm>>
    %dma_start3A_2059 = tpu.memref_squeeze %dma_start3A_2058 : memref<1x80x125xi32, #tpu.memory_space<hbm>> -> memref<80x125xi32, #tpu.memory_space<hbm>>
    %dma_start3A_2060 = arith.constant 0 : i32
    %dma_start3A_2061 = arith.constant 0 : i32
    %dma_start3A_2062 = tpu.memref_slice %arg3[%add3A, %dma_start3A_2060, %dma_start3A_2061] : memref<32x80x125xi32, #tpu.memory_space<hbm>> -> memref<1x80x125xi32, #tpu.memory_space<hbm>>
    %dma_start3A_2063 = tpu.memref_squeeze %dma_start3A_2062 : memref<1x80x125xi32, #tpu.memory_space<hbm>> -> memref<80x125xi32, #tpu.memory_space<hbm>>
    tpu.enqueue_dma source(%dma_start3A_2063 : memref<80x125xi32, #tpu.memory_space<hbm>>) target(%arg8 : memref<80x125xi32, #tpu.memory_space<vmem>>) target_semaphore(%arg17 : memref<!tpu.dma_semaphore, #tpu.memory_space<semaphore_mem>>)
    %mul3A_2064 = arith.constant 640 : i32
    %mul3A_2065 = arith.muli %arg1, %mul3A_2064 : i32
    %add3A_2066 = arith.constant 0 : i32
    %add3A_2067 = arith.addi %mul3A_2065, %add3A_2066 : i32
    "tpu.region"() ({
      %run_scoped3A = tpu.sem_alloc : memref<!tpu.dma_semaphore, #tpu.memory_space<semaphore_mem>>
      %dma_start3A_2185 = arith.constant 0 : i32
      %dma_start3A_2186 = tpu.memref_slice %arg15[%add3A_2067, %dma_start3A_2185] : memref<10240x64xf32, #tpu.memory_space<vmem_shared>> -> memref<128x64xf32, #tpu.memory_space<vmem_shared>>
      %dma_start3A_2187 = arith.constant 0 : i32
      %dma_start3A_2188 = tpu.memref_slice %arg15[%add3A_2067, %dma_start3A_2187] : memref<10240x64xf32, #tpu.memory_space<vmem_shared>> -> memref<128x64xf32, #tpu.memory_space<vmem_shared>>
      tpu.enqueue_dma source(%arg14 : memref<128x64xf32, #tpu.memory_space<vmem>>) target(%dma_start3A_2188 : memref<128x64xf32, #tpu.memory_space<vmem_shared>>) target_semaphore(%run_scoped3A : memref<!tpu.dma_semaphore, #tpu.memory_space<semaphore_mem>>)
      %dma_wait3A_2189 = arith.constant 0 : i32
      %dma_wait3A_2190 = tpu.memref_slice %arg15[%add3A_2067, %dma_wait3A_2189] : memref<10240x64xf32, #tpu.memory_space<vmem_shared>> -> memref<128x64xf32, #tpu.memory_space<vmem_shared>>
      %dma_wait3A_2191 = arith.constant 0 : i32
      %dma_wait3A_2192 = tpu.memref_slice %arg15[%add3A_2067, %dma_wait3A_2191] : memref<10240x64xf32, #tpu.memory_space<vmem_shared>> -> memref<128x64xf32, #tpu.memory_space<vmem_shared>>
      tpu.wait_dma2 semaphore(%run_scoped3A : memref<!tpu.dma_semaphore, #tpu.memory_space<semaphore_mem>>) src(%arg14 : memref<128x64xf32, #tpu.memory_space<vmem>>) dst(%dma_wait3A_2192 : memref<128x64xf32, #tpu.memory_space<vmem_shared>>)
      tpu.yield
    }) : () -> ()
    %mul3A_2068 = arith.constant 640 : i32
    %mul3A_2069 = arith.muli %arg1, %mul3A_2068 : i32
    %add3A_2070 = arith.constant 128 : i32
    %add3A_2071 = arith.addi %mul3A_2069, %add3A_2070 : i32
    "tpu.region"() ({
      %run_scoped3A = tpu.sem_alloc : memref<!tpu.dma_semaphore, #tpu.memory_space<semaphore_mem>>
      %dma_start3A_2185 = arith.constant 0 : i32
      %dma_start3A_2186 = tpu.memref_slice %arg15[%add3A_2071, %dma_start3A_2185] : memref<10240x64xf32, #tpu.memory_space<vmem_shared>> -> memref<128x64xf32, #tpu.memory_space<vmem_shared>>
      %dma_start3A_2187 = arith.constant 0 : i32
      %dma_start3A_2188 = tpu.memref_slice %arg15[%add3A_2071, %dma_start3A_2187] : memref<10240x64xf32, #tpu.memory_space<vmem_shared>> -> memref<128x64xf32, #tpu.memory_space<vmem_shared>>
      tpu.enqueue_dma source(%arg14 : memref<128x64xf32, #tpu.memory_space<vmem>>) target(%dma_start3A_2188 : memref<128x64xf32, #tpu.memory_space<vmem_shared>>) target_semaphore(%run_scoped3A : memref<!tpu.dma_semaphore, #tpu.memory_space<semaphore_mem>>)
      %dma_wait3A_2189 = arith.constant 0 : i32
      %dma_wait3A_2190 = tpu.memref_slice %arg15[%add3A_2071, %dma_wait3A_2189] : memref<10240x64xf32, #tpu.memory_space<vmem_shared>> -> memref<128x64xf32, #tpu.memory_space<vmem_shared>>
      %dma_wait3A_2191 = arith.constant 0 : i32
      %dma_wait3A_2192 = tpu.memref_slice %arg15[%add3A_2071, %dma_wait3A_2191] : memref<10240x64xf32, #tpu.memory_space<vmem_shared>> -> memref<128x64xf32, #tpu.memory_space<vmem_shared>>
      tpu.wait_dma2 semaphore(%run_scoped3A : memref<!tpu.dma_semaphore, #tpu.memory_space<semaphore_mem>>) src(%arg14 : memref<128x64xf32, #tpu.memory_space<vmem>>) dst(%dma_wait3A_2192 : memref<128x64xf32, #tpu.memory_space<vmem_shared>>)
      tpu.yield
    }) : () -> ()
    %mul3A_2072 = arith.constant 640 : i32
    %mul3A_2073 = arith.muli %arg1, %mul3A_2072 : i32
    %add3A_2074 = arith.constant 256 : i32
    %add3A_2075 = arith.addi %mul3A_2073, %add3A_2074 : i32
    "tpu.region"() ({
      %run_scoped3A = tpu.sem_alloc : memref<!tpu.dma_semaphore, #tpu.memory_space<semaphore_mem>>
      %dma_start3A_2185 = arith.constant 0 : i32
      %dma_start3A_2186 = tpu.memref_slice %arg15[%add3A_2075, %dma_start3A_2185] : memref<10240x64xf32, #tpu.memory_space<vmem_shared>> -> memref<128x64xf32, #tpu.memory_space<vmem_shared>>
      %dma_start3A_2187 = arith.constant 0 : i32
      %dma_start3A_2188 = tpu.memref_slice %arg15[%add3A_2075, %dma_start3A_2187] : memref<10240x64xf32, #tpu.memory_space<vmem_shared>> -> memref<128x64xf32, #tpu.memory_space<vmem_shared>>
      tpu.enqueue_dma source(%arg14 : memref<128x64xf32, #tpu.memory_space<vmem>>) target(%dma_start3A_2188 : memref<128x64xf32, #tpu.memory_space<vmem_shared>>) target_semaphore(%run_scoped3A : memref<!tpu.dma_semaphore, #tpu.memory_space<semaphore_mem>>)
      %dma_wait3A_2189 = arith.constant 0 : i32
      %dma_wait3A_2190 = tpu.memref_slice %arg15[%add3A_2075, %dma_wait3A_2189] : memref<10240x64xf32, #tpu.memory_space<vmem_shared>> -> memref<128x64xf32, #tpu.memory_space<vmem_shared>>
      %dma_wait3A_2191 = arith.constant 0 : i32
      %dma_wait3A_2192 = tpu.memref_slice %arg15[%add3A_2075, %dma_wait3A_2191] : memref<10240x64xf32, #tpu.memory_space<vmem_shared>> -> memref<128x64xf32, #tpu.memory_space<vmem_shared>>
      tpu.wait_dma2 semaphore(%run_scoped3A : memref<!tpu.dma_semaphore, #tpu.memory_space<semaphore_mem>>) src(%arg14 : memref<128x64xf32, #tpu.memory_space<vmem>>) dst(%dma_wait3A_2192 : memref<128x64xf32, #tpu.memory_space<vmem_shared>>)
      tpu.yield
    }) : () -> ()
    %mul3A_2076 = arith.constant 640 : i32
    %mul3A_2077 = arith.muli %arg1, %mul3A_2076 : i32
    %add3A_2078 = arith.constant 384 : i32
    %add3A_2079 = arith.addi %mul3A_2077, %add3A_2078 : i32
    "tpu.region"() ({
      %run_scoped3A = tpu.sem_alloc : memref<!tpu.dma_semaphore, #tpu.memory_space<semaphore_mem>>
      %dma_start3A_2185 = arith.constant 0 : i32
      %dma_start3A_2186 = tpu.memref_slice %arg15[%add3A_2079, %dma_start3A_2185] : memref<10240x64xf32, #tpu.memory_space<vmem_shared>> -> memref<128x64xf32, #tpu.memory_space<vmem_shared>>
      %dma_start3A_2187 = arith.constant 0 : i32
      %dma_start3A_2188 = tpu.memref_slice %arg15[%add3A_2079, %dma_start3A_2187] : memref<10240x64xf32, #tpu.memory_space<vmem_shared>> -> memref<128x64xf32, #tpu.memory_space<vmem_shared>>
      tpu.enqueue_dma source(%arg14 : memref<128x64xf32, #tpu.memory_space<vmem>>) target(%dma_start3A_2188 : memref<128x64xf32, #tpu.memory_space<vmem_shared>>) target_semaphore(%run_scoped3A : memref<!tpu.dma_semaphore, #tpu.memory_space<semaphore_mem>>)
      %dma_wait3A_2189 = arith.constant 0 : i32
      %dma_wait3A_2190 = tpu.memref_slice %arg15[%add3A_2079, %dma_wait3A_2189] : memref<10240x64xf32, #tpu.memory_space<vmem_shared>> -> memref<128x64xf32, #tpu.memory_space<vmem_shared>>
      %dma_wait3A_2191 = arith.constant 0 : i32
      %dma_wait3A_2192 = tpu.memref_slice %arg15[%add3A_2079, %dma_wait3A_2191] : memref<10240x64xf32, #tpu.memory_space<vmem_shared>> -> memref<128x64xf32, #tpu.memory_space<vmem_shared>>
      tpu.wait_dma2 semaphore(%run_scoped3A : memref<!tpu.dma_semaphore, #tpu.memory_space<semaphore_mem>>) src(%arg14 : memref<128x64xf32, #tpu.memory_space<vmem>>) dst(%dma_wait3A_2192 : memref<128x64xf32, #tpu.memory_space<vmem_shared>>)
      tpu.yield
    }) : () -> ()
    %mul3A_2080 = arith.constant 640 : i32
    %mul3A_2081 = arith.muli %arg1, %mul3A_2080 : i32
    %add3A_2082 = arith.constant 512 : i32
    %add3A_2083 = arith.addi %mul3A_2081, %add3A_2082 : i32
    "tpu.region"() ({
      %run_scoped3A = tpu.sem_alloc : memref<!tpu.dma_semaphore, #tpu.memory_space<semaphore_mem>>
      %dma_start3A_2185 = arith.constant 0 : i32
      %dma_start3A_2186 = tpu.memref_slice %arg15[%add3A_2083, %dma_start3A_2185] : memref<10240x64xf32, #tpu.memory_space<vmem_shared>> -> memref<128x64xf32, #tpu.memory_space<vmem_shared>>
      %dma_start3A_2187 = arith.constant 0 : i32
      %dma_start3A_2188 = tpu.memref_slice %arg15[%add3A_2083, %dma_start3A_2187] : memref<10240x64xf32, #tpu.memory_space<vmem_shared>> -> memref<128x64xf32, #tpu.memory_space<vmem_shared>>
      tpu.enqueue_dma source(%arg14 : memref<128x64xf32, #tpu.memory_space<vmem>>) target(%dma_start3A_2188 : memref<128x64xf32, #tpu.memory_space<vmem_shared>>) target_semaphore(%run_scoped3A : memref<!tpu.dma_semaphore, #tpu.memory_space<semaphore_mem>>)
      %dma_wait3A_2189 = arith.constant 0 : i32
      %dma_wait3A_2190 = tpu.memref_slice %arg15[%add3A_2083, %dma_wait3A_2189] : memref<10240x64xf32, #tpu.memory_space<vmem_shared>> -> memref<128x64xf32, #tpu.memory_space<vmem_shared>>
      %dma_wait3A_2191 = arith.constant 0 : i32
      %dma_wait3A_2192 = tpu.memref_slice %arg15[%add3A_2083, %dma_wait3A_2191] : memref<10240x64xf32, #tpu.memory_space<vmem_shared>> -> memref<128x64xf32, #tpu.memory_space<vmem_shared>>
      tpu.wait_dma2 semaphore(%run_scoped3A : memref<!tpu.dma_semaphore, #tpu.memory_space<semaphore_mem>>) src(%arg14 : memref<128x64xf32, #tpu.memory_space<vmem>>) dst(%dma_wait3A_2192 : memref<128x64xf32, #tpu.memory_space<vmem_shared>>)
      tpu.yield
    }) : () -> ()
    %dma_wait3A = arith.constant 0 : i32
    %dma_wait3A_2084 = arith.constant 0 : i32
    %dma_wait3A_2085 = tpu.memref_slice %arg2[%add3A, %dma_wait3A, %dma_wait3A_2084] : memref<32x80x125xi32, #tpu.memory_space<hbm>> -> memref<1x80x125xi32, #tpu.memory_space<hbm>>
    %dma_wait3A_2086 = tpu.memref_squeeze %dma_wait3A_2085 : memref<1x80x125xi32, #tpu.memory_space<hbm>> -> memref<80x125xi32, #tpu.memory_space<hbm>>
    %dma_wait3A_2087 = arith.constant 0 : i32
    %dma_wait3A_2088 = arith.constant 0 : i32
    %dma_wait3A_2089 = tpu.memref_slice %arg2[%add3A, %dma_wait3A_2087, %dma_wait3A_2088] : memref<32x80x125xi32, #tpu.memory_space<hbm>> -> memref<1x80x125xi32, #tpu.memory_space<hbm>>
    %dma_wait3A_2090 = tpu.memref_squeeze %dma_wait3A_2089 : memref<1x80x125xi32, #tpu.memory_space<hbm>> -> memref<80x125xi32, #tpu.memory_space<hbm>>
    tpu.wait_dma2 semaphore(%arg16 : memref<!tpu.dma_semaphore, #tpu.memory_space<semaphore_mem>>) src(%dma_wait3A_2090 : memref<80x125xi32, #tpu.memory_space<hbm>>) dst(%arg7 : memref<80x125xi32, #tpu.memory_space<vmem>>)
    %dma_wait3A_2091 = arith.constant 0 : i32
    %dma_wait3A_2092 = arith.constant 0 : i32
    %dma_wait3A_2093 = tpu.memref_slice %arg3[%add3A, %dma_wait3A_2091, %dma_wait3A_2092] : memref<32x80x125xi32, #tpu.memory_space<hbm>> -> memref<1x80x125xi32, #tpu.memory_space<hbm>>
    %dma_wait3A_2094 = tpu.memref_squeeze %dma_wait3A_2093 : memref<1x80x125xi32, #tpu.memory_space<hbm>> -> memref<80x125xi32, #tpu.memory_space<hbm>>
    %dma_wait3A_2095 = arith.constant 0 : i32
    %dma_wait3A_2096 = arith.constant 0 : i32
    %dma_wait3A_2097 = tpu.memref_slice %arg3[%add3A, %dma_wait3A_2095, %dma_wait3A_2096] : memref<32x80x125xi32, #tpu.memory_space<hbm>> -> memref<1x80x125xi32, #tpu.memory_space<hbm>>
    %dma_wait3A_2098 = tpu.memref_squeeze %dma_wait3A_2097 : memref<1x80x125xi32, #tpu.memory_space<hbm>> -> memref<80x125xi32, #tpu.memory_space<hbm>>
    tpu.wait_dma2 semaphore(%arg17 : memref<!tpu.dma_semaphore, #tpu.memory_space<semaphore_mem>>) src(%dma_wait3A_2098 : memref<80x125xi32, #tpu.memory_space<hbm>>) dst(%arg8 : memref<80x125xi32, #tpu.memory_space<vmem>>)
    %barrier3A = arith.constant 0 : index
    tpu.barrier barrier_id(%barrier3A)
    %dma_start3A_2099 = arith.constant 0 : i32
    %dma_start3A_2100 = arith.constant 0 : i32
    %dma_start3A_2101 = tpu.memref_slice %arg7[%dma_start3A_2099, %dma_start3A_2100] : memref<80x125xi32, #tpu.memory_space<vmem>> -> memref<1x125xi32, #tpu.memory_space<vmem>>
    %dma_start3A_2102 = tpu.memref_squeeze %dma_start3A_2101 : memref<1x125xi32, #tpu.memory_space<vmem>> -> memref<125xi32, #tpu.memory_space<vmem>>
    %dma_start3A_2103 = arith.constant 0 : i32
    %dma_start3A_2104 = arith.constant 0 : i32
    %dma_start3A_2105 = tpu.memref_slice %arg4[%dma_start3A_2103, %dma_start3A_2104] : memref<10240x64xf32, #tpu.memory_space<hbm>> -> memref<10240x64xf32, #tpu.memory_space<hbm>>
    tpu.enqueue_indirect_dma source(%dma_start3A_2105 : memref<10240x64xf32, #tpu.memory_space<hbm>>) target(%arg9 : memref<125x64xf32, #tpu.memory_space<vmem>>) offsets(%dma_start3A_2102 : memref<125xi32, #tpu.memory_space<vmem>>) semaphore(%arg16 : memref<!tpu.dma_semaphore, #tpu.memory_space<semaphore_mem>>)
    %dma_start3A_2106 = arith.constant 1 : i32
    %dma_start3A_2107 = arith.constant 0 : i32
    %dma_start3A_2108 = tpu.memref_slice %arg7[%dma_start3A_2106, %dma_start3A_2107] : memref<80x125xi32, #tpu.memory_space<vmem>> -> memref<1x125xi32, #tpu.memory_space<vmem>>
    %dma_start3A_2109 = tpu.memref_squeeze %dma_start3A_2108 : memref<1x125xi32, #tpu.memory_space<vmem>> -> memref<125xi32, #tpu.memory_space<vmem>>
    %dma_start3A_2110 = arith.constant 0 : i32
    %dma_start3A_2111 = arith.constant 0 : i32
    %dma_start3A_2112 = tpu.memref_slice %arg4[%dma_start3A_2110, %dma_start3A_2111] : memref<10240x64xf32, #tpu.memory_space<hbm>> -> memref<10240x64xf32, #tpu.memory_space<hbm>>
    tpu.enqueue_indirect_dma source(%dma_start3A_2112 : memref<10240x64xf32, #tpu.memory_space<hbm>>) target(%arg10 : memref<125x64xf32, #tpu.memory_space<vmem>>) offsets(%dma_start3A_2109 : memref<125xi32, #tpu.memory_space<vmem>>) semaphore(%arg17 : memref<!tpu.dma_semaphore, #tpu.memory_space<semaphore_mem>>)
    %dma_start3A_2113 = arith.constant 2 : i32
    %dma_start3A_2114 = arith.constant 0 : i32
    %dma_start3A_2115 = tpu.memref_slice %arg7[%dma_start3A_2113, %dma_start3A_2114] : memref<80x125xi32, #tpu.memory_space<vmem>> -> memref<1x125xi32, #tpu.memory_space<vmem>>
    %dma_start3A_2116 = tpu.memref_squeeze %dma_start3A_2115 : memref<1x125xi32, #tpu.memory_space<vmem>> -> memref<125xi32, #tpu.memory_space<vmem>>
    %dma_start3A_2117 = arith.constant 0 : i32
    %dma_start3A_2118 = arith.constant 0 : i32
    %dma_start3A_2119 = tpu.memref_slice %arg4[%dma_start3A_2117, %dma_start3A_2118] : memref<10240x64xf32, #tpu.memory_space<hbm>> -> memref<10240x64xf32, #tpu.memory_space<hbm>>
    tpu.enqueue_indirect_dma source(%dma_start3A_2119 : memref<10240x64xf32, #tpu.memory_space<hbm>>) target(%arg11 : memref<125x64xf32, #tpu.memory_space<vmem>>) offsets(%dma_start3A_2116 : memref<125xi32, #tpu.memory_space<vmem>>) semaphore(%arg18 : memref<!tpu.dma_semaphore, #tpu.memory_space<semaphore_mem>>)
    %dma_start3A_2120 = arith.constant 3 : i32
    %dma_start3A_2121 = arith.constant 0 : i32
    %dma_start3A_2122 = tpu.memref_slice %arg7[%dma_start3A_2120, %dma_start3A_2121] : memref<80x125xi32, #tpu.memory_space<vmem>> -> memref<1x125xi32, #tpu.memory_space<vmem>>
    %dma_start3A_2123 = tpu.memref_squeeze %dma_start3A_2122 : memref<1x125xi32, #tpu.memory_space<vmem>> -> memref<125xi32, #tpu.memory_space<vmem>>
    %dma_start3A_2124 = arith.constant 0 : i32
    %dma_start3A_2125 = arith.constant 0 : i32
    %dma_start3A_2126 = tpu.memref_slice %arg4[%dma_start3A_2124, %dma_start3A_2125] : memref<10240x64xf32, #tpu.memory_space<hbm>> -> memref<10240x64xf32, #tpu.memory_space<hbm>>
    tpu.enqueue_indirect_dma source(%dma_start3A_2126 : memref<10240x64xf32, #tpu.memory_space<hbm>>) target(%arg12 : memref<125x64xf32, #tpu.memory_space<vmem>>) offsets(%dma_start3A_2123 : memref<125xi32, #tpu.memory_space<vmem>>) semaphore(%arg19 : memref<!tpu.dma_semaphore, #tpu.memory_space<semaphore_mem>>)
    %dma_start3A_2127 = arith.constant 4 : i32
    %dma_start3A_2128 = arith.constant 0 : i32
    %dma_start3A_2129 = tpu.memref_slice %arg7[%dma_start3A_2127, %dma_start3A_2128] : memref<80x125xi32, #tpu.memory_space<vmem>> -> memref<1x125xi32, #tpu.memory_space<vmem>>
    %dma_start3A_2130 = tpu.memref_squeeze %dma_start3A_2129 : memref<1x125xi32, #tpu.memory_space<vmem>> -> memref<125xi32, #tpu.memory_space<vmem>>
    %dma_start3A_2131 = arith.constant 0 : i32
    %dma_start3A_2132 = arith.constant 0 : i32
    %dma_start3A_2133 = tpu.memref_slice %arg4[%dma_start3A_2131, %dma_start3A_2132] : memref<10240x64xf32, #tpu.memory_space<hbm>> -> memref<10240x64xf32, #tpu.memory_space<hbm>>
    tpu.enqueue_indirect_dma source(%dma_start3A_2133 : memref<10240x64xf32, #tpu.memory_space<hbm>>) target(%arg13 : memref<125x64xf32, #tpu.memory_space<vmem>>) offsets(%dma_start3A_2130 : memref<125xi32, #tpu.memory_space<vmem>>) semaphore(%arg20 : memref<!tpu.dma_semaphore, #tpu.memory_space<semaphore_mem>>)
    %scan3A = arith.constant 0 : i32
    %scan3A_2134 = arith.constant 0 : i32
    %scan3A_2135 = arith.constant 16 : i32
    %scan3A_2136 = arith.addi %scan3A_2134, %scan3A_2135 : i32
    %scan3A_2137 = arith.constant 1 : i32
    %scan3A_2138 = scf.for %scan3A_2185 = %scan3A_2134 to %scan3A_2136 step %scan3A_2137 iter_args(%scan3A_2186 = %scan3A) -> (i32)  : i32 {
      %mul3A_2187 = arith.constant 5 : i32
      %mul3A_2188 = arith.muli %mul3A_2187, %scan3A_2185 : i32
      %add3A_2189 = arith.constant 0 : i32
      %add3A_2190 = arith.addi %mul3A_2188, %add3A_2189 : i32
      %dma_wait3A_2191 = arith.constant 0 : i32
      %dma_wait3A_2192 = tpu.memref_slice %arg7[%add3A_2190, %dma_wait3A_2191] : memref<80x125xi32, #tpu.memory_space<vmem>> -> memref<1x125xi32, #tpu.memory_space<vmem>>
      %dma_wait3A_2193 = tpu.memref_squeeze %dma_wait3A_2192 : memref<1x125xi32, #tpu.memory_space<vmem>> -> memref<125xi32, #tpu.memory_space<vmem>>
      %dma_wait3A_2194 = arith.constant 0 : i32
      %dma_wait3A_2195 = arith.constant 0 : i32
      %dma_wait3A_2196 = tpu.memref_slice %arg4[%dma_wait3A_2194, %dma_wait3A_2195] : memref<10240x64xf32, #tpu.memory_space<hbm>> -> memref<10240x64xf32, #tpu.memory_space<hbm>>
      tpu.wait_indirect_dma semaphore(%arg16 : memref<!tpu.dma_semaphore, #tpu.memory_space<semaphore_mem>>) src(%dma_wait3A_2196 : memref<10240x64xf32, #tpu.memory_space<hbm>>) dst(%arg9 : memref<125x64xf32, #tpu.memory_space<vmem>>)
      %dma_start3A_2197 = arith.constant 0 : i32
      %dma_start3A_2198 = tpu.memref_slice %arg8[%add3A_2190, %dma_start3A_2197] : memref<80x125xi32, #tpu.memory_space<vmem>> -> memref<1x125xi32, #tpu.memory_space<vmem>>
      %dma_start3A_2199 = tpu.memref_squeeze %dma_start3A_2198 : memref<1x125xi32, #tpu.memory_space<vmem>> -> memref<125xi32, #tpu.memory_space<vmem>>
      %dma_start3A_2200 = arith.constant 0 : i32
      %dma_start3A_2201 = arith.constant 0 : i32
      %dma_start3A_2202 = tpu.memref_slice %arg15[%dma_start3A_2200, %dma_start3A_2201] : memref<10240x64xf32, #tpu.memory_space<vmem_shared>> -> memref<10240x64xf32, #tpu.memory_space<vmem_shared>>
      tpu.enqueue_indirect_dma source(%arg9 : memref<125x64xf32, #tpu.memory_space<vmem>>) target(%dma_start3A_2202 : memref<10240x64xf32, #tpu.memory_space<vmem_shared>>) offsets(%dma_start3A_2199 : memref<125xi32, #tpu.memory_space<vmem>>) semaphore(%arg21 : memref<!tpu.dma_semaphore, #tpu.memory_space<semaphore_mem>>) {add = true}
      %lt3A = arith.constant 15 : i32
      %lt3A_2203 = arith.cmpi slt, %scan3A_2185, %lt3A : i32
      %convert_element_type3A_2204 = arith.extui %lt3A_2203 : i1 to i32
      %cond3A_2205 = arith.constant 0 : i32
      %cond3A_2206 = arith.cmpi ne, %convert_element_type3A_2204, %cond3A_2205 : i32
      scf.if %cond3A_2206 {
        %dma_wait3A_2292 = arith.constant 0 : i32
        %dma_wait3A_2293 = tpu.memref_slice %arg8[%add3A_2190, %dma_wait3A_2292] : memref<80x125xi32, #tpu.memory_space<vmem>> -> memref<1x125xi32, #tpu.memory_space<vmem>>
        %dma_wait3A_2294 = tpu.memref_squeeze %dma_wait3A_2293 : memref<1x125xi32, #tpu.memory_space<vmem>> -> memref<125xi32, #tpu.memory_space<vmem>>
        %dma_wait3A_2295 = arith.constant 0 : i32
        %dma_wait3A_2296 = arith.constant 0 : i32
        %dma_wait3A_2297 = tpu.memref_slice %arg15[%dma_wait3A_2295, %dma_wait3A_2296] : memref<10240x64xf32, #tpu.memory_space<vmem_shared>> -> memref<10240x64xf32, #tpu.memory_space<vmem_shared>>
        tpu.wait_indirect_dma semaphore(%arg21 : memref<!tpu.dma_semaphore, #tpu.memory_space<semaphore_mem>>) src(%arg9 : memref<125x64xf32, #tpu.memory_space<vmem>>) dst(%dma_wait3A_2297 : memref<10240x64xf32, #tpu.memory_space<vmem_shared>>)
        %add3A_2298 = arith.constant 5 : i32
        %add3A_2299 = arith.addi %add3A_2190, %add3A_2298 : i32
        %dma_start3A_2300 = arith.constant 0 : i32
        %dma_start3A_2301 = tpu.memref_slice %arg7[%add3A_2299, %dma_start3A_2300] : memref<80x125xi32, #tpu.memory_space<vmem>> -> memref<1x125xi32, #tpu.memory_space<vmem>>
        %dma_start3A_2302 = tpu.memref_squeeze %dma_start3A_2301 : memref<1x125xi32, #tpu.memory_space<vmem>> -> memref<125xi32, #tpu.memory_space<vmem>>
        %dma_start3A_2303 = arith.constant 0 : i32
        %dma_start3A_2304 = arith.constant 0 : i32
        %dma_start3A_2305 = tpu.memref_slice %arg4[%dma_start3A_2303, %dma_start3A_2304] : memref<10240x64xf32, #tpu.memory_space<hbm>> -> memref<10240x64xf32, #tpu.memory_space<hbm>>
        tpu.enqueue_indirect_dma source(%dma_start3A_2305 : memref<10240x64xf32, #tpu.memory_space<hbm>>) target(%arg9 : memref<125x64xf32, #tpu.memory_space<vmem>>) offsets(%dma_start3A_2302 : memref<125xi32, #tpu.memory_space<vmem>>) semaphore(%arg16 : memref<!tpu.dma_semaphore, #tpu.memory_space<semaphore_mem>>)
      } else {
      }
      %mul3A_2207 = arith.constant 5 : i32
      %mul3A_2208 = arith.muli %mul3A_2207, %scan3A_2185 : i32
      %add3A_2209 = arith.constant 1 : i32
      %add3A_2210 = arith.addi %mul3A_2208, %add3A_2209 : i32
      %dma_wait3A_2211 = arith.constant 0 : i32
      %dma_wait3A_2212 = tpu.memref_slice %arg7[%add3A_2210, %dma_wait3A_2211] : memref<80x125xi32, #tpu.memory_space<vmem>> -> memref<1x125xi32, #tpu.memory_space<vmem>>
      %dma_wait3A_2213 = tpu.memref_squeeze %dma_wait3A_2212 : memref<1x125xi32, #tpu.memory_space<vmem>> -> memref<125xi32, #tpu.memory_space<vmem>>
      %dma_wait3A_2214 = arith.constant 0 : i32
      %dma_wait3A_2215 = arith.constant 0 : i32
      %dma_wait3A_2216 = tpu.memref_slice %arg4[%dma_wait3A_2214, %dma_wait3A_2215] : memref<10240x64xf32, #tpu.memory_space<hbm>> -> memref<10240x64xf32, #tpu.memory_space<hbm>>
      tpu.wait_indirect_dma semaphore(%arg17 : memref<!tpu.dma_semaphore, #tpu.memory_space<semaphore_mem>>) src(%dma_wait3A_2216 : memref<10240x64xf32, #tpu.memory_space<hbm>>) dst(%arg10 : memref<125x64xf32, #tpu.memory_space<vmem>>)
      %dma_start3A_2217 = arith.constant 0 : i32
      %dma_start3A_2218 = tpu.memref_slice %arg8[%add3A_2210, %dma_start3A_2217] : memref<80x125xi32, #tpu.memory_space<vmem>> -> memref<1x125xi32, #tpu.memory_space<vmem>>
      %dma_start3A_2219 = tpu.memref_squeeze %dma_start3A_2218 : memref<1x125xi32, #tpu.memory_space<vmem>> -> memref<125xi32, #tpu.memory_space<vmem>>
      %dma_start3A_2220 = arith.constant 0 : i32
      %dma_start3A_2221 = arith.constant 0 : i32
      %dma_start3A_2222 = tpu.memref_slice %arg15[%dma_start3A_2220, %dma_start3A_2221] : memref<10240x64xf32, #tpu.memory_space<vmem_shared>> -> memref<10240x64xf32, #tpu.memory_space<vmem_shared>>
      tpu.enqueue_indirect_dma source(%arg10 : memref<125x64xf32, #tpu.memory_space<vmem>>) target(%dma_start3A_2222 : memref<10240x64xf32, #tpu.memory_space<vmem_shared>>) offsets(%dma_start3A_2219 : memref<125xi32, #tpu.memory_space<vmem>>) semaphore(%arg22 : memref<!tpu.dma_semaphore, #tpu.memory_space<semaphore_mem>>) {add = true}
      %lt3A_2223 = arith.constant 15 : i32
      %lt3A_2224 = arith.cmpi slt, %scan3A_2185, %lt3A_2223 : i32
      %convert_element_type3A_2225 = arith.extui %lt3A_2224 : i1 to i32
      %cond3A_2226 = arith.constant 0 : i32
      %cond3A_2227 = arith.cmpi ne, %convert_element_type3A_2225, %cond3A_2226 : i32
      scf.if %cond3A_2227 {
        %dma_wait3A_2292 = arith.constant 0 : i32
        %dma_wait3A_2293 = tpu.memref_slice %arg8[%add3A_2210, %dma_wait3A_2292] : memref<80x125xi32, #tpu.memory_space<vmem>> -> memref<1x125xi32, #tpu.memory_space<vmem>>
        %dma_wait3A_2294 = tpu.memref_squeeze %dma_wait3A_2293 : memref<1x125xi32, #tpu.memory_space<vmem>> -> memref<125xi32, #tpu.memory_space<vmem>>
        %dma_wait3A_2295 = arith.constant 0 : i32
        %dma_wait3A_2296 = arith.constant 0 : i32
        %dma_wait3A_2297 = tpu.memref_slice %arg15[%dma_wait3A_2295, %dma_wait3A_2296] : memref<10240x64xf32, #tpu.memory_space<vmem_shared>> -> memref<10240x64xf32, #tpu.memory_space<vmem_shared>>
        tpu.wait_indirect_dma semaphore(%arg22 : memref<!tpu.dma_semaphore, #tpu.memory_space<semaphore_mem>>) src(%arg10 : memref<125x64xf32, #tpu.memory_space<vmem>>) dst(%dma_wait3A_2297 : memref<10240x64xf32, #tpu.memory_space<vmem_shared>>)
        %add3A_2298 = arith.constant 5 : i32
        %add3A_2299 = arith.addi %add3A_2210, %add3A_2298 : i32
        %dma_start3A_2300 = arith.constant 0 : i32
        %dma_start3A_2301 = tpu.memref_slice %arg7[%add3A_2299, %dma_start3A_2300] : memref<80x125xi32, #tpu.memory_space<vmem>> -> memref<1x125xi32, #tpu.memory_space<vmem>>
        %dma_start3A_2302 = tpu.memref_squeeze %dma_start3A_2301 : memref<1x125xi32, #tpu.memory_space<vmem>> -> memref<125xi32, #tpu.memory_space<vmem>>
        %dma_start3A_2303 = arith.constant 0 : i32
        %dma_start3A_2304 = arith.constant 0 : i32
        %dma_start3A_2305 = tpu.memref_slice %arg4[%dma_start3A_2303, %dma_start3A_2304] : memref<10240x64xf32, #tpu.memory_space<hbm>> -> memref<10240x64xf32, #tpu.memory_space<hbm>>
        tpu.enqueue_indirect_dma source(%dma_start3A_2305 : memref<10240x64xf32, #tpu.memory_space<hbm>>) target(%arg10 : memref<125x64xf32, #tpu.memory_space<vmem>>) offsets(%dma_start3A_2302 : memref<125xi32, #tpu.memory_space<vmem>>) semaphore(%arg17 : memref<!tpu.dma_semaphore, #tpu.memory_space<semaphore_mem>>)
      } else {
      }
      %mul3A_2228 = arith.constant 5 : i32
      %mul3A_2229 = arith.muli %mul3A_2228, %scan3A_2185 : i32
      %add3A_2230 = arith.constant 2 : i32
      %add3A_2231 = arith.addi %mul3A_2229, %add3A_2230 : i32
      %dma_wait3A_2232 = arith.constant 0 : i32
      %dma_wait3A_2233 = tpu.memref_slice %arg7[%add3A_2231, %dma_wait3A_2232] : memref<80x125xi32, #tpu.memory_space<vmem>> -> memref<1x125xi32, #tpu.memory_space<vmem>>
      %dma_wait3A_2234 = tpu.memref_squeeze %dma_wait3A_2233 : memref<1x125xi32, #tpu.memory_space<vmem>> -> memref<125xi32, #tpu.memory_space<vmem>>
      %dma_wait3A_2235 = arith.constant 0 : i32
      %dma_wait3A_2236 = arith.constant 0 : i32
      %dma_wait3A_2237 = tpu.memref_slice %arg4[%dma_wait3A_2235, %dma_wait3A_2236] : memref<10240x64xf32, #tpu.memory_space<hbm>> -> memref<10240x64xf32, #tpu.memory_space<hbm>>
      tpu.wait_indirect_dma semaphore(%arg18 : memref<!tpu.dma_semaphore, #tpu.memory_space<semaphore_mem>>) src(%dma_wait3A_2237 : memref<10240x64xf32, #tpu.memory_space<hbm>>) dst(%arg11 : memref<125x64xf32, #tpu.memory_space<vmem>>)
      %dma_start3A_2238 = arith.constant 0 : i32
      %dma_start3A_2239 = tpu.memref_slice %arg8[%add3A_2231, %dma_start3A_2238] : memref<80x125xi32, #tpu.memory_space<vmem>> -> memref<1x125xi32, #tpu.memory_space<vmem>>
      %dma_start3A_2240 = tpu.memref_squeeze %dma_start3A_2239 : memref<1x125xi32, #tpu.memory_space<vmem>> -> memref<125xi32, #tpu.memory_space<vmem>>
      %dma_start3A_2241 = arith.constant 0 : i32
      %dma_start3A_2242 = arith.constant 0 : i32
      %dma_start3A_2243 = tpu.memref_slice %arg15[%dma_start3A_2241, %dma_start3A_2242] : memref<10240x64xf32, #tpu.memory_space<vmem_shared>> -> memref<10240x64xf32, #tpu.memory_space<vmem_shared>>
      tpu.enqueue_indirect_dma source(%arg11 : memref<125x64xf32, #tpu.memory_space<vmem>>) target(%dma_start3A_2243 : memref<10240x64xf32, #tpu.memory_space<vmem_shared>>) offsets(%dma_start3A_2240 : memref<125xi32, #tpu.memory_space<vmem>>) semaphore(%arg23 : memref<!tpu.dma_semaphore, #tpu.memory_space<semaphore_mem>>) {add = true}
      %lt3A_2244 = arith.constant 15 : i32
      %lt3A_2245 = arith.cmpi slt, %scan3A_2185, %lt3A_2244 : i32
      %convert_element_type3A_2246 = arith.extui %lt3A_2245 : i1 to i32
      %cond3A_2247 = arith.constant 0 : i32
      %cond3A_2248 = arith.cmpi ne, %convert_element_type3A_2246, %cond3A_2247 : i32
      scf.if %cond3A_2248 {
        %dma_wait3A_2292 = arith.constant 0 : i32
        %dma_wait3A_2293 = tpu.memref_slice %arg8[%add3A_2231, %dma_wait3A_2292] : memref<80x125xi32, #tpu.memory_space<vmem>> -> memref<1x125xi32, #tpu.memory_space<vmem>>
        %dma_wait3A_2294 = tpu.memref_squeeze %dma_wait3A_2293 : memref<1x125xi32, #tpu.memory_space<vmem>> -> memref<125xi32, #tpu.memory_space<vmem>>
        %dma_wait3A_2295 = arith.constant 0 : i32
        %dma_wait3A_2296 = arith.constant 0 : i32
        %dma_wait3A_2297 = tpu.memref_slice %arg15[%dma_wait3A_2295, %dma_wait3A_2296] : memref<10240x64xf32, #tpu.memory_space<vmem_shared>> -> memref<10240x64xf32, #tpu.memory_space<vmem_shared>>
        tpu.wait_indirect_dma semaphore(%arg23 : memref<!tpu.dma_semaphore, #tpu.memory_space<semaphore_mem>>) src(%arg11 : memref<125x64xf32, #tpu.memory_space<vmem>>) dst(%dma_wait3A_2297 : memref<10240x64xf32, #tpu.memory_space<vmem_shared>>)
        %add3A_2298 = arith.constant 5 : i32
        %add3A_2299 = arith.addi %add3A_2231, %add3A_2298 : i32
        %dma_start3A_2300 = arith.constant 0 : i32
        %dma_start3A_2301 = tpu.memref_slice %arg7[%add3A_2299, %dma_start3A_2300] : memref<80x125xi32, #tpu.memory_space<vmem>> -> memref<1x125xi32, #tpu.memory_space<vmem>>
        %dma_start3A_2302 = tpu.memref_squeeze %dma_start3A_2301 : memref<1x125xi32, #tpu.memory_space<vmem>> -> memref<125xi32, #tpu.memory_space<vmem>>
        %dma_start3A_2303 = arith.constant 0 : i32
        %dma_start3A_2304 = arith.constant 0 : i32
        %dma_start3A_2305 = tpu.memref_slice %arg4[%dma_start3A_2303, %dma_start3A_2304] : memref<10240x64xf32, #tpu.memory_space<hbm>> -> memref<10240x64xf32, #tpu.memory_space<hbm>>
        tpu.enqueue_indirect_dma source(%dma_start3A_2305 : memref<10240x64xf32, #tpu.memory_space<hbm>>) target(%arg11 : memref<125x64xf32, #tpu.memory_space<vmem>>) offsets(%dma_start3A_2302 : memref<125xi32, #tpu.memory_space<vmem>>) semaphore(%arg18 : memref<!tpu.dma_semaphore, #tpu.memory_space<semaphore_mem>>)
      } else {
      }
      %mul3A_2249 = arith.constant 5 : i32
      %mul3A_2250 = arith.muli %mul3A_2249, %scan3A_2185 : i32
      %add3A_2251 = arith.constant 3 : i32
      %add3A_2252 = arith.addi %mul3A_2250, %add3A_2251 : i32
      %dma_wait3A_2253 = arith.constant 0 : i32
      %dma_wait3A_2254 = tpu.memref_slice %arg7[%add3A_2252, %dma_wait3A_2253] : memref<80x125xi32, #tpu.memory_space<vmem>> -> memref<1x125xi32, #tpu.memory_space<vmem>>
      %dma_wait3A_2255 = tpu.memref_squeeze %dma_wait3A_2254 : memref<1x125xi32, #tpu.memory_space<vmem>> -> memref<125xi32, #tpu.memory_space<vmem>>
      %dma_wait3A_2256 = arith.constant 0 : i32
      %dma_wait3A_2257 = arith.constant 0 : i32
      %dma_wait3A_2258 = tpu.memref_slice %arg4[%dma_wait3A_2256, %dma_wait3A_2257] : memref<10240x64xf32, #tpu.memory_space<hbm>> -> memref<10240x64xf32, #tpu.memory_space<hbm>>
      tpu.wait_indirect_dma semaphore(%arg19 : memref<!tpu.dma_semaphore, #tpu.memory_space<semaphore_mem>>) src(%dma_wait3A_2258 : memref<10240x64xf32, #tpu.memory_space<hbm>>) dst(%arg12 : memref<125x64xf32, #tpu.memory_space<vmem>>)
      %dma_start3A_2259 = arith.constant 0 : i32
      %dma_start3A_2260 = tpu.memref_slice %arg8[%add3A_2252, %dma_start3A_2259] : memref<80x125xi32, #tpu.memory_space<vmem>> -> memref<1x125xi32, #tpu.memory_space<vmem>>
      %dma_start3A_2261 = tpu.memref_squeeze %dma_start3A_2260 : memref<1x125xi32, #tpu.memory_space<vmem>> -> memref<125xi32, #tpu.memory_space<vmem>>
      %dma_start3A_2262 = arith.constant 0 : i32
      %dma_start3A_2263 = arith.constant 0 : i32
      %dma_start3A_2264 = tpu.memref_slice %arg15[%dma_start3A_2262, %dma_start3A_2263] : memref<10240x64xf32, #tpu.memory_space<vmem_shared>> -> memref<10240x64xf32, #tpu.memory_space<vmem_shared>>
      tpu.enqueue_indirect_dma source(%arg12 : memref<125x64xf32, #tpu.memory_space<vmem>>) target(%dma_start3A_2264 : memref<10240x64xf32, #tpu.memory_space<vmem_shared>>) offsets(%dma_start3A_2261 : memref<125xi32, #tpu.memory_space<vmem>>) semaphore(%arg24 : memref<!tpu.dma_semaphore, #tpu.memory_space<semaphore_mem>>) {add = true}
      %lt3A_2265 = arith.constant 15 : i32
      %lt3A_2266 = arith.cmpi slt, %scan3A_2185, %lt3A_2265 : i32
      %convert_element_type3A_2267 = arith.extui %lt3A_2266 : i1 to i32
      %cond3A_2268 = arith.constant 0 : i32
      %cond3A_2269 = arith.cmpi ne, %convert_element_type3A_2267, %cond3A_2268 : i32
      scf.if %cond3A_2269 {
        %dma_wait3A_2292 = arith.constant 0 : i32
        %dma_wait3A_2293 = tpu.memref_slice %arg8[%add3A_2252, %dma_wait3A_2292] : memref<80x125xi32, #tpu.memory_space<vmem>> -> memref<1x125xi32, #tpu.memory_space<vmem>>
        %dma_wait3A_2294 = tpu.memref_squeeze %dma_wait3A_2293 : memref<1x125xi32, #tpu.memory_space<vmem>> -> memref<125xi32, #tpu.memory_space<vmem>>
        %dma_wait3A_2295 = arith.constant 0 : i32
        %dma_wait3A_2296 = arith.constant 0 : i32
        %dma_wait3A_2297 = tpu.memref_slice %arg15[%dma_wait3A_2295, %dma_wait3A_2296] : memref<10240x64xf32, #tpu.memory_space<vmem_shared>> -> memref<10240x64xf32, #tpu.memory_space<vmem_shared>>
        tpu.wait_indirect_dma semaphore(%arg24 : memref<!tpu.dma_semaphore, #tpu.memory_space<semaphore_mem>>) src(%arg12 : memref<125x64xf32, #tpu.memory_space<vmem>>) dst(%dma_wait3A_2297 : memref<10240x64xf32, #tpu.memory_space<vmem_shared>>)
        %add3A_2298 = arith.constant 5 : i32
        %add3A_2299 = arith.addi %add3A_2252, %add3A_2298 : i32
        %dma_start3A_2300 = arith.constant 0 : i32
        %dma_start3A_2301 = tpu.memref_slice %arg7[%add3A_2299, %dma_start3A_2300] : memref<80x125xi32, #tpu.memory_space<vmem>> -> memref<1x125xi32, #tpu.memory_space<vmem>>
        %dma_start3A_2302 = tpu.memref_squeeze %dma_start3A_2301 : memref<1x125xi32, #tpu.memory_space<vmem>> -> memref<125xi32, #tpu.memory_space<vmem>>
        %dma_start3A_2303 = arith.constant 0 : i32
        %dma_start3A_2304 = arith.constant 0 : i32
        %dma_start3A_2305 = tpu.memref_slice %arg4[%dma_start3A_2303, %dma_start3A_2304] : memref<10240x64xf32, #tpu.memory_space<hbm>> -> memref<10240x64xf32, #tpu.memory_space<hbm>>
        tpu.enqueue_indirect_dma source(%dma_start3A_2305 : memref<10240x64xf32, #tpu.memory_space<hbm>>) target(%arg12 : memref<125x64xf32, #tpu.memory_space<vmem>>) offsets(%dma_start3A_2302 : memref<125xi32, #tpu.memory_space<vmem>>) semaphore(%arg19 : memref<!tpu.dma_semaphore, #tpu.memory_space<semaphore_mem>>)
      } else {
      }
      %mul3A_2270 = arith.constant 5 : i32
      %mul3A_2271 = arith.muli %mul3A_2270, %scan3A_2185 : i32
      %add3A_2272 = arith.constant 4 : i32
      %add3A_2273 = arith.addi %mul3A_2271, %add3A_2272 : i32
      %dma_wait3A_2274 = arith.constant 0 : i32
      %dma_wait3A_2275 = tpu.memref_slice %arg7[%add3A_2273, %dma_wait3A_2274] : memref<80x125xi32, #tpu.memory_space<vmem>> -> memref<1x125xi32, #tpu.memory_space<vmem>>
      %dma_wait3A_2276 = tpu.memref_squeeze %dma_wait3A_2275 : memref<1x125xi32, #tpu.memory_space<vmem>> -> memref<125xi32, #tpu.memory_space<vmem>>
      %dma_wait3A_2277 = arith.constant 0 : i32
      %dma_wait3A_2278 = arith.constant 0 : i32
      %dma_wait3A_2279 = tpu.memref_slice %arg4[%dma_wait3A_2277, %dma_wait3A_2278] : memref<10240x64xf32, #tpu.memory_space<hbm>> -> memref<10240x64xf32, #tpu.memory_space<hbm>>
      tpu.wait_indirect_dma semaphore(%arg20 : memref<!tpu.dma_semaphore, #tpu.memory_space<semaphore_mem>>) src(%dma_wait3A_2279 : memref<10240x64xf32, #tpu.memory_space<hbm>>) dst(%arg13 : memref<125x64xf32, #tpu.memory_space<vmem>>)
      %dma_start3A_2280 = arith.constant 0 : i32
      %dma_start3A_2281 = tpu.memref_slice %arg8[%add3A_2273, %dma_start3A_2280] : memref<80x125xi32, #tpu.memory_space<vmem>> -> memref<1x125xi32, #tpu.memory_space<vmem>>
      %dma_start3A_2282 = tpu.memref_squeeze %dma_start3A_2281 : memref<1x125xi32, #tpu.memory_space<vmem>> -> memref<125xi32, #tpu.memory_space<vmem>>
      %dma_start3A_2283 = arith.constant 0 : i32
      %dma_start3A_2284 = arith.constant 0 : i32
      %dma_start3A_2285 = tpu.memref_slice %arg15[%dma_start3A_2283, %dma_start3A_2284] : memref<10240x64xf32, #tpu.memory_space<vmem_shared>> -> memref<10240x64xf32, #tpu.memory_space<vmem_shared>>
      tpu.enqueue_indirect_dma source(%arg13 : memref<125x64xf32, #tpu.memory_space<vmem>>) target(%dma_start3A_2285 : memref<10240x64xf32, #tpu.memory_space<vmem_shared>>) offsets(%dma_start3A_2282 : memref<125xi32, #tpu.memory_space<vmem>>) semaphore(%arg25 : memref<!tpu.dma_semaphore, #tpu.memory_space<semaphore_mem>>) {add = true}
      %lt3A_2286 = arith.constant 15 : i32
      %lt3A_2287 = arith.cmpi slt, %scan3A_2185, %lt3A_2286 : i32
      %convert_element_type3A_2288 = arith.extui %lt3A_2287 : i1 to i32
      %cond3A_2289 = arith.constant 0 : i32
      %cond3A_2290 = arith.cmpi ne, %convert_element_type3A_2288, %cond3A_2289 : i32
      scf.if %cond3A_2290 {
        %dma_wait3A_2292 = arith.constant 0 : i32
        %dma_wait3A_2293 = tpu.memref_slice %arg8[%add3A_2273, %dma_wait3A_2292] : memref<80x125xi32, #tpu.memory_space<vmem>> -> memref<1x125xi32, #tpu.memory_space<vmem>>
        %dma_wait3A_2294 = tpu.memref_squeeze %dma_wait3A_2293 : memref<1x125xi32, #tpu.memory_space<vmem>> -> memref<125xi32, #tpu.memory_space<vmem>>
        %dma_wait3A_2295 = arith.constant 0 : i32
        %dma_wait3A_2296 = arith.constant 0 : i32
        %dma_wait3A_2297 = tpu.memref_slice %arg15[%dma_wait3A_2295, %dma_wait3A_2296] : memref<10240x64xf32, #tpu.memory_space<vmem_shared>> -> memref<10240x64xf32, #tpu.memory_space<vmem_shared>>
        tpu.wait_indirect_dma semaphore(%arg25 : memref<!tpu.dma_semaphore, #tpu.memory_space<semaphore_mem>>) src(%arg13 : memref<125x64xf32, #tpu.memory_space<vmem>>) dst(%dma_wait3A_2297 : memref<10240x64xf32, #tpu.memory_space<vmem_shared>>)
        %add3A_2298 = arith.constant 5 : i32
        %add3A_2299 = arith.addi %add3A_2273, %add3A_2298 : i32
        %dma_start3A_2300 = arith.constant 0 : i32
        %dma_start3A_2301 = tpu.memref_slice %arg7[%add3A_2299, %dma_start3A_2300] : memref<80x125xi32, #tpu.memory_space<vmem>> -> memref<1x125xi32, #tpu.memory_space<vmem>>
        %dma_start3A_2302 = tpu.memref_squeeze %dma_start3A_2301 : memref<1x125xi32, #tpu.memory_space<vmem>> -> memref<125xi32, #tpu.memory_space<vmem>>
        %dma_start3A_2303 = arith.constant 0 : i32
        %dma_start3A_2304 = arith.constant 0 : i32
        %dma_start3A_2305 = tpu.memref_slice %arg4[%dma_start3A_2303, %dma_start3A_2304] : memref<10240x64xf32, #tpu.memory_space<hbm>> -> memref<10240x64xf32, #tpu.memory_space<hbm>>
        tpu.enqueue_indirect_dma source(%dma_start3A_2305 : memref<10240x64xf32, #tpu.memory_space<hbm>>) target(%arg13 : memref<125x64xf32, #tpu.memory_space<vmem>>) offsets(%dma_start3A_2302 : memref<125xi32, #tpu.memory_space<vmem>>) semaphore(%arg20 : memref<!tpu.dma_semaphore, #tpu.memory_space<semaphore_mem>>)
      } else {
      }
      %scan3A_2291 = arith.constant 0 : i32
      scf.yield %scan3A_2291 : i32
    }
    %scan3A_2139 = arith.constant 16 : i32
    %dma_wait3A_2140 = arith.constant 75 : i32
    %dma_wait3A_2141 = arith.constant 0 : i32
    %dma_wait3A_2142 = tpu.memref_slice %arg8[%dma_wait3A_2140, %dma_wait3A_2141] : memref<80x125xi32, #tpu.memory_space<vmem>> -> memref<1x125xi32, #tpu.memory_space<vmem>>
    %dma_wait3A_2143 = tpu.memref_squeeze %dma_wait3A_2142 : memref<1x125xi32, #tpu.memory_space<vmem>> -> memref<125xi32, #tpu.memory_space<vmem>>
    %dma_wait3A_2144 = arith.constant 0 : i32
    %dma_wait3A_2145 = arith.constant 0 : i32
    %dma_wait3A_2146 = tpu.memref_slice %arg15[%dma_wait3A_2144, %dma_wait3A_2145] : memref<10240x64xf32, #tpu.memory_space<vmem_shared>> -> memref<10240x64xf32, #tpu.memory_space<vmem_shared>>
    tpu.wait_indirect_dma semaphore(%arg21 : memref<!tpu.dma_semaphore, #tpu.memory_space<semaphore_mem>>) src(%arg9 : memref<125x64xf32, #tpu.memory_space<vmem>>) dst(%dma_wait3A_2146 : memref<10240x64xf32, #tpu.memory_space<vmem_shared>>)
    %dma_wait3A_2147 = arith.constant 76 : i32
    %dma_wait3A_2148 = arith.constant 0 : i32
    %dma_wait3A_2149 = tpu.memref_slice %arg8[%dma_wait3A_2147, %dma_wait3A_2148] : memref<80x125xi32, #tpu.memory_space<vmem>> -> memref<1x125xi32, #tpu.memory_space<vmem>>
    %dma_wait3A_2150 = tpu.memref_squeeze %dma_wait3A_2149 : memref<1x125xi32, #tpu.memory_space<vmem>> -> memref<125xi32, #tpu.memory_space<vmem>>
    %dma_wait3A_2151 = arith.constant 0 : i32
    %dma_wait3A_2152 = arith.constant 0 : i32
    %dma_wait3A_2153 = tpu.memref_slice %arg15[%dma_wait3A_2151, %dma_wait3A_2152] : memref<10240x64xf32, #tpu.memory_space<vmem_shared>> -> memref<10240x64xf32, #tpu.memory_space<vmem_shared>>
    tpu.wait_indirect_dma semaphore(%arg22 : memref<!tpu.dma_semaphore, #tpu.memory_space<semaphore_mem>>) src(%arg10 : memref<125x64xf32, #tpu.memory_space<vmem>>) dst(%dma_wait3A_2153 : memref<10240x64xf32, #tpu.memory_space<vmem_shared>>)
    %dma_wait3A_2154 = arith.constant 77 : i32
    %dma_wait3A_2155 = arith.constant 0 : i32
    %dma_wait3A_2156 = tpu.memref_slice %arg8[%dma_wait3A_2154, %dma_wait3A_2155] : memref<80x125xi32, #tpu.memory_space<vmem>> -> memref<1x125xi32, #tpu.memory_space<vmem>>
    %dma_wait3A_2157 = tpu.memref_squeeze %dma_wait3A_2156 : memref<1x125xi32, #tpu.memory_space<vmem>> -> memref<125xi32, #tpu.memory_space<vmem>>
    %dma_wait3A_2158 = arith.constant 0 : i32
    %dma_wait3A_2159 = arith.constant 0 : i32
    %dma_wait3A_2160 = tpu.memref_slice %arg15[%dma_wait3A_2158, %dma_wait3A_2159] : memref<10240x64xf32, #tpu.memory_space<vmem_shared>> -> memref<10240x64xf32, #tpu.memory_space<vmem_shared>>
    tpu.wait_indirect_dma semaphore(%arg23 : memref<!tpu.dma_semaphore, #tpu.memory_space<semaphore_mem>>) src(%arg11 : memref<125x64xf32, #tpu.memory_space<vmem>>) dst(%dma_wait3A_2160 : memref<10240x64xf32, #tpu.memory_space<vmem_shared>>)
    %dma_wait3A_2161 = arith.constant 78 : i32
    %dma_wait3A_2162 = arith.constant 0 : i32
    %dma_wait3A_2163 = tpu.memref_slice %arg8[%dma_wait3A_2161, %dma_wait3A_2162] : memref<80x125xi32, #tpu.memory_space<vmem>> -> memref<1x125xi32, #tpu.memory_space<vmem>>
    %dma_wait3A_2164 = tpu.memref_squeeze %dma_wait3A_2163 : memref<1x125xi32, #tpu.memory_space<vmem>> -> memref<125xi32, #tpu.memory_space<vmem>>
    %dma_wait3A_2165 = arith.constant 0 : i32
    %dma_wait3A_2166 = arith.constant 0 : i32
    %dma_wait3A_2167 = tpu.memref_slice %arg15[%dma_wait3A_2165, %dma_wait3A_2166] : memref<10240x64xf32, #tpu.memory_space<vmem_shared>> -> memref<10240x64xf32, #tpu.memory_space<vmem_shared>>
    tpu.wait_indirect_dma semaphore(%arg24 : memref<!tpu.dma_semaphore, #tpu.memory_space<semaphore_mem>>) src(%arg12 : memref<125x64xf32, #tpu.memory_space<vmem>>) dst(%dma_wait3A_2167 : memref<10240x64xf32, #tpu.memory_space<vmem_shared>>)
    %dma_wait3A_2168 = arith.constant 79 : i32
    %dma_wait3A_2169 = arith.constant 0 : i32
    %dma_wait3A_2170 = tpu.memref_slice %arg8[%dma_wait3A_2168, %dma_wait3A_2169] : memref<80x125xi32, #tpu.memory_space<vmem>> -> memref<1x125xi32, #tpu.memory_space<vmem>>
    %dma_wait3A_2171 = tpu.memref_squeeze %dma_wait3A_2170 : memref<1x125xi32, #tpu.memory_space<vmem>> -> memref<125xi32, #tpu.memory_space<vmem>>
    %dma_wait3A_2172 = arith.constant 0 : i32
    %dma_wait3A_2173 = arith.constant 0 : i32
    %dma_wait3A_2174 = tpu.memref_slice %arg15[%dma_wait3A_2172, %dma_wait3A_2173] : memref<10240x64xf32, #tpu.memory_space<vmem_shared>> -> memref<10240x64xf32, #tpu.memory_space<vmem_shared>>
    tpu.wait_indirect_dma semaphore(%arg25 : memref<!tpu.dma_semaphore, #tpu.memory_space<semaphore_mem>>) src(%arg13 : memref<125x64xf32, #tpu.memory_space<vmem>>) dst(%dma_wait3A_2174 : memref<10240x64xf32, #tpu.memory_space<vmem_shared>>)
    %barrier3A_2175 = arith.constant 0 : index
    tpu.barrier barrier_id(%barrier3A_2175)
    %mul3A_2176 = arith.constant 640 : i32
    %mul3A_2177 = arith.muli %arg1, %mul3A_2176 : i32
    %eq3A = arith.constant 0 : i32
    %eq3A_2178 = arith.cmpi eq, %arg0, %eq3A : i32
    %convert_element_type3A = arith.extui %eq3A_2178 : i1 to i32
    %cond3A = arith.constant 0 : i32
    %cond3A_2179 = arith.cmpi ne, %convert_element_type3A, %cond3A : i32
    scf.if %cond3A_2179 {
      "tpu.region"() ({
        %run_scoped3A = tpu.sem_alloc : memref<!tpu.dma_semaphore, #tpu.memory_space<semaphore_mem>>
        %dma_start3A_2185 = arith.constant 0 : i32
        %dma_start3A_2186 = tpu.memref_slice %arg5[%mul3A_2177, %dma_start3A_2185] : memref<10240x64xf32, #tpu.memory_space<hbm>> -> memref<640x64xf32, #tpu.memory_space<hbm>>
        %dma_start3A_2187 = arith.constant 0 : i32
        %dma_start3A_2188 = tpu.memref_slice %arg15[%mul3A_2177, %dma_start3A_2187] : memref<10240x64xf32, #tpu.memory_space<vmem_shared>> -> memref<640x64xf32, #tpu.memory_space<vmem_shared>>
        tpu.enqueue_dma source(%dma_start3A_2188 : memref<640x64xf32, #tpu.memory_space<vmem_shared>>) target(%dma_start3A_2186 : memref<640x64xf32, #tpu.memory_space<hbm>>) target_semaphore(%run_scoped3A : memref<!tpu.dma_semaphore, #tpu.memory_space<semaphore_mem>>)
        %dma_wait3A_2189 = arith.constant 0 : i32
        %dma_wait3A_2190 = tpu.memref_slice %arg5[%mul3A_2177, %dma_wait3A_2189] : memref<10240x64xf32, #tpu.memory_space<hbm>> -> memref<640x64xf32, #tpu.memory_space<hbm>>
        %dma_wait3A_2191 = arith.constant 0 : i32
        %dma_wait3A_2192 = tpu.memref_slice %arg15[%mul3A_2177, %dma_wait3A_2191] : memref<10240x64xf32, #tpu.memory_space<vmem_shared>> -> memref<640x64xf32, #tpu.memory_space<vmem_shared>>
        tpu.wait_dma2 semaphore(%run_scoped3A : memref<!tpu.dma_semaphore, #tpu.memory_space<semaphore_mem>>) src(%dma_wait3A_2192 : memref<640x64xf32, #tpu.memory_space<vmem_shared>>) dst(%dma_wait3A_2190 : memref<640x64xf32, #tpu.memory_space<hbm>>)
        tpu.yield
      }) : () -> ()
    } else {
    }
    %eq3A_2180 = arith.constant 1 : i32
    %eq3A_2181 = arith.cmpi eq, %arg0, %eq3A_2180 : i32
    %convert_element_type3A_2182 = arith.extui %eq3A_2181 : i1 to i32
    %cond3A_2183 = arith.constant 0 : i32
    %cond3A_2184 = arith.cmpi ne, %convert_element_type3A_2182, %cond3A_2183 : i32
    scf.if %cond3A_2184 {
      "tpu.region"() ({
        %run_scoped3A = tpu.sem_alloc : memref<!tpu.dma_semaphore, #tpu.memory_space<semaphore_mem>>
        %dma_start3A_2185 = arith.constant 0 : i32
        %dma_start3A_2186 = tpu.memref_slice %arg6[%mul3A_2177, %dma_start3A_2185] : memref<10240x64xf32, #tpu.memory_space<hbm>> -> memref<640x64xf32, #tpu.memory_space<hbm>>
        %dma_start3A_2187 = arith.constant 0 : i32
        %dma_start3A_2188 = tpu.memref_slice %arg15[%mul3A_2177, %dma_start3A_2187] : memref<10240x64xf32, #tpu.memory_space<vmem_shared>> -> memref<640x64xf32, #tpu.memory_space<vmem_shared>>
        tpu.enqueue_dma source(%dma_start3A_2188 : memref<640x64xf32, #tpu.memory_space<vmem_shared>>) target(%dma_start3A_2186 : memref<640x64xf32, #tpu.memory_space<hbm>>) target_semaphore(%run_scoped3A : memref<!tpu.dma_semaphore, #tpu.memory_space<semaphore_mem>>)
        %dma_wait3A_2189 = arith.constant 0 : i32
        %dma_wait3A_2190 = tpu.memref_slice %arg6[%mul3A_2177, %dma_wait3A_2189] : memref<10240x64xf32, #tpu.memory_space<hbm>> -> memref<640x64xf32, #tpu.memory_space<hbm>>
        %dma_wait3A_2191 = arith.constant 0 : i32
        %dma_wait3A_2192 = tpu.memref_slice %arg15[%mul3A_2177, %dma_wait3A_2191] : memref<10240x64xf32, #tpu.memory_space<vmem_shared>> -> memref<640x64xf32, #tpu.memory_space<vmem_shared>>
        tpu.wait_dma2 semaphore(%run_scoped3A : memref<!tpu.dma_semaphore, #tpu.memory_space<semaphore_mem>>) src(%dma_wait3A_2192 : memref<640x64xf32, #tpu.memory_space<vmem_shared>>) dst(%dma_wait3A_2190 : memref<640x64xf32, #tpu.memory_space<hbm>>)
        tpu.yield
      }) : () -> ()
    } else {
    }
    return
  }
}

module attributes {stable_mosaic.version = 14 : i64} {
  func.func @_mmscale_body(%arg0: i32, %arg1: memref<1024x128xf32, #tpu.memory_space<vmem>>, %arg2: memref<128x64xf32, #tpu.memory_space<vmem>>, %arg3: memref<2x1024xf32, #tpu.memory_space<vmem>>, %arg4: memref<1024x64xf32, #tpu.memory_space<vmem>>, %arg5: memref<8x128xf32, #tpu.memory_space<vmem>>) attributes {dimension_semantics = [#tpu.dimension_semantics<arbitrary>], iteration_bounds = array<i64: 10>, scalar_prefetch = 0 : i64, scratch_operands = 0 : i64, tpu.core_type = #tpu.core_type<tc>, window_params = [{transform_indices = @transform_0, window_bounds = array<i64: 1024, 128>}, {pipeline_mode = #tpu.pipeline_mode<synchronous>, transform_indices = @transform_1, window_bounds = array<i64: 128, 64>}, {transform_indices = @transform_2, window_bounds = array<i64: 2, 1024>}, {transform_indices = @transform_3, window_bounds = array<i64: 1024, 64>}, {transform_indices = @transform_4, window_bounds = array<i64: 8, 128>}]} {
    %get3A = arith.constant 0 : index
    %get3A_0 = arith.constant 0 : index
    %get3A_1 = vector.load %arg1[%get3A, %get3A_0] : memref<1024x128xf32, #tpu.memory_space<vmem>>, vector<1024x128xf32>
    %get3A_2 = arith.constant 0 : index
    %get3A_3 = arith.constant 0 : index
    %get3A_4 = vector.load %arg2[%get3A_2, %get3A_3] : memref<128x64xf32, #tpu.memory_space<vmem>>, vector<128x64xf32>
    %dot_general3A = arith.constant dense<0.000000e+00> : vector<1024x64xf32>
    %dot_general3A_5 = tpu.matmul %get3A_1, %get3A_4, %dot_general3A {dimension_numbers = #tpu.dot_dimension_numbers<[1], [0], [0], [1], [0, 0, 1, 1], [], []>, transpose_lhs_hint = false} : vector<1024x128xf32>, vector<128x64xf32>, vector<1024x64xf32> -> vector<1024x64xf32>
    %get3A_6 = arith.constant 0 : index
    %get3A_7 = arith.constant 0 : index
    %get3A_8 = vector.load %arg3[%get3A_6, %get3A_7] : memref<2x1024xf32, #tpu.memory_space<vmem>>, vector<1x1024xf32>
    %get3A_9 = vector.shape_cast %get3A_8 : vector<1x1024xf32> to vector<1024xf32>
    %get3A_10 = arith.constant 1 : index
    %get3A_11 = arith.constant 0 : index
    %get3A_12 = vector.load %arg3[%get3A_10, %get3A_11] : memref<2x1024xf32, #tpu.memory_space<vmem>>, vector<1x1024xf32>
    %get3A_13 = vector.shape_cast %get3A_12 : vector<1x1024xf32> to vector<1024xf32>
    %add3A = arith.addf %get3A_9, %get3A_13 : vector<1024xf32>
    %add3A_14 = arith.constant 1.000000e+00 : f32
    %add3A_15 = vector.broadcast %add3A_14 : f32 to vector<1024xf32>
    %add3A_16 = arith.addf %add3A, %add3A_15 : vector<1024xf32>
    %max3A = arith.constant 1.000000e+00 : f32
    %max3A_17 = vector.broadcast %max3A : f32 to vector<1024xf32>
    %max3A_18 = arith.maximumf %add3A_16, %max3A_17 : vector<1024xf32>
    %rsqrt3A = math.rsqrt %max3A_18 : vector<1024xf32>
    %broadcast_in_dim3A = vector.shape_cast %rsqrt3A : vector<1024xf32> to vector<1024x1xf32>
    %mul3A = vector.broadcast %broadcast_in_dim3A : vector<1024x1xf32> to vector<1024x64xf32>
    %mul3A_19 = arith.mulf %dot_general3A_5, %mul3A : vector<1024x64xf32>
    %swap3A = arith.constant 0 : index
    %swap3A_20 = arith.constant 0 : index
    %swap3A_21 = vector.load %arg4[%swap3A, %swap3A_20] : memref<1024x64xf32, #tpu.memory_space<vmem>>, vector<1024x64xf32>
    tpu.vector_store %arg4[%swap3A, %swap3A_20], %mul3A_19 {strides = array<i32>} : memref<1024x64xf32, #tpu.memory_space<vmem>>, vector<1024x64xf32>,
    %reshape3A = vector.shape_cast %rsqrt3A : vector<1024xf32> to vector<8x128xf32>
    %swap3A_22 = arith.constant 0 : index
    %swap3A_23 = arith.constant 0 : index
    %swap3A_24 = vector.load %arg5[%swap3A_22, %swap3A_23] : memref<8x128xf32, #tpu.memory_space<vmem>>, vector<8x128xf32>
    tpu.vector_store %arg5[%swap3A_22, %swap3A_23], %reshape3A {strides = array<i32>} : memref<8x128xf32, #tpu.memory_space<vmem>>, vector<8x128xf32>,
    return
  }
  func.func @transform_0(%arg0: i32) -> (i32, i32) {
    %c0_i32 = arith.constant 0 : i32
    %c0_i32_0 = arith.constant 0 : i32
    return %arg0, %c0_i32 : i32, i32
  }
  func.func @transform_1(%arg0: i32) -> (i32, i32) {
    %c0_i32 = arith.constant 0 : i32
    %c0_i32_0 = arith.constant 0 : i32
    %c0_i32_1 = arith.constant 0 : i32
    return %c0_i32, %c0_i32_0 : i32, i32
  }
  func.func @transform_2(%arg0: i32) -> (i32, i32) {
    %c0_i32 = arith.constant 0 : i32
    %c0_i32_0 = arith.constant 0 : i32
    return %c0_i32, %arg0 : i32, i32
  }
  func.func @transform_3(%arg0: i32) -> (i32, i32) {
    %c0_i32 = arith.constant 0 : i32
    %c0_i32_0 = arith.constant 0 : i32
    return %arg0, %c0_i32 : i32, i32
  }
  func.func @transform_4(%arg0: i32) -> (i32, i32) {
    %c0_i32 = arith.constant 0 : i32
    %c0_i32_0 = arith.constant 0 : i32
    return %arg0, %c0_i32 : i32, i32
  }
}

</mosaic_0001>

<sc_bundles>
// kernel: kernel.12.cloned.1.call-start
scs
__scs_entry_jumppad:
0x0: {  	(pc) =	sbr.rel $0x88, $3  }
0x1: {  	(tag) =	ssettag $0x0;
	lr =	simm.s32 $0x1  }
0x2: {  	[smem:$0x3F9A] =	sst lr;
	_ =	strace $0xD0000000  }
0x3: {  	_ = 	snop  }
0x4: {  	_ = 	snop  }
0x5: {  	_ = 	snop  }
0x6: {  	_ = 	snop  }
0x7: {  	_ = 	snop  }
__scs_overlays_trampoline_lowered:
0x8: {  	[smem:$0x3FA9] =	sst s0  }
0x9: {  	[smem:$0x3FAA] =	sst s1  }
0xa: {  	[smem:$0x3FAB] =	sst s2  }
0xb: {  	[smem:$0x3FAC] =	sst s3  }
0xc: {  	[smem:$0x3FAD] =	sst s4  }
0xd: {  	[smem:$0x3FAE] =	sst s5  }
0xe: {  	[smem:$0x3FAF] =	sst s6  }
0xf: {  	[smem:$0x3FB0] =	sst s7  }
0x10: {  	[smem:$0x3FB1] =	sst s8  }
0x11: {  	[smem:$0x3FB2] =	sst s9;
	s0 =	simm.s32 @!p0 $0x0  }
0x12: {  	s1 =	sld [smem:$0x3F98];
	s0 =	simm.s32 @p0 $0x1  }
0x13: {  	[smem:$0x3FB3] =	sst s0;
	s0 =	simm.s32 @!p1 $0x0  }
0x14: {  	s2 =	sld [smem:$0x3F97];
	s0 =	simm.s32 @p1 $0x1  }
0x15: {  	[smem:$0x3FB4] =	sst s0;
	s0 =	simm.s32 @!p2 $0x0  }
0x16: {  	s3 =	sld [smem:$0x3FDB];
	s0 =	simm.s32 @p2 $0x1  }
0x17: {  	s4 =	simm.s32 $0x1BF5;
	[smem:$0x3FB6] =	sst s0  }
0x18: {  	s0 =	sld [smem:$0x3F99];
	_ =	swait.ge [sflag:s4], $0x0  }
0x19: {  	s7 =	sld [smem:$0x3F9A]  }
0x1a: {  	s8 =	sadd.s32 $0xFFFFE003, lr  }
0x1b: {  	s9 =	sadd.s32 $0xFFFFFEF7, lr;
	s5 =	simm.s32 $0xFFFFFFFF;
	p2 =	slt.u32 s8, $0xFFFFF086  }
0x1c: {  	p1 =	slt.u32 s9, $0xF7A;
	s5 =	simm.s32 @!p2 $0x0  }
0x1d: {  	s5 =	simm.s32 @p1 $0x1;
	p0 =	seq.s32 s7, s2  }
0x1e: {  	s7 =	smul.u32 @!p0 $0xF7A, s2;
	p2 =	seq.s32 @!p0 s5, $0x0  }
0x1f: {  	s9 =	smul.u32 $0xF7A, s1;
	s8 =	simm.s32 @!p0 $0x1BF5;
	p2 =	por !p2, p0  }
0x20: {  	[sflag:s8] =	ssyncset.s32 @!p0 $0xFFFFF086;
	s6 =	sadd.s32 @!p0 s3, s7;
	s7 =	simm.s32 @!p0 $0x108  }
0x21: {  	s3 =	sadd.s32 s3, s9;
	s6 =	sadd.s32 @!p0 $0x88, s6;
	s7 =	simm.s32 @p2 $0x1082  }
0x22: {  	[simem:s7], [sflag:s8] =	dma.local @!p0 [hbm:s6], $0xF7A  }
0x23: {  	s9 =	sor.u32 $0xD0000000, s2;
	s6 =	simm.s32 $0x108;
	_ =	swait.ge @!p0 [sflag:s8], $0x0  }
0x24: {  	s3 =	sadd.s32 $0x88, s3;
	s6 =	simm.s32 @!p1 $0x1082;
	[sflag:s4] =	ssyncset.s32 $0xFFFFF086  }
0x25: {  	[simem:s6], [sflag:s4] =	dma.local [hbm:s3], $0xF7A  }
0x26: {  	[smem:$0x3F9A] =	sst s1;
	(tag) =	ssettag s2;
	_ =	strace s9  }
0x27: {  	s1 =	sld [smem:$0x3FAA]  }
0x28: {  	s2 =	sld [smem:$0x3FAB]  }
0x29: {  	s4 =	sld [smem:$0x3FAD]  }
0x2a: {  	p0 =	seq.s32 s5, $0x0;
	s5 =	sld [smem:$0x3FAE]  }
0x2b: {  	s6 =	sld [smem:$0x3FAF]  }
0x2c: {  	s7 =	sld [smem:$0x3FB0]  }
0x2d: {  	s3 =	simm.s32 $0x108;
	s8 =	sld [smem:$0x3FB1]  }
0x2e: {  	s3 =	simm.s32 @!p0 $0x1082;
	s9 =	sld [smem:$0x3FB2]  }
0x2f: {  	lr =	sadd.s32 s0, s3;
	s0 =	sld [smem:$0x3FA9]  }
0x30: {  	s3 =	sld [smem:$0x3FAC]  }
0x31: {  	[smem:$0x3FB5] =	sst s10  }
0x32: {  	s10 =	sld [smem:$0x3FB3];
	_ =	sdelay $0x3  }
0x33: {  	p0 =	seq.s32 s10, $0x1;
	s10 =	sld [smem:$0x3FB5];
	_ =	sdelay $0x3  }
0x34: {  	[smem:$0x3FB5] =	sst s10  }
0x35: {  	s10 =	sld [smem:$0x3FB4];
	_ =	sdelay $0x3  }
0x36: {  	p1 =	seq.s32 s10, $0x1;
	s10 =	sld [smem:$0x3FB5];
	_ =	sdelay $0x3  }
0x37: {  	[smem:$0x3FB5] =	sst s10  }
0x38: {  	s10 =	sld [smem:$0x3FB6]  }
0x39: {  	_ = 	snop;
	(pc) =	sbr.ind lr, $3  }
0x3a: {  	_ = 	snop  }
0x3b: {  	_ = 	snop  }
0x3c: {  	p2 =	seq.s32 s10, $0x1;
	s10 =	sld [smem:$0x3FB5]  }
0x3d: {  	_ =	shalt  }
0x3e: {  	_ =	shalt  }
0x3f: {  	_ =	shalt  }
0x40: {  	_ =	shalt  }
0x41: {  	_ =	shalt  }
0x42: {  	_ =	shalt  }
0x43: {  	_ =	shalt  }
0x44: {  	_ =	shalt  }
0x45: {  	_ =	shalt  }
0x46: {  	_ =	shalt  }
0x47: {  	_ =	shalt  }
0x48: {  	_ =	shalt  }
0x49: {  	_ =	shalt  }
0x4a: {  	_ =	shalt  }
0x4b: {  	_ =	shalt  }
0x4c: {  	_ =	shalt  }
0x4d: {  	_ =	shalt  }
0x4e: {  	_ =	shalt  }
0x4f: {  	_ =	shalt  }
0x50: {  	_ =	shalt  }
0x51: {  	_ =	shalt  }
0x52: {  	_ =	shalt  }
0x53: {  	_ =	shalt  }
0x54: {  	_ =	shalt  }
0x55: {  	_ =	shalt  }
0x56: {  	_ =	shalt  }
0x57: {  	_ =	shalt  }
0x58: {  	_ =	shalt  }
0x59: {  	_ =	shalt  }
0x5a: {  	_ =	shalt  }
0x5b: {  	_ =	shalt  }
0x5c: {  	_ =	shalt  }
0x5d: {  	_ =	shalt  }
0x5e: {  	_ =	shalt  }
0x5f: {  	_ =	shalt  }
0x60: {  	_ =	shalt  }
0x61: {  	_ =	shalt  }
0x62: {  	_ =	shalt  }
0x63: {  	_ =	shalt  }
0x64: {  	_ =	shalt  }
0x65: {  	_ =	shalt  }
0x66: {  	_ =	shalt  }
0x67: {  	_ =	shalt  }
0x68: {  	_ =	shalt  }
0x69: {  	_ =	shalt  }
0x6a: {  	_ =	shalt  }
0x6b: {  	_ =	shalt  }
0x6c: {  	_ =	shalt  }
0x6d: {  	_ =	shalt  }
0x6e: {  	_ =	shalt  }
0x6f: {  	_ =	shalt  }
0x70: {  	_ =	shalt  }
0x71: {  	_ =	shalt  }
0x72: {  	_ =	shalt  }
0x73: {  	_ =	shalt  }
0x74: {  	_ =	shalt  }
0x75: {  	_ =	shalt  }
0x76: {  	_ =	shalt  }
0x77: {  	_ =	shalt  }
0x78: {  	_ =	shalt  }
0x79: {  	_ =	shalt  }
0x7a: {  	_ =	shalt  }
0x7b: {  	_ =	shalt  }
0x7c: {  	_ =	shalt  }
0x7d: {  	_ =	shalt  }
0x7e: {  	_ =	shalt  }
0x7f: {  	_ =	shalt  }
0x80: {  	_ =	shalt  }
0x81: {  	_ =	shalt  }
0x82: {  	_ =	shalt  }
0x83: {  	_ =	shalt  }
0x84: {  	_ =	shalt  }
0x85: {  	_ =	shalt  }
0x86: {  	_ =	shalt  }
0x87: {  	_ =	shalt  }
.Lfunc_end0:
.L_simem_size_0:
called_computation.2_lowered:
.L_overlay_start_0:
0x88: {  	s2 =	sld [smem:$0x3FD9]  }
0x89: {  	s3 =	sld [smem:$0x3FFE];
	_ =	sdelay $0x1  }
0x8a: {  	s1 =	srdreg.scid  }
0x8b: {  	s0 =	sand.u32 $0x1, s1  }
0x8c: {  	s17 =	sshll.u32 s0, $0xA;
	s2 =	sadd.s32 s3, s2  }
0x8d: {  	s2 =	sadd.s32 s2, s17  }
0x8e: {  	[smem:$0x3FC1] =	sst s2  }
0x8f: {  	_ = 	snop  }
0x90: {  	s2 =	sld [smem:$0x3FC5]  }
0x91: {  	s18 =	sld [smem:$0x3FD0];
	(tm) =	ssettm $0x1  }
0x92: {  	s4 =	sld [smem:$0x3FFB];
	_ =	sdelay $0x3  }
0x93: {  	_ =	strace s4  }
0x94: {  	s4 =	sld [smem:$0x3FFC];
	_ =	sdelay $0x3  }
0x95: {  	_ =	strace s4  }
0x96: {  	s4 =	sld [smem:$0x3FFD];
	_ =	sdelay $0x3  }
0x97: {  	_ =	strace s4  }
0x98: {  	_ =	strace $0x8FFFFFFF  }
0x99: {  	s19 =	sld [smem:$0x3FDB];
	_ =	sdelay $0x1  }
0x9a: {  	s5 =	simm.s32 $_scs_section_size  }
0x9b: {  	s6 =	simm.s32 $_size__tile_overlayer_lowered;
	s7 =	simm.s32 $_tile_overlayer_lowered  }
0x9c: {  	s22 =	simm.s32 $0x1BFF;
	s21 =	sshll.u32 s7, $0x1;
	s4 =	sadd.s32 s5, s19  }
0x9d: {  	s8 =	simm.s32 $0x0;
	s20 =	sshll.u32 s6, $0x1;
	s6 =	sadd.s32 s21, s4  }
0x9e: {  	[timem:s8], [sflag:s22] =	dma.local [hbm:s6], s20  }
0x9f: {  	_ =	swait.ge [sflag:s22], s20  }
0xa0: {  	s5 =	ssub.s32 $0x0, s20;
	[sflag:s22] =	ssyncset.done $0x0  }
0xa1: {  	[sflag:s22] =	ssyncadd.s32 s5;
	_ =	sdelay $0x1  }
0xa2: {  	s23 =	simm.s32 $0x1B8B  }
0xa3: {  	_ =	swait.ge [sflag:s23], $0x1  }
0xa4: {  	[sflag:s23] =	ssyncset.done $0x0  }
0xa5: {  	s25 =	simm.s32 $0x1B8E;
	s24 =	sld [smem:$0x3FFE];
	[sflag:s23] =	ssyncadd.s32 $0xFFFFFFFF  }
0xa6: {  	s26 =	simm.s32 $execute0_lowered;
	[smem:$0x3FD2] =	sst s25  }
0xa7: {  	s6 =	sshll.u32 s26, $0x1;
	_ =	strace $0x8000004C;
	[dreg:$0x1] =	wrdreg $0xFFFFFFFF  }
0xa8: {  	s28 =	simm.s32 $_size_execute0_lowered;
	s4 =	sadd.s32 s4, s6;
	[dreg:$0x0] =	wrdreg $0x0  }
0xa9: {  	s6 =	sshll.u32 s28, $0x1;
	[dreg:$0x2] =	wrdreg s4  }
0xaa: {  	[dreg:$0x3] =	wrdreg s6  }
0xab: {  	[dreg:$0x4] =	wrdreg $0xC0  }
0xac: {  	_ =	task [dreg:s8], $0x5FFFF  }
0xad: {  	[dreg:$0x1] =	wrdreg $0xFFFFFFFF  }
0xae: {  	[dreg:$0x0] =	wrdreg $0x60  }
0xaf: {  	[dreg:$0x2] =	wrdreg s24  }
0xb0: {  	[dreg:$0x3] =	wrdreg s18  }
0xb1: {  	[dreg:$0x4] =	wrdreg s2  }
0xb2: {  	[dreg:$0x5] =	wrdreg $0x9  }
0xb3: {  	_ =	task.clear_ibuf [dreg:s8], $0x6FFFF;
	_ =	strace $0x9000004C  }
0xb4: {  	s29 =	simm.s32 $0x9;
	_ =	strace $0x8000004E  }
0xb5: {  	_ =	swait.ge [sflag:s29], $0x1  }
0xb6: {  	[sflag:s29] =	ssyncadd.s32 $0xFFFFFFFF  }
0xb7: {  	_ =	strace $0x9000004E  }
0xb8: {  	_ =	sfence  }
0xb9: {  	s30 =	sld [smem:$0x0];
	_ =	sdelay $0x2  }
0xba: {  	s31 =	sshll.u32 s1, $0xD;
	s1 =	sshrl.u32 s1, $0x2  }
0xbb: {  	s3 =	sand.u32 $0x4000, s31;
	s1 =	sadd.s32 s1, s30  }
0xbc: {  	s0 =	sor.u32 s3, s0;
	s1 =	sshll.u32 s1, $0x11  }
0xbd: {  	s0 =	sor.u32 s1, s0  }
0xbe: {  	s0 =	sadd.s32 $0x8F2B, s0  }
0xbf: {  	[sflag:s0] =	ssyncadd.remote.s32 $0x1  }
0xc0: {  	_ =	sfence.sel $0xFFFF  }
0xc1: {  	[dreg:$0x0] =	wrdreg $0xFFFFFFFF;
	(pc) =	sbr.abs _section_cstart, $3  }
0xc2: {  	[dreg:$0x1] =	wrdreg $0xFFFFFFFF  }
0xc3: {  	_ =	task.clear_ibuf [dreg:s8], $0x2FFFF;
	_ =	strace $0x9FFFFFFF  }
0xc4: {  	(tm) =	ssettm $0x7FFFFFFF  }
0xc5: {  	_ =	shalt  }
tec
execute0_lowered:
.L_overlay_start_1:
0x0: {  	(tag) =	ssettag $0x1  }
0x1: {  	s8 =	rddreg [dreg:$0x0]  }
0x2: {  	s10 =	rddreg [dreg:$0x1]  }
0x3: {  	s1 =	rddreg [dreg:$0x2]  }
0x4: {  	s0 =	rddreg [dreg:$0x3];
	s2 =	simm.s32 $0x0  }
0x5: {  	s5 =	srdreg.scid;
	s3 =	stileid.u32;
	s14 =	simm.s32 $0xC100  }
0x6: {  	s15 =	simm.s32 $0xE900;
	s16 =	simm.s32 $0x11100;
	s17 =	simm.s32 $0x1  }
0x7: {  	s18 =	simm.s32 $0x100;
	s19 =	simm.s32 $0x2100;
	s20 =	simm.s32 $0x4100  }
0x8: {  	s21 =	simm.s32 $0x6100;
	s22 =	simm.s32 $0x8100;
	s23 =	simm.s32 $0xA100  }
0x9: {  	s24 =	simm.s32 $0x2;
	s25 =	simm.s32 $0x11140;
	s26 =	simm.s32 $0x3  }
0xa: {  	s28 =	simm.s32 $0x0;
	[smem:$0x7FF] =	sst s2;
	s4 =	sadd.s32 $0x2A000, s8  }
0xb: {  	v0 =	vlaneseq.u32;
	s7 =	sand.u32 $0x1, s5;
	s5 =	sadd.s32 $0x3E000, s8;
	s9 =	sshll.u32 s3, $0x5  }
0xc: {  	s6 =	sadd.s32 $0x16000, s8;
	v1 =	vmul.u32 $0x40, v0;
	_ =	strace $0x8000004D;
	s11 =	sshll.u32 s7, $0x4  }
0xd: {  	s31 =	ssub.s32 $0x2, s7;
	s7 =	sadd.s32 $0xB600, s8;
	s11 =	sor.u32 s11, s9  }
0xe: {  	s13 =	sshrl.u32 s31, $0x1;
	v2 =	vor.u32 $0x400, v1;
	s12 =	sadd.s32 s11, s8;
	s8 =	sadd.s32 $0x52000, s8  }
0xf: {  	v3 =	vor.u32 $0x800, v1;
	v4 =	vor.u32 $0xC00, v1;
	v5 =	vor.u32 $0x1000, v1;
	s13 =	ssub.s32 s31, s13;
	s10 =	sadd.s32 s10, s11;
	s9 =	sadd.s32 $0xBC00, s12  }
0x10: {  	v6 =	vor.u32 $0x1400, v1;
	v7 =	vor.u32 $0x1800, v1;
	v8 =	vor.u32 $0x1C00, v1;
	s11 =	sadd.s32 $0x1600, s12;
	s12 =	smax.u32 s13, $0x1;
	s13 =	simm.s32 $0x80  }
.LBB2_1:
0x11: {  	[tilespmem:s2], [sflag:$0x1] =	stream.linear.gather [hbm4b:s9+s2], $0x80, $0x38;
	[tilespmem:$0x111C0] =	vst v63  }
0x12: {  	_ = 	snop  }
0x13: {  	[tilespmem:s13], [sflag:$0x1] =	stream.linear.gather [hbm4b:s10+s2], $0x80, $0x38;
	[tilespmem:$0x111C0] =	vst v63  }
0x14: {  	_ = 	snop  }
0x15: {  	[tilespmem:s14], [sflag:$0x1] =	stream.linear.gather [hbm4b:s7+s2], $0x2800, $0x38;
	[tilespmem:$0x111C0] =	vst v63  }
0x16: {  	_ = 	snop  }
0x17: {  	[tilespmem:s15], [sflag:$0x1] =	stream.linear.gather [hbm4b:s8+s2], $0x2800, $0x38;
	[tilespmem:$0x111C0] =	vst v63  }
0x18: {  	_ = 	snop  }
0x19: {  	[tilespmem:s16], [sflag:$0x1] =	stream.linear.gather [hbm4b:s1+s2], $0x40, $0x38;
	[tilespmem:$0x111C0] =	vst v63  }
0x1a: {  	_ =	swait.ge [sflag:s17], $0x80  }
0x1b: {  	[sflag:s17] =	ssyncset.done $0x0  }
0x1c: {  	[sflag:s17] =	ssyncadd.s32 $0xFFFFFF80  }
0x1d: {  	_ =	swait.ge [sflag:s17], $0x80  }
0x1e: {  	[sflag:s17] =	ssyncset.done $0x0  }
0x1f: {  	[sflag:s17] =	ssyncadd.s32 $0xFFFFFF80  }
0x20: {  	[tilespmem:s18], [sflag:$0x2] =	stream.indirect.gather [hbm4b:s4+s13], $0x40, s2, s13, $0xb8;
	[tilespmem:$0x111C0] =	vst v63  }
0x21: {  	_ = 	snop  }
0x22: {  	[tilespmem:s19], [sflag:$0x2] =	stream.indirect.gather [hbm4b:s5+s13], $0x40, s2, s13, $0xb8;
	[tilespmem:$0x111C0] =	vst v63  }
0x23: {  	_ = 	snop  }
0x24: {  	[tilespmem:s20], [sflag:$0x2] =	stream.indirect.gather [hbm4b:s6+s13], $0x40, s2, s13, $0xb8;
	[tilespmem:$0x111C0] =	vst v63  }
0x25: {  	_ = 	snop  }
0x26: {  	[tilespmem:s21], [sflag:$0x2] =	stream.indirect.gather [hbm4b:s4+s13], $0x40, s13, s13, $0xb8;
	[tilespmem:$0x111C0] =	vst v63  }
0x27: {  	_ = 	snop  }
0x28: {  	[tilespmem:s22], [sflag:$0x2] =	stream.indirect.gather [hbm4b:s5+s13], $0x40, s13, s13, $0xb8;
	[tilespmem:$0x111C0] =	vst v63  }
0x29: {  	_ = 	snop  }
0x2a: {  	[tilespmem:s23], [sflag:$0x2] =	stream.indirect.gather [hbm4b:s6+s13], $0x40, s13, s13, $0xb8;
	[tilespmem:$0x111C0] =	vst v63  }
0x2b: {  	_ =	swait.ge [sflag:s17], $0x2800  }
0x2c: {  	[sflag:s17] =	ssyncset.done $0x0  }
0x2d: {  	[sflag:s17] =	ssyncadd.s32 $0xFFFFD800  }
0x2e: {  	_ =	swait.ge [sflag:s17], $0x2800  }
0x2f: {  	[sflag:s17] =	ssyncset.done $0x0  }
0x30: {  	[sflag:s17] =	ssyncadd.s32 $0xFFFFD800  }
0x31: {  	_ =	swait.ge [sflag:s17], $0x40  }
0x32: {  	[sflag:s17] =	ssyncset.done $0x0  }
0x33: {  	[sflag:s17] =	ssyncadd.s32 $0xFFFFFFC0  }
0x34: {  	_ =	swait.ge [sflag:s24], $0x2000  }
0x35: {  	[sflag:s24] =	ssyncset.done $0x0  }
0x36: {  	[sflag:s24] =	ssyncadd.s32 $0xFFFFE000  }
0x37: {  	_ =	swait.ge [sflag:s24], $0x2000  }
0x38: {  	[sflag:s24] =	ssyncset.done $0x0  }
0x39: {  	[sflag:s24] =	ssyncadd.s32 $0xFFFFE000  }
0x3a: {  	_ =	swait.ge [sflag:s24], $0x2000  }
0x3b: {  	[sflag:s24] =	ssyncset.done $0x0  }
0x3c: {  	[sflag:s24] =	ssyncadd.s32 $0xFFFFE000  }
0x3d: {  	_ =	swait.ge [sflag:s24], $0x2000  }
0x3e: {  	[sflag:s24] =	ssyncset.done $0x0  }
0x3f: {  	[sflag:s24] =	ssyncadd.s32 $0xFFFFE000  }
0x40: {  	_ =	swait.ge [sflag:s24], $0x2000  }
0x41: {  	v11 =	vadd.s32 s2, v0;
	[sflag:s24] =	ssyncset.done $0x0  }
0x42: {  	v13 =	vand.u32 $0x3F, v11;
	[sflag:s24] =	ssyncadd.s32 $0xFFFFE000  }
0x43: {  	v14 =	vor.u32 v1, v13;
	_ =	swait.ge [sflag:s24], $0x2000  }
0x44: {  	[sflag:s24] =	ssyncset.done $0x0  }
0x45: {  	[sflag:s24] =	ssyncadd.s32 $0xFFFFE000  }
0x46: {  	v9 =	vld [tilespmem:$0x0]  }
0x47: {  	s29 =	simm.s32 $0x1;
	v10 =	vld [tilespmem:$0x80]  }
0x48: {  	v15 =	vadd.s32 s29, v0;
	v16 =	vld.idx.msk [tilespmem:v14+s18+$0x0], $0xffff  }
0x49: {  	v15 =	vand.u32 $0x3F, v15;
	v17 =	vld.idx.msk [tilespmem:v14+s19+$0x0], $0xffff  }
0x4a: {  	v19 =	vor.u32 v1, v15;
	v20 =	vld.idx.msk [tilespmem:v14+s21+$0x0], $0xffff  }
0x4b: {  	v21 =	vld.idx.msk [tilespmem:v14+s22+$0x0], $0xffff  }
0x4c: {  	v22 =	vld.idx.msk [tilespmem:v14+s20+$0x0], $0xffff  }
0x4d: {  	v14 =	vld.idx.msk [tilespmem:v14+s23+$0x0], $0xffff  }
0x4e: {  	v23 =	vld.idx.msk [tilespmem:v13+s16+$0x0], $0xffff  }
0x4f: {  	v24 =	vld.idx.msk [tilespmem:v19+s18+$0x0], $0xffff  }
0x50: {  	s29 =	simm.s32 $0x2;
	v25 =	vld.idx.msk [tilespmem:v19+s19+$0x0], $0xffff  }
0x51: {  	v13 =	vadd.s32 s29, v0;
	v26 =	vld.idx.msk [tilespmem:v19+s21+$0x0], $0xffff  }
0x52: {  	v28 =	vld.idx.msk [tilespmem:v19+s22+$0x0], $0xffff;
	v13 =	vand.u32 $0x3F, v13  }
0x53: {  	v18 =	vor.u32 v1, v13;
	v11 =	vld.idx.msk [tilespmem:v9+s14+$0x0], $0xffff  }
0x54: {  	v12 =	vld.idx.msk [tilespmem:v10+s14+$0x0], $0xffff  }
0x55: {  	v15 =	vld.idx.msk [tilespmem:v15+s16+$0x0], $0xffff;
	v17 =	vadd.f32 v17, v16;
	v20 =	vadd.f32 v21, v20  }
0x56: {  	v16 =	vld.idx.msk [tilespmem:v19+s20+$0x0], $0xffff  }
0x57: {  	v19 =	vld.idx.msk [tilespmem:v19+s23+$0x0], $0xffff;
	v17 =	vadd.f32 v22, v17;
	v14 =	vadd.f32 v14, v20  }
0x58: {  	v20 =	vld.idx.msk [tilespmem:v18+s18+$0x0], $0xffff  }
0x59: {  	v22 =	vld.idx.msk [tilespmem:v18+s19+$0x0], $0xffff;
	v21 =	vmul.f32 v17, v11;
	v14 =	vmul.f32 v14, v12  }
0x5a: {  	s29 =	simm.s32 $0x3;
	v27 =	vadd.f32 v25, v24;
	v24 =	vld.idx.msk [tilespmem:v18+s22+$0x0], $0xffff  }
0x5b: {  	v9 =	vld.idx.msk [tilespmem:v9+s15+$0x0], $0xffff;
	v17 =	vadd.s32 s29, v0;
	v29 =	vadd.f32 v23, v21;
	v30 =	vadd.f32 v14, v23  }
0x5c: {  	v26 =	vadd.f32 v28, v26;
	v10 =	vld.idx.msk [tilespmem:v10+s15+$0x0], $0xffff;
	v17 =	vand.u32 $0x3F, v17  }
0x5d: {  	s29 =	simm.s32 $0x4;
	v14 =	vimm.f32 $0.0e+00;
	v21 =	vor.u32 v1, v17;
	v23 =	vld.idx.msk [tilespmem:v18+s21+$0x0], $0xffff;
	v25 =	vmul.f32 v30, v29  }
.LBB2_2:
0x5e: {  	p0 =	sne.s32 s29, $0x3F;
	v27 =	vadd.f32 v16, v27;
	v16 =	vld.idx.msk [tilespmem:v18+s20+$0x0], $0xffff;
	v26 =	vadd.f32 v19, v26  }
0x5f: {  	v19 =	vld.idx.msk [tilespmem:v18+s23+$0x0], $0xffff;
	v14 =	vadd.f32 v25, v14;
	v25 =	vmov v15;
	v18 =	vmov v21  }
.Ltmp0:
0x60: {  	v28 =	vmovc v20;
	v15 =	vld.idx.msk [tilespmem:v13+s16+$0x0], $0xffff;
	v27 =	vmul.f32 v27, v11;
	v26 =	vmul.f32 v26, v12;
	v13 =	vmov v17;
	(pc) =	sbr.rel @p0 .LBB2_2-.Ltmp0, $4  }
0x61: {  	v17 =	vadd.s32 s29, v0;
	v29 =	vmov v22;
	v20 =	vld.idx.msk [tilespmem:v21+s18+$0x0], $0xffff  }
0x62: {  	v17 =	vand.u32 $0x3F, v17;
	v22 =	vld.idx.msk [tilespmem:v21+s19+$0x0], $0xffff;
	v30 =	vadd.f32 v25, v27;
	v25 =	vadd.f32 v26, v25  }
0x63: {  	v27 =	vadd.f32 v29, v28;
	v26 =	vadd.f32 v24, v23;
	v23 =	vld.idx.msk [tilespmem:v21+s21+$0x0], $0xffff;
	v21 =	vor.u32 v1, v17  }
0x64: {  	s29 =	sadd.s32 $0x1, s29;
	v24 =	vld.idx.msk [tilespmem:v18+s22+$0x0], $0xffff;
	v25 =	vmul.f32 v25, v30  }
0x65: {  	_ =	sdelay $0x3  }
0x66: {  	v28 =	vld.idx.msk [tilespmem:v18+s20+$0x0], $0xffff  }
0x67: {  	v18 =	vld.idx.msk [tilespmem:v18+s23+$0x0], $0xffff  }
0x68: {  	v29 =	vld.idx.msk [tilespmem:v21+s18+$0x0], $0xffff  }
0x69: {  	v31 =	vld.idx.msk [tilespmem:v21+s21+$0x0], $0xffff  }
0x6a: {  	v32 =	vld.idx.msk [tilespmem:v21+s22+$0x0], $0xffff  }
0x6b: {  	v30 =	vld.idx.msk [tilespmem:v21+s19+$0x0], $0xffff  }
0x6c: {  	v16 =	vadd.f32 v16, v27;
	v19 =	vadd.f32 v19, v26;
	v26 =	vld.idx.msk [tilespmem:v21+s20+$0x0], $0xffff  }
0x6d: {  	v21 =	vld.idx.msk [tilespmem:v21+s23+$0x0], $0xffff;
	v20 =	vadd.f32 v22, v20  }
0x6e: {  	v13 =	vld.idx.msk [tilespmem:v13+s16+$0x0], $0xffff;
	v16 =	vmul.f32 v16, v11;
	v22 =	vadd.f32 v24, v23  }
0x6f: {  	v19 =	vmul.f32 v19, v12;
	v20 =	vadd.f32 v28, v20;
	v23 =	vadd.f32 v32, v31  }
0x70: {  	v18 =	vadd.f32 v18, v22;
	v22 =	vadd.f32 v30, v29  }
0x71: {  	v17 =	vld.idx.msk [tilespmem:v17+s16+$0x0], $0xffff;
	v16 =	vadd.f32 v15, v16;
	v15 =	vadd.f32 v19, v15;
	v19 =	vmul.f32 v20, v11  }
0x72: {  	v21 =	vadd.f32 v21, v23;
	v18 =	vmul.f32 v18, v12;
	v20 =	vadd.f32 v26, v22  }
0x73: {  	v14 =	vadd.f32 v25, v14;
	v15 =	vmul.f32 v15, v16;
	v16 =	vadd.f32 v13, v19  }
0x74: {  	v12 =	vmul.f32 v21, v12;
	v13 =	vadd.f32 v18, v13;
	v11 =	vmul.f32 v20, v11  }
0x75: {  	v14 =	vadd.f32 v15, v14  }
0x76: {  	v12 =	vadd.f32 v12, v17;
	v13 =	vmul.f32 v13, v16;
	v11 =	vadd.f32 v17, v11  }
0x77: {  	v15 =	vld [tilespmem:$0x10]  }
0x78: {  	v13 =	vadd.f32 v13, v14;
	v11 =	vmul.f32 v12, v11;
	_ =	sdelay $0x1  }
0x79: {  	v9 =	vadd.f32 v10, v9;
	s29 =	simm.s32 $0x0;
	v14 =	vld [tilespmem:$0x90];
	v11 =	vadd.f32 v11, v13  }
0x7a: {  	v10 =	vadd.s32 s29, v0  }
0x7b: {  	v13 =	vand.u32 $0x3F, v10;
	v9 =	vadd.f32 v11, v9;
	_ =	sdelay $0x1  }
0x7c: {  	[tilespmem:$0x11140] =	vst v9  }
0x7d: {  	v16 =	vor.u32 v2, v13;
	v11 =	vld.idx.msk [tilespmem:v15+s14+$0x0], $0xffff  }
0x7e: {  	v9 =	vld.idx.msk [tilespmem:v15+s15+$0x0], $0xffff  }
0x7f: {  	v24 =	vld.idx.msk [tilespmem:v13+s16+$0x0], $0xffff  }
0x80: {  	s29 =	simm.s32 $0x1;
	v12 =	vld.idx.msk [tilespmem:v14+s14+$0x0], $0xffff  }
0x81: {  	v10 =	vld.idx.msk [tilespmem:v14+s15+$0x0], $0xffff;
	v14 =	vadd.s32 s29, v0  }
0x82: {  	v15 =	vld.idx.msk [tilespmem:v16+s18+$0x0], $0xffff;
	v14 =	vand.u32 $0x3F, v14  }
0x83: {  	v17 =	vld.idx.msk [tilespmem:v16+s19+$0x0], $0xffff;
	v19 =	vor.u32 v2, v14  }
0x84: {  	v20 =	vld.idx.msk [tilespmem:v16+s21+$0x0], $0xffff  }
0x85: {  	v21 =	vld.idx.msk [tilespmem:v16+s22+$0x0], $0xffff  }
0x86: {  	v22 =	vld.idx.msk [tilespmem:v16+s20+$0x0], $0xffff  }
0x87: {  	v23 =	vld.idx.msk [tilespmem:v16+s23+$0x0], $0xffff;
	s29 =	simm.s32 $0x2  }
0x88: {  	v13 =	vadd.s32 s29, v0;
	v25 =	vld.idx.msk [tilespmem:v19+s18+$0x0], $0xffff  }
0x89: {  	v13 =	vand.u32 $0x3F, v13;
	v26 =	vld.idx.msk [tilespmem:v19+s19+$0x0], $0xffff  }
0x8a: {  	v18 =	vor.u32 v2, v13;
	v15 =	vadd.f32 v17, v15;
	v17 =	vadd.f32 v21, v20;
	v28 =	vld.idx.msk [tilespmem:v19+s21+$0x0], $0xffff  }
0x8b: {  	v29 =	vld.idx.msk [tilespmem:v19+s22+$0x0], $0xffff  }
0x8c: {  	v16 =	vld.idx.msk [tilespmem:v19+s20+$0x0], $0xffff;
	v20 =	vadd.f32 v22, v15;
	v17 =	vadd.f32 v23, v17  }
0x8d: {  	v19 =	vld.idx.msk [tilespmem:v19+s23+$0x0], $0xffff  }
0x8e: {  	v15 =	vld.idx.msk [tilespmem:v14+s16+$0x0], $0xffff;
	v14 =	vmul.f32 v20, v11;
	v21 =	vmul.f32 v17, v12  }
0x8f: {  	s29 =	simm.s32 $0x3;
	v22 =	vld.idx.msk [tilespmem:v18+s19+$0x0], $0xffff  }
0x90: {  	v17 =	vadd.s32 s29, v0;
	v20 =	vld.idx.msk [tilespmem:v18+s18+$0x0], $0xffff;
	v62 =	vadd.f32 v24, v14;
	v63 =	vadd.f32 v21, v24  }
0x91: {  	v23 =	vld.idx.msk [tilespmem:v18+s21+$0x0], $0xffff;
	v17 =	vand.u32 $0x3F, v17;
	v27 =	vadd.f32 v26, v25;
	v26 =	vadd.f32 v29, v28  }
0x92: {  	s29 =	simm.s32 $0x4;
	v14 =	vimm.f32 $0.0e+00;
	v21 =	vor.u32 v2, v17;
	v24 =	vld.idx.msk [tilespmem:v18+s22+$0x0], $0xffff;
	v25 =	vmul.f32 v63, v62  }
.LBB2_4:
0x93: {  	p0 =	sne.s32 s29, $0x3F;
	v27 =	vadd.f32 v16, v27;
	v16 =	vld.idx.msk [tilespmem:v18+s20+$0x0], $0xffff;
	v26 =	vadd.f32 v19, v26  }
0x94: {  	v19 =	vld.idx.msk [tilespmem:v18+s23+$0x0], $0xffff;
	v14 =	vadd.f32 v25, v14;
	v25 =	vmov v15;
	v18 =	vmov v21  }
.Ltmp1:
0x95: {  	v28 =	vmovc v20;
	v15 =	vld.idx.msk [tilespmem:v13+s16+$0x0], $0xffff;
	v27 =	vmul.f32 v27, v11;
	v26 =	vmul.f32 v26, v12;
	v13 =	vmov v17;
	(pc) =	sbr.rel @p0 .LBB2_4-.Ltmp1, $4  }
0x96: {  	v17 =	vadd.s32 s29, v0;
	v29 =	vmov v22;
	v20 =	vld.idx.msk [tilespmem:v21+s18+$0x0], $0xffff  }
0x97: {  	v17 =	vand.u32 $0x3F, v17;
	v22 =	vld.idx.msk [tilespmem:v21+s19+$0x0], $0xffff;
	v30 =	vadd.f32 v25, v27;
	v25 =	vadd.f32 v26, v25  }
0x98: {  	v27 =	vadd.f32 v29, v28;
	v26 =	vadd.f32 v24, v23;
	v23 =	vld.idx.msk [tilespmem:v21+s21+$0x0], $0xffff;
	v21 =	vor.u32 v2, v17  }
0x99: {  	s29 =	sadd.s32 $0x1, s29;
	v24 =	vld.idx.msk [tilespmem:v18+s22+$0x0], $0xffff;
	v25 =	vmul.f32 v25, v30  }
0x9a: {  	_ =	sdelay $0x3  }
0x9b: {  	v28 =	vld.idx.msk [tilespmem:v18+s20+$0x0], $0xffff  }
0x9c: {  	v18 =	vld.idx.msk [tilespmem:v18+s23+$0x0], $0xffff  }
0x9d: {  	v29 =	vld.idx.msk [tilespmem:v21+s18+$0x0], $0xffff  }
0x9e: {  	v31 =	vld.idx.msk [tilespmem:v21+s21+$0x0], $0xffff  }
0x9f: {  	v32 =	vld.idx.msk [tilespmem:v21+s22+$0x0], $0xffff  }
0xa0: {  	v30 =	vld.idx.msk [tilespmem:v21+s19+$0x0], $0xffff  }
0xa1: {  	v16 =	vadd.f32 v16, v27;
	v19 =	vadd.f32 v19, v26;
	v26 =	vld.idx.msk [tilespmem:v21+s20+$0x0], $0xffff  }
0xa2: {  	v21 =	vld.idx.msk [tilespmem:v21+s23+$0x0], $0xffff;
	v20 =	vadd.f32 v22, v20  }
0xa3: {  	v13 =	vld.idx.msk [tilespmem:v13+s16+$0x0], $0xffff;
	v16 =	vmul.f32 v16, v11;
	v22 =	vadd.f32 v24, v23  }
0xa4: {  	v19 =	vmul.f32 v19, v12;
	v20 =	vadd.f32 v28, v20;
	v23 =	vadd.f32 v32, v31  }
0xa5: {  	v18 =	vadd.f32 v18, v22;
	v22 =	vadd.f32 v30, v29  }
0xa6: {  	v17 =	vld.idx.msk [tilespmem:v17+s16+$0x0], $0xffff;
	v16 =	vadd.f32 v15, v16;
	v15 =	vadd.f32 v19, v15;
	v19 =	vmul.f32 v20, v11  }
0xa7: {  	v21 =	vadd.f32 v21, v23;
	v18 =	vmul.f32 v18, v12;
	v20 =	vadd.f32 v26, v22  }
0xa8: {  	v14 =	vadd.f32 v25, v14;
	v15 =	vmul.f32 v15, v16;
	v16 =	vadd.f32 v13, v19  }
0xa9: {  	v12 =	vmul.f32 v21, v12;
	v13 =	vadd.f32 v18, v13;
	v11 =	vmul.f32 v20, v11  }
0xaa: {  	v14 =	vadd.f32 v15, v14  }
0xab: {  	v12 =	vadd.f32 v12, v17;
	v13 =	vmul.f32 v13, v16;
	v11 =	vadd.f32 v17, v11  }
0xac: {  	v15 =	vld [tilespmem:$0x20]  }
0xad: {  	v13 =	vadd.f32 v13, v14;
	v11 =	vmul.f32 v12, v11;
	_ =	sdelay $0x1  }
0xae: {  	v9 =	vadd.f32 v10, v9;
	s29 =	simm.s32 $0x0;
	v14 =	vld [tilespmem:$0xA0];
	v11 =	vadd.f32 v11, v13  }
0xaf: {  	v10 =	vadd.s32 s29, v0  }
0xb0: {  	v13 =	vand.u32 $0x3F, v10;
	v9 =	vadd.f32 v11, v9;
	_ =	sdelay $0x1  }
0xb1: {  	[tilespmem:$0x11150] =	vst v9  }
0xb2: {  	v16 =	vor.u32 v3, v13;
	v11 =	vld.idx.msk [tilespmem:v15+s14+$0x0], $0xffff  }
0xb3: {  	v9 =	vld.idx.msk [tilespmem:v15+s15+$0x0], $0xffff  }
0xb4: {  	v24 =	vld.idx.msk [tilespmem:v13+s16+$0x0], $0xffff  }
0xb5: {  	s29 =	simm.s32 $0x1;
	v12 =	vld.idx.msk [tilespmem:v14+s14+$0x0], $0xffff  }
0xb6: {  	v10 =	vld.idx.msk [tilespmem:v14+s15+$0x0], $0xffff;
	v14 =	vadd.s32 s29, v0  }
0xb7: {  	v15 =	vld.idx.msk [tilespmem:v16+s18+$0x0], $0xffff;
	v14 =	vand.u32 $0x3F, v14  }
0xb8: {  	v17 =	vld.idx.msk [tilespmem:v16+s19+$0x0], $0xffff;
	v19 =	vor.u32 v3, v14  }
0xb9: {  	v20 =	vld.idx.msk [tilespmem:v16+s21+$0x0], $0xffff  }
0xba: {  	v21 =	vld.idx.msk [tilespmem:v16+s22+$0x0], $0xffff  }
0xbb: {  	v22 =	vld.idx.msk [tilespmem:v16+s20+$0x0], $0xffff  }
0xbc: {  	v23 =	vld.idx.msk [tilespmem:v16+s23+$0x0], $0xffff;
	s29 =	simm.s32 $0x2  }
0xbd: {  	v13 =	vadd.s32 s29, v0;
	v25 =	vld.idx.msk [tilespmem:v19+s18+$0x0], $0xffff  }
0xbe: {  	v13 =	vand.u32 $0x3F, v13;
	v26 =	vld.idx.msk [tilespmem:v19+s19+$0x0], $0xffff  }
0xbf: {  	v18 =	vor.u32 v3, v13;
	v15 =	vadd.f32 v17, v15;
	v17 =	vadd.f32 v21, v20;
	v28 =	vld.idx.msk [tilespmem:v19+s21+$0x0], $0xffff  }
0xc0: {  	v29 =	vld.idx.msk [tilespmem:v19+s22+$0x0], $0xffff  }
0xc1: {  	v16 =	vld.idx.msk [tilespmem:v19+s20+$0x0], $0xffff;
	v20 =	vadd.f32 v22, v15;
	v17 =	vadd.f32 v23, v17  }
0xc2: {  	v19 =	vld.idx.msk [tilespmem:v19+s23+$0x0], $0xffff  }
0xc3: {  	v15 =	vld.idx.msk [tilespmem:v14+s16+$0x0], $0xffff;
	v14 =	vmul.f32 v20, v11;
	v21 =	vmul.f32 v17, v12  }
0xc4: {  	s29 =	simm.s32 $0x3;
	v22 =	vld.idx.msk [tilespmem:v18+s19+$0x0], $0xffff  }
0xc5: {  	v17 =	vadd.s32 s29, v0;
	v20 =	vld.idx.msk [tilespmem:v18+s18+$0x0], $0xffff;
	v62 =	vadd.f32 v24, v14;
	v63 =	vadd.f32 v21, v24  }
0xc6: {  	v23 =	vld.idx.msk [tilespmem:v18+s21+$0x0], $0xffff;
	v17 =	vand.u32 $0x3F, v17;
	v27 =	vadd.f32 v26, v25;
	v26 =	vadd.f32 v29, v28  }
0xc7: {  	s29 =	simm.s32 $0x4;
	v14 =	vimm.f32 $0.0e+00;
	v21 =	vor.u32 v3, v17;
	v24 =	vld.idx.msk [tilespmem:v18+s22+$0x0], $0xffff;
	v25 =	vmul.f32 v63, v62  }
.LBB2_6:
0xc8: {  	p0 =	sne.s32 s29, $0x3F;
	v27 =	vadd.f32 v16, v27;
	v16 =	vld.idx.msk [tilespmem:v18+s20+$0x0], $0xffff;
	v26 =	vadd.f32 v19, v26  }
0xc9: {  	v19 =	vld.idx.msk [tilespmem:v18+s23+$0x0], $0xffff;
	v14 =	vadd.f32 v25, v14;
	v25 =	vmov v15;
	v18 =	vmov v21  }
.Ltmp2:
0xca: {  	v28 =	vmovc v20;
	v15 =	vld.idx.msk [tilespmem:v13+s16+$0x0], $0xffff;
	v27 =	vmul.f32 v27, v11;
	v26 =	vmul.f32 v26, v12;
	v13 =	vmov v17;
	(pc) =	sbr.rel @p0 .LBB2_6-.Ltmp2, $4  }
0xcb: {  	v17 =	vadd.s32 s29, v0;
	v29 =	vmov v22;
	v20 =	vld.idx.msk [tilespmem:v21+s18+$0x0], $0xffff  }
0xcc: {  	v17 =	vand.u32 $0x3F, v17;
	v22 =	vld.idx.msk [tilespmem:v21+s19+$0x0], $0xffff;
	v30 =	vadd.f32 v25, v27;
	v25 =	vadd.f32 v26, v25  }
0xcd: {  	v27 =	vadd.f32 v29, v28;
	v26 =	vadd.f32 v24, v23;
	v23 =	vld.idx.msk [tilespmem:v21+s21+$0x0], $0xffff;
	v21 =	vor.u32 v3, v17  }
0xce: {  	s29 =	sadd.s32 $0x1, s29;
	v24 =	vld.idx.msk [tilespmem:v18+s22+$0x0], $0xffff;
	v25 =	vmul.f32 v25, v30  }
0xcf: {  	_ =	sdelay $0x3  }
0xd0: {  	v28 =	vld.idx.msk [tilespmem:v18+s20+$0x0], $0xffff  }
0xd1: {  	v18 =	vld.idx.msk [tilespmem:v18+s23+$0x0], $0xffff  }
0xd2: {  	v29 =	vld.idx.msk [tilespmem:v21+s18+$0x0], $0xffff  }
0xd3: {  	v31 =	vld.idx.msk [tilespmem:v21+s21+$0x0], $0xffff  }
0xd4: {  	v32 =	vld.idx.msk [tilespmem:v21+s22+$0x0], $0xffff  }
0xd5: {  	v30 =	vld.idx.msk [tilespmem:v21+s19+$0x0], $0xffff  }
0xd6: {  	v16 =	vadd.f32 v16, v27;
	v19 =	vadd.f32 v19, v26;
	v26 =	vld.idx.msk [tilespmem:v21+s20+$0x0], $0xffff  }
0xd7: {  	v21 =	vld.idx.msk [tilespmem:v21+s23+$0x0], $0xffff;
	v20 =	vadd.f32 v22, v20  }
0xd8: {  	v13 =	vld.idx.msk [tilespmem:v13+s16+$0x0], $0xffff;
	v16 =	vmul.f32 v16, v11;
	v22 =	vadd.f32 v24, v23  }
0xd9: {  	v19 =	vmul.f32 v19, v12;
	v20 =	vadd.f32 v28, v20;
	v23 =	vadd.f32 v32, v31  }
0xda: {  	v18 =	vadd.f32 v18, v22;
	v22 =	vadd.f32 v30, v29  }
0xdb: {  	v17 =	vld.idx.msk [tilespmem:v17+s16+$0x0], $0xffff;
	v16 =	vadd.f32 v15, v16;
	v15 =	vadd.f32 v19, v15;
	v19 =	vmul.f32 v20, v11  }
0xdc: {  	v21 =	vadd.f32 v21, v23;
	v18 =	vmul.f32 v18, v12;
	v20 =	vadd.f32 v26, v22  }
0xdd: {  	v14 =	vadd.f32 v25, v14;
	v15 =	vmul.f32 v15, v16;
	v16 =	vadd.f32 v13, v19  }
0xde: {  	v12 =	vmul.f32 v21, v12;
	v13 =	vadd.f32 v18, v13;
	v11 =	vmul.f32 v20, v11  }
0xdf: {  	v14 =	vadd.f32 v15, v14  }
0xe0: {  	v12 =	vadd.f32 v12, v17;
	v13 =	vmul.f32 v13, v16;
	v11 =	vadd.f32 v17, v11  }
0xe1: {  	v15 =	vld [tilespmem:$0x30]  }
0xe2: {  	v13 =	vadd.f32 v13, v14;
	v11 =	vmul.f32 v12, v11;
	_ =	sdelay $0x1  }
0xe3: {  	v9 =	vadd.f32 v10, v9;
	s29 =	simm.s32 $0x0;
	v14 =	vld [tilespmem:$0xB0];
	v11 =	vadd.f32 v11, v13  }
0xe4: {  	v10 =	vadd.s32 s29, v0  }
0xe5: {  	v13 =	vand.u32 $0x3F, v10;
	v9 =	vadd.f32 v11, v9;
	_ =	sdelay $0x1  }
0xe6: {  	[tilespmem:$0x11160] =	vst v9  }
0xe7: {  	v16 =	vor.u32 v4, v13;
	v11 =	vld.idx.msk [tilespmem:v15+s14+$0x0], $0xffff  }
0xe8: {  	v9 =	vld.idx.msk [tilespmem:v15+s15+$0x0], $0xffff  }
0xe9: {  	v24 =	vld.idx.msk [tilespmem:v13+s16+$0x0], $0xffff  }
0xea: {  	s29 =	simm.s32 $0x1;
	v12 =	vld.idx.msk [tilespmem:v14+s14+$0x0], $0xffff  }
0xeb: {  	v10 =	vld.idx.msk [tilespmem:v14+s15+$0x0], $0xffff;
	v14 =	vadd.s32 s29, v0  }
0xec: {  	v15 =	vld.idx.msk [tilespmem:v16+s18+$0x0], $0xffff;
	v14 =	vand.u32 $0x3F, v14  }
0xed: {  	v17 =	vld.idx.msk [tilespmem:v16+s19+$0x0], $0xffff;
	v19 =	vor.u32 v4, v14  }
0xee: {  	v20 =	vld.idx.msk [tilespmem:v16+s21+$0x0], $0xffff  }
0xef: {  	v21 =	vld.idx.msk [tilespmem:v16+s22+$0x0], $0xffff  }
0xf0: {  	v22 =	vld.idx.msk [tilespmem:v16+s20+$0x0], $0xffff  }
0xf1: {  	v23 =	vld.idx.msk [tilespmem:v16+s23+$0x0], $0xffff;
	s29 =	simm.s32 $0x2  }
0xf2: {  	v13 =	vadd.s32 s29, v0;
	v25 =	vld.idx.msk [tilespmem:v19+s18+$0x0], $0xffff  }
0xf3: {  	v13 =	vand.u32 $0x3F, v13;
	v26 =	vld.idx.msk [tilespmem:v19+s19+$0x0], $0xffff  }
0xf4: {  	v18 =	vor.u32 v4, v13;
	v15 =	vadd.f32 v17, v15;
	v17 =	vadd.f32 v21, v20;
	v28 =	vld.idx.msk [tilespmem:v19+s21+$0x0], $0xffff  }
0xf5: {  	v29 =	vld.idx.msk [tilespmem:v19+s22+$0x0], $0xffff  }
0xf6: {  	v16 =	vld.idx.msk [tilespmem:v19+s20+$0x0], $0xffff;
	v20 =	vadd.f32 v22, v15;
	v17 =	vadd.f32 v23, v17  }
0xf7: {  	v19 =	vld.idx.msk [tilespmem:v19+s23+$0x0], $0xffff  }
0xf8: {  	v15 =	vld.idx.msk [tilespmem:v14+s16+$0x0], $0xffff;
	v14 =	vmul.f32 v20, v11;
	v21 =	vmul.f32 v17, v12  }
0xf9: {  	s29 =	simm.s32 $0x3;
	v22 =	vld.idx.msk [tilespmem:v18+s19+$0x0], $0xffff  }
0xfa: {  	v17 =	vadd.s32 s29, v0;
	v20 =	vld.idx.msk [tilespmem:v18+s18+$0x0], $0xffff;
	v62 =	vadd.f32 v24, v14;
	v63 =	vadd.f32 v21, v24  }
0xfb: {  	v23 =	vld.idx.msk [tilespmem:v18+s21+$0x0], $0xffff;
	v17 =	vand.u32 $0x3F, v17;
	v27 =	vadd.f32 v26, v25;
	v26 =	vadd.f32 v29, v28  }
0xfc: {  	s29 =	simm.s32 $0x4;
	v14 =	vimm.f32 $0.0e+00;
	v21 =	vor.u32 v4, v17;
	v24 =	vld.idx.msk [tilespmem:v18+s22+$0x0], $0xffff;
	v25 =	vmul.f32 v63, v62  }
.LBB2_8:
0xfd: {  	p0 =	sne.s32 s29, $0x3F;
	v27 =	vadd.f32 v16, v27;
	v16 =	vld.idx.msk [tilespmem:v18+s20+$0x0], $0xffff;
	v26 =	vadd.f32 v19, v26  }
0xfe: {  	v19 =	vld.idx.msk [tilespmem:v18+s23+$0x0], $0xffff;
	v14 =	vadd.f32 v25, v14;
	v25 =	vmov v15;
	v18 =	vmov v21  }
.Ltmp3:
0xff: {  	v28 =	vmovc v20;
	v15 =	vld.idx.msk [tilespmem:v13+s16+$0x0], $0xffff;
	v27 =	vmul.f32 v27, v11;
	v26 =	vmul.f32 v26, v12;
	v13 =	vmov v17;
	(pc) =	sbr.rel @p0 .LBB2_8-.Ltmp3, $4  }
0x100: {  	v17 =	vadd.s32 s29, v0;
	v29 =	vmov v22;
	v20 =	vld.idx.msk [tilespmem:v21+s18+$0x0], $0xffff  }
0x101: {  	v17 =	vand.u32 $0x3F, v17;
	v22 =	vld.idx.msk [tilespmem:v21+s19+$0x0], $0xffff;
	v30 =	vadd.f32 v25, v27;
	v25 =	vadd.f32 v26, v25  }
0x102: {  	v27 =	vadd.f32 v29, v28;
	v26 =	vadd.f32 v24, v23;
	v23 =	vld.idx.msk [tilespmem:v21+s21+$0x0], $0xffff;
	v21 =	vor.u32 v4, v17  }
0x103: {  	s29 =	sadd.s32 $0x1, s29;
	v24 =	vld.idx.msk [tilespmem:v18+s22+$0x0], $0xffff;
	v25 =	vmul.f32 v25, v30  }
0x104: {  	_ =	sdelay $0x3  }
0x105: {  	v28 =	vld.idx.msk [tilespmem:v18+s20+$0x0], $0xffff  }
0x106: {  	v18 =	vld.idx.msk [tilespmem:v18+s23+$0x0], $0xffff  }
0x107: {  	v29 =	vld.idx.msk [tilespmem:v21+s18+$0x0], $0xffff  }
0x108: {  	v31 =	vld.idx.msk [tilespmem:v21+s21+$0x0], $0xffff  }
0x109: {  	v32 =	vld.idx.msk [tilespmem:v21+s22+$0x0], $0xffff  }
0x10a: {  	v30 =	vld.idx.msk [tilespmem:v21+s19+$0x0], $0xffff  }
0x10b: {  	v16 =	vadd.f32 v16, v27;
	v19 =	vadd.f32 v19, v26;
	v26 =	vld.idx.msk [tilespmem:v21+s20+$0x0], $0xffff  }
0x10c: {  	v21 =	vld.idx.msk [tilespmem:v21+s23+$0x0], $0xffff;
	v20 =	vadd.f32 v22, v20  }
0x10d: {  	v13 =	vld.idx.msk [tilespmem:v13+s16+$0x0], $0xffff;
	v16 =	vmul.f32 v16, v11;
	v22 =	vadd.f32 v24, v23  }
0x10e: {  	v19 =	vmul.f32 v19, v12;
	v20 =	vadd.f32 v28, v20;
	v23 =	vadd.f32 v32, v31  }
0x10f: {  	v18 =	vadd.f32 v18, v22;
	v22 =	vadd.f32 v30, v29  }
0x110: {  	v17 =	vld.idx.msk [tilespmem:v17+s16+$0x0], $0xffff;
	v16 =	vadd.f32 v15, v16;
	v15 =	vadd.f32 v19, v15;
	v19 =	vmul.f32 v20, v11  }
0x111: {  	v21 =	vadd.f32 v21, v23;
	v18 =	vmul.f32 v18, v12;
	v20 =	vadd.f32 v26, v22  }
0x112: {  	v14 =	vadd.f32 v25, v14;
	v15 =	vmul.f32 v15, v16;
	v16 =	vadd.f32 v13, v19  }
0x113: {  	v12 =	vmul.f32 v21, v12;
	v13 =	vadd.f32 v18, v13;
	v11 =	vmul.f32 v20, v11  }
0x114: {  	v14 =	vadd.f32 v15, v14  }
0x115: {  	v12 =	vadd.f32 v12, v17;
	v13 =	vmul.f32 v13, v16;
	v11 =	vadd.f32 v17, v11  }
0x116: {  	v15 =	vld [tilespmem:$0x40]  }
0x117: {  	v13 =	vadd.f32 v13, v14;
	v11 =	vmul.f32 v12, v11;
	_ =	sdelay $0x1  }
0x118: {  	v9 =	vadd.f32 v10, v9;
	s29 =	simm.s32 $0x0;
	v14 =	vld [tilespmem:$0xC0];
	v11 =	vadd.f32 v11, v13  }
0x119: {  	v10 =	vadd.s32 s29, v0  }
0x11a: {  	v13 =	vand.u32 $0x3F, v10;
	v9 =	vadd.f32 v11, v9;
	_ =	sdelay $0x1  }
0x11b: {  	[tilespmem:$0x11170] =	vst v9  }
0x11c: {  	v16 =	vor.u32 v5, v13;
	v11 =	vld.idx.msk [tilespmem:v15+s14+$0x0], $0xffff  }
0x11d: {  	v9 =	vld.idx.msk [tilespmem:v15+s15+$0x0], $0xffff  }
0x11e: {  	v24 =	vld.idx.msk [tilespmem:v13+s16+$0x0], $0xffff  }
0x11f: {  	s29 =	simm.s32 $0x1;
	v12 =	vld.idx.msk [tilespmem:v14+s14+$0x0], $0xffff  }
0x120: {  	v10 =	vld.idx.msk [tilespmem:v14+s15+$0x0], $0xffff;
	v14 =	vadd.s32 s29, v0  }
0x121: {  	v15 =	vld.idx.msk [tilespmem:v16+s18+$0x0], $0xffff;
	v14 =	vand.u32 $0x3F, v14  }
0x122: {  	v17 =	vld.idx.msk [tilespmem:v16+s19+$0x0], $0xffff;
	v19 =	vor.u32 v5, v14  }
0x123: {  	v20 =	vld.idx.msk [tilespmem:v16+s21+$0x0], $0xffff  }
0x124: {  	v21 =	vld.idx.msk [tilespmem:v16+s22+$0x0], $0xffff  }
0x125: {  	v22 =	vld.idx.msk [tilespmem:v16+s20+$0x0], $0xffff  }
0x126: {  	v23 =	vld.idx.msk [tilespmem:v16+s23+$0x0], $0xffff;
	s29 =	simm.s32 $0x2  }
0x127: {  	v13 =	vadd.s32 s29, v0;
	v25 =	vld.idx.msk [tilespmem:v19+s18+$0x0], $0xffff  }
0x128: {  	v13 =	vand.u32 $0x3F, v13;
	v26 =	vld.idx.msk [tilespmem:v19+s19+$0x0], $0xffff  }
0x129: {  	v18 =	vor.u32 v5, v13;
	v15 =	vadd.f32 v17, v15;
	v17 =	vadd.f32 v21, v20;
	v28 =	vld.idx.msk [tilespmem:v19+s21+$0x0], $0xffff  }
0x12a: {  	v29 =	vld.idx.msk [tilespmem:v19+s22+$0x0], $0xffff  }
0x12b: {  	v16 =	vld.idx.msk [tilespmem:v19+s20+$0x0], $0xffff;
	v20 =	vadd.f32 v22, v15;
	v17 =	vadd.f32 v23, v17  }
0x12c: {  	v19 =	vld.idx.msk [tilespmem:v19+s23+$0x0], $0xffff  }
0x12d: {  	v15 =	vld.idx.msk [tilespmem:v14+s16+$0x0], $0xffff;
	v14 =	vmul.f32 v20, v11;
	v21 =	vmul.f32 v17, v12  }
0x12e: {  	s29 =	simm.s32 $0x3;
	v22 =	vld.idx.msk [tilespmem:v18+s19+$0x0], $0xffff  }
0x12f: {  	v17 =	vadd.s32 s29, v0;
	v20 =	vld.idx.msk [tilespmem:v18+s18+$0x0], $0xffff;
	v62 =	vadd.f32 v24, v14;
	v63 =	vadd.f32 v21, v24  }
0x130: {  	v23 =	vld.idx.msk [tilespmem:v18+s21+$0x0], $0xffff;
	v17 =	vand.u32 $0x3F, v17;
	v27 =	vadd.f32 v26, v25;
	v26 =	vadd.f32 v29, v28  }
0x131: {  	s29 =	simm.s32 $0x4;
	v14 =	vimm.f32 $0.0e+00;
	v21 =	vor.u32 v5, v17;
	v24 =	vld.idx.msk [tilespmem:v18+s22+$0x0], $0xffff;
	v25 =	vmul.f32 v63, v62  }
.LBB2_10:
0x132: {  	p0 =	sne.s32 s29, $0x3F;
	v27 =	vadd.f32 v16, v27;
	v16 =	vld.idx.msk [tilespmem:v18+s20+$0x0], $0xffff;
	v26 =	vadd.f32 v19, v26  }
0x133: {  	v19 =	vld.idx.msk [tilespmem:v18+s23+$0x0], $0xffff;
	v14 =	vadd.f32 v25, v14;
	v25 =	vmov v15;
	v18 =	vmov v21  }
.Ltmp4:
0x134: {  	v28 =	vmovc v20;
	v15 =	vld.idx.msk [tilespmem:v13+s16+$0x0], $0xffff;
	v27 =	vmul.f32 v27, v11;
	v26 =	vmul.f32 v26, v12;
	v13 =	vmov v17;
	(pc) =	sbr.rel @p0 .LBB2_10-.Ltmp4, $4  }
0x135: {  	v17 =	vadd.s32 s29, v0;
	v29 =	vmov v22;
	v20 =	vld.idx.msk [tilespmem:v21+s18+$0x0], $0xffff  }
0x136: {  	v17 =	vand.u32 $0x3F, v17;
	v22 =	vld.idx.msk [tilespmem:v21+s19+$0x0], $0xffff;
	v30 =	vadd.f32 v25, v27;
	v25 =	vadd.f32 v26, v25  }
0x137: {  	v27 =	vadd.f32 v29, v28;
	v26 =	vadd.f32 v24, v23;
	v23 =	vld.idx.msk [tilespmem:v21+s21+$0x0], $0xffff;
	v21 =	vor.u32 v5, v17  }
0x138: {  	s29 =	sadd.s32 $0x1, s29;
	v24 =	vld.idx.msk [tilespmem:v18+s22+$0x0], $0xffff;
	v25 =	vmul.f32 v25, v30  }
0x139: {  	_ =	sdelay $0x3  }
0x13a: {  	v28 =	vld.idx.msk [tilespmem:v18+s20+$0x0], $0xffff  }
0x13b: {  	v18 =	vld.idx.msk [tilespmem:v18+s23+$0x0], $0xffff  }
0x13c: {  	v29 =	vld.idx.msk [tilespmem:v21+s18+$0x0], $0xffff  }
0x13d: {  	v31 =	vld.idx.msk [tilespmem:v21+s21+$0x0], $0xffff  }
0x13e: {  	v32 =	vld.idx.msk [tilespmem:v21+s22+$0x0], $0xffff  }
0x13f: {  	v30 =	vld.idx.msk [tilespmem:v21+s19+$0x0], $0xffff  }
0x140: {  	v16 =	vadd.f32 v16, v27;
	v19 =	vadd.f32 v19, v26;
	v26 =	vld.idx.msk [tilespmem:v21+s20+$0x0], $0xffff  }
0x141: {  	v21 =	vld.idx.msk [tilespmem:v21+s23+$0x0], $0xffff;
	v20 =	vadd.f32 v22, v20  }
0x142: {  	v13 =	vld.idx.msk [tilespmem:v13+s16+$0x0], $0xffff;
	v16 =	vmul.f32 v16, v11;
	v22 =	vadd.f32 v24, v23  }
0x143: {  	v19 =	vmul.f32 v19, v12;
	v20 =	vadd.f32 v28, v20;
	v23 =	vadd.f32 v32, v31  }
0x144: {  	v18 =	vadd.f32 v18, v22;
	v22 =	vadd.f32 v30, v29  }
0x145: {  	v17 =	vld.idx.msk [tilespmem:v17+s16+$0x0], $0xffff;
	v16 =	vadd.f32 v15, v16;
	v15 =	vadd.f32 v19, v15;
	v19 =	vmul.f32 v20, v11  }
0x146: {  	v21 =	vadd.f32 v21, v23;
	v18 =	vmul.f32 v18, v12;
	v20 =	vadd.f32 v26, v22  }
0x147: {  	v14 =	vadd.f32 v25, v14;
	v15 =	vmul.f32 v15, v16;
	v16 =	vadd.f32 v13, v19  }
0x148: {  	v12 =	vmul.f32 v21, v12;
	v13 =	vadd.f32 v18, v13;
	v11 =	vmul.f32 v20, v11  }
0x149: {  	v14 =	vadd.f32 v15, v14  }
0x14a: {  	v12 =	vadd.f32 v12, v17;
	v13 =	vmul.f32 v13, v16;
	v11 =	vadd.f32 v17, v11  }
0x14b: {  	v15 =	vld [tilespmem:$0x50]  }
0x14c: {  	v13 =	vadd.f32 v13, v14;
	v11 =	vmul.f32 v12, v11;
	_ =	sdelay $0x1  }
0x14d: {  	v9 =	vadd.f32 v10, v9;
	s29 =	simm.s32 $0x0;
	v14 =	vld [tilespmem:$0xD0];
	v11 =	vadd.f32 v11, v13  }
0x14e: {  	v10 =	vadd.s32 s29, v0  }
0x14f: {  	v13 =	vand.u32 $0x3F, v10;
	v9 =	vadd.f32 v11, v9;
	_ =	sdelay $0x1  }
0x150: {  	[tilespmem:$0x11180] =	vst v9  }
0x151: {  	v16 =	vor.u32 v6, v13;
	v11 =	vld.idx.msk [tilespmem:v15+s14+$0x0], $0xffff  }
0x152: {  	v9 =	vld.idx.msk [tilespmem:v15+s15+$0x0], $0xffff  }
0x153: {  	v24 =	vld.idx.msk [tilespmem:v13+s16+$0x0], $0xffff  }
0x154: {  	s29 =	simm.s32 $0x1;
	v12 =	vld.idx.msk [tilespmem:v14+s14+$0x0], $0xffff  }
0x155: {  	v10 =	vld.idx.msk [tilespmem:v14+s15+$0x0], $0xffff;
	v14 =	vadd.s32 s29, v0  }
0x156: {  	v15 =	vld.idx.msk [tilespmem:v16+s18+$0x0], $0xffff;
	v14 =	vand.u32 $0x3F, v14  }
0x157: {  	v17 =	vld.idx.msk [tilespmem:v16+s19+$0x0], $0xffff;
	v19 =	vor.u32 v6, v14  }
0x158: {  	v20 =	vld.idx.msk [tilespmem:v16+s21+$0x0], $0xffff  }
0x159: {  	v21 =	vld.idx.msk [tilespmem:v16+s22+$0x0], $0xffff  }
0x15a: {  	v22 =	vld.idx.msk [tilespmem:v16+s20+$0x0], $0xffff  }
0x15b: {  	v23 =	vld.idx.msk [tilespmem:v16+s23+$0x0], $0xffff;
	s29 =	simm.s32 $0x2  }
0x15c: {  	v13 =	vadd.s32 s29, v0;
	v25 =	vld.idx.msk [tilespmem:v19+s18+$0x0], $0xffff  }
0x15d: {  	v13 =	vand.u32 $0x3F, v13;
	v26 =	vld.idx.msk [tilespmem:v19+s19+$0x0], $0xffff  }
0x15e: {  	v18 =	vor.u32 v6, v13;
	v15 =	vadd.f32 v17, v15;
	v17 =	vadd.f32 v21, v20;
	v28 =	vld.idx.msk [tilespmem:v19+s21+$0x0], $0xffff  }
0x15f: {  	v29 =	vld.idx.msk [tilespmem:v19+s22+$0x0], $0xffff  }
0x160: {  	v16 =	vld.idx.msk [tilespmem:v19+s20+$0x0], $0xffff;
	v20 =	vadd.f32 v22, v15;
	v17 =	vadd.f32 v23, v17  }
0x161: {  	v19 =	vld.idx.msk [tilespmem:v19+s23+$0x0], $0xffff  }
0x162: {  	v15 =	vld.idx.msk [tilespmem:v14+s16+$0x0], $0xffff;
	v14 =	vmul.f32 v20, v11;
	v21 =	vmul.f32 v17, v12  }
0x163: {  	s29 =	simm.s32 $0x3;
	v22 =	vld.idx.msk [tilespmem:v18+s19+$0x0], $0xffff  }
0x164: {  	v17 =	vadd.s32 s29, v0;
	v20 =	vld.idx.msk [tilespmem:v18+s18+$0x0], $0xffff;
	v62 =	vadd.f32 v24, v14;
	v63 =	vadd.f32 v21, v24  }
0x165: {  	v23 =	vld.idx.msk [tilespmem:v18+s21+$0x0], $0xffff;
	v17 =	vand.u32 $0x3F, v17;
	v27 =	vadd.f32 v26, v25;
	v26 =	vadd.f32 v29, v28  }
0x166: {  	s29 =	simm.s32 $0x4;
	v14 =	vimm.f32 $0.0e+00;
	v21 =	vor.u32 v6, v17;
	v24 =	vld.idx.msk [tilespmem:v18+s22+$0x0], $0xffff;
	v25 =	vmul.f32 v63, v62  }
.LBB2_12:
0x167: {  	p0 =	sne.s32 s29, $0x3F;
	v27 =	vadd.f32 v16, v27;
	v16 =	vld.idx.msk [tilespmem:v18+s20+$0x0], $0xffff;
	v26 =	vadd.f32 v19, v26  }
0x168: {  	v19 =	vld.idx.msk [tilespmem:v18+s23+$0x0], $0xffff;
	v14 =	vadd.f32 v25, v14;
	v25 =	vmov v15;
	v18 =	vmov v21  }
.Ltmp5:
0x169: {  	v28 =	vmovc v20;
	v15 =	vld.idx.msk [tilespmem:v13+s16+$0x0], $0xffff;
	v27 =	vmul.f32 v27, v11;
	v26 =	vmul.f32 v26, v12;
	v13 =	vmov v17;
	(pc) =	sbr.rel @p0 .LBB2_12-.Ltmp5, $4  }
0x16a: {  	v17 =	vadd.s32 s29, v0;
	v29 =	vmov v22;
	v20 =	vld.idx.msk [tilespmem:v21+s18+$0x0], $0xffff  }
0x16b: {  	v17 =	vand.u32 $0x3F, v17;
	v22 =	vld.idx.msk [tilespmem:v21+s19+$0x0], $0xffff;
	v30 =	vadd.f32 v25, v27;
	v25 =	vadd.f32 v26, v25  }
0x16c: {  	v27 =	vadd.f32 v29, v28;
	v26 =	vadd.f32 v24, v23;
	v23 =	vld.idx.msk [tilespmem:v21+s21+$0x0], $0xffff;
	v21 =	vor.u32 v6, v17  }
0x16d: {  	s29 =	sadd.s32 $0x1, s29;
	v24 =	vld.idx.msk [tilespmem:v18+s22+$0x0], $0xffff;
	v25 =	vmul.f32 v25, v30  }
0x16e: {  	_ =	sdelay $0x3  }
0x16f: {  	v28 =	vld.idx.msk [tilespmem:v18+s20+$0x0], $0xffff  }
0x170: {  	v18 =	vld.idx.msk [tilespmem:v18+s23+$0x0], $0xffff  }
0x171: {  	v29 =	vld.idx.msk [tilespmem:v21+s18+$0x0], $0xffff  }
0x172: {  	v31 =	vld.idx.msk [tilespmem:v21+s21+$0x0], $0xffff  }
0x173: {  	v32 =	vld.idx.msk [tilespmem:v21+s22+$0x0], $0xffff  }
0x174: {  	v30 =	vld.idx.msk [tilespmem:v21+s19+$0x0], $0xffff  }
0x175: {  	v16 =	vadd.f32 v16, v27;
	v19 =	vadd.f32 v19, v26;
	v26 =	vld.idx.msk [tilespmem:v21+s20+$0x0], $0xffff  }
0x176: {  	v21 =	vld.idx.msk [tilespmem:v21+s23+$0x0], $0xffff;
	v20 =	vadd.f32 v22, v20  }
0x177: {  	v13 =	vld.idx.msk [tilespmem:v13+s16+$0x0], $0xffff;
	v16 =	vmul.f32 v16, v11;
	v22 =	vadd.f32 v24, v23  }
0x178: {  	v19 =	vmul.f32 v19, v12;
	v20 =	vadd.f32 v28, v20;
	v23 =	vadd.f32 v32, v31  }
0x179: {  	v18 =	vadd.f32 v18, v22;
	v22 =	vadd.f32 v30, v29  }
0x17a: {  	v17 =	vld.idx.msk [tilespmem:v17+s16+$0x0], $0xffff;
	v16 =	vadd.f32 v15, v16;
	v15 =	vadd.f32 v19, v15;
	v19 =	vmul.f32 v20, v11  }
0x17b: {  	v21 =	vadd.f32 v21, v23;
	v18 =	vmul.f32 v18, v12;
	v20 =	vadd.f32 v26, v22  }
0x17c: {  	v14 =	vadd.f32 v25, v14;
	v15 =	vmul.f32 v15, v16;
	v16 =	vadd.f32 v13, v19  }
0x17d: {  	v12 =	vmul.f32 v21, v12;
	v13 =	vadd.f32 v18, v13;
	v11 =	vmul.f32 v20, v11  }
0x17e: {  	v14 =	vadd.f32 v15, v14  }
0x17f: {  	v12 =	vadd.f32 v12, v17;
	v13 =	vmul.f32 v13, v16;
	v11 =	vadd.f32 v17, v11  }
0x180: {  	v15 =	vld [tilespmem:$0x60]  }
0x181: {  	v13 =	vadd.f32 v13, v14;
	v11 =	vmul.f32 v12, v11;
	_ =	sdelay $0x1  }
0x182: {  	v9 =	vadd.f32 v10, v9;
	s29 =	simm.s32 $0x0;
	v14 =	vld [tilespmem:$0xE0];
	v11 =	vadd.f32 v11, v13  }
0x183: {  	v10 =	vadd.s32 s29, v0  }
0x184: {  	v13 =	vand.u32 $0x3F, v10;
	v9 =	vadd.f32 v11, v9;
	_ =	sdelay $0x1  }
0x185: {  	[tilespmem:$0x11190] =	vst v9  }
0x186: {  	v16 =	vor.u32 v7, v13;
	v11 =	vld.idx.msk [tilespmem:v15+s14+$0x0], $0xffff  }
0x187: {  	v9 =	vld.idx.msk [tilespmem:v15+s15+$0x0], $0xffff  }
0x188: {  	v24 =	vld.idx.msk [tilespmem:v13+s16+$0x0], $0xffff  }
0x189: {  	s29 =	simm.s32 $0x1;
	v12 =	vld.idx.msk [tilespmem:v14+s14+$0x0], $0xffff  }
0x18a: {  	v10 =	vld.idx.msk [tilespmem:v14+s15+$0x0], $0xffff;
	v14 =	vadd.s32 s29, v0  }
0x18b: {  	v15 =	vld.idx.msk [tilespmem:v16+s18+$0x0], $0xffff;
	v14 =	vand.u32 $0x3F, v14  }
0x18c: {  	v17 =	vld.idx.msk [tilespmem:v16+s19+$0x0], $0xffff;
	v19 =	vor.u32 v7, v14  }
0x18d: {  	v20 =	vld.idx.msk [tilespmem:v16+s21+$0x0], $0xffff  }
0x18e: {  	v21 =	vld.idx.msk [tilespmem:v16+s22+$0x0], $0xffff  }
0x18f: {  	v22 =	vld.idx.msk [tilespmem:v16+s20+$0x0], $0xffff  }
0x190: {  	v23 =	vld.idx.msk [tilespmem:v16+s23+$0x0], $0xffff;
	s29 =	simm.s32 $0x2  }
0x191: {  	v13 =	vadd.s32 s29, v0;
	v25 =	vld.idx.msk [tilespmem:v19+s18+$0x0], $0xffff  }
0x192: {  	v13 =	vand.u32 $0x3F, v13;
	v26 =	vld.idx.msk [tilespmem:v19+s19+$0x0], $0xffff  }
0x193: {  	v18 =	vor.u32 v7, v13;
	v15 =	vadd.f32 v17, v15;
	v17 =	vadd.f32 v21, v20;
	v28 =	vld.idx.msk [tilespmem:v19+s21+$0x0], $0xffff  }
0x194: {  	v29 =	vld.idx.msk [tilespmem:v19+s22+$0x0], $0xffff  }
0x195: {  	v16 =	vld.idx.msk [tilespmem:v19+s20+$0x0], $0xffff;
	v20 =	vadd.f32 v22, v15;
	v17 =	vadd.f32 v23, v17  }
0x196: {  	v19 =	vld.idx.msk [tilespmem:v19+s23+$0x0], $0xffff  }
0x197: {  	v15 =	vld.idx.msk [tilespmem:v14+s16+$0x0], $0xffff;
	v14 =	vmul.f32 v20, v11;
	v21 =	vmul.f32 v17, v12  }
0x198: {  	s29 =	simm.s32 $0x3;
	v22 =	vld.idx.msk [tilespmem:v18+s19+$0x0], $0xffff  }
0x199: {  	v17 =	vadd.s32 s29, v0;
	v20 =	vld.idx.msk [tilespmem:v18+s18+$0x0], $0xffff;
	v62 =	vadd.f32 v24, v14;
	v63 =	vadd.f32 v21, v24  }
0x19a: {  	v23 =	vld.idx.msk [tilespmem:v18+s21+$0x0], $0xffff;
	v17 =	vand.u32 $0x3F, v17;
	v27 =	vadd.f32 v26, v25;
	v26 =	vadd.f32 v29, v28  }
0x19b: {  	s29 =	simm.s32 $0x4;
	v14 =	vimm.f32 $0.0e+00;
	v21 =	vor.u32 v7, v17;
	v24 =	vld.idx.msk [tilespmem:v18+s22+$0x0], $0xffff;
	v25 =	vmul.f32 v63, v62  }
.LBB2_14:
0x19c: {  	p0 =	sne.s32 s29, $0x3F;
	v27 =	vadd.f32 v16, v27;
	v16 =	vld.idx.msk [tilespmem:v18+s20+$0x0], $0xffff;
	v26 =	vadd.f32 v19, v26  }
0x19d: {  	v19 =	vld.idx.msk [tilespmem:v18+s23+$0x0], $0xffff;
	v14 =	vadd.f32 v25, v14;
	v25 =	vmov v15;
	v18 =	vmov v21  }
.Ltmp6:
0x19e: {  	v28 =	vmovc v20;
	v15 =	vld.idx.msk [tilespmem:v13+s16+$0x0], $0xffff;
	v27 =	vmul.f32 v27, v11;
	v26 =	vmul.f32 v26, v12;
	v13 =	vmov v17;
	(pc) =	sbr.rel @p0 .LBB2_14-.Ltmp6, $4  }
0x19f: {  	v17 =	vadd.s32 s29, v0;
	v29 =	vmov v22;
	v20 =	vld.idx.msk [tilespmem:v21+s18+$0x0], $0xffff  }
0x1a0: {  	v17 =	vand.u32 $0x3F, v17;
	v22 =	vld.idx.msk [tilespmem:v21+s19+$0x0], $0xffff;
	v30 =	vadd.f32 v25, v27;
	v25 =	vadd.f32 v26, v25  }
0x1a1: {  	v27 =	vadd.f32 v29, v28;
	v26 =	vadd.f32 v24, v23;
	v23 =	vld.idx.msk [tilespmem:v21+s21+$0x0], $0xffff;
	v21 =	vor.u32 v7, v17  }
0x1a2: {  	s29 =	sadd.s32 $0x1, s29;
	v24 =	vld.idx.msk [tilespmem:v18+s22+$0x0], $0xffff;
	v25 =	vmul.f32 v25, v30  }
0x1a3: {  	_ =	sdelay $0x3  }
0x1a4: {  	v28 =	vld.idx.msk [tilespmem:v18+s20+$0x0], $0xffff  }
0x1a5: {  	v18 =	vld.idx.msk [tilespmem:v18+s23+$0x0], $0xffff  }
0x1a6: {  	v29 =	vld.idx.msk [tilespmem:v21+s18+$0x0], $0xffff  }
0x1a7: {  	v31 =	vld.idx.msk [tilespmem:v21+s21+$0x0], $0xffff  }
0x1a8: {  	v32 =	vld.idx.msk [tilespmem:v21+s22+$0x0], $0xffff  }
0x1a9: {  	v30 =	vld.idx.msk [tilespmem:v21+s19+$0x0], $0xffff  }
0x1aa: {  	v16 =	vadd.f32 v16, v27;
	v19 =	vadd.f32 v19, v26;
	v26 =	vld.idx.msk [tilespmem:v21+s20+$0x0], $0xffff  }
0x1ab: {  	v21 =	vld.idx.msk [tilespmem:v21+s23+$0x0], $0xffff;
	v20 =	vadd.f32 v22, v20  }
0x1ac: {  	v13 =	vld.idx.msk [tilespmem:v13+s16+$0x0], $0xffff;
	v16 =	vmul.f32 v16, v11;
	v22 =	vadd.f32 v24, v23  }
0x1ad: {  	v19 =	vmul.f32 v19, v12;
	v20 =	vadd.f32 v28, v20;
	v23 =	vadd.f32 v32, v31  }
0x1ae: {  	v18 =	vadd.f32 v18, v22;
	v22 =	vadd.f32 v30, v29  }
0x1af: {  	v17 =	vld.idx.msk [tilespmem:v17+s16+$0x0], $0xffff;
	v16 =	vadd.f32 v15, v16;
	v15 =	vadd.f32 v19, v15;
	v19 =	vmul.f32 v20, v11  }
0x1b0: {  	v21 =	vadd.f32 v21, v23;
	v18 =	vmul.f32 v18, v12;
	v20 =	vadd.f32 v26, v22  }
0x1b1: {  	v14 =	vadd.f32 v25, v14;
	v15 =	vmul.f32 v15, v16;
	v16 =	vadd.f32 v13, v19  }
0x1b2: {  	v12 =	vmul.f32 v21, v12;
	v13 =	vadd.f32 v18, v13;
	v11 =	vmul.f32 v20, v11  }
0x1b3: {  	v14 =	vadd.f32 v15, v14  }
0x1b4: {  	v12 =	vadd.f32 v12, v17;
	v13 =	vmul.f32 v13, v16;
	v11 =	vadd.f32 v17, v11  }
0x1b5: {  	v15 =	vld [tilespmem:$0x70]  }
0x1b6: {  	v13 =	vadd.f32 v13, v14;
	v11 =	vmul.f32 v12, v11;
	_ =	sdelay $0x1  }
0x1b7: {  	v9 =	vadd.f32 v10, v9;
	s29 =	simm.s32 $0x0;
	v14 =	vld [tilespmem:$0xF0];
	v11 =	vadd.f32 v11, v13  }
0x1b8: {  	v10 =	vadd.s32 s29, v0  }
0x1b9: {  	v13 =	vand.u32 $0x3F, v10;
	v9 =	vadd.f32 v11, v9;
	_ =	sdelay $0x1  }
0x1ba: {  	[tilespmem:$0x111A0] =	vst v9  }
0x1bb: {  	v16 =	vor.u32 v8, v13;
	v11 =	vld.idx.msk [tilespmem:v15+s14+$0x0], $0xffff  }
0x1bc: {  	v9 =	vld.idx.msk [tilespmem:v15+s15+$0x0], $0xffff  }
0x1bd: {  	v24 =	vld.idx.msk [tilespmem:v13+s16+$0x0], $0xffff  }
0x1be: {  	s29 =	simm.s32 $0x1;
	v12 =	vld.idx.msk [tilespmem:v14+s14+$0x0], $0xffff  }
0x1bf: {  	v10 =	vld.idx.msk [tilespmem:v14+s15+$0x0], $0xffff;
	v14 =	vadd.s32 s29, v0  }
0x1c0: {  	v15 =	vld.idx.msk [tilespmem:v16+s18+$0x0], $0xffff;
	v14 =	vand.u32 $0x3F, v14  }
0x1c1: {  	v17 =	vld.idx.msk [tilespmem:v16+s19+$0x0], $0xffff;
	v18 =	vor.u32 v8, v14  }
0x1c2: {  	v20 =	vld.idx.msk [tilespmem:v16+s21+$0x0], $0xffff  }
0x1c3: {  	v21 =	vld.idx.msk [tilespmem:v16+s22+$0x0], $0xffff  }
0x1c4: {  	v22 =	vld.idx.msk [tilespmem:v16+s20+$0x0], $0xffff  }
0x1c5: {  	v23 =	vld.idx.msk [tilespmem:v16+s23+$0x0], $0xffff;
	s29 =	simm.s32 $0x2  }
0x1c6: {  	v13 =	vadd.s32 s29, v0;
	v25 =	vld.idx.msk [tilespmem:v18+s18+$0x0], $0xffff  }
0x1c7: {  	v13 =	vand.u32 $0x3F, v13;
	v26 =	vld.idx.msk [tilespmem:v18+s19+$0x0], $0xffff  }
0x1c8: {  	v19 =	vor.u32 v8, v13;
	v15 =	vadd.f32 v17, v15;
	v17 =	vadd.f32 v21, v20;
	v28 =	vld.idx.msk [tilespmem:v18+s21+$0x0], $0xffff  }
0x1c9: {  	v29 =	vld.idx.msk [tilespmem:v18+s22+$0x0], $0xffff  }
0x1ca: {  	v16 =	vld.idx.msk [tilespmem:v18+s20+$0x0], $0xffff;
	v20 =	vadd.f32 v22, v15;
	v17 =	vadd.f32 v23, v17  }
0x1cb: {  	v18 =	vld.idx.msk [tilespmem:v18+s23+$0x0], $0xffff  }
0x1cc: {  	v15 =	vld.idx.msk [tilespmem:v14+s16+$0x0], $0xffff;
	v14 =	vmul.f32 v20, v11;
	v20 =	vmul.f32 v17, v12  }
0x1cd: {  	s29 =	simm.s32 $0x3;
	v21 =	vld.idx.msk [tilespmem:v19+s18+$0x0], $0xffff  }
0x1ce: {  	v22 =	vld.idx.msk [tilespmem:v19+s19+$0x0], $0xffff;
	v17 =	vadd.s32 s29, v0;
	v62 =	vadd.f32 v24, v14;
	v63 =	vadd.f32 v20, v24  }
0x1cf: {  	v23 =	vld.idx.msk [tilespmem:v19+s21+$0x0], $0xffff;
	v17 =	vand.u32 $0x3F, v17;
	v27 =	vadd.f32 v26, v25;
	v26 =	vadd.f32 v29, v28  }
0x1d0: {  	s29 =	simm.s32 $0x4;
	v14 =	vimm.f32 $0.0e+00;
	v20 =	vor.u32 v8, v17;
	v24 =	vld.idx.msk [tilespmem:v19+s22+$0x0], $0xffff;
	v25 =	vmul.f32 v63, v62  }
.LBB2_16:
0x1d1: {  	p0 =	sne.s32 s29, $0x3F;
	v27 =	vadd.f32 v16, v27;
	v16 =	vld.idx.msk [tilespmem:v19+s20+$0x0], $0xffff;
	v26 =	vadd.f32 v18, v26  }
0x1d2: {  	v18 =	vld.idx.msk [tilespmem:v19+s23+$0x0], $0xffff;
	v14 =	vadd.f32 v25, v14;
	v25 =	vmov v15;
	v19 =	vmov v20  }
.Ltmp7:
0x1d3: {  	v28 =	vmovc v21;
	v15 =	vld.idx.msk [tilespmem:v13+s16+$0x0], $0xffff;
	v27 =	vmul.f32 v27, v11;
	v26 =	vmul.f32 v26, v12;
	v13 =	vmov v17;
	(pc) =	sbr.rel @p0 .LBB2_16-.Ltmp7, $4  }
0x1d4: {  	v17 =	vadd.s32 s29, v0;
	v29 =	vmov v22;
	v21 =	vld.idx.msk [tilespmem:v20+s18+$0x0], $0xffff  }
0x1d5: {  	v17 =	vand.u32 $0x3F, v17;
	v22 =	vld.idx.msk [tilespmem:v20+s19+$0x0], $0xffff;
	v30 =	vadd.f32 v25, v27;
	v25 =	vadd.f32 v26, v25  }
0x1d6: {  	v27 =	vadd.f32 v29, v28;
	v26 =	vadd.f32 v24, v23;
	v23 =	vld.idx.msk [tilespmem:v20+s21+$0x0], $0xffff;
	v20 =	vor.u32 v8, v17  }
0x1d7: {  	s29 =	sadd.s32 $0x1, s29;
	v24 =	vld.idx.msk [tilespmem:v19+s22+$0x0], $0xffff;
	v25 =	vmul.f32 v25, v30  }
0x1d8: {  	_ =	sdelay $0x3  }
0x1d9: {  	v28 =	vld.idx.msk [tilespmem:v19+s20+$0x0], $0xffff  }
0x1da: {  	v54 =	vld.idx.msk [tilespmem:v19+s23+$0x0], $0xffff  }
0x1db: {  	v29 =	vld.idx.msk [tilespmem:v20+s18+$0x0], $0xffff  }
0x1dc: {  	v30 =	vld.idx.msk [tilespmem:v20+s19+$0x0], $0xffff  }
0x1dd: {  	v31 =	vld.idx.msk [tilespmem:v20+s21+$0x0], $0xffff  }
0x1de: {  	v32 =	vld.idx.msk [tilespmem:v20+s22+$0x0], $0xffff  }
0x1df: {  	v16 =	vadd.f32 v16, v27;
	v55 =	vld.idx.msk [tilespmem:v20+s20+$0x0], $0xffff  }
0x1e0: {  	v18 =	vadd.f32 v18, v26;
	v56 =	vld.idx.msk [tilespmem:v20+s23+$0x0], $0xffff;
	v21 =	vadd.f32 v22, v21  }
0x1e1: {  	v13 =	vld.idx.msk [tilespmem:v13+s16+$0x0], $0xffff;
	v16 =	vmul.f32 v16, v11;
	v23 =	vadd.f32 v24, v23  }
0x1e2: {  	v18 =	vmul.f32 v18, v12;
	v21 =	vadd.f32 v28, v21;
	v57 =	vadd.f32 v30, v29  }
0x1e3: {  	v58 =	vadd.f32 v32, v31;
	v19 =	vadd.f32 v54, v23  }
0x1e4: {  	v17 =	vld.idx.msk [tilespmem:v17+s16+$0x0], $0xffff;
	v16 =	vadd.f32 v15, v16;
	v59 =	vadd.f32 v18, v15;
	v60 =	vmul.f32 v21, v11  }
0x1e5: {  	v61 =	vadd.f32 v55, v57;
	v20 =	vadd.f32 v56, v58;
	v19 =	vmul.f32 v19, v12  }
0x1e6: {  	v14 =	vadd.f32 v25, v14;
	v15 =	vmul.f32 v59, v16;
	v62 =	vadd.f32 v13, v60  }
0x1e7: {  	v11 =	vmul.f32 v61, v11;
	v63 =	vmul.f32 v20, v12;
	v13 =	vadd.f32 v19, v13  }
0x1e8: {  	v14 =	vadd.f32 v15, v14  }
0x1e9: {  	v11 =	vadd.f32 v17, v11;
	v12 =	vadd.f32 v63, v17;
	v13 =	vmul.f32 v13, v62;
	_ =	sdelay $0x1  }
0x1ea: {  	v11 =	vmul.f32 v12, v11;
	v13 =	vadd.f32 v13, v14;
	_ =	sdelay $0x1  }
0x1eb: {  	v9 =	vadd.f32 v10, v9;
	v11 =	vadd.f32 v11, v13;
	_ =	sdelay $0x1  }
0x1ec: {  	s28 =	sadd.s32 $0x1, s28;
	v9 =	vadd.f32 v11, v9  }
0x1ed: {  	p0 =	sne.s32 s28, s12  }
.Ltmp8:
0x1ee: {  	[tilespmem:$0x111B0] =	vst v9;
	(pc) =	sbr.rel @p0 .LBB2_1-.Ltmp8, $4  }
0x1ef: {  	[hbm4b:s11+s2] =	stream.linear.scatter [tilespmem:s25], [sflag:$0x3], $0x80, $0x38;
	[tilespmem:$0x111C0] =	vst v63  }
0x1f0: {  	_ =	swait.ge [sflag:s26], $0x80  }
0x1f1: {  	[sflag:s26] =	ssyncset.done $0x0  }
0x1f2: {  	[sflag:s26] =	ssyncadd.s32 $0xFFFFFF80  }
0x1f3: {  	_ =	sfence.sel $0x180000  }
0x1f4: {  	[bflag:$0x0] =	sbarrier.arrive $0xFFFF  }
0x1f5: {  	p0 =	sne.s32 s3, $0x0;
	_ =	strace $0x9000004D  }
0x1f6: {  	s0 =	sadd.s32 @!p0 $0x100000, s0;
	[bflag:$0x2] =	sbarrier.arrive $0xFFFF  }
0x1f7: {  	[sflag:s0] =	ssyncadd.tile.s32 @!p0 $0x1;
	_ =	shalt  }
.Lfunc_end2:
_tile_overlayer_lowered:
.L_overlay_start_2:
0x1f8: {  	(tag) =	ssettag $0x2  }
0x1f9: {  	s0 =	rddreg [dreg:$0x0];
	s2 =	stileid.u32  }
0x1fa: {  	s1 =	rddreg [dreg:$0x1];
	p0 =	sne.s32 s2, $0x0  }
0x1fb: {  	s3 =	rddreg [dreg:$0x2];
	[bflag:$0x3] =	sbarrier.arrive $0xFFFF;
	s2 =	simm.s32 @!p0 $0x1C03  }
0x1fc: {  	[timem:s3], [sflag:s2] =	dma.local @!p0 [hbm:s0], s1  }
0x1fd: {  	s0 =	simm.s32 @!p0 $0x3  }
0x1fe: {  	_ =	swait.ge @!p0 [sflag:s0], s1  }
0x1ff: {  	s1 =	ssub.s32 @!p0 $0x0, s1;
	[sflag:s0] =	ssyncset.done @!p0 $0x0  }
0x200: {  	[sflag:s0] =	ssyncadd.s32 @!p0 s1  }
0x201: {  	[bflag:$0x3] =	sbarrier.arrive $0xFFFF  }
0x202: {  	_ =	shalt  }

// kernel: kernel.6.cloned.1.call-start
scs
__scs_entry_jumppad:
0x0: {  	(pc) =	sbr.rel $0x88, $3  }
0x1: {  	(tag) =	ssettag $0x0;
	lr =	simm.s32 $0x1  }
0x2: {  	[smem:$0x3F9A] =	sst lr;
	_ =	strace $0xD0000000  }
0x3: {  	_ = 	snop  }
0x4: {  	_ = 	snop  }
0x5: {  	_ = 	snop  }
0x6: {  	_ = 	snop  }
0x7: {  	_ = 	snop  }
__scs_overlays_trampoline_lowered:
0x8: {  	[smem:$0x3FA9] =	sst s0  }
0x9: {  	[smem:$0x3FAA] =	sst s1  }
0xa: {  	[smem:$0x3FAB] =	sst s2  }
0xb: {  	[smem:$0x3FAC] =	sst s3  }
0xc: {  	[smem:$0x3FAD] =	sst s4  }
0xd: {  	[smem:$0x3FAE] =	sst s5  }
0xe: {  	[smem:$0x3FAF] =	sst s6  }
0xf: {  	[smem:$0x3FB0] =	sst s7  }
0x10: {  	[smem:$0x3FB1] =	sst s8  }
0x11: {  	[smem:$0x3FB2] =	sst s9;
	s0 =	simm.s32 @!p0 $0x0  }
0x12: {  	s1 =	sld [smem:$0x3F98];
	s0 =	simm.s32 @p0 $0x1  }
0x13: {  	[smem:$0x3FB3] =	sst s0;
	s0 =	simm.s32 @!p1 $0x0  }
0x14: {  	s2 =	sld [smem:$0x3F97];
	s0 =	simm.s32 @p1 $0x1  }
0x15: {  	[smem:$0x3FB4] =	sst s0;
	s0 =	simm.s32 @!p2 $0x0  }
0x16: {  	s3 =	sld [smem:$0x3FDB];
	s0 =	simm.s32 @p2 $0x1  }
0x17: {  	s4 =	simm.s32 $0x1BF5;
	[smem:$0x3FB6] =	sst s0  }
0x18: {  	s0 =	sld [smem:$0x3F99];
	_ =	swait.ge [sflag:s4], $0x0  }
0x19: {  	s7 =	sld [smem:$0x3F9A]  }
0x1a: {  	s8 =	sadd.s32 $0xFFFFE003, lr  }
0x1b: {  	s9 =	sadd.s32 $0xFFFFFEF7, lr;
	s5 =	simm.s32 $0xFFFFFFFF;
	p2 =	slt.u32 s8, $0xFFFFF086  }
0x1c: {  	p1 =	slt.u32 s9, $0xF7A;
	s5 =	simm.s32 @!p2 $0x0  }
0x1d: {  	s5 =	simm.s32 @p1 $0x1;
	p0 =	seq.s32 s7, s2  }
0x1e: {  	s7 =	smul.u32 @!p0 $0xF7A, s2;
	p2 =	seq.s32 @!p0 s5, $0x0  }
0x1f: {  	s9 =	smul.u32 $0xF7A, s1;
	s8 =	simm.s32 @!p0 $0x1BF5;
	p2 =	por !p2, p0  }
0x20: {  	[sflag:s8] =	ssyncset.s32 @!p0 $0xFFFFF086;
	s6 =	sadd.s32 @!p0 s3, s7;
	s7 =	simm.s32 @!p0 $0x108  }
0x21: {  	s3 =	sadd.s32 s3, s9;
	s6 =	sadd.s32 @!p0 $0x88, s6;
	s7 =	simm.s32 @p2 $0x1082  }
0x22: {  	[simem:s7], [sflag:s8] =	dma.local @!p0 [hbm:s6], $0xF7A  }
0x23: {  	s9 =	sor.u32 $0xD0000000, s2;
	s6 =	simm.s32 $0x108;
	_ =	swait.ge @!p0 [sflag:s8], $0x0  }
0x24: {  	s3 =	sadd.s32 $0x88, s3;
	s6 =	simm.s32 @!p1 $0x1082;
	[sflag:s4] =	ssyncset.s32 $0xFFFFF086  }
0x25: {  	[simem:s6], [sflag:s4] =	dma.local [hbm:s3], $0xF7A  }
0x26: {  	[smem:$0x3F9A] =	sst s1;
	(tag) =	ssettag s2;
	_ =	strace s9  }
0x27: {  	s1 =	sld [smem:$0x3FAA]  }
0x28: {  	s2 =	sld [smem:$0x3FAB]  }
0x29: {  	s4 =	sld [smem:$0x3FAD]  }
0x2a: {  	p0 =	seq.s32 s5, $0x0;
	s5 =	sld [smem:$0x3FAE]  }
0x2b: {  	s6 =	sld [smem:$0x3FAF]  }
0x2c: {  	s7 =	sld [smem:$0x3FB0]  }
0x2d: {  	s3 =	simm.s32 $0x108;
	s8 =	sld [smem:$0x3FB1]  }
0x2e: {  	s3 =	simm.s32 @!p0 $0x1082;
	s9 =	sld [smem:$0x3FB2]  }
0x2f: {  	lr =	sadd.s32 s0, s3;
	s0 =	sld [smem:$0x3FA9]  }
0x30: {  	s3 =	sld [smem:$0x3FAC]  }
0x31: {  	[smem:$0x3FB5] =	sst s10  }
0x32: {  	s10 =	sld [smem:$0x3FB3];
	_ =	sdelay $0x3  }
0x33: {  	p0 =	seq.s32 s10, $0x1;
	s10 =	sld [smem:$0x3FB5];
	_ =	sdelay $0x3  }
0x34: {  	[smem:$0x3FB5] =	sst s10  }
0x35: {  	s10 =	sld [smem:$0x3FB4];
	_ =	sdelay $0x3  }
0x36: {  	p1 =	seq.s32 s10, $0x1;
	s10 =	sld [smem:$0x3FB5];
	_ =	sdelay $0x3  }
0x37: {  	[smem:$0x3FB5] =	sst s10  }
0x38: {  	s10 =	sld [smem:$0x3FB6]  }
0x39: {  	_ = 	snop;
	(pc) =	sbr.ind lr, $3  }
0x3a: {  	_ = 	snop  }
0x3b: {  	_ = 	snop  }
0x3c: {  	p2 =	seq.s32 s10, $0x1;
	s10 =	sld [smem:$0x3FB5]  }
0x3d: {  	_ =	shalt  }
0x3e: {  	_ =	shalt  }
0x3f: {  	_ =	shalt  }
0x40: {  	_ =	shalt  }
0x41: {  	_ =	shalt  }
0x42: {  	_ =	shalt  }
0x43: {  	_ =	shalt  }
0x44: {  	_ =	shalt  }
0x45: {  	_ =	shalt  }
0x46: {  	_ =	shalt  }
0x47: {  	_ =	shalt  }
0x48: {  	_ =	shalt  }
0x49: {  	_ =	shalt  }
0x4a: {  	_ =	shalt  }
0x4b: {  	_ =	shalt  }
0x4c: {  	_ =	shalt  }
0x4d: {  	_ =	shalt  }
0x4e: {  	_ =	shalt  }
0x4f: {  	_ =	shalt  }
0x50: {  	_ =	shalt  }
0x51: {  	_ =	shalt  }
0x52: {  	_ =	shalt  }
0x53: {  	_ =	shalt  }
0x54: {  	_ =	shalt  }
0x55: {  	_ =	shalt  }
0x56: {  	_ =	shalt  }
0x57: {  	_ =	shalt  }
0x58: {  	_ =	shalt  }
0x59: {  	_ =	shalt  }
0x5a: {  	_ =	shalt  }
0x5b: {  	_ =	shalt  }
0x5c: {  	_ =	shalt  }
0x5d: {  	_ =	shalt  }
0x5e: {  	_ =	shalt  }
0x5f: {  	_ =	shalt  }
0x60: {  	_ =	shalt  }
0x61: {  	_ =	shalt  }
0x62: {  	_ =	shalt  }
0x63: {  	_ =	shalt  }
0x64: {  	_ =	shalt  }
0x65: {  	_ =	shalt  }
0x66: {  	_ =	shalt  }
0x67: {  	_ =	shalt  }
0x68: {  	_ =	shalt  }
0x69: {  	_ =	shalt  }
0x6a: {  	_ =	shalt  }
0x6b: {  	_ =	shalt  }
0x6c: {  	_ =	shalt  }
0x6d: {  	_ =	shalt  }
0x6e: {  	_ =	shalt  }
0x6f: {  	_ =	shalt  }
0x70: {  	_ =	shalt  }
0x71: {  	_ =	shalt  }
0x72: {  	_ =	shalt  }
0x73: {  	_ =	shalt  }
0x74: {  	_ =	shalt  }
0x75: {  	_ =	shalt  }
0x76: {  	_ =	shalt  }
0x77: {  	_ =	shalt  }
0x78: {  	_ =	shalt  }
0x79: {  	_ =	shalt  }
0x7a: {  	_ =	shalt  }
0x7b: {  	_ =	shalt  }
0x7c: {  	_ =	shalt  }
0x7d: {  	_ =	shalt  }
0x7e: {  	_ =	shalt  }
0x7f: {  	_ =	shalt  }
0x80: {  	_ =	shalt  }
0x81: {  	_ =	shalt  }
0x82: {  	_ =	shalt  }
0x83: {  	_ =	shalt  }
0x84: {  	_ =	shalt  }
0x85: {  	_ =	shalt  }
0x86: {  	_ =	shalt  }
0x87: {  	_ =	shalt  }
.Lfunc_end0:
.L_simem_size_0:
called_computation_lowered:
.L_overlay_start_0:
0x88: {  	s2 =	sld [smem:$0x3FD9]  }
0x89: {  	s3 =	sld [smem:$0x3FFE];
	_ =	sdelay $0x1  }
0x8a: {  	s1 =	srdreg.scid  }
0x8b: {  	s0 =	sand.u32 $0x1, s1  }
0x8c: {  	s16 =	sshll.u32 s0, $0xA;
	s2 =	sadd.s32 s3, s2  }
0x8d: {  	s2 =	sadd.s32 s2, s16  }
0x8e: {  	[smem:$0x3FC1] =	sst s2  }
0x8f: {  	_ = 	snop  }
0x90: {  	(tm) =	ssettm $0x1  }
0x91: {  	s17 =	sld [smem:$0x3FFB];
	_ =	sdelay $0x3  }
0x92: {  	_ =	strace s17  }
0x93: {  	s2 =	sld [smem:$0x3FFC];
	_ =	sdelay $0x3  }
0x94: {  	_ =	strace s2  }
0x95: {  	s2 =	sld [smem:$0x3FFD];
	_ =	sdelay $0x3  }
0x96: {  	_ =	strace s2  }
0x97: {  	_ =	strace $0x8FFFFFFF  }
0x98: {  	s18 =	sld [smem:$0x3FDB];
	_ =	sdelay $0x1  }
0x99: {  	s19 =	simm.s32 $_scs_section_size  }
0x9a: {  	s4 =	simm.s32 $_size__tile_overlayer_lowered;
	s5 =	simm.s32 $_tile_overlayer_lowered  }
0x9b: {  	s22 =	simm.s32 $0x1BFF;
	s21 =	sshll.u32 s5, $0x1;
	s2 =	sadd.s32 s19, s18  }
0x9c: {  	s6 =	simm.s32 $0x0;
	s20 =	sshll.u32 s4, $0x1;
	s4 =	sadd.s32 s21, s2  }
0x9d: {  	[timem:s6], [sflag:s22] =	dma.local [hbm:s4], s20  }
0x9e: {  	_ =	swait.ge [sflag:s22], s20  }
0x9f: {  	s3 =	ssub.s32 $0x0, s20;
	[sflag:s22] =	ssyncset.done $0x0  }
0xa0: {  	[sflag:s22] =	ssyncadd.s32 s3;
	_ =	sdelay $0x1  }
0xa1: {  	s23 =	simm.s32 $0x1B8B  }
0xa2: {  	_ =	swait.ge [sflag:s23], $0x1  }
0xa3: {  	[sflag:s23] =	ssyncset.done $0x0  }
0xa4: {  	s25 =	simm.s32 $0x1B8E;
	s24 =	sld [smem:$0x3FFE];
	[sflag:s23] =	ssyncadd.s32 $0xFFFFFFFF  }
0xa5: {  	s26 =	simm.s32 $execute0_lowered;
	[smem:$0x3FD2] =	sst s25  }
0xa6: {  	s4 =	sshll.u32 s26, $0x1;
	_ =	strace $0x80000046;
	[dreg:$0x1] =	wrdreg $0xFFFFFFFF  }
0xa7: {  	s28 =	simm.s32 $_size_execute0_lowered;
	s2 =	sadd.s32 s2, s4;
	[dreg:$0x0] =	wrdreg $0x0  }
0xa8: {  	s4 =	sshll.u32 s28, $0x1;
	[dreg:$0x2] =	wrdreg s2  }
0xa9: {  	[dreg:$0x3] =	wrdreg s4  }
0xaa: {  	[dreg:$0x4] =	wrdreg $0xC0  }
0xab: {  	_ =	task [dreg:s6], $0x5FFFF  }
0xac: {  	[dreg:$0x1] =	wrdreg $0xFFFFFFFF  }
0xad: {  	[dreg:$0x0] =	wrdreg $0x60  }
0xae: {  	[dreg:$0x2] =	wrdreg s24  }
0xaf: {  	[dreg:$0x3] =	wrdreg $0x2B000  }
0xb0: {  	[dreg:$0x4] =	wrdreg $0x9  }
0xb1: {  	_ =	task.clear_ibuf [dreg:s6], $0x5FFFF;
	_ =	strace $0x90000046  }
0xb2: {  	s29 =	simm.s32 $0x9;
	_ =	strace $0x80000048  }
0xb3: {  	_ =	swait.ge [sflag:s29], $0x1  }
0xb4: {  	[sflag:s29] =	ssyncadd.s32 $0xFFFFFFFF  }
0xb5: {  	_ =	strace $0x90000048  }
0xb6: {  	_ =	sfence  }
0xb7: {  	s30 =	sld [smem:$0x0];
	_ =	sdelay $0x2  }
0xb8: {  	s31 =	sshll.u32 s1, $0xD;
	s1 =	sshrl.u32 s1, $0x2  }
0xb9: {  	s3 =	sand.u32 $0x4000, s31;
	s1 =	sadd.s32 s1, s30  }
0xba: {  	s0 =	sor.u32 s3, s0;
	s1 =	sshll.u32 s1, $0x11  }
0xbb: {  	s0 =	sor.u32 s1, s0  }
0xbc: {  	s0 =	sadd.s32 $0x8F2B, s0  }
0xbd: {  	[sflag:s0] =	ssyncadd.remote.s32 $0x1  }
0xbe: {  	_ =	sfence.sel $0xFFFF  }
0xbf: {  	[dreg:$0x0] =	wrdreg $0xFFFFFFFF;
	(pc) =	sbr.abs _section_cstart, $3  }
0xc0: {  	[dreg:$0x1] =	wrdreg $0xFFFFFFFF  }
0xc1: {  	_ =	task.clear_ibuf [dreg:s6], $0x2FFFF;
	_ =	strace $0x9FFFFFFF  }
0xc2: {  	(tm) =	ssettm $0x7FFFFFFF  }
0xc3: {  	_ =	shalt  }
tec
execute0_lowered:
.L_overlay_start_1:
0x0: {  	(tag) =	ssettag $0x1  }
0x1: {  	s4 =	rddreg [dreg:$0x0]  }
0x2: {  	s2 =	rddreg [dreg:$0x1]  }
0x3: {  	s0 =	rddreg [dreg:$0x2];
	s3 =	srdreg.scid  }
0x4: {  	s1 =	stileid.u32;
	s10 =	simm.s32 $0x7D;
	s11 =	simm.s32 $0x2800  }
0x5: {  	s12 =	simm.s32 $0x80;
	s13 =	simm.s32 $0x100;
	s14 =	simm.s32 $0x180  }
0x6: {  	s15 =	simm.s32 $0x1;
	s18 =	simm.s32 $0x0;
	s5 =	sand.u32 $0x1, s3  }
0x7: {  	s6 =	sshll.u32 s1, $0x1;
	s7 =	smul.u32 $0x280, s1;
	s3 =	simm.s32 $0x0  }
0x8: {  	s16 =	sshll.u32 s1, $0x6;
	s6 =	sor.u32 s5, s6;
	s8 =	smul.u32 $0x2800, s5  }
0x9: {  	[smem:$0x7FF] =	sst s3;
	s5 =	ssub.s32 $0x2, s5;
	s16 =	sor.u32 $0x1C02, s16  }
0xa: {  	s6 =	smul.u32 $0x500, s6;
	s9 =	sshrl.u32 s5, $0x1;
	s8 =	sadd.s32 s7, s8  }
0xb: {  	_ =	strace $0x80000047;
	s9 =	ssub.s32 s5, s9;
	s8 =	sshrl.u32 s8, $0x3  }
0xc: {  	s6 =	sadd.s32 s6, s4;
	s8 =	sadd.s32 s8, s4;
	s4 =	sadd.s32 s7, s2  }
0xd: {  	s5 =	sadd.s32 $0x1600, s6;
	s7 =	smax.u32 s9, $0x1;
	s9 =	simm.s32 $0x2  }
0xe: {  	v0 =	vimm.f32 $1.000000000e+00;
	v1 =	vimm.f32 $0.0e+00;
	s6 =	sadd.s32 $0xB600, s8;
	s8 =	simm.s32 $0x2880;
	s17 =	sshrl.u32 s4, $0x3  }
.LBB2_1:
0xf: {  	[tilespmem:$0x2800] =	vst v0  }
0x10: {  	[tilespmem:$0x2810] =	vst v0  }
0x11: {  	[tilespmem:$0x2820] =	vst v0  }
0x12: {  	[tilespmem:$0x2830] =	vst v0  }
0x13: {  	[tilespmem:$0x2840] =	vst v0  }
0x14: {  	[tilespmem:$0x2850] =	vst v0  }
0x15: {  	[tilespmem:$0x2860] =	vst v0  }
0x16: {  	[tilespmem:$0x2870] =	vst v0  }
0x17: {  	[tilespmem:$0x2880] =	vst v1  }
0x18: {  	[tilespmem:$0x2890] =	vst v1  }
0x19: {  	[tilespmem:$0x28A0] =	vst v1  }
0x1a: {  	[tilespmem:$0x28B0] =	vst v1  }
0x1b: {  	[tilespmem:$0x28C0] =	vst v1  }
0x1c: {  	[tilespmem:$0x28D0] =	vst v1  }
0x1d: {  	[tilespmem:$0x28E0] =	vst v1  }
0x1e: {  	[tilespmem:$0x28F0] =	vst v1  }
0x1f: {  	[tilespmem:$0x2900] =	vst v1  }
0x20: {  	[tilespmem:$0x2910] =	vst v1  }
0x21: {  	[tilespmem:$0x2920] =	vst v1  }
0x22: {  	[tilespmem:$0x2930] =	vst v1  }
0x23: {  	[tilespmem:$0x2940] =	vst v1  }
0x24: {  	[tilespmem:$0x2950] =	vst v1  }
0x25: {  	[tilespmem:$0x2960] =	vst v1  }
0x26: {  	[tilespmem:$0x2970] =	vst v1  }
0x27: {  	[tilespmem:$0x2980] =	vst v1  }
0x28: {  	[tilespmem:$0x2990] =	vst v1  }
0x29: {  	[tilespmem:$0x29A0] =	vst v1  }
0x2a: {  	[tilespmem:$0x29B0] =	vst v1  }
0x2b: {  	[tilespmem:$0x29C0] =	vst v1  }
0x2c: {  	[tilespmem:$0x29D0] =	vst v1  }
0x2d: {  	[tilespmem:$0x29E0] =	vst v1  }
0x2e: {  	[tilespmem:$0x29F0] =	vst v1  }
0x2f: {  	[tilespmem:$0x2A00] =	vst v1  }
0x30: {  	[tilespmem:$0x2A10] =	vst v1  }
0x31: {  	[tilespmem:$0x2A20] =	vst v1  }
0x32: {  	[tilespmem:$0x2A30] =	vst v1  }
0x33: {  	[tilespmem:$0x2A40] =	vst v1  }
0x34: {  	[tilespmem:$0x2A50] =	vst v1  }
0x35: {  	[tilespmem:$0x2A60] =	vst v1  }
0x36: {  	[tilespmem:$0x2A70] =	vst v1  }
0x37: {  	[tilespmem:$0x2A80] =	vst v1  }
0x38: {  	[tilespmem:$0x2A90] =	vst v1  }
0x39: {  	[tilespmem:$0x2AA0] =	vst v1  }
0x3a: {  	[tilespmem:$0x2AB0] =	vst v1  }
0x3b: {  	[tilespmem:$0x2AC0] =	vst v1  }
0x3c: {  	[tilespmem:$0x2AD0] =	vst v1  }
0x3d: {  	[tilespmem:$0x2AE0] =	vst v1  }
0x3e: {  	[tilespmem:$0x2AF0] =	vst v1  }
0x3f: {  	[spmem:s4] =	stream.linear.scatter [tilespmem:s8], [sflag:$0x2], $0x280, $0x38;
	[tilespmem:$0x2D80] =	vst v63  }
0x40: {  	_ =	swait.ge [sflag:s9], $0x280  }
0x41: {  	[sflag:s9] =	ssyncset.done $0x0  }
0x42: {  	[sflag:s9] =	ssyncadd.s32 $0xFFFFFD80  }
0x43: {  	[bflag:$0x0] =	sbarrier.arrive $0xFFFF  }
0x44: {  	[tilespmem:s3], [sflag:$0x2] =	stream.linear.gather [hbm4b:s5+s3], $0x2800, $0x38;
	[tilespmem:$0x2D80] =	vst v63  }
0x45: {  	_ =	swait.ge [sflag:s9], $0x2800  }
0x46: {  	[sflag:s9] =	ssyncset.done $0x0  }
0x47: {  	[sflag:s9] =	ssyncadd.s32 $0xFFFFD800  }
0x48: {  	[spmem:s2] =	stream.indirect.scatter.add.f32 [tilespmem:s11], [sflag:$0x1], $0x1, s3, s10, $0xb8;
	[tilespmem:$0x2D80] =	vst v63  }
0x49: {  	_ = 	snop  }
0x4a: {  	[spmem:s2] =	stream.indirect.scatter.add.f32 [tilespmem:s11], [sflag:$0x1], $0x1, s12, s10, $0xb8;
	[tilespmem:$0x2D80] =	vst v63  }
0x4b: {  	_ = 	snop  }
0x4c: {  	[spmem:s2] =	stream.indirect.scatter.add.f32 [tilespmem:s11], [sflag:$0x1], $0x1, s13, s10, $0xb8;
	[tilespmem:$0x2D80] =	vst v63  }
0x4d: {  	_ = 	snop  }
0x4e: {  	[spmem:s2] =	stream.indirect.scatter.add.f32 [tilespmem:s11], [sflag:$0x1], $0x1, s14, s10, $0xb8;
	[tilespmem:$0x2D80] =	vst v63  }
0x4f: {  	s19 =	simm.s32 $0x200  }
0x50: {  	[spmem:s2] =	stream.indirect.scatter.add.f32 [tilespmem:s11], [sflag:$0x1], $0x1, s19, s10, $0xb8;
	[tilespmem:$0x2D80] =	vst v63  }
0x51: {  	_ =	swait.ge [sflag:s15], $0x7D  }
0x52: {  	s19 =	simm.s32 $0xA00;
	[sflag:s15] =	ssyncset.done $0x0  }
.LBB2_2:
0x53: {  	s20 =	sshra.s32 s19, $0x2;
	[sflag:s15] =	ssyncadd.s32 $0xFFFFFF83;
	p0 =	sne.s32 s19, $0x9E00  }
0x54: {  	[spmem:s2] =	stream.indirect.scatter.add.f32 [tilespmem:s11], [sflag:$0x1], $0x1, s20, s10, $0xb8;
	[tilespmem:$0x2D80] =	vst v63  }
.Ltmp0:
0x55: {  	_ = 	snop;
	(pc) =	sbr.rel @p0 .LBB2_2-.Ltmp0, $4  }
0x56: {  	_ = 	snop  }
0x57: {  	s19 =	sadd.s32 $0x200, s19  }
0x58: {  	_ =	swait.ge [sflag:s15], $0x7D  }
0x59: {  	[sflag:s15] =	ssyncset.done $0x0  }
0x5a: {  	[sflag:s15] =	ssyncadd.s32 $0xFFFFFF83  }
0x5b: {  	_ =	swait.ge [sflag:s15], $0x7D  }
0x5c: {  	[sflag:s15] =	ssyncset.done $0x0  }
0x5d: {  	[sflag:s15] =	ssyncadd.s32 $0xFFFFFF83  }
0x5e: {  	_ =	swait.ge [sflag:s15], $0x7D  }
0x5f: {  	[sflag:s15] =	ssyncset.done $0x0  }
0x60: {  	[sflag:s15] =	ssyncadd.s32 $0xFFFFFF83  }
0x61: {  	_ =	swait.ge [sflag:s15], $0x7D  }
0x62: {  	[sflag:s15] =	ssyncset.done $0x0  }
0x63: {  	[sflag:s15] =	ssyncadd.s32 $0xFFFFFF83  }
0x64: {  	_ =	swait.ge [sflag:s15], $0x7D  }
0x65: {  	s18 =	sadd.s32 $0x1, s18;
	[sflag:s15] =	ssyncset.done $0x0  }
0x66: {  	p0 =	sne.s32 s18, s7;
	[sflag:s15] =	ssyncadd.s32 $0xFFFFFF83  }
.Ltmp1:
0x67: {  	[bflag:$0x0] =	sbarrier.arrive $0xFFFF;
	(pc) =	sbr.rel @p0 .LBB2_1-.Ltmp1, $4  }
0x68: {  	[hbm:s6], [sflag:s16] =	dma.local [spmem:s17], $0x50  }
0x69: {  	_ =	swait.ge [sflag:s9], $0x50  }
0x6a: {  	[sflag:s9] =	ssyncset.done $0x0  }
0x6b: {  	[sflag:s9] =	ssyncadd.s32 $0xFFFFFFB0  }
0x6c: {  	_ =	sfence.sel $0x180000  }
0x6d: {  	[bflag:$0x0] =	sbarrier.arrive $0xFFFF  }
0x6e: {  	p0 =	sne.s32 s1, $0x0;
	_ =	strace $0x90000047  }
0x6f: {  	s0 =	sadd.s32 @!p0 $0x100000, s0;
	[bflag:$0x2] =	sbarrier.arrive $0xFFFF  }
0x70: {  	[sflag:s0] =	ssyncadd.tile.s32 @!p0 $0x1;
	_ =	shalt  }
.Lfunc_end2:
_tile_overlayer_lowered:
.L_overlay_start_2:
0x71: {  	(tag) =	ssettag $0x2  }
0x72: {  	s0 =	rddreg [dreg:$0x0];
	s2 =	stileid.u32  }
0x73: {  	s1 =	rddreg [dreg:$0x1];
	p0 =	sne.s32 s2, $0x0  }
0x74: {  	s3 =	rddreg [dreg:$0x2];
	[bflag:$0x3] =	sbarrier.arrive $0xFFFF;
	s2 =	simm.s32 @!p0 $0x1C02  }
0x75: {  	[timem:s3], [sflag:s2] =	dma.local @!p0 [hbm:s0], s1  }
0x76: {  	s0 =	simm.s32 @!p0 $0x2  }
0x77: {  	_ =	swait.ge @!p0 [sflag:s0], s1  }
0x78: {  	s1 =	ssub.s32 @!p0 $0x0, s1;
	[sflag:s0] =	ssyncset.done @!p0 $0x0  }
0x79: {  	[sflag:s0] =	ssyncadd.s32 @!p0 s1  }
0x7a: {  	[bflag:$0x3] =	sbarrier.arrive $0xFFFF  }
0x7b: {  	_ =	shalt  }

// kernel: kernel.9.cloned.1.call-start
scs
__scs_entry_jumppad:
0x0: {  	(pc) =	sbr.rel $0x88, $3  }
0x1: {  	(tag) =	ssettag $0x0;
	lr =	simm.s32 $0x1  }
0x2: {  	[smem:$0x3F9A] =	sst lr;
	_ =	strace $0xD0000000  }
0x3: {  	_ = 	snop  }
0x4: {  	_ = 	snop  }
0x5: {  	_ = 	snop  }
0x6: {  	_ = 	snop  }
0x7: {  	_ = 	snop  }
__scs_overlays_trampoline_lowered:
0x8: {  	[smem:$0x3FA9] =	sst s0  }
0x9: {  	[smem:$0x3FAA] =	sst s1  }
0xa: {  	[smem:$0x3FAB] =	sst s2  }
0xb: {  	[smem:$0x3FAC] =	sst s3  }
0xc: {  	[smem:$0x3FAD] =	sst s4  }
0xd: {  	[smem:$0x3FAE] =	sst s5  }
0xe: {  	[smem:$0x3FAF] =	sst s6  }
0xf: {  	[smem:$0x3FB0] =	sst s7  }
0x10: {  	[smem:$0x3FB1] =	sst s8  }
0x11: {  	[smem:$0x3FB2] =	sst s9;
	s0 =	simm.s32 @!p0 $0x0  }
0x12: {  	s1 =	sld [smem:$0x3F98];
	s0 =	simm.s32 @p0 $0x1  }
0x13: {  	[smem:$0x3FB3] =	sst s0;
	s0 =	simm.s32 @!p1 $0x0  }
0x14: {  	s2 =	sld [smem:$0x3F97];
	s0 =	simm.s32 @p1 $0x1  }
0x15: {  	[smem:$0x3FB4] =	sst s0;
	s0 =	simm.s32 @!p2 $0x0  }
0x16: {  	s3 =	sld [smem:$0x3FDB];
	s0 =	simm.s32 @p2 $0x1  }
0x17: {  	s4 =	simm.s32 $0x1BF5;
	[smem:$0x3FB6] =	sst s0  }
0x18: {  	s0 =	sld [smem:$0x3F99];
	_ =	swait.ge [sflag:s4], $0x0  }
0x19: {  	s7 =	sld [smem:$0x3F9A]  }
0x1a: {  	s8 =	sadd.s32 $0xFFFFE003, lr  }
0x1b: {  	s9 =	sadd.s32 $0xFFFFFEF7, lr;
	s5 =	simm.s32 $0xFFFFFFFF;
	p2 =	slt.u32 s8, $0xFFFFF086  }
0x1c: {  	p1 =	slt.u32 s9, $0xF7A;
	s5 =	simm.s32 @!p2 $0x0  }
0x1d: {  	s5 =	simm.s32 @p1 $0x1;
	p0 =	seq.s32 s7, s2  }
0x1e: {  	s7 =	smul.u32 @!p0 $0xF7A, s2;
	p2 =	seq.s32 @!p0 s5, $0x0  }
0x1f: {  	s9 =	smul.u32 $0xF7A, s1;
	s8 =	simm.s32 @!p0 $0x1BF5;
	p2 =	por !p2, p0  }
0x20: {  	[sflag:s8] =	ssyncset.s32 @!p0 $0xFFFFF086;
	s6 =	sadd.s32 @!p0 s3, s7;
	s7 =	simm.s32 @!p0 $0x108  }
0x21: {  	s3 =	sadd.s32 s3, s9;
	s6 =	sadd.s32 @!p0 $0x88, s6;
	s7 =	simm.s32 @p2 $0x1082  }
0x22: {  	[simem:s7], [sflag:s8] =	dma.local @!p0 [hbm:s6], $0xF7A  }
0x23: {  	s9 =	sor.u32 $0xD0000000, s2;
	s6 =	simm.s32 $0x108;
	_ =	swait.ge @!p0 [sflag:s8], $0x0  }
0x24: {  	s3 =	sadd.s32 $0x88, s3;
	s6 =	simm.s32 @!p1 $0x1082;
	[sflag:s4] =	ssyncset.s32 $0xFFFFF086  }
0x25: {  	[simem:s6], [sflag:s4] =	dma.local [hbm:s3], $0xF7A  }
0x26: {  	[smem:$0x3F9A] =	sst s1;
	(tag) =	ssettag s2;
	_ =	strace s9  }
0x27: {  	s1 =	sld [smem:$0x3FAA]  }
0x28: {  	s2 =	sld [smem:$0x3FAB]  }
0x29: {  	s4 =	sld [smem:$0x3FAD]  }
0x2a: {  	p0 =	seq.s32 s5, $0x0;
	s5 =	sld [smem:$0x3FAE]  }
0x2b: {  	s6 =	sld [smem:$0x3FAF]  }
0x2c: {  	s7 =	sld [smem:$0x3FB0]  }
0x2d: {  	s3 =	simm.s32 $0x108;
	s8 =	sld [smem:$0x3FB1]  }
0x2e: {  	s3 =	simm.s32 @!p0 $0x1082;
	s9 =	sld [smem:$0x3FB2]  }
0x2f: {  	lr =	sadd.s32 s0, s3;
	s0 =	sld [smem:$0x3FA9]  }
0x30: {  	s3 =	sld [smem:$0x3FAC]  }
0x31: {  	[smem:$0x3FB5] =	sst s10  }
0x32: {  	s10 =	sld [smem:$0x3FB3];
	_ =	sdelay $0x3  }
0x33: {  	p0 =	seq.s32 s10, $0x1;
	s10 =	sld [smem:$0x3FB5];
	_ =	sdelay $0x3  }
0x34: {  	[smem:$0x3FB5] =	sst s10  }
0x35: {  	s10 =	sld [smem:$0x3FB4];
	_ =	sdelay $0x3  }
0x36: {  	p1 =	seq.s32 s10, $0x1;
	s10 =	sld [smem:$0x3FB5];
	_ =	sdelay $0x3  }
0x37: {  	[smem:$0x3FB5] =	sst s10  }
0x38: {  	s10 =	sld [smem:$0x3FB6]  }
0x39: {  	_ = 	snop;
	(pc) =	sbr.ind lr, $3  }
0x3a: {  	_ = 	snop  }
0x3b: {  	_ = 	snop  }
0x3c: {  	p2 =	seq.s32 s10, $0x1;
	s10 =	sld [smem:$0x3FB5]  }
0x3d: {  	_ =	shalt  }
0x3e: {  	_ =	shalt  }
0x3f: {  	_ =	shalt  }
0x40: {  	_ =	shalt  }
0x41: {  	_ =	shalt  }
0x42: {  	_ =	shalt  }
0x43: {  	_ =	shalt  }
0x44: {  	_ =	shalt  }
0x45: {  	_ =	shalt  }
0x46: {  	_ =	shalt  }
0x47: {  	_ =	shalt  }
0x48: {  	_ =	shalt  }
0x49: {  	_ =	shalt  }
0x4a: {  	_ =	shalt  }
0x4b: {  	_ =	shalt  }
0x4c: {  	_ =	shalt  }
0x4d: {  	_ =	shalt  }
0x4e: {  	_ =	shalt  }
0x4f: {  	_ =	shalt  }
0x50: {  	_ =	shalt  }
0x51: {  	_ =	shalt  }
0x52: {  	_ =	shalt  }
0x53: {  	_ =	shalt  }
0x54: {  	_ =	shalt  }
0x55: {  	_ =	shalt  }
0x56: {  	_ =	shalt  }
0x57: {  	_ =	shalt  }
0x58: {  	_ =	shalt  }
0x59: {  	_ =	shalt  }
0x5a: {  	_ =	shalt  }
0x5b: {  	_ =	shalt  }
0x5c: {  	_ =	shalt  }
0x5d: {  	_ =	shalt  }
0x5e: {  	_ =	shalt  }
0x5f: {  	_ =	shalt  }
0x60: {  	_ =	shalt  }
0x61: {  	_ =	shalt  }
0x62: {  	_ =	shalt  }
0x63: {  	_ =	shalt  }
0x64: {  	_ =	shalt  }
0x65: {  	_ =	shalt  }
0x66: {  	_ =	shalt  }
0x67: {  	_ =	shalt  }
0x68: {  	_ =	shalt  }
0x69: {  	_ =	shalt  }
0x6a: {  	_ =	shalt  }
0x6b: {  	_ =	shalt  }
0x6c: {  	_ =	shalt  }
0x6d: {  	_ =	shalt  }
0x6e: {  	_ =	shalt  }
0x6f: {  	_ =	shalt  }
0x70: {  	_ =	shalt  }
0x71: {  	_ =	shalt  }
0x72: {  	_ =	shalt  }
0x73: {  	_ =	shalt  }
0x74: {  	_ =	shalt  }
0x75: {  	_ =	shalt  }
0x76: {  	_ =	shalt  }
0x77: {  	_ =	shalt  }
0x78: {  	_ =	shalt  }
0x79: {  	_ =	shalt  }
0x7a: {  	_ =	shalt  }
0x7b: {  	_ =	shalt  }
0x7c: {  	_ =	shalt  }
0x7d: {  	_ =	shalt  }
0x7e: {  	_ =	shalt  }
0x7f: {  	_ =	shalt  }
0x80: {  	_ =	shalt  }
0x81: {  	_ =	shalt  }
0x82: {  	_ =	shalt  }
0x83: {  	_ =	shalt  }
0x84: {  	_ =	shalt  }
0x85: {  	_ =	shalt  }
0x86: {  	_ =	shalt  }
0x87: {  	_ =	shalt  }
.Lfunc_end0:
.L_simem_size_0:
called_computation.1_lowered:
.L_overlay_start_0:
0x88: {  	s2 =	sld [smem:$0x3FD9]  }
0x89: {  	s3 =	sld [smem:$0x3FFE];
	_ =	sdelay $0x1  }
0x8a: {  	s1 =	srdreg.scid  }
0x8b: {  	s0 =	sand.u32 $0x1, s1  }
0x8c: {  	s16 =	sshll.u32 s0, $0xA;
	s2 =	sadd.s32 s3, s2  }
0x8d: {  	s2 =	sadd.s32 s2, s16  }
0x8e: {  	[smem:$0x3FC1] =	sst s2  }
0x8f: {  	_ = 	snop  }
0x90: {  	(tm) =	ssettm $0x1  }
0x91: {  	s17 =	sld [smem:$0x3FFB];
	_ =	sdelay $0x3  }
0x92: {  	_ =	strace s17  }
0x93: {  	s2 =	sld [smem:$0x3FFC];
	_ =	sdelay $0x3  }
0x94: {  	_ =	strace s2  }
0x95: {  	s2 =	sld [smem:$0x3FFD];
	_ =	sdelay $0x3  }
0x96: {  	_ =	strace s2  }
0x97: {  	_ =	strace $0x8FFFFFFF  }
0x98: {  	s18 =	sld [smem:$0x3FDB];
	_ =	sdelay $0x1  }
0x99: {  	s19 =	simm.s32 $_scs_section_size  }
0x9a: {  	s4 =	simm.s32 $_size__tile_overlayer_lowered;
	s5 =	simm.s32 $_tile_overlayer_lowered  }
0x9b: {  	s22 =	simm.s32 $0x1BFF;
	s21 =	sshll.u32 s5, $0x1;
	s2 =	sadd.s32 s19, s18  }
0x9c: {  	s6 =	simm.s32 $0x0;
	s20 =	sshll.u32 s4, $0x1;
	s4 =	sadd.s32 s21, s2  }
0x9d: {  	[timem:s6], [sflag:s22] =	dma.local [hbm:s4], s20  }
0x9e: {  	_ =	swait.ge [sflag:s22], s20  }
0x9f: {  	s3 =	ssub.s32 $0x0, s20;
	[sflag:s22] =	ssyncset.done $0x0  }
0xa0: {  	[sflag:s22] =	ssyncadd.s32 s3;
	_ =	sdelay $0x1  }
0xa1: {  	s23 =	simm.s32 $0x1B8B  }
0xa2: {  	_ =	swait.ge [sflag:s23], $0x1  }
0xa3: {  	[sflag:s23] =	ssyncset.done $0x0  }
0xa4: {  	s25 =	simm.s32 $0x1B8E;
	s24 =	sld [smem:$0x3FFE];
	[sflag:s23] =	ssyncadd.s32 $0xFFFFFFFF  }
0xa5: {  	s26 =	simm.s32 $execute0_lowered;
	[smem:$0x3FD2] =	sst s25  }
0xa6: {  	s4 =	sshll.u32 s26, $0x1;
	_ =	strace $0x80000049;
	[dreg:$0x1] =	wrdreg $0xFFFFFFFF  }
0xa7: {  	s28 =	simm.s32 $_size_execute0_lowered;
	s2 =	sadd.s32 s2, s4;
	[dreg:$0x0] =	wrdreg $0x0  }
0xa8: {  	s4 =	sshll.u32 s28, $0x1;
	[dreg:$0x2] =	wrdreg s2  }
0xa9: {  	[dreg:$0x3] =	wrdreg s4  }
0xaa: {  	[dreg:$0x4] =	wrdreg $0xC0  }
0xab: {  	_ =	task [dreg:s6], $0x5FFFF  }
0xac: {  	[dreg:$0x1] =	wrdreg $0xFFFFFFFF  }
0xad: {  	[dreg:$0x0] =	wrdreg $0x60  }
0xae: {  	[dreg:$0x2] =	wrdreg s24  }
0xaf: {  	[dreg:$0x3] =	wrdreg $0x10C400  }
0xb0: {  	[dreg:$0x4] =	wrdreg $0x9  }
0xb1: {  	_ =	task.clear_ibuf [dreg:s6], $0x5FFFF;
	_ =	strace $0x90000049  }
0xb2: {  	s29 =	simm.s32 $0x9;
	_ =	strace $0x8000004B  }
0xb3: {  	_ =	swait.ge [sflag:s29], $0x1  }
0xb4: {  	[sflag:s29] =	ssyncadd.s32 $0xFFFFFFFF  }
0xb5: {  	_ =	strace $0x9000004B  }
0xb6: {  	_ =	sfence  }
0xb7: {  	s30 =	sld [smem:$0x0];
	_ =	sdelay $0x2  }
0xb8: {  	s31 =	sshll.u32 s1, $0xD;
	s1 =	sshrl.u32 s1, $0x2  }
0xb9: {  	s3 =	sand.u32 $0x4000, s31;
	s1 =	sadd.s32 s1, s30  }
0xba: {  	s0 =	sor.u32 s3, s0;
	s1 =	sshll.u32 s1, $0x11  }
0xbb: {  	s0 =	sor.u32 s1, s0  }
0xbc: {  	s0 =	sadd.s32 $0x8F2B, s0  }
0xbd: {  	[sflag:s0] =	ssyncadd.remote.s32 $0x1  }
0xbe: {  	_ =	sfence.sel $0xFFFF  }
0xbf: {  	[dreg:$0x0] =	wrdreg $0xFFFFFFFF;
	(pc) =	sbr.abs _section_cstart, $3  }
0xc0: {  	[dreg:$0x1] =	wrdreg $0xFFFFFFFF  }
0xc1: {  	_ =	task.clear_ibuf [dreg:s6], $0x2FFFF;
	_ =	strace $0x9FFFFFFF  }
0xc2: {  	(tm) =	ssettm $0x7FFFFFFF  }
0xc3: {  	_ =	shalt  }
tec
execute0_lowered:
.L_overlay_start_1:
0x0: {  	(tag) =	ssettag $0x1  }
0x1: {  	s0 =	rddreg [dreg:$0x0];
	s1 =	srdreg.scid  }
0x2: {  	s9 =	stileid.u32;
	s2 =	rddreg [dreg:$0x1];
	s3 =	simm.s32 $0x0  }
0x3: {  	s15 =	simm.s32 $0xEC40;
	s16 =	simm.s32 $0xB;
	s17 =	simm.s32 $0x1  }
0x4: {  	s18 =	simm.s32 $0x2;
	s19 =	simm.s32 $0x7D;
	s20 =	simm.s32 $0x5000  }
0x5: {  	s22 =	simm.s32 $0x6F40;
	s29 =	simm.s32 $0xCD00;
	s30 =	simm.s32 $0x6  }
0x6: {  	s31 =	simm.s32 $0x7;
	s14 =	simm.s32 $0x8;
	s21 =	simm.s32 $0x4  }
0x7: {  	s23 =	simm.s32 $0x9;
	s28 =	simm.s32 $0xA;
	s1 =	sand.u32 $0x1, s1  }
0x8: {  	s4 =	sshll.u32 s9, $0x1;
	[smem:$0x7FF] =	sst s3;
	s5 =	smul.u32 $0x28000, s9  }
0x9: {  	s12 =	smul.u32 $0xA000, s9;
	s4 =	sor.u32 s1, s4;
	_ =	strace $0x8000004A  }
0xa: {  	s7 =	ssub.s32 $0x2, s1;
	p0 =	seq.s32 s1, $0x1;
	s1 =	simm.s32 $0x3E000  }
0xb: {  	s4 =	smul.u32 $0x500, s4;
	s8 =	sshrl.u32 s7, $0x1;
	s5 =	sshrl.u32 s5, $0x2  }
0xc: {  	s1 =	simm.s32 @!p0 $0x2A000;
	s26 =	sshrl.u32 s12, $0x3;
	s13 =	ssub.s32 s7, s8  }
0xd: {  	s5 =	sadd.s32 s5, s2;
	s7 =	sadd.s32 s12, s2;
	s6 =	sadd.s32 s4, s0  }
0xe: {  	s4 =	sadd.s32 $0x16000, s0;
	s25 =	sadd.s32 $0x2000, s5;
	s9 =	sadd.s32 $0x4000, s5  }
0xf: {  	s10 =	sadd.s32 $0x6000, s5;
	s11 =	sadd.s32 $0x8000, s5;
	s12 =	smax.u32 s13, $0x1  }
0x10: {  	s0 =	sadd.s32 s1, s0;
	s1 =	simm.s32 $0x3;
	s24 =	sadd.s32 $0xC000, s6  }
0x11: {  	s6 =	sadd.s32 $0x1600, s6;
	[dreg:$0x5] =	wrdreg s25;
	s13 =	sadd.s32 s0, s26  }
0x12: {  	s26 =	simm.s32 $0xADC0;
	s25 =	simm.s32 $0x5;
	[dreg:$0x3] =	wrdreg s24  }
0x13: {  	v0 =	vimm.f32 $0.0e+00;
	s0 =	simm.s32 $0x0;
	[dreg:$0x4] =	wrdreg s6;
	s24 =	simm.s32 $0x8E80  }
.LBB2_1:
0x14: {  	[tilespmem:$0xEC40] =	vst v0  }
0x15: {  	[tilespmem:$0xEC50] =	vst v0  }
0x16: {  	[tilespmem:$0xEC60] =	vst v0  }
0x17: {  	[tilespmem:$0xEC70] =	vst v0  }
0x18: {  	[tilespmem:$0xEC80] =	vst v0  }
0x19: {  	[tilespmem:$0xEC90] =	vst v0  }
0x1a: {  	[tilespmem:$0xECA0] =	vst v0  }
0x1b: {  	[tilespmem:$0xECB0] =	vst v0  }
0x1c: {  	[tilespmem:$0xECC0] =	vst v0  }
0x1d: {  	[tilespmem:$0xECD0] =	vst v0  }
0x1e: {  	[tilespmem:$0xECE0] =	vst v0  }
0x1f: {  	[tilespmem:$0xECF0] =	vst v0  }
0x20: {  	[tilespmem:$0xED00] =	vst v0  }
0x21: {  	[tilespmem:$0xED10] =	vst v0  }
0x22: {  	[tilespmem:$0xED20] =	vst v0  }
0x23: {  	[tilespmem:$0xED30] =	vst v0  }
0x24: {  	[tilespmem:$0xED40] =	vst v0  }
0x25: {  	[tilespmem:$0xED50] =	vst v0  }
0x26: {  	[tilespmem:$0xED60] =	vst v0  }
0x27: {  	[tilespmem:$0xED70] =	vst v0  }
0x28: {  	[tilespmem:$0xED80] =	vst v0  }
0x29: {  	[tilespmem:$0xED90] =	vst v0  }
0x2a: {  	[tilespmem:$0xEDA0] =	vst v0  }
0x2b: {  	[tilespmem:$0xEDB0] =	vst v0  }
0x2c: {  	[tilespmem:$0xEDC0] =	vst v0  }
0x2d: {  	[tilespmem:$0xEDD0] =	vst v0  }
0x2e: {  	[tilespmem:$0xEDE0] =	vst v0  }
0x2f: {  	[tilespmem:$0xEDF0] =	vst v0  }
0x30: {  	[tilespmem:$0xEE00] =	vst v0  }
0x31: {  	[tilespmem:$0xEE10] =	vst v0  }
0x32: {  	[tilespmem:$0xEE20] =	vst v0  }
0x33: {  	[tilespmem:$0xEE30] =	vst v0  }
0x34: {  	[tilespmem:$0xEE40] =	vst v0  }
0x35: {  	[tilespmem:$0xEE50] =	vst v0  }
0x36: {  	[tilespmem:$0xEE60] =	vst v0  }
0x37: {  	[tilespmem:$0xEE70] =	vst v0  }
0x38: {  	[tilespmem:$0xEE80] =	vst v0  }
0x39: {  	[tilespmem:$0xEE90] =	vst v0  }
0x3a: {  	[tilespmem:$0xEEA0] =	vst v0  }
0x3b: {  	[tilespmem:$0xEEB0] =	vst v0  }
0x3c: {  	[tilespmem:$0xEEC0] =	vst v0  }
0x3d: {  	[tilespmem:$0xEED0] =	vst v0  }
0x3e: {  	[tilespmem:$0xEEE0] =	vst v0  }
0x3f: {  	[tilespmem:$0xEEF0] =	vst v0  }
0x40: {  	[tilespmem:$0xEF00] =	vst v0  }
0x41: {  	[tilespmem:$0xEF10] =	vst v0  }
0x42: {  	[tilespmem:$0xEF20] =	vst v0  }
0x43: {  	[tilespmem:$0xEF30] =	vst v0  }
0x44: {  	[tilespmem:$0xEF40] =	vst v0  }
0x45: {  	[tilespmem:$0xEF50] =	vst v0  }
0x46: {  	[tilespmem:$0xEF60] =	vst v0  }
0x47: {  	[tilespmem:$0xEF70] =	vst v0  }
0x48: {  	[tilespmem:$0xEF80] =	vst v0  }
0x49: {  	[tilespmem:$0xEF90] =	vst v0  }
0x4a: {  	[tilespmem:$0xEFA0] =	vst v0  }
0x4b: {  	[tilespmem:$0xEFB0] =	vst v0  }
0x4c: {  	[tilespmem:$0xEFC0] =	vst v0  }
0x4d: {  	[tilespmem:$0xEFD0] =	vst v0  }
0x4e: {  	[tilespmem:$0xEFE0] =	vst v0  }
0x4f: {  	[tilespmem:$0xEFF0] =	vst v0  }
0x50: {  	[tilespmem:$0xF000] =	vst v0  }
0x51: {  	[tilespmem:$0xF010] =	vst v0  }
0x52: {  	[tilespmem:$0xF020] =	vst v0  }
0x53: {  	[tilespmem:$0xF030] =	vst v0  }
0x54: {  	[tilespmem:$0xF040] =	vst v0  }
0x55: {  	[tilespmem:$0xF050] =	vst v0  }
0x56: {  	[tilespmem:$0xF060] =	vst v0  }
0x57: {  	[tilespmem:$0xF070] =	vst v0  }
0x58: {  	[tilespmem:$0xF080] =	vst v0  }
0x59: {  	[tilespmem:$0xF090] =	vst v0  }
0x5a: {  	[tilespmem:$0xF0A0] =	vst v0  }
0x5b: {  	[tilespmem:$0xF0B0] =	vst v0  }
0x5c: {  	[tilespmem:$0xF0C0] =	vst v0  }
0x5d: {  	[tilespmem:$0xF0D0] =	vst v0  }
0x5e: {  	[tilespmem:$0xF0E0] =	vst v0  }
0x5f: {  	[tilespmem:$0xF0F0] =	vst v0  }
0x60: {  	[tilespmem:$0xF100] =	vst v0  }
0x61: {  	[tilespmem:$0xF110] =	vst v0  }
0x62: {  	[tilespmem:$0xF120] =	vst v0  }
0x63: {  	[tilespmem:$0xF130] =	vst v0  }
0x64: {  	[tilespmem:$0xF140] =	vst v0  }
0x65: {  	[tilespmem:$0xF150] =	vst v0  }
0x66: {  	[tilespmem:$0xF160] =	vst v0  }
0x67: {  	[tilespmem:$0xF170] =	vst v0  }
0x68: {  	[tilespmem:$0xF180] =	vst v0  }
0x69: {  	[tilespmem:$0xF190] =	vst v0  }
0x6a: {  	[tilespmem:$0xF1A0] =	vst v0  }
0x6b: {  	[tilespmem:$0xF1B0] =	vst v0  }
0x6c: {  	[tilespmem:$0xF1C0] =	vst v0  }
0x6d: {  	[tilespmem:$0xF1D0] =	vst v0  }
0x6e: {  	[tilespmem:$0xF1E0] =	vst v0  }
0x6f: {  	[tilespmem:$0xF1F0] =	vst v0  }
0x70: {  	[tilespmem:$0xF200] =	vst v0  }
0x71: {  	[tilespmem:$0xF210] =	vst v0  }
0x72: {  	[tilespmem:$0xF220] =	vst v0  }
0x73: {  	[tilespmem:$0xF230] =	vst v0  }
0x74: {  	[tilespmem:$0xF240] =	vst v0  }
0x75: {  	[tilespmem:$0xF250] =	vst v0  }
0x76: {  	[tilespmem:$0xF260] =	vst v0  }
0x77: {  	[tilespmem:$0xF270] =	vst v0  }
0x78: {  	[tilespmem:$0xF280] =	vst v0  }
0x79: {  	[tilespmem:$0xF290] =	vst v0  }
0x7a: {  	[tilespmem:$0xF2A0] =	vst v0  }
0x7b: {  	[tilespmem:$0xF2B0] =	vst v0  }
0x7c: {  	[tilespmem:$0xF2C0] =	vst v0  }
0x7d: {  	[tilespmem:$0xF2D0] =	vst v0  }
0x7e: {  	[tilespmem:$0xF2E0] =	vst v0  }
0x7f: {  	[tilespmem:$0xF2F0] =	vst v0  }
0x80: {  	[tilespmem:$0xF300] =	vst v0  }
0x81: {  	[tilespmem:$0xF310] =	vst v0  }
0x82: {  	[tilespmem:$0xF320] =	vst v0  }
0x83: {  	[tilespmem:$0xF330] =	vst v0  }
0x84: {  	[tilespmem:$0xF340] =	vst v0  }
0x85: {  	[tilespmem:$0xF350] =	vst v0  }
0x86: {  	[tilespmem:$0xF360] =	vst v0  }
0x87: {  	[tilespmem:$0xF370] =	vst v0  }
0x88: {  	[tilespmem:$0xF380] =	vst v0  }
0x89: {  	[tilespmem:$0xF390] =	vst v0  }
0x8a: {  	[tilespmem:$0xF3A0] =	vst v0  }
0x8b: {  	[tilespmem:$0xF3B0] =	vst v0  }
0x8c: {  	[tilespmem:$0xF3C0] =	vst v0  }
0x8d: {  	[tilespmem:$0xF3D0] =	vst v0  }
0x8e: {  	[tilespmem:$0xF3E0] =	vst v0  }
0x8f: {  	[tilespmem:$0xF3F0] =	vst v0  }
0x90: {  	[tilespmem:$0xF400] =	vst v0  }
0x91: {  	[tilespmem:$0xF410] =	vst v0  }
0x92: {  	[tilespmem:$0xF420] =	vst v0  }
0x93: {  	[tilespmem:$0xF430] =	vst v0  }
0x94: {  	[tilespmem:$0xF440] =	vst v0  }
0x95: {  	[tilespmem:$0xF450] =	vst v0  }
0x96: {  	[tilespmem:$0xF460] =	vst v0  }
0x97: {  	[tilespmem:$0xF470] =	vst v0  }
0x98: {  	[tilespmem:$0xF480] =	vst v0  }
0x99: {  	[tilespmem:$0xF490] =	vst v0  }
0x9a: {  	[tilespmem:$0xF4A0] =	vst v0  }
0x9b: {  	[tilespmem:$0xF4B0] =	vst v0  }
0x9c: {  	[tilespmem:$0xF4C0] =	vst v0  }
0x9d: {  	[tilespmem:$0xF4D0] =	vst v0  }
0x9e: {  	[tilespmem:$0xF4E0] =	vst v0  }
0x9f: {  	[tilespmem:$0xF4F0] =	vst v0  }
0xa0: {  	[tilespmem:$0xF500] =	vst v0  }
0xa1: {  	[tilespmem:$0xF510] =	vst v0  }
0xa2: {  	[tilespmem:$0xF520] =	vst v0  }
0xa3: {  	[tilespmem:$0xF530] =	vst v0  }
0xa4: {  	[tilespmem:$0xF540] =	vst v0  }
0xa5: {  	[tilespmem:$0xF550] =	vst v0  }
0xa6: {  	[tilespmem:$0xF560] =	vst v0  }
0xa7: {  	[tilespmem:$0xF570] =	vst v0  }
0xa8: {  	[tilespmem:$0xF580] =	vst v0  }
0xa9: {  	[tilespmem:$0xF590] =	vst v0  }
0xaa: {  	[tilespmem:$0xF5A0] =	vst v0  }
0xab: {  	[tilespmem:$0xF5B0] =	vst v0  }
0xac: {  	[tilespmem:$0xF5C0] =	vst v0  }
0xad: {  	[tilespmem:$0xF5D0] =	vst v0  }
0xae: {  	[tilespmem:$0xF5E0] =	vst v0  }
0xaf: {  	[tilespmem:$0xF5F0] =	vst v0  }
0xb0: {  	[tilespmem:$0xF600] =	vst v0  }
0xb1: {  	[tilespmem:$0xF610] =	vst v0  }
0xb2: {  	[tilespmem:$0xF620] =	vst v0  }
0xb3: {  	[tilespmem:$0xF630] =	vst v0  }
0xb4: {  	[tilespmem:$0xF640] =	vst v0  }
0xb5: {  	[tilespmem:$0xF650] =	vst v0  }
0xb6: {  	[tilespmem:$0xF660] =	vst v0  }
0xb7: {  	[tilespmem:$0xF670] =	vst v0  }
0xb8: {  	[tilespmem:$0xF680] =	vst v0  }
0xb9: {  	[tilespmem:$0xF690] =	vst v0  }
0xba: {  	[tilespmem:$0xF6A0] =	vst v0  }
0xbb: {  	[tilespmem:$0xF6B0] =	vst v0  }
0xbc: {  	[tilespmem:$0xF6C0] =	vst v0  }
0xbd: {  	[tilespmem:$0xF6D0] =	vst v0  }
0xbe: {  	[tilespmem:$0xF6E0] =	vst v0  }
0xbf: {  	[tilespmem:$0xF6F0] =	vst v0  }
0xc0: {  	[tilespmem:$0xF700] =	vst v0  }
0xc1: {  	[tilespmem:$0xF710] =	vst v0  }
0xc2: {  	[tilespmem:$0xF720] =	vst v0  }
0xc3: {  	[tilespmem:$0xF730] =	vst v0  }
0xc4: {  	[tilespmem:$0xF740] =	vst v0  }
0xc5: {  	[tilespmem:$0xF750] =	vst v0  }
0xc6: {  	[tilespmem:$0xF760] =	vst v0  }
0xc7: {  	[tilespmem:$0xF770] =	vst v0  }
0xc8: {  	[tilespmem:$0xF780] =	vst v0  }
0xc9: {  	[tilespmem:$0xF790] =	vst v0  }
0xca: {  	[tilespmem:$0xF7A0] =	vst v0  }
0xcb: {  	[tilespmem:$0xF7B0] =	vst v0  }
0xcc: {  	[tilespmem:$0xF7C0] =	vst v0  }
0xcd: {  	[tilespmem:$0xF7D0] =	vst v0  }
0xce: {  	[tilespmem:$0xF7E0] =	vst v0  }
0xcf: {  	[tilespmem:$0xF7F0] =	vst v0  }
0xd0: {  	[tilespmem:$0xF800] =	vst v0  }
0xd1: {  	[tilespmem:$0xF810] =	vst v0  }
0xd2: {  	[tilespmem:$0xF820] =	vst v0  }
0xd3: {  	[tilespmem:$0xF830] =	vst v0  }
0xd4: {  	[tilespmem:$0xF840] =	vst v0  }
0xd5: {  	[tilespmem:$0xF850] =	vst v0  }
0xd6: {  	[tilespmem:$0xF860] =	vst v0  }
0xd7: {  	[tilespmem:$0xF870] =	vst v0  }
0xd8: {  	[tilespmem:$0xF880] =	vst v0  }
0xd9: {  	[tilespmem:$0xF890] =	vst v0  }
0xda: {  	[tilespmem:$0xF8A0] =	vst v0  }
0xdb: {  	[tilespmem:$0xF8B0] =	vst v0  }
0xdc: {  	[tilespmem:$0xF8C0] =	vst v0  }
0xdd: {  	[tilespmem:$0xF8D0] =	vst v0  }
0xde: {  	[tilespmem:$0xF8E0] =	vst v0  }
0xdf: {  	[tilespmem:$0xF8F0] =	vst v0  }
0xe0: {  	[tilespmem:$0xF900] =	vst v0  }
0xe1: {  	[tilespmem:$0xF910] =	vst v0  }
0xe2: {  	[tilespmem:$0xF920] =	vst v0  }
0xe3: {  	[tilespmem:$0xF930] =	vst v0  }
0xe4: {  	[tilespmem:$0xF940] =	vst v0  }
0xe5: {  	[tilespmem:$0xF950] =	vst v0  }
0xe6: {  	[tilespmem:$0xF960] =	vst v0  }
0xe7: {  	[tilespmem:$0xF970] =	vst v0  }
0xe8: {  	[tilespmem:$0xF980] =	vst v0  }
0xe9: {  	[tilespmem:$0xF990] =	vst v0  }
0xea: {  	[tilespmem:$0xF9A0] =	vst v0  }
0xeb: {  	[tilespmem:$0xF9B0] =	vst v0  }
0xec: {  	[tilespmem:$0xF9C0] =	vst v0  }
0xed: {  	[tilespmem:$0xF9D0] =	vst v0  }
0xee: {  	[tilespmem:$0xF9E0] =	vst v0  }
0xef: {  	[tilespmem:$0xF9F0] =	vst v0  }
0xf0: {  	[tilespmem:$0xFA00] =	vst v0  }
0xf1: {  	[tilespmem:$0xFA10] =	vst v0  }
0xf2: {  	[tilespmem:$0xFA20] =	vst v0  }
0xf3: {  	[tilespmem:$0xFA30] =	vst v0  }
0xf4: {  	[tilespmem:$0xFA40] =	vst v0  }
0xf5: {  	[tilespmem:$0xFA50] =	vst v0  }
0xf6: {  	[tilespmem:$0xFA60] =	vst v0  }
0xf7: {  	[tilespmem:$0xFA70] =	vst v0  }
0xf8: {  	[tilespmem:$0xFA80] =	vst v0  }
0xf9: {  	[tilespmem:$0xFA90] =	vst v0  }
0xfa: {  	[tilespmem:$0xFAA0] =	vst v0  }
0xfb: {  	[tilespmem:$0xFAB0] =	vst v0  }
0xfc: {  	[tilespmem:$0xFAC0] =	vst v0  }
0xfd: {  	[tilespmem:$0xFAD0] =	vst v0  }
0xfe: {  	[tilespmem:$0xFAE0] =	vst v0  }
0xff: {  	[tilespmem:$0xFAF0] =	vst v0  }
0x100: {  	[tilespmem:$0xFB00] =	vst v0  }
0x101: {  	[tilespmem:$0xFB10] =	vst v0  }
0x102: {  	[tilespmem:$0xFB20] =	vst v0  }
0x103: {  	[tilespmem:$0xFB30] =	vst v0  }
0x104: {  	[tilespmem:$0xFB40] =	vst v0  }
0x105: {  	[tilespmem:$0xFB50] =	vst v0  }
0x106: {  	[tilespmem:$0xFB60] =	vst v0  }
0x107: {  	[tilespmem:$0xFB70] =	vst v0  }
0x108: {  	[tilespmem:$0xFB80] =	vst v0  }
0x109: {  	[tilespmem:$0xFB90] =	vst v0  }
0x10a: {  	[tilespmem:$0xFBA0] =	vst v0  }
0x10b: {  	[tilespmem:$0xFBB0] =	vst v0  }
0x10c: {  	[tilespmem:$0xFBC0] =	vst v0  }
0x10d: {  	[tilespmem:$0xFBD0] =	vst v0  }
0x10e: {  	[tilespmem:$0xFBE0] =	vst v0  }
0x10f: {  	[tilespmem:$0xFBF0] =	vst v0  }
0x110: {  	[tilespmem:$0xFC00] =	vst v0  }
0x111: {  	[tilespmem:$0xFC10] =	vst v0  }
0x112: {  	[tilespmem:$0xFC20] =	vst v0  }
0x113: {  	[tilespmem:$0xFC30] =	vst v0  }
0x114: {  	[tilespmem:$0xFC40] =	vst v0  }
0x115: {  	[tilespmem:$0xFC50] =	vst v0  }
0x116: {  	[tilespmem:$0xFC60] =	vst v0  }
0x117: {  	[tilespmem:$0xFC70] =	vst v0  }
0x118: {  	[tilespmem:$0xFC80] =	vst v0  }
0x119: {  	[tilespmem:$0xFC90] =	vst v0  }
0x11a: {  	[tilespmem:$0xFCA0] =	vst v0  }
0x11b: {  	[tilespmem:$0xFCB0] =	vst v0  }
0x11c: {  	[tilespmem:$0xFCC0] =	vst v0  }
0x11d: {  	[tilespmem:$0xFCD0] =	vst v0  }
0x11e: {  	[tilespmem:$0xFCE0] =	vst v0  }
0x11f: {  	[tilespmem:$0xFCF0] =	vst v0  }
0x120: {  	[tilespmem:$0xFD00] =	vst v0  }
0x121: {  	[tilespmem:$0xFD10] =	vst v0  }
0x122: {  	[tilespmem:$0xFD20] =	vst v0  }
0x123: {  	[tilespmem:$0xFD30] =	vst v0  }
0x124: {  	[tilespmem:$0xFD40] =	vst v0  }
0x125: {  	[tilespmem:$0xFD50] =	vst v0  }
0x126: {  	[tilespmem:$0xFD60] =	vst v0  }
0x127: {  	[tilespmem:$0xFD70] =	vst v0  }
0x128: {  	[tilespmem:$0xFD80] =	vst v0  }
0x129: {  	[tilespmem:$0xFD90] =	vst v0  }
0x12a: {  	[tilespmem:$0xFDA0] =	vst v0  }
0x12b: {  	[tilespmem:$0xFDB0] =	vst v0  }
0x12c: {  	[tilespmem:$0xFDC0] =	vst v0  }
0x12d: {  	[tilespmem:$0xFDD0] =	vst v0  }
0x12e: {  	[tilespmem:$0xFDE0] =	vst v0  }
0x12f: {  	[tilespmem:$0xFDF0] =	vst v0  }
0x130: {  	[tilespmem:$0xFE00] =	vst v0  }
0x131: {  	[tilespmem:$0xFE10] =	vst v0  }
0x132: {  	[tilespmem:$0xFE20] =	vst v0  }
0x133: {  	[tilespmem:$0xFE30] =	vst v0  }
0x134: {  	[tilespmem:$0xFE40] =	vst v0  }
0x135: {  	[tilespmem:$0xFE50] =	vst v0  }
0x136: {  	[tilespmem:$0xFE60] =	vst v0  }
0x137: {  	[tilespmem:$0xFE70] =	vst v0  }
0x138: {  	[tilespmem:$0xFE80] =	vst v0  }
0x139: {  	[tilespmem:$0xFE90] =	vst v0  }
0x13a: {  	[tilespmem:$0xFEA0] =	vst v0  }
0x13b: {  	[tilespmem:$0xFEB0] =	vst v0  }
0x13c: {  	[tilespmem:$0xFEC0] =	vst v0  }
0x13d: {  	[tilespmem:$0xFED0] =	vst v0  }
0x13e: {  	[tilespmem:$0xFEE0] =	vst v0  }
0x13f: {  	[tilespmem:$0xFEF0] =	vst v0  }
0x140: {  	[tilespmem:$0xFF00] =	vst v0  }
0x141: {  	[tilespmem:$0xFF10] =	vst v0  }
0x142: {  	[tilespmem:$0xFF20] =	vst v0  }
0x143: {  	[tilespmem:$0xFF30] =	vst v0  }
0x144: {  	[tilespmem:$0xFF40] =	vst v0  }
0x145: {  	[tilespmem:$0xFF50] =	vst v0  }
0x146: {  	[tilespmem:$0xFF60] =	vst v0  }
0x147: {  	[tilespmem:$0xFF70] =	vst v0  }
0x148: {  	[tilespmem:$0xFF80] =	vst v0  }
0x149: {  	[tilespmem:$0xFF90] =	vst v0  }
0x14a: {  	[tilespmem:$0xFFA0] =	vst v0  }
0x14b: {  	[tilespmem:$0xFFB0] =	vst v0  }
0x14c: {  	[tilespmem:$0xFFC0] =	vst v0  }
0x14d: {  	[tilespmem:$0xFFD0] =	vst v0  }
0x14e: {  	[tilespmem:$0xFFE0] =	vst v0  }
0x14f: {  	[tilespmem:$0xFFF0] =	vst v0  }
0x150: {  	[tilespmem:$0x10000] =	vst v0  }
0x151: {  	[tilespmem:$0x10010] =	vst v0  }
0x152: {  	[tilespmem:$0x10020] =	vst v0  }
0x153: {  	[tilespmem:$0x10030] =	vst v0  }
0x154: {  	[tilespmem:$0x10040] =	vst v0  }
0x155: {  	[tilespmem:$0x10050] =	vst v0  }
0x156: {  	[tilespmem:$0x10060] =	vst v0  }
0x157: {  	[tilespmem:$0x10C20] =	vst v0  }
0x158: {  	[tilespmem:$0x10C10] =	vst v0  }
0x159: {  	[tilespmem:$0x10C00] =	vst v0  }
0x15a: {  	[tilespmem:$0x10C30] =	vst v0  }
0x15b: {  	[tilespmem:$0x10070] =	vst v0  }
0x15c: {  	[tilespmem:$0x10080] =	vst v0  }
0x15d: {  	[tilespmem:$0x10090] =	vst v0  }
0x15e: {  	[tilespmem:$0x100A0] =	vst v0  }
0x15f: {  	[tilespmem:$0x100B0] =	vst v0  }
0x160: {  	[tilespmem:$0x100C0] =	vst v0  }
0x161: {  	[tilespmem:$0x100D0] =	vst v0  }
0x162: {  	[tilespmem:$0x100E0] =	vst v0  }
0x163: {  	[tilespmem:$0x100F0] =	vst v0  }
0x164: {  	[tilespmem:$0x10100] =	vst v0  }
0x165: {  	[tilespmem:$0x10110] =	vst v0  }
0x166: {  	[tilespmem:$0x10120] =	vst v0  }
0x167: {  	[tilespmem:$0x10130] =	vst v0  }
0x168: {  	[tilespmem:$0x10140] =	vst v0  }
0x169: {  	[tilespmem:$0x10150] =	vst v0  }
0x16a: {  	[tilespmem:$0x10160] =	vst v0  }
0x16b: {  	[tilespmem:$0x10170] =	vst v0  }
0x16c: {  	[tilespmem:$0x10180] =	vst v0  }
0x16d: {  	[tilespmem:$0x10190] =	vst v0  }
0x16e: {  	[tilespmem:$0x101A0] =	vst v0  }
0x16f: {  	[tilespmem:$0x101B0] =	vst v0  }
0x170: {  	[tilespmem:$0x101C0] =	vst v0  }
0x171: {  	[tilespmem:$0x101D0] =	vst v0  }
0x172: {  	[tilespmem:$0x101E0] =	vst v0  }
0x173: {  	[tilespmem:$0x101F0] =	vst v0  }
0x174: {  	[tilespmem:$0x10200] =	vst v0  }
0x175: {  	[tilespmem:$0x10210] =	vst v0  }
0x176: {  	[tilespmem:$0x10220] =	vst v0  }
0x177: {  	[tilespmem:$0x10230] =	vst v0  }
0x178: {  	[tilespmem:$0x10240] =	vst v0  }
0x179: {  	[tilespmem:$0x10250] =	vst v0  }
0x17a: {  	[tilespmem:$0x10260] =	vst v0  }
0x17b: {  	[tilespmem:$0x10270] =	vst v0  }
0x17c: {  	[tilespmem:$0x10280] =	vst v0  }
0x17d: {  	[tilespmem:$0x10290] =	vst v0  }
0x17e: {  	[tilespmem:$0x102A0] =	vst v0  }
0x17f: {  	[tilespmem:$0x102B0] =	vst v0  }
0x180: {  	[tilespmem:$0x102C0] =	vst v0  }
0x181: {  	[tilespmem:$0x102D0] =	vst v0  }
0x182: {  	[tilespmem:$0x102E0] =	vst v0  }
0x183: {  	[tilespmem:$0x102F0] =	vst v0  }
0x184: {  	[tilespmem:$0x10300] =	vst v0  }
0x185: {  	[tilespmem:$0x10310] =	vst v0  }
0x186: {  	[tilespmem:$0x10320] =	vst v0  }
0x187: {  	[tilespmem:$0x10330] =	vst v0  }
0x188: {  	[tilespmem:$0x10340] =	vst v0  }
0x189: {  	[tilespmem:$0x10350] =	vst v0  }
0x18a: {  	[tilespmem:$0x10360] =	vst v0  }
0x18b: {  	[tilespmem:$0x10370] =	vst v0  }
0x18c: {  	[tilespmem:$0x10380] =	vst v0  }
0x18d: {  	[tilespmem:$0x10390] =	vst v0  }
0x18e: {  	[tilespmem:$0x103A0] =	vst v0  }
0x18f: {  	[tilespmem:$0x103B0] =	vst v0  }
0x190: {  	[tilespmem:$0x103C0] =	vst v0  }
0x191: {  	[tilespmem:$0x103D0] =	vst v0  }
0x192: {  	[tilespmem:$0x103E0] =	vst v0  }
0x193: {  	[tilespmem:$0x103F0] =	vst v0  }
0x194: {  	[tilespmem:$0x10400] =	vst v0  }
0x195: {  	[tilespmem:$0x10410] =	vst v0  }
0x196: {  	[tilespmem:$0x10420] =	vst v0  }
0x197: {  	[tilespmem:$0x10430] =	vst v0  }
0x198: {  	[tilespmem:$0x10440] =	vst v0  }
0x199: {  	[tilespmem:$0x10450] =	vst v0  }
0x19a: {  	[tilespmem:$0x10460] =	vst v0  }
0x19b: {  	[tilespmem:$0x10470] =	vst v0  }
0x19c: {  	[tilespmem:$0x10480] =	vst v0  }
0x19d: {  	[tilespmem:$0x10490] =	vst v0  }
0x19e: {  	[tilespmem:$0x104A0] =	vst v0  }
0x19f: {  	[tilespmem:$0x104B0] =	vst v0  }
0x1a0: {  	[tilespmem:$0x104C0] =	vst v0  }
0x1a1: {  	[tilespmem:$0x104D0] =	vst v0  }
0x1a2: {  	[tilespmem:$0x104E0] =	vst v0  }
0x1a3: {  	[tilespmem:$0x104F0] =	vst v0  }
0x1a4: {  	[tilespmem:$0x10500] =	vst v0  }
0x1a5: {  	[tilespmem:$0x10510] =	vst v0  }
0x1a6: {  	[tilespmem:$0x10520] =	vst v0  }
0x1a7: {  	[tilespmem:$0x10530] =	vst v0  }
0x1a8: {  	[tilespmem:$0x10540] =	vst v0  }
0x1a9: {  	[tilespmem:$0x10550] =	vst v0  }
0x1aa: {  	[tilespmem:$0x10560] =	vst v0  }
0x1ab: {  	[tilespmem:$0x10570] =	vst v0  }
0x1ac: {  	[tilespmem:$0x10580] =	vst v0  }
0x1ad: {  	[tilespmem:$0x10590] =	vst v0  }
0x1ae: {  	[tilespmem:$0x105A0] =	vst v0  }
0x1af: {  	[tilespmem:$0x105B0] =	vst v0  }
0x1b0: {  	[tilespmem:$0x105C0] =	vst v0  }
0x1b1: {  	[tilespmem:$0x105D0] =	vst v0  }
0x1b2: {  	[tilespmem:$0x105E0] =	vst v0  }
0x1b3: {  	[tilespmem:$0x105F0] =	vst v0  }
0x1b4: {  	[tilespmem:$0x10600] =	vst v0  }
0x1b5: {  	[tilespmem:$0x10610] =	vst v0  }
0x1b6: {  	[tilespmem:$0x10620] =	vst v0  }
0x1b7: {  	[tilespmem:$0x10630] =	vst v0  }
0x1b8: {  	[tilespmem:$0x10640] =	vst v0  }
0x1b9: {  	[tilespmem:$0x10650] =	vst v0  }
0x1ba: {  	[tilespmem:$0x10660] =	vst v0  }
0x1bb: {  	[tilespmem:$0x10670] =	vst v0  }
0x1bc: {  	[tilespmem:$0x10680] =	vst v0  }
0x1bd: {  	[tilespmem:$0x10690] =	vst v0  }
0x1be: {  	[tilespmem:$0x106A0] =	vst v0  }
0x1bf: {  	[tilespmem:$0x106B0] =	vst v0  }
0x1c0: {  	[tilespmem:$0x106C0] =	vst v0  }
0x1c1: {  	[tilespmem:$0x106D0] =	vst v0  }
0x1c2: {  	[tilespmem:$0x106E0] =	vst v0  }
0x1c3: {  	[tilespmem:$0x106F0] =	vst v0  }
0x1c4: {  	[tilespmem:$0x10700] =	vst v0  }
0x1c5: {  	[tilespmem:$0x10710] =	vst v0  }
0x1c6: {  	[tilespmem:$0x10720] =	vst v0  }
0x1c7: {  	[tilespmem:$0x10730] =	vst v0  }
0x1c8: {  	[tilespmem:$0x10740] =	vst v0  }
0x1c9: {  	[tilespmem:$0x10750] =	vst v0  }
0x1ca: {  	[tilespmem:$0x10760] =	vst v0  }
0x1cb: {  	[tilespmem:$0x10770] =	vst v0  }
0x1cc: {  	[tilespmem:$0x10780] =	vst v0  }
0x1cd: {  	[tilespmem:$0x10790] =	vst v0  }
0x1ce: {  	[tilespmem:$0x107A0] =	vst v0  }
0x1cf: {  	[tilespmem:$0x107B0] =	vst v0  }
0x1d0: {  	[tilespmem:$0x107C0] =	vst v0  }
0x1d1: {  	[tilespmem:$0x107D0] =	vst v0  }
0x1d2: {  	[tilespmem:$0x107E0] =	vst v0  }
0x1d3: {  	[tilespmem:$0x107F0] =	vst v0  }
0x1d4: {  	[tilespmem:$0x10800] =	vst v0  }
0x1d5: {  	[tilespmem:$0x10810] =	vst v0  }
0x1d6: {  	[tilespmem:$0x10820] =	vst v0  }
0x1d7: {  	[tilespmem:$0x10830] =	vst v0  }
0x1d8: {  	[tilespmem:$0x10840] =	vst v0  }
0x1d9: {  	[tilespmem:$0x10850] =	vst v0  }
0x1da: {  	[tilespmem:$0x10860] =	vst v0  }
0x1db: {  	[tilespmem:$0x10870] =	vst v0  }
0x1dc: {  	[tilespmem:$0x10880] =	vst v0  }
0x1dd: {  	[tilespmem:$0x10890] =	vst v0  }
0x1de: {  	[tilespmem:$0x108A0] =	vst v0  }
0x1df: {  	[tilespmem:$0x108B0] =	vst v0  }
0x1e0: {  	[tilespmem:$0x108C0] =	vst v0  }
0x1e1: {  	[tilespmem:$0x108D0] =	vst v0  }
0x1e2: {  	[tilespmem:$0x108E0] =	vst v0  }
0x1e3: {  	[tilespmem:$0x108F0] =	vst v0  }
0x1e4: {  	[tilespmem:$0x10900] =	vst v0  }
0x1e5: {  	[tilespmem:$0x10910] =	vst v0  }
0x1e6: {  	[tilespmem:$0x10920] =	vst v0  }
0x1e7: {  	[tilespmem:$0x10930] =	vst v0  }
0x1e8: {  	[tilespmem:$0x10940] =	vst v0  }
0x1e9: {  	[tilespmem:$0x10950] =	vst v0  }
0x1ea: {  	[tilespmem:$0x10960] =	vst v0  }
0x1eb: {  	[tilespmem:$0x10970] =	vst v0  }
0x1ec: {  	[tilespmem:$0x10980] =	vst v0  }
0x1ed: {  	[tilespmem:$0x10990] =	vst v0  }
0x1ee: {  	[tilespmem:$0x109A0] =	vst v0  }
0x1ef: {  	[tilespmem:$0x109B0] =	vst v0  }
0x1f0: {  	[tilespmem:$0x109C0] =	vst v0  }
0x1f1: {  	[tilespmem:$0x109D0] =	vst v0  }
0x1f2: {  	[tilespmem:$0x109E0] =	vst v0  }
0x1f3: {  	[tilespmem:$0x109F0] =	vst v0  }
0x1f4: {  	[tilespmem:$0x10A00] =	vst v0  }
0x1f5: {  	[tilespmem:$0x10A10] =	vst v0  }
0x1f6: {  	[tilespmem:$0x10A20] =	vst v0  }
0x1f7: {  	[tilespmem:$0x10A30] =	vst v0  }
0x1f8: {  	[tilespmem:$0x10A40] =	vst v0  }
0x1f9: {  	[tilespmem:$0x10A50] =	vst v0  }
0x1fa: {  	[tilespmem:$0x10A60] =	vst v0  }
0x1fb: {  	[tilespmem:$0x10A70] =	vst v0  }
0x1fc: {  	[tilespmem:$0x10A80] =	vst v0  }
0x1fd: {  	[tilespmem:$0x10A90] =	vst v0  }
0x1fe: {  	[tilespmem:$0x10AA0] =	vst v0  }
0x1ff: {  	[tilespmem:$0x10AB0] =	vst v0  }
0x200: {  	[tilespmem:$0x10AC0] =	vst v0  }
0x201: {  	[tilespmem:$0x10AD0] =	vst v0  }
0x202: {  	[tilespmem:$0x10AE0] =	vst v0  }
0x203: {  	[tilespmem:$0x10AF0] =	vst v0  }
0x204: {  	[tilespmem:$0x10B00] =	vst v0  }
0x205: {  	[tilespmem:$0x10B10] =	vst v0  }
0x206: {  	[tilespmem:$0x10B20] =	vst v0  }
0x207: {  	[tilespmem:$0x10B30] =	vst v0  }
0x208: {  	[tilespmem:$0x10B40] =	vst v0  }
0x209: {  	[tilespmem:$0x10B50] =	vst v0  }
0x20a: {  	[tilespmem:$0x10B60] =	vst v0  }
0x20b: {  	[tilespmem:$0x10B70] =	vst v0  }
0x20c: {  	[tilespmem:$0x10B80] =	vst v0  }
0x20d: {  	[tilespmem:$0x10B90] =	vst v0  }
0x20e: {  	[tilespmem:$0x10BA0] =	vst v0  }
0x20f: {  	[tilespmem:$0x10BB0] =	vst v0  }
0x210: {  	[tilespmem:$0x10BC0] =	vst v0  }
0x211: {  	[tilespmem:$0x10BD0] =	vst v0  }
0x212: {  	[tilespmem:$0x10BE0] =	vst v0  }
0x213: {  	[tilespmem:$0x10BF0] =	vst v0;
	s5 =	rddreg [dreg:$0x3]  }
0x214: {  	[tilespmem:s3], [sflag:$0x1] =	stream.linear.gather [hbm4b:s5+s3], $0x2800, $0x38;
	[tilespmem:$0x1AC40] =	vst v63  }
0x215: {  	s6 =	simm.s32 $0x2800;
	s8 =	rddreg [dreg:$0x4]  }
0x216: {  	[tilespmem:s6], [sflag:$0x2] =	stream.linear.gather [hbm4b:s8+s3], $0x2800, $0x38;
	[tilespmem:$0x1AC40] =	vst v63  }
0x217: {  	_ = 	snop  }
0x218: {  	[spmem:s7] =	stream.linear.scatter [tilespmem:s15], [sflag:$0xB], $0x2000, $0x38;
	[tilespmem:$0x1AC40] =	vst v63  }
0x219: {  	_ =	swait.ge [sflag:s16], $0x2000  }
0x21a: {  	[sflag:s16] =	ssyncset.done $0x0  }
0x21b: {  	s6 =	rddreg [dreg:$0x5];
	[sflag:s16] =	ssyncadd.s32 $0xFFFFE000  }
0x21c: {  	[spmem:s6] =	stream.linear.scatter [tilespmem:s15], [sflag:$0xB], $0x2000, $0x38;
	[tilespmem:$0x1AC40] =	vst v63  }
0x21d: {  	_ =	swait.ge [sflag:s16], $0x2000  }
0x21e: {  	[sflag:s16] =	ssyncset.done $0x0  }
0x21f: {  	[sflag:s16] =	ssyncadd.s32 $0xFFFFE000  }
0x220: {  	[spmem:s9] =	stream.linear.scatter [tilespmem:s15], [sflag:$0xB], $0x2000, $0x38;
	[tilespmem:$0x1AC40] =	vst v63  }
0x221: {  	_ =	swait.ge [sflag:s16], $0x2000  }
0x222: {  	[sflag:s16] =	ssyncset.done $0x0  }
0x223: {  	[sflag:s16] =	ssyncadd.s32 $0xFFFFE000  }
0x224: {  	[spmem:s10] =	stream.linear.scatter [tilespmem:s15], [sflag:$0xB], $0x2000, $0x38;
	[tilespmem:$0x1AC40] =	vst v63  }
0x225: {  	_ =	swait.ge [sflag:s16], $0x2000  }
0x226: {  	[sflag:s16] =	ssyncset.done $0x0  }
0x227: {  	[sflag:s16] =	ssyncadd.s32 $0xFFFFE000  }
0x228: {  	[spmem:s11] =	stream.linear.scatter [tilespmem:s15], [sflag:$0xB], $0x2000, $0x38;
	[tilespmem:$0x1AC40] =	vst v63  }
0x229: {  	_ =	swait.ge [sflag:s16], $0x2000  }
0x22a: {  	[sflag:s16] =	ssyncset.done $0x0  }
0x22b: {  	[sflag:s16] =	ssyncadd.s32 $0xFFFFE000  }
0x22c: {  	_ =	swait.ge [sflag:s17], $0x2800  }
0x22d: {  	[sflag:s17] =	ssyncset.done $0x0  }
0x22e: {  	[sflag:s17] =	ssyncadd.s32 $0xFFFFD800  }
0x22f: {  	_ =	swait.ge [sflag:s18], $0x2800  }
0x230: {  	[sflag:s18] =	ssyncset.done $0x0  }
0x231: {  	[sflag:s18] =	ssyncadd.s32 $0xFFFFD800  }
0x232: {  	[bflag:$0x0] =	sbarrier.arrive $0xFFFF  }
0x233: {  	[tilespmem:s20], [sflag:$0x1] =	stream.indirect.gather [hbm4b:s4+s19], $0x40, s3, s19, $0xb8;
	[tilespmem:$0x1AC40] =	vst v63  }
0x234: {  	s8 =	simm.s32 $0x80  }
0x235: {  	[tilespmem:s22], [sflag:$0x2] =	stream.indirect.gather [hbm4b:s4+s19], $0x40, s8, s19, $0xb8;
	[tilespmem:$0x1AC40] =	vst v63  }
0x236: {  	s6 =	simm.s32 $0x100  }
0x237: {  	[tilespmem:s24], [sflag:$0x3] =	stream.indirect.gather [hbm4b:s4+s19], $0x40, s6, s19, $0xb8;
	[tilespmem:$0x1AC40] =	vst v63  }
0x238: {  	s8 =	simm.s32 $0x180  }
0x239: {  	[tilespmem:s26], [sflag:$0x4] =	stream.indirect.gather [hbm4b:s4+s19], $0x40, s8, s19, $0xb8;
	[tilespmem:$0x1AC40] =	vst v63  }
0x23a: {  	s6 =	simm.s32 $0x200  }
0x23b: {  	[tilespmem:s29], [sflag:$0x5] =	stream.indirect.gather [hbm4b:s4+s19], $0x40, s6, s19, $0xb8;
	[tilespmem:$0x1AC40] =	vst v63  }
0x23c: {  	_ =	swait.ge [sflag:s17], $0x1F40  }
0x23d: {  	[sflag:s17] =	ssyncset.done $0x0  }
0x23e: {  	s8 =	simm.s32 $0x2800;
	[sflag:s17] =	ssyncadd.s32 $0xFFFFE0C0  }
0x23f: {  	[spmem:s2] =	stream.indirect.scatter.add.f32 [tilespmem:s20], [sflag:$0x6], $0x40, s8, s19, $0xb8;
	[tilespmem:$0x1AC40] =	vst v63  }
0x240: {  	_ =	swait.ge [sflag:s30], $0x1F40  }
0x241: {  	[sflag:s30] =	ssyncset.done $0x0  }
0x242: {  	s6 =	simm.s32 $0x280;
	[sflag:s30] =	ssyncadd.s32 $0xFFFFE0C0  }
0x243: {  	[tilespmem:s20], [sflag:$0x1] =	stream.indirect.gather [hbm4b:s4+s19], $0x40, s6, s19, $0xb8;
	[tilespmem:$0x1AC40] =	vst v63  }
0x244: {  	_ =	swait.ge [sflag:s18], $0x1F40  }
0x245: {  	[sflag:s18] =	ssyncset.done $0x0  }
0x246: {  	s8 =	simm.s32 $0x2880;
	[sflag:s18] =	ssyncadd.s32 $0xFFFFE0C0  }
0x247: {  	[spmem:s2] =	stream.indirect.scatter.add.f32 [tilespmem:s22], [sflag:$0x7], $0x40, s8, s19, $0xb8;
	[tilespmem:$0x1AC40] =	vst v63  }
0x248: {  	_ =	swait.ge [sflag:s31], $0x1F40  }
0x249: {  	[sflag:s31] =	ssyncset.done $0x0  }
0x24a: {  	s6 =	simm.s32 $0x300;
	[sflag:s31] =	ssyncadd.s32 $0xFFFFE0C0  }
0x24b: {  	[tilespmem:s22], [sflag:$0x2] =	stream.indirect.gather [hbm4b:s4+s19], $0x40, s6, s19, $0xb8;
	[tilespmem:$0x1AC40] =	vst v63  }
0x24c: {  	_ =	swait.ge [sflag:s1], $0x1F40  }
0x24d: {  	[sflag:s1] =	ssyncset.done $0x0  }
0x24e: {  	s8 =	simm.s32 $0x2900;
	[sflag:s1] =	ssyncadd.s32 $0xFFFFE0C0  }
0x24f: {  	[spmem:s2] =	stream.indirect.scatter.add.f32 [tilespmem:s24], [sflag:$0x8], $0x40, s8, s19, $0xb8;
	[tilespmem:$0x1AC40] =	vst v63  }
0x250: {  	_ =	swait.ge [sflag:s14], $0x1F40  }
0x251: {  	[sflag:s14] =	ssyncset.done $0x0  }
0x252: {  	s6 =	simm.s32 $0x380;
	[sflag:s14] =	ssyncadd.s32 $0xFFFFE0C0  }
0x253: {  	[tilespmem:s24], [sflag:$0x3] =	stream.indirect.gather [hbm4b:s4+s19], $0x40, s6, s19, $0xb8;
	[tilespmem:$0x1AC40] =	vst v63  }
0x254: {  	_ =	swait.ge [sflag:s21], $0x1F40  }
0x255: {  	[sflag:s21] =	ssyncset.done $0x0  }
0x256: {  	s8 =	simm.s32 $0x2980;
	[sflag:s21] =	ssyncadd.s32 $0xFFFFE0C0  }
0x257: {  	[spmem:s2] =	stream.indirect.scatter.add.f32 [tilespmem:s26], [sflag:$0x9], $0x40, s8, s19, $0xb8;
	[tilespmem:$0x1AC40] =	vst v63  }
0x258: {  	_ =	swait.ge [sflag:s23], $0x1F40  }
0x259: {  	[sflag:s23] =	ssyncset.done $0x0  }
0x25a: {  	s6 =	simm.s32 $0x400;
	[sflag:s23] =	ssyncadd.s32 $0xFFFFE0C0  }
0x25b: {  	[tilespmem:s26], [sflag:$0x4] =	stream.indirect.gather [hbm4b:s4+s19], $0x40, s6, s19, $0xb8;
	[tilespmem:$0x1AC40] =	vst v63  }
0x25c: {  	_ =	swait.ge [sflag:s25], $0x1F40  }
0x25d: {  	[sflag:s25] =	ssyncset.done $0x0  }
0x25e: {  	s8 =	simm.s32 $0x2A00;
	[sflag:s25] =	ssyncadd.s32 $0xFFFFE0C0  }
0x25f: {  	[spmem:s2] =	stream.indirect.scatter.add.f32 [tilespmem:s29], [sflag:$0xA], $0x40, s8, s19, $0xb8;
	[tilespmem:$0x1AC40] =	vst v63  }
0x260: {  	_ =	swait.ge [sflag:s28], $0x1F40  }
0x261: {  	[sflag:s28] =	ssyncset.done $0x0  }
0x262: {  	s5 =	simm.s32 $0xA00;
	s6 =	simm.s32 $0x480;
	[sflag:s28] =	ssyncadd.s32 $0xFFFFE0C0  }
.LBB2_2:
0x263: {  	[tilespmem:s29], [sflag:$0x5] =	stream.indirect.gather [hbm4b:s4+s19], $0x40, s6, s19, $0xb8;
	[tilespmem:$0x1AC40] =	vst v63  }
0x264: {  	s6 =	smov.u32 s5  }
0x265: {  	p0 =	sne.s32 s5, $0x8C00;
	s5 =	sadd.s32 $0xA00, s5;
	_ =	swait.ge [sflag:s17], $0x1F40  }
0x266: {  	s6 =	sshra.s32 s6, $0x2;
	[sflag:s17] =	ssyncset.done $0x0  }
0x267: {  	s8 =	sadd.s32 $0x2800, s6;
	[sflag:s17] =	ssyncadd.s32 $0xFFFFE0C0  }
0x268: {  	[spmem:s2] =	stream.indirect.scatter.add.f32 [tilespmem:s20], [sflag:$0x6], $0x40, s8, s19, $0xb8;
	[tilespmem:$0x1AC40] =	vst v63  }
0x269: {  	_ =	swait.ge [sflag:s30], $0x1F40  }
0x26a: {  	[sflag:s30] =	ssyncset.done $0x0  }
0x26b: {  	s8 =	sadd.s32 $0x280, s6;
	[sflag:s30] =	ssyncadd.s32 $0xFFFFE0C0  }
0x26c: {  	[tilespmem:s20], [sflag:$0x1] =	stream.indirect.gather [hbm4b:s4+s19], $0x40, s8, s19, $0xb8;
	[tilespmem:$0x1AC40] =	vst v63  }
0x26d: {  	_ =	swait.ge [sflag:s18], $0x1F40  }
0x26e: {  	[sflag:s18] =	ssyncset.done $0x0  }
0x26f: {  	s8 =	sadd.s32 $0x2880, s6;
	[sflag:s18] =	ssyncadd.s32 $0xFFFFE0C0  }
0x270: {  	[spmem:s2] =	stream.indirect.scatter.add.f32 [tilespmem:s22], [sflag:$0x7], $0x40, s8, s19, $0xb8;
	[tilespmem:$0x1AC40] =	vst v63  }
0x271: {  	_ =	swait.ge [sflag:s31], $0x1F40  }
0x272: {  	[sflag:s31] =	ssyncset.done $0x0  }
0x273: {  	s8 =	sadd.s32 $0x300, s6;
	[sflag:s31] =	ssyncadd.s32 $0xFFFFE0C0  }
0x274: {  	[tilespmem:s22], [sflag:$0x2] =	stream.indirect.gather [hbm4b:s4+s19], $0x40, s8, s19, $0xb8;
	[tilespmem:$0x1AC40] =	vst v63  }
0x275: {  	_ =	swait.ge [sflag:s1], $0x1F40  }
0x276: {  	[sflag:s1] =	ssyncset.done $0x0  }
0x277: {  	s8 =	sadd.s32 $0x2900, s6;
	[sflag:s1] =	ssyncadd.s32 $0xFFFFE0C0  }
0x278: {  	[spmem:s2] =	stream.indirect.scatter.add.f32 [tilespmem:s24], [sflag:$0x8], $0x40, s8, s19, $0xb8;
	[tilespmem:$0x1AC40] =	vst v63  }
0x279: {  	_ =	swait.ge [sflag:s14], $0x1F40  }
0x27a: {  	[sflag:s14] =	ssyncset.done $0x0  }
0x27b: {  	s8 =	sadd.s32 $0x380, s6;
	[sflag:s14] =	ssyncadd.s32 $0xFFFFE0C0  }
0x27c: {  	[tilespmem:s24], [sflag:$0x3] =	stream.indirect.gather [hbm4b:s4+s19], $0x40, s8, s19, $0xb8;
	[tilespmem:$0x1AC40] =	vst v63  }
0x27d: {  	_ =	swait.ge [sflag:s21], $0x1F40  }
0x27e: {  	[sflag:s21] =	ssyncset.done $0x0  }
0x27f: {  	s8 =	sadd.s32 $0x2980, s6;
	[sflag:s21] =	ssyncadd.s32 $0xFFFFE0C0  }
0x280: {  	[spmem:s2] =	stream.indirect.scatter.add.f32 [tilespmem:s26], [sflag:$0x9], $0x40, s8, s19, $0xb8;
	[tilespmem:$0x1AC40] =	vst v63  }
0x281: {  	_ =	swait.ge [sflag:s23], $0x1F40  }
0x282: {  	[sflag:s23] =	ssyncset.done $0x0  }
0x283: {  	s8 =	sadd.s32 $0x400, s6;
	[sflag:s23] =	ssyncadd.s32 $0xFFFFE0C0  }
0x284: {  	[tilespmem:s26], [sflag:$0x4] =	stream.indirect.gather [hbm4b:s4+s19], $0x40, s8, s19, $0xb8;
	[tilespmem:$0x1AC40] =	vst v63  }
0x285: {  	_ =	swait.ge [sflag:s25], $0x1F40  }
0x286: {  	[sflag:s25] =	ssyncset.done $0x0  }
.Ltmp0:
0x287: {  	s8 =	sadd.s32 $0x2A00, s6;
	[sflag:s25] =	ssyncadd.s32 $0xFFFFE0C0;
	(pc) =	sbr.rel @p0 .LBB2_2-.Ltmp0, $4  }
0x288: {  	[spmem:s2] =	stream.indirect.scatter.add.f32 [tilespmem:s29], [sflag:$0xA], $0x40, s8, s19, $0xb8;
	[tilespmem:$0x1AC40] =	vst v63  }
0x289: {  	_ =	swait.ge [sflag:s28], $0x1F40  }
0x28a: {  	[sflag:s28] =	ssyncset.done $0x0  }
0x28b: {  	s6 =	sadd.s32 $0x480, s6;
	[sflag:s28] =	ssyncadd.s32 $0xFFFFE0C0  }
0x28c: {  	[tilespmem:s29], [sflag:$0x5] =	stream.indirect.gather [hbm4b:s4+s19], $0x40, s6, s19, $0xb8;
	[tilespmem:$0x1AC40] =	vst v63  }
0x28d: {  	_ =	swait.ge [sflag:s17], $0x1F40  }
0x28e: {  	[sflag:s17] =	ssyncset.done $0x0  }
0x28f: {  	s5 =	simm.s32 $0x4D80;
	[sflag:s17] =	ssyncadd.s32 $0xFFFFE0C0  }
0x290: {  	[spmem:s2] =	stream.indirect.scatter.add.f32 [tilespmem:s20], [sflag:$0x6], $0x40, s5, s19, $0xb8;
	[tilespmem:$0x1AC40] =	vst v63  }
0x291: {  	_ =	swait.ge [sflag:s18], $0x1F40  }
0x292: {  	[sflag:s18] =	ssyncset.done $0x0  }
0x293: {  	s6 =	simm.s32 $0x4E00;
	[sflag:s18] =	ssyncadd.s32 $0xFFFFE0C0  }
0x294: {  	[spmem:s2] =	stream.indirect.scatter.add.f32 [tilespmem:s22], [sflag:$0x7], $0x40, s6, s19, $0xb8;
	[tilespmem:$0x1AC40] =	vst v63  }
0x295: {  	_ =	swait.ge [sflag:s1], $0x1F40  }
0x296: {  	[sflag:s1] =	ssyncset.done $0x0  }
0x297: {  	s8 =	simm.s32 $0x4E80;
	[sflag:s1] =	ssyncadd.s32 $0xFFFFE0C0  }
0x298: {  	[spmem:s2] =	stream.indirect.scatter.add.f32 [tilespmem:s24], [sflag:$0x8], $0x40, s8, s19, $0xb8;
	[tilespmem:$0x1AC40] =	vst v63  }
0x299: {  	_ =	swait.ge [sflag:s21], $0x1F40  }
0x29a: {  	[sflag:s21] =	ssyncset.done $0x0  }
0x29b: {  	s6 =	simm.s32 $0x4F00;
	[sflag:s21] =	ssyncadd.s32 $0xFFFFE0C0  }
0x29c: {  	[spmem:s2] =	stream.indirect.scatter.add.f32 [tilespmem:s26], [sflag:$0x9], $0x40, s6, s19, $0xb8;
	[tilespmem:$0x1AC40] =	vst v63  }
0x29d: {  	_ =	swait.ge [sflag:s25], $0x1F40  }
0x29e: {  	[sflag:s25] =	ssyncset.done $0x0  }
0x29f: {  	s8 =	simm.s32 $0x4F80;
	[sflag:s25] =	ssyncadd.s32 $0xFFFFE0C0  }
0x2a0: {  	[spmem:s2] =	stream.indirect.scatter.add.f32 [tilespmem:s29], [sflag:$0xA], $0x40, s8, s19, $0xb8;
	[tilespmem:$0x1AC40] =	vst v63  }
0x2a1: {  	_ =	swait.ge [sflag:s30], $0x1F40  }
0x2a2: {  	[sflag:s30] =	ssyncset.done $0x0  }
0x2a3: {  	[sflag:s30] =	ssyncadd.s32 $0xFFFFE0C0  }
0x2a4: {  	_ =	swait.ge [sflag:s31], $0x1F40  }
0x2a5: {  	[sflag:s31] =	ssyncset.done $0x0  }
0x2a6: {  	[sflag:s31] =	ssyncadd.s32 $0xFFFFE0C0  }
0x2a7: {  	_ =	swait.ge [sflag:s14], $0x1F40  }
0x2a8: {  	[sflag:s14] =	ssyncset.done $0x0  }
0x2a9: {  	[sflag:s14] =	ssyncadd.s32 $0xFFFFE0C0  }
0x2aa: {  	_ =	swait.ge [sflag:s23], $0x1F40  }
0x2ab: {  	[sflag:s23] =	ssyncset.done $0x0  }
0x2ac: {  	[sflag:s23] =	ssyncadd.s32 $0xFFFFE0C0  }
0x2ad: {  	s6 =	stileid.u32;
	_ =	swait.ge [sflag:s28], $0x1F40  }
0x2ae: {  	s0 =	sadd.s32 $0x1, s0;
	s5 =	sshll.u32 s6, $0x6;
	[sflag:s28] =	ssyncset.done $0x0  }
0x2af: {  	p0 =	sne.s32 s0, s12;
	s5 =	sor.u32 $0x1C0B, s5;
	[sflag:s28] =	ssyncadd.s32 $0xFFFFE0C0  }
.Ltmp1:
0x2b0: {  	s8 =	sshrl.u32 s7, $0x3;
	[bflag:$0x0] =	sbarrier.arrive $0xFFFF;
	(pc) =	sbr.rel @p0 .LBB2_1-.Ltmp1, $4  }
0x2b1: {  	[hbm:s13], [sflag:s5] =	dma.local [spmem:s8], $0x1400  }
0x2b2: {  	_ =	swait.ge [sflag:s16], $0x1400  }
0x2b3: {  	[sflag:s16] =	ssyncset.done $0x0  }
0x2b4: {  	[sflag:s16] =	ssyncadd.s32 $0xFFFFEC00  }
0x2b5: {  	_ =	sfence.sel $0x180000  }
0x2b6: {  	[bflag:$0x0] =	sbarrier.arrive $0xFFFF  }
0x2b7: {  	_ =	strace $0x9000004A  }
0x2b8: {  	s0 =	stileid.u32;
	[bflag:$0x2] =	sbarrier.arrive $0xFFFF  }
0x2b9: {  	p0 =	sne.s32 s0, $0x0;
	s0 =	rddreg [dreg:$0x2]  }
0x2ba: {  	s0 =	sadd.s32 @!p0 $0x100000, s0  }
0x2bb: {  	[sflag:s0] =	ssyncadd.tile.s32 @!p0 $0x1;
	_ =	shalt  }
.Lfunc_end2:
_tile_overlayer_lowered:
.L_overlay_start_2:
0x2bc: {  	(tag) =	ssettag $0x2  }
0x2bd: {  	s0 =	rddreg [dreg:$0x0];
	s2 =	stileid.u32  }
0x2be: {  	s1 =	rddreg [dreg:$0x1];
	p0 =	sne.s32 s2, $0x0  }
0x2bf: {  	s3 =	rddreg [dreg:$0x2];
	[bflag:$0x3] =	sbarrier.arrive $0xFFFF;
	s2 =	simm.s32 @!p0 $0x1C0B  }
0x2c0: {  	[timem:s3], [sflag:s2] =	dma.local @!p0 [hbm:s0], s1  }
0x2c1: {  	s0 =	simm.s32 @!p0 $0xB  }
0x2c2: {  	_ =	swait.ge @!p0 [sflag:s0], s1  }
0x2c3: {  	s1 =	ssub.s32 @!p0 $0x0, s1;
	[sflag:s0] =	ssyncset.done @!p0 $0x0  }
0x2c4: {  	[sflag:s0] =	ssyncadd.s32 @!p0 s1  }
0x2c5: {  	[bflag:$0x3] =	sbarrier.arrive $0xFFFF  }
0x2c6: {  	_ =	shalt  }

</sc_bundles>
